<compile_context>
chip_gen: v7x
topology: tpu7x:2x2x1
jax: 0.10.2.dev20260603
libtpu: 0.0.44.dev20260713+nightly
codegen_flags: <defaults>
</compile_context>

<pallas_src>
import functools

import jax
import jax.numpy as jnp
from jax import lax
from jax.experimental import pallas as pl
from jax.experimental.pallas import tpu as pltpu
from jax.experimental.pallas import tpu_sc as plsc

N = 10000
E = 320000
HID = 128
EPS = 1e-5

NC = 2
NS = 16
HALF = N // 2
W = 144

B0 = 128
NB0 = 160
E_PAD = NS * NB0 * B0

BATCH = 64
NBUF = 4
LOOKAHEAD = 3
LCAP = 11776
DUMMY = HALF
H_AGG = 5120
ZROWS = H_AGG // NS

_sc_mesh = plsc.VectorSubcoreMesh(core_axis_name="c", subcore_axis_name="s")


@functools.partial(
    pl.kernel,
    out_type=(jax.ShapeDtypeStruct((NC, NS, 2, LCAP), jnp.int32),
              jax.ShapeDtypeStruct((NC, NS, 16), jnp.int32)),
    mesh=_sc_mesh,
    scratch_types=[
        pltpu.VMEM((NB0, B0), jnp.int32),
        pltpu.VMEM((NB0, B0), jnp.int32),
        pltpu.VMEM((LCAP,), jnp.int32),
        pltpu.VMEM((LCAP,), jnp.int32),
        pltpu.VMEM((16,), jnp.int32),
    ],
    compiler_params=pltpu.CompilerParams(use_tc_tiling_on_sc=False,
                                         needs_layout_passes=False),
)
def _sc_compact(edges, edc, nbh, src_in, dst_in, src_c, dst_c, nb_v):
    c = lax.axis_index("c")
    s = lax.axis_index("s")
    base = c * HALF
    pltpu.sync_copy(edges.at[0, s], src_in)
    pltpu.sync_copy(edges.at[1, s], dst_in)

    def row(j, off):
        for g in range(B0 // 16):
            s16 = src_in[j, pl.ds(g * 16, 16)]
            d16 = dst_in[j, pl.ds(g * 16, 16)]
            keep = (d16 >= base) & (d16 < base + HALF)
            ks = keep.astype(jnp.int32)
            pos = off + plsc.cumsum(ks) - ks
            plsc.store_scatter(src_c, [pos], s16, mask=keep)
            plsc.store_scatter(dst_c, [pos], d16 - base, mask=keep)
            off = off + jnp.sum(ks)
        return off

    off = lax.fori_loop(0, NB0, row, 0)
    zs = jnp.zeros((16,), jnp.int32)
    dmy = jnp.full((16,), DUMMY, jnp.int32)
    for t in range(NBUF * BATCH // 16):
        src_c[pl.ds(off + t * 16, 16)] = zs
        dst_c[pl.ds(off + t * 16, 16)] = dmy
    nb = (off + BATCH - 1) // BATCH
    nb = (nb + NBUF - 1) // NBUF * NBUF
    nb_v[...] = jnp.full((16,), nb, jnp.int32)
    pltpu.sync_copy(src_c, edc.at[c, s, 0])
    pltpu.sync_copy(dst_c, edc.at[c, s, 1])
    pltpu.sync_copy(nb_v, nbh.at[c, s])


@functools.partial(
    pl.kernel,
    out_type=jax.ShapeDtypeStruct((NC, H_AGG, W), jnp.float32),
    mesh=_sc_mesh,
    scratch_types=[
        pltpu.VMEM((LCAP,), jnp.int32),
        pltpu.VMEM((LCAP,), jnp.int32),
        pltpu.VMEM((16,), jnp.int32),
        [pltpu.VMEM((BATCH, W), jnp.float32) for _ in range(NBUF)],
        [pltpu.SemaphoreType.DMA for _ in range(NBUF)],
        [pltpu.SemaphoreType.DMA for _ in range(NBUF)],
        pltpu.VMEM_SHARED((H_AGG, W), jnp.float32),
    ],
    compiler_params=pltpu.CompilerParams(use_tc_tiling_on_sc=False,
                                         needs_layout_passes=False),
)
def _sc_agg(table, edc, nbh, zeros_h, out, src_v, dst_v, nb_v, rows, gsem,
            ssem, shared):
    c = lax.axis_index("c")
    s = lax.axis_index("s")
    pltpu.sync_copy(edc.at[c, s, 0], src_v)
    pltpu.sync_copy(edc.at[c, s, 1], dst_v)
    pltpu.sync_copy(nbh.at[c, s], nb_v)
    nb = jnp.maximum(jnp.max(nb_v[...]), NBUF)

    def _gather(i, b):
        return pltpu.make_async_copy(
            table.at[src_v.at[pl.ds(i * BATCH, BATCH)]], rows[b], gsem[b])

    def _scatter(i, b):
        return pltpu.make_async_copy(
            rows[b], shared.at[dst_v.at[pl.ds(i * BATCH, BATCH)]], ssem[b])

    for b in range(LOOKAHEAD):
        _gather(b, b).start()
    pltpu.sync_copy(zeros_h, shared.at[pl.ds(s * ZROWS, ZROWS)])
    plsc.subcore_barrier()

    def group(j, carry):
        for b in range(NBUF):
            i = j * NBUF + b
            _gather(i, b).wait()

            @pl.when(i >= 1)
            def _retire_prev():
                _scatter(i - 1, (b - 1) % NBUF).wait()

            pltpu.async_copy(rows[b],
                             shared.at[dst_v.at[pl.ds(i * BATCH, BATCH)]],
                             ssem[b], add=True)
            f = i + LOOKAHEAD

            @pl.when(f < nb)
            def _prefetch():
                _gather(f, (b + LOOKAHEAD) % NBUF).start()
        return carry

    lax.fori_loop(0, nb // NBUF, group, 0)
    _scatter(nb - 1, NBUF - 1).wait()
    plsc.subcore_barrier()
    pltpu.sync_copy(shared.at[pl.ds(s * ZROWS, ZROWS)],
                    out.at[c, pl.ds(s * ZROWS, ZROWS)])


def _sage_bn_relu(parts, h, Wl, bl, Wr, g, b):
    full = jnp.concatenate([parts[0, :HALF, :], parts[1, :HALF, :]], axis=0)
    cnt = jnp.maximum(full[:, HID:HID + 1], 1.0)
    mean = full[:, :HID] / cnt
    z = (jnp.dot(mean, Wl, preferred_element_type=jnp.float32)
         + bl[None, :]
         + jnp.dot(h[:, :HID], Wr, preferred_element_type=jnp.float32))
    mu = jnp.mean(z, axis=0, keepdims=True)
    var = jnp.mean((z - mu) * (z - mu), axis=0, keepdims=True)
    y = (z - mu) * lax.rsqrt(var + EPS) * g[None, :] + b[None, :]
    return jnp.maximum(y, 0.0)


def _tc_layer_body(parts, h, Wl, bl, Wr, g, b, out):
    y = _sage_bn_relu(parts[...], h[...], Wl[...], bl[...], Wr[...],
                      g[...], b[...])
    out[:, :HID] = y
    lane = lax.broadcasted_iota(jnp.int32, (N, W - HID), 1)
    out[:, HID:] = jnp.where(lane == 0, 1.0, 0.0)


def _tc_last_body(parts, h, Wl, bl, Wr, g, b, wlin, blin, out):
    y = _sage_bn_relu(parts[...], h[...], Wl[...], bl[...], Wr[...],
                      g[...], b[...])
    out[...] = (jnp.dot(y, wlin[...], preferred_element_type=jnp.float32)
                + blin[0])


_tc_layer = pl.pallas_call(
    _tc_layer_body,
    out_shape=jax.ShapeDtypeStruct((N, W), jnp.float32),
)

_tc_last = pl.pallas_call(
    _tc_last_body,
    out_shape=jax.ShapeDtypeStruct((N, 1), jnp.float32),
)


def kernel(x, edge_index, Wl0, bl0, Wr0, gamma0, beta0, Wl1, bl1, Wr1,
           gamma1, beta1, Wl2, bl2, Wr2, gamma2, beta2, Wlin, blin):
    pad = E_PAD - E
    src = jnp.concatenate([edge_index[0], jnp.zeros((pad,), jnp.int32)])
    dst = jnp.concatenate([edge_index[1], jnp.full((pad,), N, jnp.int32)])
    edges = jnp.stack([src, dst]).reshape(2, NS, NB0, B0)
    zeros_h = jnp.zeros((ZROWS, W), jnp.float32)
    h = jnp.concatenate(
        [x, jnp.ones((N, 1), jnp.float32),
         jnp.zeros((N, W - HID - 1), jnp.float32)], axis=1)

    edc, nbh = _sc_compact(edges)
    parts = _sc_agg(h, edc, nbh, zeros_h)
    h = _tc_layer(parts, h, Wl0, bl0, Wr0, gamma0, beta0)
    parts = _sc_agg(h, edc, nbh, zeros_h)
    h = _tc_layer(parts, h, Wl1, bl1, Wr1, gamma1, beta1)
    parts = _sc_agg(h, edc, nbh, zeros_h)
    out = _tc_last(parts, h, Wl2, bl2, Wr2, gamma2, beta2, Wlin, blin)
    return out[:, 0]

# --- scband reference (transcript-rebuilt; emitter-appended) ---
"""Pipeline reference for scband-graph-sagemodel-9483287789910 (READ-ONLY COPY).

The authoritative reference and input builder live on the scoring server;
editing this copy changes nothing except your own understanding.
"""

import jax, jax.numpy as jnp
import numpy as np

N = 10000
E = 320000
IN_DIM = 128
HID = 128
EPS = 1e-5

def _sage(x, src, dst, Wl, bl, Wr):
    # PyG SAGEConv (aggr='mean'): out = lin_l(mean_{j in N(i)} x_j) + lin_r(x_i)
    msg = x[src]
    agg = jax.ops.segment_sum(msg, dst, num_segments=N)
    cnt = jax.ops.segment_sum(jnp.ones((E,), jnp.float32), dst, num_segments=N)
    mean = agg / jnp.clip(cnt, 1.0)[:, None]
    return mean @ Wl + bl + x @ Wr

def _bn(h, gamma, beta):
    # BatchNorm1d in training mode (batch statistics, biased variance), matching
    # a freshly-constructed torch module's default training state.
    mu = h.mean(0)
    var = h.var(0)
    return (h - mu) / jnp.sqrt(var + EPS) * gamma + beta

def setup_inputs(seed: int = 0) -> dict:
    key = jax.random.key(seed)
    ks = jax.random.split(key, 24)
    inp = {}
    inp['x'] = jax.random.normal(ks[0], (N, IN_DIM), dtype=jnp.float32)
    inp['edge_index'] = jax.random.randint(ks[1], (2, E), 0, N, dtype=jnp.int32)
    dims = [IN_DIM, HID, HID]
    for i, d in enumerate(dims):
        s = 1.0 / float(np.sqrt(d))
        inp['Wl%d' % i] = jax.random.uniform(ks[2 + 4 * i], (d, HID), jnp.float32, -s, s)
        inp['bl%d' % i] = jax.random.uniform(ks[3 + 4 * i], (HID,), jnp.float32, -s, s)
        inp['Wr%d' % i] = jax.random.uniform(ks[4 + 4 * i], (d, HID), jnp.float32, -s, s)
        inp['gamma%d' % i] = jnp.ones((HID,), jnp.float32)
        inp['beta%d' % i] = jnp.zeros((HID,), jnp.float32)
    sl = 1.0 / float(np.sqrt(HID))
    inp['Wlin'] = jax.random.uniform(ks[20], (HID, 1), jnp.float32, -sl, sl)
    inp['blin'] = jax.random.uniform(ks[21], (1,), jnp.float32, -sl, sl)
    return inp

def reference(x, edge_index, Wl0, bl0, Wr0, gamma0, beta0, Wl1, bl1, Wr1, gamma1, beta1, Wl2, bl2, Wr2, gamma2, beta2, Wlin, blin):
    src = edge_index[0]
    dst = edge_index[1]
    layers = [(Wl0, bl0, Wr0, gamma0, beta0),
              (Wl1, bl1, Wr1, gamma1, beta1),
              (Wl2, bl2, Wr2, gamma2, beta2)]
    h = x
    for (Wl, bl, Wr, g, b) in layers:
        h = _sage(h, src, dst, Wl, bl, Wr)
        h = jax.nn.relu(_bn(h, g, b))
        # dropout omitted (deterministic reference / eval behavior)
    out = h @ Wlin + blin
    return out[:, 0]

if __name__ == "__main__":
    import jax
    _d = setup_inputs()
    print(jax.jit(kernel)(*tuple(_d.values())))

</pallas_src>

<mosaic_0001>
#map = affine_map<(d0, d1) -> (0, 0)>
#map1 = affine_map<(d0, d1) -> (0, 0, 0, 0)>
#map2 = affine_map<(d0, d1) -> (0, 0, 0)>
module attributes {stable_mosaic.version = 14 : i64} {
  func.func @_sc_agg(%arg0: i32, %arg1: i32, %arg2: memref<10000x144xf32, #tpu.memory_space<hbm>>, %arg3: memref<2x16x2x11776xi32, #tpu.memory_space<hbm>>, %arg4: memref<2x16x16xi32, #tpu.memory_space<hbm>>, %arg5: memref<320x144xf32, #tpu.memory_space<hbm>>, %arg6: memref<2x5120x144xf32, #tpu.memory_space<hbm>>, %arg7: memref<11776xi32, #tpu.memory_space<vmem>>, %arg8: memref<11776xi32, #tpu.memory_space<vmem>>, %arg9: memref<16xi32, #tpu.memory_space<vmem>>, %arg10: memref<64x144xf32, #tpu.memory_space<vmem>>, %arg11: memref<64x144xf32, #tpu.memory_space<vmem>>, %arg12: memref<64x144xf32, #tpu.memory_space<vmem>>, %arg13: memref<64x144xf32, #tpu.memory_space<vmem>>, %arg14: memref<!tpu.dma_semaphore, #tpu.memory_space<semaphore_mem>>, %arg15: memref<!tpu.dma_semaphore, #tpu.memory_space<semaphore_mem>>, %arg16: memref<!tpu.dma_semaphore, #tpu.memory_space<semaphore_mem>>, %arg17: memref<!tpu.dma_semaphore, #tpu.memory_space<semaphore_mem>>, %arg18: memref<!tpu.dma_semaphore, #tpu.memory_space<semaphore_mem>>, %arg19: memref<!tpu.dma_semaphore, #tpu.memory_space<semaphore_mem>>, %arg20: memref<!tpu.dma_semaphore, #tpu.memory_space<semaphore_mem>>, %arg21: memref<!tpu.dma_semaphore, #tpu.memory_space<semaphore_mem>>, %arg22: memref<5120x144xf32, #tpu.memory_space<vmem_shared>>) attributes {dimension_semantics = [#tpu.dimension_semantics<core_parallel>, #tpu.dimension_semantics<subcore_parallel>], iteration_bounds = array<i64: 2, 16>, scalar_prefetch = 0 : i64, scratch_operands = 16 : i64, tpu.core_type = #tpu.core_type<sc_vector_subcore>, window_params = [{transform_indices = #map}, {transform_indices = #map1}, {transform_indices = #map2}, {transform_indices = #map}, {transform_indices = #map2}]} {
    %run_scoped3A = arith.constant 0 : i32
    "tpu.region"() ({
      %run_scoped3A_62 = tpu.sem_alloc : memref<!tpu.dma_semaphore, #tpu.memory_space<semaphore_mem>>
      %dma_start3A_63 = arith.constant 0 : i32
      %dma_start3A_64 = tpu.memref_slice %arg3[%arg0, %arg1, %run_scoped3A, %dma_start3A_63] : memref<2x16x2x11776xi32, #tpu.memory_space<hbm>> -> memref<1x1x1x11776xi32, #tpu.memory_space<hbm>>
      %dma_start3A_65 = tpu.memref_squeeze %dma_start3A_64 : memref<1x1x1x11776xi32, #tpu.memory_space<hbm>> -> memref<11776xi32, #tpu.memory_space<hbm>>
      %dma_start3A_66 = arith.constant 0 : i32
      %dma_start3A_67 = tpu.memref_slice %arg3[%arg0, %arg1, %run_scoped3A, %dma_start3A_66] : memref<2x16x2x11776xi32, #tpu.memory_space<hbm>> -> memref<1x1x1x11776xi32, #tpu.memory_space<hbm>>
      %dma_start3A_68 = tpu.memref_squeeze %dma_start3A_67 : memref<1x1x1x11776xi32, #tpu.memory_space<hbm>> -> memref<11776xi32, #tpu.memory_space<hbm>>
      tpu.enqueue_dma source(%dma_start3A_68 : memref<11776xi32, #tpu.memory_space<hbm>>) target(%arg7 : memref<11776xi32, #tpu.memory_space<vmem>>) target_semaphore(%run_scoped3A_62 : memref<!tpu.dma_semaphore, #tpu.memory_space<semaphore_mem>>)
      %dma_wait3A_69 = arith.constant 0 : i32
      %dma_wait3A_70 = tpu.memref_slice %arg3[%arg0, %arg1, %run_scoped3A, %dma_wait3A_69] : memref<2x16x2x11776xi32, #tpu.memory_space<hbm>> -> memref<1x1x1x11776xi32, #tpu.memory_space<hbm>>
      %dma_wait3A_71 = tpu.memref_squeeze %dma_wait3A_70 : memref<1x1x1x11776xi32, #tpu.memory_space<hbm>> -> memref<11776xi32, #tpu.memory_space<hbm>>
      %dma_wait3A_72 = arith.constant 0 : i32
      %dma_wait3A_73 = tpu.memref_slice %arg3[%arg0, %arg1, %run_scoped3A, %dma_wait3A_72] : memref<2x16x2x11776xi32, #tpu.memory_space<hbm>> -> memref<1x1x1x11776xi32, #tpu.memory_space<hbm>>
      %dma_wait3A_74 = tpu.memref_squeeze %dma_wait3A_73 : memref<1x1x1x11776xi32, #tpu.memory_space<hbm>> -> memref<11776xi32, #tpu.memory_space<hbm>>
      tpu.wait_dma2 semaphore(%run_scoped3A_62 : memref<!tpu.dma_semaphore, #tpu.memory_space<semaphore_mem>>) src(%dma_wait3A_74 : memref<11776xi32, #tpu.memory_space<hbm>>) dst(%arg7 : memref<11776xi32, #tpu.memory_space<vmem>>)
      tpu.yield
    }) : () -> ()
    %run_scoped3A_0 = arith.constant 1 : i32
    "tpu.region"() ({
      %run_scoped3A_62 = tpu.sem_alloc : memref<!tpu.dma_semaphore, #tpu.memory_space<semaphore_mem>>
      %dma_start3A_63 = arith.constant 0 : i32
      %dma_start3A_64 = tpu.memref_slice %arg3[%arg0, %arg1, %run_scoped3A_0, %dma_start3A_63] : memref<2x16x2x11776xi32, #tpu.memory_space<hbm>> -> memref<1x1x1x11776xi32, #tpu.memory_space<hbm>>
      %dma_start3A_65 = tpu.memref_squeeze %dma_start3A_64 : memref<1x1x1x11776xi32, #tpu.memory_space<hbm>> -> memref<11776xi32, #tpu.memory_space<hbm>>
      %dma_start3A_66 = arith.constant 0 : i32
      %dma_start3A_67 = tpu.memref_slice %arg3[%arg0, %arg1, %run_scoped3A_0, %dma_start3A_66] : memref<2x16x2x11776xi32, #tpu.memory_space<hbm>> -> memref<1x1x1x11776xi32, #tpu.memory_space<hbm>>
      %dma_start3A_68 = tpu.memref_squeeze %dma_start3A_67 : memref<1x1x1x11776xi32, #tpu.memory_space<hbm>> -> memref<11776xi32, #tpu.memory_space<hbm>>
      tpu.enqueue_dma source(%dma_start3A_68 : memref<11776xi32, #tpu.memory_space<hbm>>) target(%arg8 : memref<11776xi32, #tpu.memory_space<vmem>>) target_semaphore(%run_scoped3A_62 : memref<!tpu.dma_semaphore, #tpu.memory_space<semaphore_mem>>)
      %dma_wait3A_69 = arith.constant 0 : i32
      %dma_wait3A_70 = tpu.memref_slice %arg3[%arg0, %arg1, %run_scoped3A_0, %dma_wait3A_69] : memref<2x16x2x11776xi32, #tpu.memory_space<hbm>> -> memref<1x1x1x11776xi32, #tpu.memory_space<hbm>>
      %dma_wait3A_71 = tpu.memref_squeeze %dma_wait3A_70 : memref<1x1x1x11776xi32, #tpu.memory_space<hbm>> -> memref<11776xi32, #tpu.memory_space<hbm>>
      %dma_wait3A_72 = arith.constant 0 : i32
      %dma_wait3A_73 = tpu.memref_slice %arg3[%arg0, %arg1, %run_scoped3A_0, %dma_wait3A_72] : memref<2x16x2x11776xi32, #tpu.memory_space<hbm>> -> memref<1x1x1x11776xi32, #tpu.memory_space<hbm>>
      %dma_wait3A_74 = tpu.memref_squeeze %dma_wait3A_73 : memref<1x1x1x11776xi32, #tpu.memory_space<hbm>> -> memref<11776xi32, #tpu.memory_space<hbm>>
      tpu.wait_dma2 semaphore(%run_scoped3A_62 : memref<!tpu.dma_semaphore, #tpu.memory_space<semaphore_mem>>) src(%dma_wait3A_74 : memref<11776xi32, #tpu.memory_space<hbm>>) dst(%arg8 : memref<11776xi32, #tpu.memory_space<vmem>>)
      tpu.yield
    }) : () -> ()
    "tpu.region"() ({
      %run_scoped3A_62 = tpu.sem_alloc : memref<!tpu.dma_semaphore, #tpu.memory_space<semaphore_mem>>
      %dma_start3A_63 = arith.constant 0 : i32
      %dma_start3A_64 = tpu.memref_slice %arg4[%arg0, %arg1, %dma_start3A_63] : memref<2x16x16xi32, #tpu.memory_space<hbm>> -> memref<1x1x16xi32, #tpu.memory_space<hbm>>
      %dma_start3A_65 = tpu.memref_squeeze %dma_start3A_64 : memref<1x1x16xi32, #tpu.memory_space<hbm>> -> memref<16xi32, #tpu.memory_space<hbm>>
      %dma_start3A_66 = arith.constant 0 : i32
      %dma_start3A_67 = tpu.memref_slice %arg4[%arg0, %arg1, %dma_start3A_66] : memref<2x16x16xi32, #tpu.memory_space<hbm>> -> memref<1x1x16xi32, #tpu.memory_space<hbm>>
      %dma_start3A_68 = tpu.memref_squeeze %dma_start3A_67 : memref<1x1x16xi32, #tpu.memory_space<hbm>> -> memref<16xi32, #tpu.memory_space<hbm>>
      tpu.enqueue_dma source(%dma_start3A_68 : memref<16xi32, #tpu.memory_space<hbm>>) target(%arg9 : memref<16xi32, #tpu.memory_space<vmem>>) target_semaphore(%run_scoped3A_62 : memref<!tpu.dma_semaphore, #tpu.memory_space<semaphore_mem>>)
      %dma_wait3A_69 = arith.constant 0 : i32
      %dma_wait3A_70 = tpu.memref_slice %arg4[%arg0, %arg1, %dma_wait3A_69] : memref<2x16x16xi32, #tpu.memory_space<hbm>> -> memref<1x1x16xi32, #tpu.memory_space<hbm>>
      %dma_wait3A_71 = tpu.memref_squeeze %dma_wait3A_70 : memref<1x1x16xi32, #tpu.memory_space<hbm>> -> memref<16xi32, #tpu.memory_space<hbm>>
      %dma_wait3A_72 = arith.constant 0 : i32
      %dma_wait3A_73 = tpu.memref_slice %arg4[%arg0, %arg1, %dma_wait3A_72] : memref<2x16x16xi32, #tpu.memory_space<hbm>> -> memref<1x1x16xi32, #tpu.memory_space<hbm>>
      %dma_wait3A_74 = tpu.memref_squeeze %dma_wait3A_73 : memref<1x1x16xi32, #tpu.memory_space<hbm>> -> memref<16xi32, #tpu.memory_space<hbm>>
      tpu.wait_dma2 semaphore(%run_scoped3A_62 : memref<!tpu.dma_semaphore, #tpu.memory_space<semaphore_mem>>) src(%dma_wait3A_74 : memref<16xi32, #tpu.memory_space<hbm>>) dst(%arg9 : memref<16xi32, #tpu.memory_space<vmem>>)
      tpu.yield
    }) : () -> ()
    %get3A = arith.constant 0 : index
    %get3A_1 = tpu.vector_load %arg9[%get3A] {strides = array<i32>} : memref<16xi32, #tpu.memory_space<vmem>>, vector<16xi32>,
    %reduce_max3A = arith.constant true
    %reduce_max3A_2 = vector.broadcast %reduce_max3A : i1 to vector<16xi1>
    %reduce_max3A_3 = arith.constant -2147483648 : i32
    %reduce_max3A_4 = vector.broadcast %reduce_max3A_3 : i32 to vector<16xi32>
    %reduce_max3A_5 = arith.xori %get3A_1, %reduce_max3A_4 : vector<16xi32>
    %reduce_max3A_6 = tpu.scan <max>, %reduce_max3A_5 masked %reduce_max3A_2 : vector<16xi32>, vector<16xi1> -> vector<16xi32>
    %reduce_max3A_7 = arith.xori %reduce_max3A_6, %reduce_max3A_4 : vector<16xi32>
    %reduce_max3A_8 = vector.extract %reduce_max3A_7[15] : i32 from vector<16xi32>
    %max3A = arith.constant 4 : i32
    %max3A_9 = arith.maxsi %reduce_max3A_8, %max3A : i32
    %dma_start3A = arith.constant 0 : i32
    %dma_start3A_10 = tpu.memref_slice %arg7[%dma_start3A] : memref<11776xi32, #tpu.memory_space<vmem>> -> memref<64xi32, #tpu.memory_space<vmem>>
    %dma_start3A_11 = arith.constant 0 : i32
    %dma_start3A_12 = arith.constant 0 : i32
    %dma_start3A_13 = tpu.memref_slice %arg2[%dma_start3A_11, %dma_start3A_12] : memref<10000x144xf32, #tpu.memory_space<hbm>> -> memref<10000x144xf32, #tpu.memory_space<hbm>>
    tpu.enqueue_indirect_dma source(%dma_start3A_13 : memref<10000x144xf32, #tpu.memory_space<hbm>>) target(%arg10 : memref<64x144xf32, #tpu.memory_space<vmem>>) offsets(%dma_start3A_10 : memref<64xi32, #tpu.memory_space<vmem>>) semaphore(%arg14 : memref<!tpu.dma_semaphore, #tpu.memory_space<semaphore_mem>>)
    %dma_start3A_14 = arith.constant 64 : i32
    %dma_start3A_15 = tpu.memref_slice %arg7[%dma_start3A_14] : memref<11776xi32, #tpu.memory_space<vmem>> -> memref<64xi32, #tpu.memory_space<vmem>>
    %dma_start3A_16 = arith.constant 0 : i32
    %dma_start3A_17 = arith.constant 0 : i32
    %dma_start3A_18 = tpu.memref_slice %arg2[%dma_start3A_16, %dma_start3A_17] : memref<10000x144xf32, #tpu.memory_space<hbm>> -> memref<10000x144xf32, #tpu.memory_space<hbm>>
    tpu.enqueue_indirect_dma source(%dma_start3A_18 : memref<10000x144xf32, #tpu.memory_space<hbm>>) target(%arg11 : memref<64x144xf32, #tpu.memory_space<vmem>>) offsets(%dma_start3A_15 : memref<64xi32, #tpu.memory_space<vmem>>) semaphore(%arg15 : memref<!tpu.dma_semaphore, #tpu.memory_space<semaphore_mem>>)
    %dma_start3A_19 = arith.constant 128 : i32
    %dma_start3A_20 = tpu.memref_slice %arg7[%dma_start3A_19] : memref<11776xi32, #tpu.memory_space<vmem>> -> memref<64xi32, #tpu.memory_space<vmem>>
    %dma_start3A_21 = arith.constant 0 : i32
    %dma_start3A_22 = arith.constant 0 : i32
    %dma_start3A_23 = tpu.memref_slice %arg2[%dma_start3A_21, %dma_start3A_22] : memref<10000x144xf32, #tpu.memory_space<hbm>> -> memref<10000x144xf32, #tpu.memory_space<hbm>>
    tpu.enqueue_indirect_dma source(%dma_start3A_23 : memref<10000x144xf32, #tpu.memory_space<hbm>>) target(%arg12 : memref<64x144xf32, #tpu.memory_space<vmem>>) offsets(%dma_start3A_20 : memref<64xi32, #tpu.memory_space<vmem>>) semaphore(%arg16 : memref<!tpu.dma_semaphore, #tpu.memory_space<semaphore_mem>>)
    %mul3A = arith.constant 320 : i32
    %mul3A_24 = arith.muli %arg1, %mul3A : i32
    "tpu.region"() ({
      %run_scoped3A_62 = tpu.sem_alloc : memref<!tpu.dma_semaphore, #tpu.memory_space<semaphore_mem>>
      %dma_start3A_63 = arith.constant 0 : i32
      %dma_start3A_64 = tpu.memref_slice %arg22[%mul3A_24, %dma_start3A_63] : memref<5120x144xf32, #tpu.memory_space<vmem_shared>> -> memref<320x144xf32, #tpu.memory_space<vmem_shared>>
      tpu.enqueue_dma source(%arg5 : memref<320x144xf32, #tpu.memory_space<hbm>>) target(%dma_start3A_64 : memref<320x144xf32, #tpu.memory_space<vmem_shared>>) target_semaphore(%run_scoped3A_62 : memref<!tpu.dma_semaphore, #tpu.memory_space<semaphore_mem>>)
      %dma_wait3A_65 = arith.constant 0 : i32
      %dma_wait3A_66 = tpu.memref_slice %arg22[%mul3A_24, %dma_wait3A_65] : memref<5120x144xf32, #tpu.memory_space<vmem_shared>> -> memref<320x144xf32, #tpu.memory_space<vmem_shared>>
      tpu.wait_dma2 semaphore(%run_scoped3A_62 : memref<!tpu.dma_semaphore, #tpu.memory_space<semaphore_mem>>) src(%arg5 : memref<320x144xf32, #tpu.memory_space<hbm>>) dst(%dma_wait3A_66 : memref<320x144xf32, #tpu.memory_space<vmem_shared>>)
      tpu.yield
    }) : () -> ()
    %barrier3A = arith.constant 0 : index
    tpu.barrier barrier_id(%barrier3A)
    %jit3A = arith.constant 4 : i32
    %div3A = arith.divsi %max3A_9, %jit3A : i32
    %sign3A = arith.constant 0 : i32
    %sign3A_25 = arith.cmpi sgt, %max3A_9, %sign3A : i32
    %sign3A_26 = arith.extui %sign3A_25 : i1 to i32
    %sign3A_27 = arith.constant 0 : i32
    %sign3A_28 = arith.cmpi slt, %max3A_9, %sign3A_27 : i32
    %sign3A_29 = arith.extui %sign3A_28 : i1 to i32
    %sign3A_30 = arith.subi %sign3A_26, %sign3A_29 : i32
    %sign3A_31 = arith.constant 0 : i32
    %sign3A_32 = arith.cmpi sgt, %jit3A, %sign3A_31 : i32
    %sign3A_33 = arith.extui %sign3A_32 : i1 to i32
    %sign3A_34 = arith.constant 0 : i32
    %sign3A_35 = arith.cmpi slt, %jit3A, %sign3A_34 : i32
    %sign3A_36 = arith.extui %sign3A_35 : i1 to i32
    %sign3A_37 = arith.subi %sign3A_33, %sign3A_36 : i32
    %ne3A = arith.cmpi ne, %sign3A_30, %sign3A_37 : i32
    %rem3A = arith.remsi %max3A_9, %jit3A : i32
    %ne3A_38 = arith.constant 0 : i32
    %ne3A_39 = arith.cmpi ne, %rem3A, %ne3A_38 : i32
    %and3A = arith.andi %ne3A, %ne3A_39 : i1
    %sub3A = arith.constant 1 : i32
    %sub3A_40 = arith.subi %div3A, %sub3A : i32
    %select_n3A = arith.select %and3A, %sub3A_40, %div3A : i32
    %while3A = arith.constant 0 : i32
    %while3A_41 = arith.constant 0 : i32
    %while3A_42 = arith.subi %select_n3A, %while3A_41 : i32
    %while3A_43 = arith.addi %while3A_41, %while3A_42 : i32
    %while3A_44 = arith.constant 1 : i32
    %while3A_45 = arith.divsi %while3A_42, %while3A_44 : i32
    %while3A_46 = arith.muli %while3A_45, %while3A_44 : i32
    %while3A_47 = arith.addi %while3A_41, %while3A_46 : i32
    %while3A_48 = arith.constant 1 : i32
    scf.for %while3A_62 = %while3A_41 to %while3A_47 step %while3A_48  : i32 {
      %mul3A_63 = arith.constant 4 : i32
      %mul3A_64 = arith.muli %while3A_62, %mul3A_63 : i32
      %add3A = arith.constant 0 : i32
      %add3A_65 = arith.addi %mul3A_64, %add3A : i32
      %mul3A_66 = arith.constant 64 : i32
      %mul3A_67 = arith.muli %add3A_65, %mul3A_66 : i32
      %dma_wait3A_68 = tpu.memref_slice %arg7[%mul3A_67] : memref<11776xi32, #tpu.memory_space<vmem>> -> memref<64xi32, #tpu.memory_space<vmem>>
      %dma_wait3A_69 = arith.constant 0 : i32
      %dma_wait3A_70 = arith.constant 0 : i32
      %dma_wait3A_71 = tpu.memref_slice %arg2[%dma_wait3A_69, %dma_wait3A_70] : memref<10000x144xf32, #tpu.memory_space<hbm>> -> memref<10000x144xf32, #tpu.memory_space<hbm>>
      tpu.wait_indirect_dma semaphore(%arg14 : memref<!tpu.dma_semaphore, #tpu.memory_space<semaphore_mem>>) src(%dma_wait3A_71 : memref<10000x144xf32, #tpu.memory_space<hbm>>) dst(%arg10 : memref<64x144xf32, #tpu.memory_space<vmem>>)
      %ge3A = arith.constant 1 : i32
      %ge3A_72 = arith.cmpi sge, %add3A_65, %ge3A : i32
      %convert_element_type3A = arith.extui %ge3A_72 : i1 to i32
      %cond3A = arith.constant 0 : i32
      %cond3A_73 = arith.cmpi ne, %convert_element_type3A, %cond3A : i32
      scf.if %cond3A_73 {
        %sub3A_166 = arith.constant 1 : i32
        %sub3A_167 = arith.subi %add3A_65, %sub3A_166 : i32
        %mul3A_168 = arith.constant 64 : i32
        %mul3A_169 = arith.muli %sub3A_167, %mul3A_168 : i32
        %dma_wait3A_170 = tpu.memref_slice %arg8[%mul3A_169] : memref<11776xi32, #tpu.memory_space<vmem>> -> memref<64xi32, #tpu.memory_space<vmem>>
        %dma_wait3A_171 = arith.constant 0 : i32
        %dma_wait3A_172 = arith.constant 0 : i32
        %dma_wait3A_173 = tpu.memref_slice %arg22[%dma_wait3A_171, %dma_wait3A_172] : memref<5120x144xf32, #tpu.memory_space<vmem_shared>> -> memref<5120x144xf32, #tpu.memory_space<vmem_shared>>
        tpu.wait_indirect_dma semaphore(%arg21 : memref<!tpu.dma_semaphore, #tpu.memory_space<semaphore_mem>>) src(%arg13 : memref<64x144xf32, #tpu.memory_space<vmem>>) dst(%dma_wait3A_173 : memref<5120x144xf32, #tpu.memory_space<vmem_shared>>)
      } else {
      }
      %mul3A_74 = arith.constant 64 : i32
      %mul3A_75 = arith.muli %add3A_65, %mul3A_74 : i32
      %dma_start3A_76 = tpu.memref_slice %arg8[%mul3A_75] : memref<11776xi32, #tpu.memory_space<vmem>> -> memref<64xi32, #tpu.memory_space<vmem>>
      %dma_start3A_77 = arith.constant 0 : i32
      %dma_start3A_78 = arith.constant 0 : i32
      %dma_start3A_79 = tpu.memref_slice %arg22[%dma_start3A_77, %dma_start3A_78] : memref<5120x144xf32, #tpu.memory_space<vmem_shared>> -> memref<5120x144xf32, #tpu.memory_space<vmem_shared>>
      tpu.enqueue_indirect_dma source(%arg10 : memref<64x144xf32, #tpu.memory_space<vmem>>) target(%dma_start3A_79 : memref<5120x144xf32, #tpu.memory_space<vmem_shared>>) offsets(%dma_start3A_76 : memref<64xi32, #tpu.memory_space<vmem>>) semaphore(%arg18 : memref<!tpu.dma_semaphore, #tpu.memory_space<semaphore_mem>>) {add = true}
      %add3A_80 = arith.constant 3 : i32
      %add3A_81 = arith.addi %add3A_65, %add3A_80 : i32
      %lt3A = arith.cmpi slt, %add3A_81, %max3A_9 : i32
      %convert_element_type3A_82 = arith.extui %lt3A : i1 to i32
      %cond3A_83 = arith.constant 0 : i32
      %cond3A_84 = arith.cmpi ne, %convert_element_type3A_82, %cond3A_83 : i32
      scf.if %cond3A_84 {
        %mul3A_166 = arith.constant 64 : i32
        %mul3A_167 = arith.muli %add3A_81, %mul3A_166 : i32
        %dma_start3A_168 = tpu.memref_slice %arg7[%mul3A_167] : memref<11776xi32, #tpu.memory_space<vmem>> -> memref<64xi32, #tpu.memory_space<vmem>>
        %dma_start3A_169 = arith.constant 0 : i32
        %dma_start3A_170 = arith.constant 0 : i32
        %dma_start3A_171 = tpu.memref_slice %arg2[%dma_start3A_169, %dma_start3A_170] : memref<10000x144xf32, #tpu.memory_space<hbm>> -> memref<10000x144xf32, #tpu.memory_space<hbm>>
        tpu.enqueue_indirect_dma source(%dma_start3A_171 : memref<10000x144xf32, #tpu.memory_space<hbm>>) target(%arg13 : memref<64x144xf32, #tpu.memory_space<vmem>>) offsets(%dma_start3A_168 : memref<64xi32, #tpu.memory_space<vmem>>) semaphore(%arg17 : memref<!tpu.dma_semaphore, #tpu.memory_space<semaphore_mem>>)
      } else {
      }
      %mul3A_85 = arith.constant 4 : i32
      %mul3A_86 = arith.muli %while3A_62, %mul3A_85 : i32
      %add3A_87 = arith.constant 1 : i32
      %add3A_88 = arith.addi %mul3A_86, %add3A_87 : i32
      %mul3A_89 = arith.constant 64 : i32
      %mul3A_90 = arith.muli %add3A_88, %mul3A_89 : i32
      %dma_wait3A_91 = tpu.memref_slice %arg7[%mul3A_90] : memref<11776xi32, #tpu.memory_space<vmem>> -> memref<64xi32, #tpu.memory_space<vmem>>
      %dma_wait3A_92 = arith.constant 0 : i32
      %dma_wait3A_93 = arith.constant 0 : i32
      %dma_wait3A_94 = tpu.memref_slice %arg2[%dma_wait3A_92, %dma_wait3A_93] : memref<10000x144xf32, #tpu.memory_space<hbm>> -> memref<10000x144xf32, #tpu.memory_space<hbm>>
      tpu.wait_indirect_dma semaphore(%arg15 : memref<!tpu.dma_semaphore, #tpu.memory_space<semaphore_mem>>) src(%dma_wait3A_94 : memref<10000x144xf32, #tpu.memory_space<hbm>>) dst(%arg11 : memref<64x144xf32, #tpu.memory_space<vmem>>)
      %ge3A_95 = arith.constant 1 : i32
      %ge3A_96 = arith.cmpi sge, %add3A_88, %ge3A_95 : i32
      %convert_element_type3A_97 = arith.extui %ge3A_96 : i1 to i32
      %cond3A_98 = arith.constant 0 : i32
      %cond3A_99 = arith.cmpi ne, %convert_element_type3A_97, %cond3A_98 : i32
      scf.if %cond3A_99 {
        %sub3A_166 = arith.constant 1 : i32
        %sub3A_167 = arith.subi %add3A_88, %sub3A_166 : i32
        %mul3A_168 = arith.constant 64 : i32
        %mul3A_169 = arith.muli %sub3A_167, %mul3A_168 : i32
        %dma_wait3A_170 = tpu.memref_slice %arg8[%mul3A_169] : memref<11776xi32, #tpu.memory_space<vmem>> -> memref<64xi32, #tpu.memory_space<vmem>>
        %dma_wait3A_171 = arith.constant 0 : i32
        %dma_wait3A_172 = arith.constant 0 : i32
        %dma_wait3A_173 = tpu.memref_slice %arg22[%dma_wait3A_171, %dma_wait3A_172] : memref<5120x144xf32, #tpu.memory_space<vmem_shared>> -> memref<5120x144xf32, #tpu.memory_space<vmem_shared>>
        tpu.wait_indirect_dma semaphore(%arg18 : memref<!tpu.dma_semaphore, #tpu.memory_space<semaphore_mem>>) src(%arg10 : memref<64x144xf32, #tpu.memory_space<vmem>>) dst(%dma_wait3A_173 : memref<5120x144xf32, #tpu.memory_space<vmem_shared>>)
      } else {
      }
      %mul3A_100 = arith.constant 64 : i32
      %mul3A_101 = arith.muli %add3A_88, %mul3A_100 : i32
      %dma_start3A_102 = tpu.memref_slice %arg8[%mul3A_101] : memref<11776xi32, #tpu.memory_space<vmem>> -> memref<64xi32, #tpu.memory_space<vmem>>
      %dma_start3A_103 = arith.constant 0 : i32
      %dma_start3A_104 = arith.constant 0 : i32
      %dma_start3A_105 = tpu.memref_slice %arg22[%dma_start3A_103, %dma_start3A_104] : memref<5120x144xf32, #tpu.memory_space<vmem_shared>> -> memref<5120x144xf32, #tpu.memory_space<vmem_shared>>
      tpu.enqueue_indirect_dma source(%arg11 : memref<64x144xf32, #tpu.memory_space<vmem>>) target(%dma_start3A_105 : memref<5120x144xf32, #tpu.memory_space<vmem_shared>>) offsets(%dma_start3A_102 : memref<64xi32, #tpu.memory_space<vmem>>) semaphore(%arg19 : memref<!tpu.dma_semaphore, #tpu.memory_space<semaphore_mem>>) {add = true}
      %add3A_106 = arith.constant 3 : i32
      %add3A_107 = arith.addi %add3A_88, %add3A_106 : i32
      %lt3A_108 = arith.cmpi slt, %add3A_107, %max3A_9 : i32
      %convert_element_type3A_109 = arith.extui %lt3A_108 : i1 to i32
      %cond3A_110 = arith.constant 0 : i32
      %cond3A_111 = arith.cmpi ne, %convert_element_type3A_109, %cond3A_110 : i32
      scf.if %cond3A_111 {
        %mul3A_166 = arith.constant 64 : i32
        %mul3A_167 = arith.muli %add3A_107, %mul3A_166 : i32
        %dma_start3A_168 = tpu.memref_slice %arg7[%mul3A_167] : memref<11776xi32, #tpu.memory_space<vmem>> -> memref<64xi32, #tpu.memory_space<vmem>>
        %dma_start3A_169 = arith.constant 0 : i32
        %dma_start3A_170 = arith.constant 0 : i32
        %dma_start3A_171 = tpu.memref_slice %arg2[%dma_start3A_169, %dma_start3A_170] : memref<10000x144xf32, #tpu.memory_space<hbm>> -> memref<10000x144xf32, #tpu.memory_space<hbm>>
        tpu.enqueue_indirect_dma source(%dma_start3A_171 : memref<10000x144xf32, #tpu.memory_space<hbm>>) target(%arg10 : memref<64x144xf32, #tpu.memory_space<vmem>>) offsets(%dma_start3A_168 : memref<64xi32, #tpu.memory_space<vmem>>) semaphore(%arg14 : memref<!tpu.dma_semaphore, #tpu.memory_space<semaphore_mem>>)
      } else {
      }
      %mul3A_112 = arith.constant 4 : i32
      %mul3A_113 = arith.muli %while3A_62, %mul3A_112 : i32
      %add3A_114 = arith.constant 2 : i32
      %add3A_115 = arith.addi %mul3A_113, %add3A_114 : i32
      %mul3A_116 = arith.constant 64 : i32
      %mul3A_117 = arith.muli %add3A_115, %mul3A_116 : i32
      %dma_wait3A_118 = tpu.memref_slice %arg7[%mul3A_117] : memref<11776xi32, #tpu.memory_space<vmem>> -> memref<64xi32, #tpu.memory_space<vmem>>
      %dma_wait3A_119 = arith.constant 0 : i32
      %dma_wait3A_120 = arith.constant 0 : i32
      %dma_wait3A_121 = tpu.memref_slice %arg2[%dma_wait3A_119, %dma_wait3A_120] : memref<10000x144xf32, #tpu.memory_space<hbm>> -> memref<10000x144xf32, #tpu.memory_space<hbm>>
      tpu.wait_indirect_dma semaphore(%arg16 : memref<!tpu.dma_semaphore, #tpu.memory_space<semaphore_mem>>) src(%dma_wait3A_121 : memref<10000x144xf32, #tpu.memory_space<hbm>>) dst(%arg12 : memref<64x144xf32, #tpu.memory_space<vmem>>)
      %ge3A_122 = arith.constant 1 : i32
      %ge3A_123 = arith.cmpi sge, %add3A_115, %ge3A_122 : i32
      %convert_element_type3A_124 = arith.extui %ge3A_123 : i1 to i32
      %cond3A_125 = arith.constant 0 : i32
      %cond3A_126 = arith.cmpi ne, %convert_element_type3A_124, %cond3A_125 : i32
      scf.if %cond3A_126 {
        %sub3A_166 = arith.constant 1 : i32
        %sub3A_167 = arith.subi %add3A_115, %sub3A_166 : i32
        %mul3A_168 = arith.constant 64 : i32
        %mul3A_169 = arith.muli %sub3A_167, %mul3A_168 : i32
        %dma_wait3A_170 = tpu.memref_slice %arg8[%mul3A_169] : memref<11776xi32, #tpu.memory_space<vmem>> -> memref<64xi32, #tpu.memory_space<vmem>>
        %dma_wait3A_171 = arith.constant 0 : i32
        %dma_wait3A_172 = arith.constant 0 : i32
        %dma_wait3A_173 = tpu.memref_slice %arg22[%dma_wait3A_171, %dma_wait3A_172] : memref<5120x144xf32, #tpu.memory_space<vmem_shared>> -> memref<5120x144xf32, #tpu.memory_space<vmem_shared>>
        tpu.wait_indirect_dma semaphore(%arg19 : memref<!tpu.dma_semaphore, #tpu.memory_space<semaphore_mem>>) src(%arg11 : memref<64x144xf32, #tpu.memory_space<vmem>>) dst(%dma_wait3A_173 : memref<5120x144xf32, #tpu.memory_space<vmem_shared>>)
      } else {
      }
      %mul3A_127 = arith.constant 64 : i32
      %mul3A_128 = arith.muli %add3A_115, %mul3A_127 : i32
      %dma_start3A_129 = tpu.memref_slice %arg8[%mul3A_128] : memref<11776xi32, #tpu.memory_space<vmem>> -> memref<64xi32, #tpu.memory_space<vmem>>
      %dma_start3A_130 = arith.constant 0 : i32
      %dma_start3A_131 = arith.constant 0 : i32
      %dma_start3A_132 = tpu.memref_slice %arg22[%dma_start3A_130, %dma_start3A_131] : memref<5120x144xf32, #tpu.memory_space<vmem_shared>> -> memref<5120x144xf32, #tpu.memory_space<vmem_shared>>
      tpu.enqueue_indirect_dma source(%arg12 : memref<64x144xf32, #tpu.memory_space<vmem>>) target(%dma_start3A_132 : memref<5120x144xf32, #tpu.memory_space<vmem_shared>>) offsets(%dma_start3A_129 : memref<64xi32, #tpu.memory_space<vmem>>) semaphore(%arg20 : memref<!tpu.dma_semaphore, #tpu.memory_space<semaphore_mem>>) {add = true}
      %add3A_133 = arith.constant 3 : i32
      %add3A_134 = arith.addi %add3A_115, %add3A_133 : i32
      %lt3A_135 = arith.cmpi slt, %add3A_134, %max3A_9 : i32
      %convert_element_type3A_136 = arith.extui %lt3A_135 : i1 to i32
      %cond3A_137 = arith.constant 0 : i32
      %cond3A_138 = arith.cmpi ne, %convert_element_type3A_136, %cond3A_137 : i32
      scf.if %cond3A_138 {
        %mul3A_166 = arith.constant 64 : i32
        %mul3A_167 = arith.muli %add3A_134, %mul3A_166 : i32
        %dma_start3A_168 = tpu.memref_slice %arg7[%mul3A_167] : memref<11776xi32, #tpu.memory_space<vmem>> -> memref<64xi32, #tpu.memory_space<vmem>>
        %dma_start3A_169 = arith.constant 0 : i32
        %dma_start3A_170 = arith.constant 0 : i32
        %dma_start3A_171 = tpu.memref_slice %arg2[%dma_start3A_169, %dma_start3A_170] : memref<10000x144xf32, #tpu.memory_space<hbm>> -> memref<10000x144xf32, #tpu.memory_space<hbm>>
        tpu.enqueue_indirect_dma source(%dma_start3A_171 : memref<10000x144xf32, #tpu.memory_space<hbm>>) target(%arg11 : memref<64x144xf32, #tpu.memory_space<vmem>>) offsets(%dma_start3A_168 : memref<64xi32, #tpu.memory_space<vmem>>) semaphore(%arg15 : memref<!tpu.dma_semaphore, #tpu.memory_space<semaphore_mem>>)
      } else {
      }
      %mul3A_139 = arith.constant 4 : i32
      %mul3A_140 = arith.muli %while3A_62, %mul3A_139 : i32
      %add3A_141 = arith.constant 3 : i32
      %add3A_142 = arith.addi %mul3A_140, %add3A_141 : i32
      %mul3A_143 = arith.constant 64 : i32
      %mul3A_144 = arith.muli %add3A_142, %mul3A_143 : i32
      %dma_wait3A_145 = tpu.memref_slice %arg7[%mul3A_144] : memref<11776xi32, #tpu.memory_space<vmem>> -> memref<64xi32, #tpu.memory_space<vmem>>
      %dma_wait3A_146 = arith.constant 0 : i32
      %dma_wait3A_147 = arith.constant 0 : i32
      %dma_wait3A_148 = tpu.memref_slice %arg2[%dma_wait3A_146, %dma_wait3A_147] : memref<10000x144xf32, #tpu.memory_space<hbm>> -> memref<10000x144xf32, #tpu.memory_space<hbm>>
      tpu.wait_indirect_dma semaphore(%arg17 : memref<!tpu.dma_semaphore, #tpu.memory_space<semaphore_mem>>) src(%dma_wait3A_148 : memref<10000x144xf32, #tpu.memory_space<hbm>>) dst(%arg13 : memref<64x144xf32, #tpu.memory_space<vmem>>)
      %ge3A_149 = arith.constant 1 : i32
      %ge3A_150 = arith.cmpi sge, %add3A_142, %ge3A_149 : i32
      %convert_element_type3A_151 = arith.extui %ge3A_150 : i1 to i32
      %cond3A_152 = arith.constant 0 : i32
      %cond3A_153 = arith.cmpi ne, %convert_element_type3A_151, %cond3A_152 : i32
      scf.if %cond3A_153 {
        %sub3A_166 = arith.constant 1 : i32
        %sub3A_167 = arith.subi %add3A_142, %sub3A_166 : i32
        %mul3A_168 = arith.constant 64 : i32
        %mul3A_169 = arith.muli %sub3A_167, %mul3A_168 : i32
        %dma_wait3A_170 = tpu.memref_slice %arg8[%mul3A_169] : memref<11776xi32, #tpu.memory_space<vmem>> -> memref<64xi32, #tpu.memory_space<vmem>>
        %dma_wait3A_171 = arith.constant 0 : i32
        %dma_wait3A_172 = arith.constant 0 : i32
        %dma_wait3A_173 = tpu.memref_slice %arg22[%dma_wait3A_171, %dma_wait3A_172] : memref<5120x144xf32, #tpu.memory_space<vmem_shared>> -> memref<5120x144xf32, #tpu.memory_space<vmem_shared>>
        tpu.wait_indirect_dma semaphore(%arg20 : memref<!tpu.dma_semaphore, #tpu.memory_space<semaphore_mem>>) src(%arg12 : memref<64x144xf32, #tpu.memory_space<vmem>>) dst(%dma_wait3A_173 : memref<5120x144xf32, #tpu.memory_space<vmem_shared>>)
      } else {
      }
      %mul3A_154 = arith.constant 64 : i32
      %mul3A_155 = arith.muli %add3A_142, %mul3A_154 : i32
      %dma_start3A_156 = tpu.memref_slice %arg8[%mul3A_155] : memref<11776xi32, #tpu.memory_space<vmem>> -> memref<64xi32, #tpu.memory_space<vmem>>
      %dma_start3A_157 = arith.constant 0 : i32
      %dma_start3A_158 = arith.constant 0 : i32
      %dma_start3A_159 = tpu.memref_slice %arg22[%dma_start3A_157, %dma_start3A_158] : memref<5120x144xf32, #tpu.memory_space<vmem_shared>> -> memref<5120x144xf32, #tpu.memory_space<vmem_shared>>
      tpu.enqueue_indirect_dma source(%arg13 : memref<64x144xf32, #tpu.memory_space<vmem>>) target(%dma_start3A_159 : memref<5120x144xf32, #tpu.memory_space<vmem_shared>>) offsets(%dma_start3A_156 : memref<64xi32, #tpu.memory_space<vmem>>) semaphore(%arg21 : memref<!tpu.dma_semaphore, #tpu.memory_space<semaphore_mem>>) {add = true}
      %add3A_160 = arith.constant 3 : i32
      %add3A_161 = arith.addi %add3A_142, %add3A_160 : i32
      %lt3A_162 = arith.cmpi slt, %add3A_161, %max3A_9 : i32
      %convert_element_type3A_163 = arith.extui %lt3A_162 : i1 to i32
      %cond3A_164 = arith.constant 0 : i32
      %cond3A_165 = arith.cmpi ne, %convert_element_type3A_163, %cond3A_164 : i32
      scf.if %cond3A_165 {
        %mul3A_166 = arith.constant 64 : i32
        %mul3A_167 = arith.muli %add3A_161, %mul3A_166 : i32
        %dma_start3A_168 = tpu.memref_slice %arg7[%mul3A_167] : memref<11776xi32, #tpu.memory_space<vmem>> -> memref<64xi32, #tpu.memory_space<vmem>>
        %dma_start3A_169 = arith.constant 0 : i32
        %dma_start3A_170 = arith.constant 0 : i32
        %dma_start3A_171 = tpu.memref_slice %arg2[%dma_start3A_169, %dma_start3A_170] : memref<10000x144xf32, #tpu.memory_space<hbm>> -> memref<10000x144xf32, #tpu.memory_space<hbm>>
        tpu.enqueue_indirect_dma source(%dma_start3A_171 : memref<10000x144xf32, #tpu.memory_space<hbm>>) target(%arg12 : memref<64x144xf32, #tpu.memory_space<vmem>>) offsets(%dma_start3A_168 : memref<64xi32, #tpu.memory_space<vmem>>) semaphore(%arg16 : memref<!tpu.dma_semaphore, #tpu.memory_space<semaphore_mem>>)
      } else {
      }
    }
    %while3A_49 = arith.constant 1 : i32
    scf.for %while3A_62 = %while3A_47 to %while3A_43 step %while3A_49  : i32 {
      %mul3A_63 = arith.constant 4 : i32
      %mul3A_64 = arith.muli %while3A_62, %mul3A_63 : i32
      %add3A = arith.constant 0 : i32
      %add3A_65 = arith.addi %mul3A_64, %add3A : i32
      %mul3A_66 = arith.constant 64 : i32
      %mul3A_67 = arith.muli %add3A_65, %mul3A_66 : i32
      %dma_wait3A_68 = tpu.memref_slice %arg7[%mul3A_67] : memref<11776xi32, #tpu.memory_space<vmem>> -> memref<64xi32, #tpu.memory_space<vmem>>
      %dma_wait3A_69 = arith.constant 0 : i32
      %dma_wait3A_70 = arith.constant 0 : i32
      %dma_wait3A_71 = tpu.memref_slice %arg2[%dma_wait3A_69, %dma_wait3A_70] : memref<10000x144xf32, #tpu.memory_space<hbm>> -> memref<10000x144xf32, #tpu.memory_space<hbm>>
      tpu.wait_indirect_dma semaphore(%arg14 : memref<!tpu.dma_semaphore, #tpu.memory_space<semaphore_mem>>) src(%dma_wait3A_71 : memref<10000x144xf32, #tpu.memory_space<hbm>>) dst(%arg10 : memref<64x144xf32, #tpu.memory_space<vmem>>)
      %ge3A = arith.constant 1 : i32
      %ge3A_72 = arith.cmpi sge, %add3A_65, %ge3A : i32
      %convert_element_type3A = arith.extui %ge3A_72 : i1 to i32
      %cond3A = arith.constant 0 : i32
      %cond3A_73 = arith.cmpi ne, %convert_element_type3A, %cond3A : i32
      scf.if %cond3A_73 {
        %sub3A_166 = arith.constant 1 : i32
        %sub3A_167 = arith.subi %add3A_65, %sub3A_166 : i32
        %mul3A_168 = arith.constant 64 : i32
        %mul3A_169 = arith.muli %sub3A_167, %mul3A_168 : i32
        %dma_wait3A_170 = tpu.memref_slice %arg8[%mul3A_169] : memref<11776xi32, #tpu.memory_space<vmem>> -> memref<64xi32, #tpu.memory_space<vmem>>
        %dma_wait3A_171 = arith.constant 0 : i32
        %dma_wait3A_172 = arith.constant 0 : i32
        %dma_wait3A_173 = tpu.memref_slice %arg22[%dma_wait3A_171, %dma_wait3A_172] : memref<5120x144xf32, #tpu.memory_space<vmem_shared>> -> memref<5120x144xf32, #tpu.memory_space<vmem_shared>>
        tpu.wait_indirect_dma semaphore(%arg21 : memref<!tpu.dma_semaphore, #tpu.memory_space<semaphore_mem>>) src(%arg13 : memref<64x144xf32, #tpu.memory_space<vmem>>) dst(%dma_wait3A_173 : memref<5120x144xf32, #tpu.memory_space<vmem_shared>>)
      } else {
      }
      %mul3A_74 = arith.constant 64 : i32
      %mul3A_75 = arith.muli %add3A_65, %mul3A_74 : i32
      %dma_start3A_76 = tpu.memref_slice %arg8[%mul3A_75] : memref<11776xi32, #tpu.memory_space<vmem>> -> memref<64xi32, #tpu.memory_space<vmem>>
      %dma_start3A_77 = arith.constant 0 : i32
      %dma_start3A_78 = arith.constant 0 : i32
      %dma_start3A_79 = tpu.memref_slice %arg22[%dma_start3A_77, %dma_start3A_78] : memref<5120x144xf32, #tpu.memory_space<vmem_shared>> -> memref<5120x144xf32, #tpu.memory_space<vmem_shared>>
      tpu.enqueue_indirect_dma source(%arg10 : memref<64x144xf32, #tpu.memory_space<vmem>>) target(%dma_start3A_79 : memref<5120x144xf32, #tpu.memory_space<vmem_shared>>) offsets(%dma_start3A_76 : memref<64xi32, #tpu.memory_space<vmem>>) semaphore(%arg18 : memref<!tpu.dma_semaphore, #tpu.memory_space<semaphore_mem>>) {add = true}
      %add3A_80 = arith.constant 3 : i32
      %add3A_81 = arith.addi %add3A_65, %add3A_80 : i32
      %lt3A = arith.cmpi slt, %add3A_81, %max3A_9 : i32
      %convert_element_type3A_82 = arith.extui %lt3A : i1 to i32
      %cond3A_83 = arith.constant 0 : i32
      %cond3A_84 = arith.cmpi ne, %convert_element_type3A_82, %cond3A_83 : i32
      scf.if %cond3A_84 {
        %mul3A_166 = arith.constant 64 : i32
        %mul3A_167 = arith.muli %add3A_81, %mul3A_166 : i32
        %dma_start3A_168 = tpu.memref_slice %arg7[%mul3A_167] : memref<11776xi32, #tpu.memory_space<vmem>> -> memref<64xi32, #tpu.memory_space<vmem>>
        %dma_start3A_169 = arith.constant 0 : i32
        %dma_start3A_170 = arith.constant 0 : i32
        %dma_start3A_171 = tpu.memref_slice %arg2[%dma_start3A_169, %dma_start3A_170] : memref<10000x144xf32, #tpu.memory_space<hbm>> -> memref<10000x144xf32, #tpu.memory_space<hbm>>
        tpu.enqueue_indirect_dma source(%dma_start3A_171 : memref<10000x144xf32, #tpu.memory_space<hbm>>) target(%arg13 : memref<64x144xf32, #tpu.memory_space<vmem>>) offsets(%dma_start3A_168 : memref<64xi32, #tpu.memory_space<vmem>>) semaphore(%arg17 : memref<!tpu.dma_semaphore, #tpu.memory_space<semaphore_mem>>)
      } else {
      }
      %mul3A_85 = arith.constant 4 : i32
      %mul3A_86 = arith.muli %while3A_62, %mul3A_85 : i32
      %add3A_87 = arith.constant 1 : i32
      %add3A_88 = arith.addi %mul3A_86, %add3A_87 : i32
      %mul3A_89 = arith.constant 64 : i32
      %mul3A_90 = arith.muli %add3A_88, %mul3A_89 : i32
      %dma_wait3A_91 = tpu.memref_slice %arg7[%mul3A_90] : memref<11776xi32, #tpu.memory_space<vmem>> -> memref<64xi32, #tpu.memory_space<vmem>>
      %dma_wait3A_92 = arith.constant 0 : i32
      %dma_wait3A_93 = arith.constant 0 : i32
      %dma_wait3A_94 = tpu.memref_slice %arg2[%dma_wait3A_92, %dma_wait3A_93] : memref<10000x144xf32, #tpu.memory_space<hbm>> -> memref<10000x144xf32, #tpu.memory_space<hbm>>
      tpu.wait_indirect_dma semaphore(%arg15 : memref<!tpu.dma_semaphore, #tpu.memory_space<semaphore_mem>>) src(%dma_wait3A_94 : memref<10000x144xf32, #tpu.memory_space<hbm>>) dst(%arg11 : memref<64x144xf32, #tpu.memory_space<vmem>>)
      %ge3A_95 = arith.constant 1 : i32
      %ge3A_96 = arith.cmpi sge, %add3A_88, %ge3A_95 : i32
      %convert_element_type3A_97 = arith.extui %ge3A_96 : i1 to i32
      %cond3A_98 = arith.constant 0 : i32
      %cond3A_99 = arith.cmpi ne, %convert_element_type3A_97, %cond3A_98 : i32
      scf.if %cond3A_99 {
        %sub3A_166 = arith.constant 1 : i32
        %sub3A_167 = arith.subi %add3A_88, %sub3A_166 : i32
        %mul3A_168 = arith.constant 64 : i32
        %mul3A_169 = arith.muli %sub3A_167, %mul3A_168 : i32
        %dma_wait3A_170 = tpu.memref_slice %arg8[%mul3A_169] : memref<11776xi32, #tpu.memory_space<vmem>> -> memref<64xi32, #tpu.memory_space<vmem>>
        %dma_wait3A_171 = arith.constant 0 : i32
        %dma_wait3A_172 = arith.constant 0 : i32
        %dma_wait3A_173 = tpu.memref_slice %arg22[%dma_wait3A_171, %dma_wait3A_172] : memref<5120x144xf32, #tpu.memory_space<vmem_shared>> -> memref<5120x144xf32, #tpu.memory_space<vmem_shared>>
        tpu.wait_indirect_dma semaphore(%arg18 : memref<!tpu.dma_semaphore, #tpu.memory_space<semaphore_mem>>) src(%arg10 : memref<64x144xf32, #tpu.memory_space<vmem>>) dst(%dma_wait3A_173 : memref<5120x144xf32, #tpu.memory_space<vmem_shared>>)
      } else {
      }
      %mul3A_100 = arith.constant 64 : i32
      %mul3A_101 = arith.muli %add3A_88, %mul3A_100 : i32
      %dma_start3A_102 = tpu.memref_slice %arg8[%mul3A_101] : memref<11776xi32, #tpu.memory_space<vmem>> -> memref<64xi32, #tpu.memory_space<vmem>>
      %dma_start3A_103 = arith.constant 0 : i32
      %dma_start3A_104 = arith.constant 0 : i32
      %dma_start3A_105 = tpu.memref_slice %arg22[%dma_start3A_103, %dma_start3A_104] : memref<5120x144xf32, #tpu.memory_space<vmem_shared>> -> memref<5120x144xf32, #tpu.memory_space<vmem_shared>>
      tpu.enqueue_indirect_dma source(%arg11 : memref<64x144xf32, #tpu.memory_space<vmem>>) target(%dma_start3A_105 : memref<5120x144xf32, #tpu.memory_space<vmem_shared>>) offsets(%dma_start3A_102 : memref<64xi32, #tpu.memory_space<vmem>>) semaphore(%arg19 : memref<!tpu.dma_semaphore, #tpu.memory_space<semaphore_mem>>) {add = true}
      %add3A_106 = arith.constant 3 : i32
      %add3A_107 = arith.addi %add3A_88, %add3A_106 : i32
      %lt3A_108 = arith.cmpi slt, %add3A_107, %max3A_9 : i32
      %convert_element_type3A_109 = arith.extui %lt3A_108 : i1 to i32
      %cond3A_110 = arith.constant 0 : i32
      %cond3A_111 = arith.cmpi ne, %convert_element_type3A_109, %cond3A_110 : i32
      scf.if %cond3A_111 {
        %mul3A_166 = arith.constant 64 : i32
        %mul3A_167 = arith.muli %add3A_107, %mul3A_166 : i32
        %dma_start3A_168 = tpu.memref_slice %arg7[%mul3A_167] : memref<11776xi32, #tpu.memory_space<vmem>> -> memref<64xi32, #tpu.memory_space<vmem>>
        %dma_start3A_169 = arith.constant 0 : i32
        %dma_start3A_170 = arith.constant 0 : i32
        %dma_start3A_171 = tpu.memref_slice %arg2[%dma_start3A_169, %dma_start3A_170] : memref<10000x144xf32, #tpu.memory_space<hbm>> -> memref<10000x144xf32, #tpu.memory_space<hbm>>
        tpu.enqueue_indirect_dma source(%dma_start3A_171 : memref<10000x144xf32, #tpu.memory_space<hbm>>) target(%arg10 : memref<64x144xf32, #tpu.memory_space<vmem>>) offsets(%dma_start3A_168 : memref<64xi32, #tpu.memory_space<vmem>>) semaphore(%arg14 : memref<!tpu.dma_semaphore, #tpu.memory_space<semaphore_mem>>)
      } else {
      }
      %mul3A_112 = arith.constant 4 : i32
      %mul3A_113 = arith.muli %while3A_62, %mul3A_112 : i32
      %add3A_114 = arith.constant 2 : i32
      %add3A_115 = arith.addi %mul3A_113, %add3A_114 : i32
      %mul3A_116 = arith.constant 64 : i32
      %mul3A_117 = arith.muli %add3A_115, %mul3A_116 : i32
      %dma_wait3A_118 = tpu.memref_slice %arg7[%mul3A_117] : memref<11776xi32, #tpu.memory_space<vmem>> -> memref<64xi32, #tpu.memory_space<vmem>>
      %dma_wait3A_119 = arith.constant 0 : i32
      %dma_wait3A_120 = arith.constant 0 : i32
      %dma_wait3A_121 = tpu.memref_slice %arg2[%dma_wait3A_119, %dma_wait3A_120] : memref<10000x144xf32, #tpu.memory_space<hbm>> -> memref<10000x144xf32, #tpu.memory_space<hbm>>
      tpu.wait_indirect_dma semaphore(%arg16 : memref<!tpu.dma_semaphore, #tpu.memory_space<semaphore_mem>>) src(%dma_wait3A_121 : memref<10000x144xf32, #tpu.memory_space<hbm>>) dst(%arg12 : memref<64x144xf32, #tpu.memory_space<vmem>>)
      %ge3A_122 = arith.constant 1 : i32
      %ge3A_123 = arith.cmpi sge, %add3A_115, %ge3A_122 : i32
      %convert_element_type3A_124 = arith.extui %ge3A_123 : i1 to i32
      %cond3A_125 = arith.constant 0 : i32
      %cond3A_126 = arith.cmpi ne, %convert_element_type3A_124, %cond3A_125 : i32
      scf.if %cond3A_126 {
        %sub3A_166 = arith.constant 1 : i32
        %sub3A_167 = arith.subi %add3A_115, %sub3A_166 : i32
        %mul3A_168 = arith.constant 64 : i32
        %mul3A_169 = arith.muli %sub3A_167, %mul3A_168 : i32
        %dma_wait3A_170 = tpu.memref_slice %arg8[%mul3A_169] : memref<11776xi32, #tpu.memory_space<vmem>> -> memref<64xi32, #tpu.memory_space<vmem>>
        %dma_wait3A_171 = arith.constant 0 : i32
        %dma_wait3A_172 = arith.constant 0 : i32
        %dma_wait3A_173 = tpu.memref_slice %arg22[%dma_wait3A_171, %dma_wait3A_172] : memref<5120x144xf32, #tpu.memory_space<vmem_shared>> -> memref<5120x144xf32, #tpu.memory_space<vmem_shared>>
        tpu.wait_indirect_dma semaphore(%arg19 : memref<!tpu.dma_semaphore, #tpu.memory_space<semaphore_mem>>) src(%arg11 : memref<64x144xf32, #tpu.memory_space<vmem>>) dst(%dma_wait3A_173 : memref<5120x144xf32, #tpu.memory_space<vmem_shared>>)
      } else {
      }
      %mul3A_127 = arith.constant 64 : i32
      %mul3A_128 = arith.muli %add3A_115, %mul3A_127 : i32
      %dma_start3A_129 = tpu.memref_slice %arg8[%mul3A_128] : memref<11776xi32, #tpu.memory_space<vmem>> -> memref<64xi32, #tpu.memory_space<vmem>>
      %dma_start3A_130 = arith.constant 0 : i32
      %dma_start3A_131 = arith.constant 0 : i32
      %dma_start3A_132 = tpu.memref_slice %arg22[%dma_start3A_130, %dma_start3A_131] : memref<5120x144xf32, #tpu.memory_space<vmem_shared>> -> memref<5120x144xf32, #tpu.memory_space<vmem_shared>>
      tpu.enqueue_indirect_dma source(%arg12 : memref<64x144xf32, #tpu.memory_space<vmem>>) target(%dma_start3A_132 : memref<5120x144xf32, #tpu.memory_space<vmem_shared>>) offsets(%dma_start3A_129 : memref<64xi32, #tpu.memory_space<vmem>>) semaphore(%arg20 : memref<!tpu.dma_semaphore, #tpu.memory_space<semaphore_mem>>) {add = true}
      %add3A_133 = arith.constant 3 : i32
      %add3A_134 = arith.addi %add3A_115, %add3A_133 : i32
      %lt3A_135 = arith.cmpi slt, %add3A_134, %max3A_9 : i32
      %convert_element_type3A_136 = arith.extui %lt3A_135 : i1 to i32
      %cond3A_137 = arith.constant 0 : i32
      %cond3A_138 = arith.cmpi ne, %convert_element_type3A_136, %cond3A_137 : i32
      scf.if %cond3A_138 {
        %mul3A_166 = arith.constant 64 : i32
        %mul3A_167 = arith.muli %add3A_134, %mul3A_166 : i32
        %dma_start3A_168 = tpu.memref_slice %arg7[%mul3A_167] : memref<11776xi32, #tpu.memory_space<vmem>> -> memref<64xi32, #tpu.memory_space<vmem>>
        %dma_start3A_169 = arith.constant 0 : i32
        %dma_start3A_170 = arith.constant 0 : i32
        %dma_start3A_171 = tpu.memref_slice %arg2[%dma_start3A_169, %dma_start3A_170] : memref<10000x144xf32, #tpu.memory_space<hbm>> -> memref<10000x144xf32, #tpu.memory_space<hbm>>
        tpu.enqueue_indirect_dma source(%dma_start3A_171 : memref<10000x144xf32, #tpu.memory_space<hbm>>) target(%arg11 : memref<64x144xf32, #tpu.memory_space<vmem>>) offsets(%dma_start3A_168 : memref<64xi32, #tpu.memory_space<vmem>>) semaphore(%arg15 : memref<!tpu.dma_semaphore, #tpu.memory_space<semaphore_mem>>)
      } else {
      }
      %mul3A_139 = arith.constant 4 : i32
      %mul3A_140 = arith.muli %while3A_62, %mul3A_139 : i32
      %add3A_141 = arith.constant 3 : i32
      %add3A_142 = arith.addi %mul3A_140, %add3A_141 : i32
      %mul3A_143 = arith.constant 64 : i32
      %mul3A_144 = arith.muli %add3A_142, %mul3A_143 : i32
      %dma_wait3A_145 = tpu.memref_slice %arg7[%mul3A_144] : memref<11776xi32, #tpu.memory_space<vmem>> -> memref<64xi32, #tpu.memory_space<vmem>>
      %dma_wait3A_146 = arith.constant 0 : i32
      %dma_wait3A_147 = arith.constant 0 : i32
      %dma_wait3A_148 = tpu.memref_slice %arg2[%dma_wait3A_146, %dma_wait3A_147] : memref<10000x144xf32, #tpu.memory_space<hbm>> -> memref<10000x144xf32, #tpu.memory_space<hbm>>
      tpu.wait_indirect_dma semaphore(%arg17 : memref<!tpu.dma_semaphore, #tpu.memory_space<semaphore_mem>>) src(%dma_wait3A_148 : memref<10000x144xf32, #tpu.memory_space<hbm>>) dst(%arg13 : memref<64x144xf32, #tpu.memory_space<vmem>>)
      %ge3A_149 = arith.constant 1 : i32
      %ge3A_150 = arith.cmpi sge, %add3A_142, %ge3A_149 : i32
      %convert_element_type3A_151 = arith.extui %ge3A_150 : i1 to i32
      %cond3A_152 = arith.constant 0 : i32
      %cond3A_153 = arith.cmpi ne, %convert_element_type3A_151, %cond3A_152 : i32
      scf.if %cond3A_153 {
        %sub3A_166 = arith.constant 1 : i32
        %sub3A_167 = arith.subi %add3A_142, %sub3A_166 : i32
        %mul3A_168 = arith.constant 64 : i32
        %mul3A_169 = arith.muli %sub3A_167, %mul3A_168 : i32
        %dma_wait3A_170 = tpu.memref_slice %arg8[%mul3A_169] : memref<11776xi32, #tpu.memory_space<vmem>> -> memref<64xi32, #tpu.memory_space<vmem>>
        %dma_wait3A_171 = arith.constant 0 : i32
        %dma_wait3A_172 = arith.constant 0 : i32
        %dma_wait3A_173 = tpu.memref_slice %arg22[%dma_wait3A_171, %dma_wait3A_172] : memref<5120x144xf32, #tpu.memory_space<vmem_shared>> -> memref<5120x144xf32, #tpu.memory_space<vmem_shared>>
        tpu.wait_indirect_dma semaphore(%arg20 : memref<!tpu.dma_semaphore, #tpu.memory_space<semaphore_mem>>) src(%arg12 : memref<64x144xf32, #tpu.memory_space<vmem>>) dst(%dma_wait3A_173 : memref<5120x144xf32, #tpu.memory_space<vmem_shared>>)
      } else {
      }
      %mul3A_154 = arith.constant 64 : i32
      %mul3A_155 = arith.muli %add3A_142, %mul3A_154 : i32
      %dma_start3A_156 = tpu.memref_slice %arg8[%mul3A_155] : memref<11776xi32, #tpu.memory_space<vmem>> -> memref<64xi32, #tpu.memory_space<vmem>>
      %dma_start3A_157 = arith.constant 0 : i32
      %dma_start3A_158 = arith.constant 0 : i32
      %dma_start3A_159 = tpu.memref_slice %arg22[%dma_start3A_157, %dma_start3A_158] : memref<5120x144xf32, #tpu.memory_space<vmem_shared>> -> memref<5120x144xf32, #tpu.memory_space<vmem_shared>>
      tpu.enqueue_indirect_dma source(%arg13 : memref<64x144xf32, #tpu.memory_space<vmem>>) target(%dma_start3A_159 : memref<5120x144xf32, #tpu.memory_space<vmem_shared>>) offsets(%dma_start3A_156 : memref<64xi32, #tpu.memory_space<vmem>>) semaphore(%arg21 : memref<!tpu.dma_semaphore, #tpu.memory_space<semaphore_mem>>) {add = true}
      %add3A_160 = arith.constant 3 : i32
      %add3A_161 = arith.addi %add3A_142, %add3A_160 : i32
      %lt3A_162 = arith.cmpi slt, %add3A_161, %max3A_9 : i32
      %convert_element_type3A_163 = arith.extui %lt3A_162 : i1 to i32
      %cond3A_164 = arith.constant 0 : i32
      %cond3A_165 = arith.cmpi ne, %convert_element_type3A_163, %cond3A_164 : i32
      scf.if %cond3A_165 {
        %mul3A_166 = arith.constant 64 : i32
        %mul3A_167 = arith.muli %add3A_161, %mul3A_166 : i32
        %dma_start3A_168 = tpu.memref_slice %arg7[%mul3A_167] : memref<11776xi32, #tpu.memory_space<vmem>> -> memref<64xi32, #tpu.memory_space<vmem>>
        %dma_start3A_169 = arith.constant 0 : i32
        %dma_start3A_170 = arith.constant 0 : i32
        %dma_start3A_171 = tpu.memref_slice %arg2[%dma_start3A_169, %dma_start3A_170] : memref<10000x144xf32, #tpu.memory_space<hbm>> -> memref<10000x144xf32, #tpu.memory_space<hbm>>
        tpu.enqueue_indirect_dma source(%dma_start3A_171 : memref<10000x144xf32, #tpu.memory_space<hbm>>) target(%arg12 : memref<64x144xf32, #tpu.memory_space<vmem>>) offsets(%dma_start3A_168 : memref<64xi32, #tpu.memory_space<vmem>>) semaphore(%arg16 : memref<!tpu.dma_semaphore, #tpu.memory_space<semaphore_mem>>)
      } else {
      }
    }
    %sub3A_50 = arith.constant 1 : i32
    %sub3A_51 = arith.subi %max3A_9, %sub3A_50 : i32
    %mul3A_52 = arith.constant 64 : i32
    %mul3A_53 = arith.muli %sub3A_51, %mul3A_52 : i32
    %dma_wait3A = tpu.memref_slice %arg8[%mul3A_53] : memref<11776xi32, #tpu.memory_space<vmem>> -> memref<64xi32, #tpu.memory_space<vmem>>
    %dma_wait3A_54 = arith.constant 0 : i32
    %dma_wait3A_55 = arith.constant 0 : i32
    %dma_wait3A_56 = tpu.memref_slice %arg22[%dma_wait3A_54, %dma_wait3A_55] : memref<5120x144xf32, #tpu.memory_space<vmem_shared>> -> memref<5120x144xf32, #tpu.memory_space<vmem_shared>>
    tpu.wait_indirect_dma semaphore(%arg21 : memref<!tpu.dma_semaphore, #tpu.memory_space<semaphore_mem>>) src(%arg13 : memref<64x144xf32, #tpu.memory_space<vmem>>) dst(%dma_wait3A_56 : memref<5120x144xf32, #tpu.memory_space<vmem_shared>>)
    %barrier3A_57 = arith.constant 0 : index
    tpu.barrier barrier_id(%barrier3A_57)
    %mul3A_58 = arith.constant 320 : i32
    %mul3A_59 = arith.muli %arg1, %mul3A_58 : i32
    %mul3A_60 = arith.constant 320 : i32
    %mul3A_61 = arith.muli %arg1, %mul3A_60 : i32
    "tpu.region"() ({
      %run_scoped3A_62 = tpu.sem_alloc : memref<!tpu.dma_semaphore, #tpu.memory_space<semaphore_mem>>
      %dma_start3A_63 = arith.constant 0 : i32
      %dma_start3A_64 = tpu.memref_slice %arg6[%arg0, %mul3A_61, %dma_start3A_63] : memref<2x5120x144xf32, #tpu.memory_space<hbm>> -> memref<1x320x144xf32, #tpu.memory_space<hbm>>
      %dma_start3A_65 = tpu.memref_squeeze %dma_start3A_64 : memref<1x320x144xf32, #tpu.memory_space<hbm>> -> memref<320x144xf32, #tpu.memory_space<hbm>>
      %dma_start3A_66 = arith.constant 0 : i32
      %dma_start3A_67 = tpu.memref_slice %arg22[%mul3A_59, %dma_start3A_66] : memref<5120x144xf32, #tpu.memory_space<vmem_shared>> -> memref<320x144xf32, #tpu.memory_space<vmem_shared>>
      tpu.enqueue_dma source(%dma_start3A_67 : memref<320x144xf32, #tpu.memory_space<vmem_shared>>) target(%dma_start3A_65 : memref<320x144xf32, #tpu.memory_space<hbm>>) target_semaphore(%run_scoped3A_62 : memref<!tpu.dma_semaphore, #tpu.memory_space<semaphore_mem>>)
      %dma_wait3A_68 = arith.constant 0 : i32
      %dma_wait3A_69 = tpu.memref_slice %arg6[%arg0, %mul3A_61, %dma_wait3A_68] : memref<2x5120x144xf32, #tpu.memory_space<hbm>> -> memref<1x320x144xf32, #tpu.memory_space<hbm>>
      %dma_wait3A_70 = tpu.memref_squeeze %dma_wait3A_69 : memref<1x320x144xf32, #tpu.memory_space<hbm>> -> memref<320x144xf32, #tpu.memory_space<hbm>>
      %dma_wait3A_71 = arith.constant 0 : i32
      %dma_wait3A_72 = tpu.memref_slice %arg22[%mul3A_59, %dma_wait3A_71] : memref<5120x144xf32, #tpu.memory_space<vmem_shared>> -> memref<320x144xf32, #tpu.memory_space<vmem_shared>>
      tpu.wait_dma2 semaphore(%run_scoped3A_62 : memref<!tpu.dma_semaphore, #tpu.memory_space<semaphore_mem>>) src(%dma_wait3A_72 : memref<320x144xf32, #tpu.memory_space<vmem_shared>>) dst(%dma_wait3A_70 : memref<320x144xf32, #tpu.memory_space<hbm>>)
      tpu.yield
    }) : () -> ()
    return
  }
}

#map = affine_map<(d0, d1) -> (0, 0, 0, 0)>
#map1 = affine_map<(d0, d1) -> (0, 0, 0)>
module attributes {stable_mosaic.version = 14 : i64} {
  func.func @_sc_compact(%arg0: i32, %arg1: i32, %arg2: memref<2x16x160x128xi32, #tpu.memory_space<hbm>>, %arg3: memref<2x16x2x11776xi32, #tpu.memory_space<hbm>>, %arg4: memref<2x16x16xi32, #tpu.memory_space<hbm>>, %arg5: memref<160x128xi32, #tpu.memory_space<vmem>>, %arg6: memref<160x128xi32, #tpu.memory_space<vmem>>, %arg7: memref<11776xi32, #tpu.memory_space<vmem>>, %arg8: memref<11776xi32, #tpu.memory_space<vmem>>, %arg9: memref<16xi32, #tpu.memory_space<vmem>>) attributes {dimension_semantics = [#tpu.dimension_semantics<core_parallel>, #tpu.dimension_semantics<subcore_parallel>], iteration_bounds = array<i64: 2, 16>, scalar_prefetch = 0 : i64, scratch_operands = 5 : i64, tpu.core_type = #tpu.core_type<sc_vector_subcore>, window_params = [{transform_indices = #map}, {transform_indices = #map}, {transform_indices = #map1}]} {
    %mul3A = arith.constant 5000 : i32
    %mul3A_0 = arith.muli %arg0, %mul3A : i32
    %run_scoped3A = arith.constant 0 : i32
    "tpu.region"() ({
      %run_scoped3A_192 = tpu.sem_alloc : memref<!tpu.dma_semaphore, #tpu.memory_space<semaphore_mem>>
      %dma_start3A = arith.constant 0 : i32
      %dma_start3A_193 = arith.constant 0 : i32
      %dma_start3A_194 = tpu.memref_slice %arg2[%run_scoped3A, %arg1, %dma_start3A, %dma_start3A_193] : memref<2x16x160x128xi32, #tpu.memory_space<hbm>> -> memref<1x1x160x128xi32, #tpu.memory_space<hbm>>
      %dma_start3A_195 = tpu.memref_squeeze %dma_start3A_194 : memref<1x1x160x128xi32, #tpu.memory_space<hbm>> -> memref<160x128xi32, #tpu.memory_space<hbm>>
      %dma_start3A_196 = arith.constant 0 : i32
      %dma_start3A_197 = arith.constant 0 : i32
      %dma_start3A_198 = tpu.memref_slice %arg2[%run_scoped3A, %arg1, %dma_start3A_196, %dma_start3A_197] : memref<2x16x160x128xi32, #tpu.memory_space<hbm>> -> memref<1x1x160x128xi32, #tpu.memory_space<hbm>>
      %dma_start3A_199 = tpu.memref_squeeze %dma_start3A_198 : memref<1x1x160x128xi32, #tpu.memory_space<hbm>> -> memref<160x128xi32, #tpu.memory_space<hbm>>
      tpu.enqueue_dma source(%dma_start3A_199 : memref<160x128xi32, #tpu.memory_space<hbm>>) target(%arg5 : memref<160x128xi32, #tpu.memory_space<vmem>>) target_semaphore(%run_scoped3A_192 : memref<!tpu.dma_semaphore, #tpu.memory_space<semaphore_mem>>)
      %dma_wait3A = arith.constant 0 : i32
      %dma_wait3A_200 = arith.constant 0 : i32
      %dma_wait3A_201 = tpu.memref_slice %arg2[%run_scoped3A, %arg1, %dma_wait3A, %dma_wait3A_200] : memref<2x16x160x128xi32, #tpu.memory_space<hbm>> -> memref<1x1x160x128xi32, #tpu.memory_space<hbm>>
      %dma_wait3A_202 = tpu.memref_squeeze %dma_wait3A_201 : memref<1x1x160x128xi32, #tpu.memory_space<hbm>> -> memref<160x128xi32, #tpu.memory_space<hbm>>
      %dma_wait3A_203 = arith.constant 0 : i32
      %dma_wait3A_204 = arith.constant 0 : i32
      %dma_wait3A_205 = tpu.memref_slice %arg2[%run_scoped3A, %arg1, %dma_wait3A_203, %dma_wait3A_204] : memref<2x16x160x128xi32, #tpu.memory_space<hbm>> -> memref<1x1x160x128xi32, #tpu.memory_space<hbm>>
      %dma_wait3A_206 = tpu.memref_squeeze %dma_wait3A_205 : memref<1x1x160x128xi32, #tpu.memory_space<hbm>> -> memref<160x128xi32, #tpu.memory_space<hbm>>
      tpu.wait_dma2 semaphore(%run_scoped3A_192 : memref<!tpu.dma_semaphore, #tpu.memory_space<semaphore_mem>>) src(%dma_wait3A_206 : memref<160x128xi32, #tpu.memory_space<hbm>>) dst(%arg5 : memref<160x128xi32, #tpu.memory_space<vmem>>)
      tpu.yield
    }) : () -> ()
    %run_scoped3A_1 = arith.constant 1 : i32
    "tpu.region"() ({
      %run_scoped3A_192 = tpu.sem_alloc : memref<!tpu.dma_semaphore, #tpu.memory_space<semaphore_mem>>
      %dma_start3A = arith.constant 0 : i32
      %dma_start3A_193 = arith.constant 0 : i32
      %dma_start3A_194 = tpu.memref_slice %arg2[%run_scoped3A_1, %arg1, %dma_start3A, %dma_start3A_193] : memref<2x16x160x128xi32, #tpu.memory_space<hbm>> -> memref<1x1x160x128xi32, #tpu.memory_space<hbm>>
      %dma_start3A_195 = tpu.memref_squeeze %dma_start3A_194 : memref<1x1x160x128xi32, #tpu.memory_space<hbm>> -> memref<160x128xi32, #tpu.memory_space<hbm>>
      %dma_start3A_196 = arith.constant 0 : i32
      %dma_start3A_197 = arith.constant 0 : i32
      %dma_start3A_198 = tpu.memref_slice %arg2[%run_scoped3A_1, %arg1, %dma_start3A_196, %dma_start3A_197] : memref<2x16x160x128xi32, #tpu.memory_space<hbm>> -> memref<1x1x160x128xi32, #tpu.memory_space<hbm>>
      %dma_start3A_199 = tpu.memref_squeeze %dma_start3A_198 : memref<1x1x160x128xi32, #tpu.memory_space<hbm>> -> memref<160x128xi32, #tpu.memory_space<hbm>>
      tpu.enqueue_dma source(%dma_start3A_199 : memref<160x128xi32, #tpu.memory_space<hbm>>) target(%arg6 : memref<160x128xi32, #tpu.memory_space<vmem>>) target_semaphore(%run_scoped3A_192 : memref<!tpu.dma_semaphore, #tpu.memory_space<semaphore_mem>>)
      %dma_wait3A = arith.constant 0 : i32
      %dma_wait3A_200 = arith.constant 0 : i32
      %dma_wait3A_201 = tpu.memref_slice %arg2[%run_scoped3A_1, %arg1, %dma_wait3A, %dma_wait3A_200] : memref<2x16x160x128xi32, #tpu.memory_space<hbm>> -> memref<1x1x160x128xi32, #tpu.memory_space<hbm>>
      %dma_wait3A_202 = tpu.memref_squeeze %dma_wait3A_201 : memref<1x1x160x128xi32, #tpu.memory_space<hbm>> -> memref<160x128xi32, #tpu.memory_space<hbm>>
      %dma_wait3A_203 = arith.constant 0 : i32
      %dma_wait3A_204 = arith.constant 0 : i32
      %dma_wait3A_205 = tpu.memref_slice %arg2[%run_scoped3A_1, %arg1, %dma_wait3A_203, %dma_wait3A_204] : memref<2x16x160x128xi32, #tpu.memory_space<hbm>> -> memref<1x1x160x128xi32, #tpu.memory_space<hbm>>
      %dma_wait3A_206 = tpu.memref_squeeze %dma_wait3A_205 : memref<1x1x160x128xi32, #tpu.memory_space<hbm>> -> memref<160x128xi32, #tpu.memory_space<hbm>>
      tpu.wait_dma2 semaphore(%run_scoped3A_192 : memref<!tpu.dma_semaphore, #tpu.memory_space<semaphore_mem>>) src(%dma_wait3A_206 : memref<160x128xi32, #tpu.memory_space<hbm>>) dst(%arg6 : memref<160x128xi32, #tpu.memory_space<vmem>>)
      tpu.yield
    }) : () -> ()
    %scan3A = arith.constant 0 : i32
    %scan3A_2 = arith.constant 0 : i32
    %scan3A_3 = arith.constant 160 : i32
    %scan3A_4 = arith.addi %scan3A_2, %scan3A_3 : i32
    %scan3A_5 = arith.constant 1 : i32
    %scan3A_6 = scf.for %scan3A_192 = %scan3A_2 to %scan3A_4 step %scan3A_5 iter_args(%scan3A_193 = %scan3A) -> (i32)  : i32 {
      %get3A = arith.index_cast %scan3A_192 : i32 to index
      %get3A_194 = arith.constant 0 : index
      %get3A_195 = tpu.vector_load %arg5[%get3A, %get3A_194] {strides = array<i32>} : memref<160x128xi32, #tpu.memory_space<vmem>>, vector<16xi32>,
      %get3A_196 = arith.index_cast %scan3A_192 : i32 to index
      %get3A_197 = arith.constant 0 : index
      %get3A_198 = tpu.vector_load %arg6[%get3A_196, %get3A_197] {strides = array<i32>} : memref<160x128xi32, #tpu.memory_space<vmem>>, vector<16xi32>,
      %ge3A = vector.broadcast %mul3A_0 : i32 to vector<16xi32>
      %ge3A_199 = arith.cmpi sge, %get3A_198, %ge3A : vector<16xi32>
      %add3A_200 = arith.constant 5000 : i32
      %add3A_201 = arith.addi %mul3A_0, %add3A_200 : i32
      %lt3A = vector.broadcast %add3A_201 : i32 to vector<16xi32>
      %lt3A_202 = arith.cmpi slt, %get3A_198, %lt3A : vector<16xi32>
      %and3A_203 = arith.andi %ge3A_199, %lt3A_202 : vector<16xi1>
      %convert_element_type3A = arith.extui %and3A_203 : vector<16xi1> to vector<16xi32>
      %broadcast_in_dim3A_204 = arith.constant true
      %broadcast_in_dim3A_205 = vector.broadcast %broadcast_in_dim3A_204 : i1 to vector<16xi1>
      %masked_cumsum3A = tpu.scan <sum>, %convert_element_type3A masked %broadcast_in_dim3A_205 : vector<16xi32>, vector<16xi1> -> vector<16xi32>
      %add3A_206 = vector.broadcast %scan3A_193 : i32 to vector<16xi32>
      %add3A_207 = arith.addi %add3A_206, %masked_cumsum3A : vector<16xi32>
      %sub3A_208 = arith.subi %add3A_207, %convert_element_type3A : vector<16xi32>
      tpu.vector_store_idx %arg7[%sub3A_208], %get3A_195 masked %and3A_203 : memref<11776xi32, #tpu.memory_space<vmem>>[vector<16xi32>], vector<16xi32>, vector<16xi1>
      %sub3A_209 = vector.broadcast %mul3A_0 : i32 to vector<16xi32>
      %sub3A_210 = arith.subi %get3A_198, %sub3A_209 : vector<16xi32>
      tpu.vector_store_idx %arg8[%sub3A_208], %sub3A_210 masked %and3A_203 : memref<11776xi32, #tpu.memory_space<vmem>>[vector<16xi32>], vector<16xi32>, vector<16xi1>
      %reduce_sum3A = arith.constant true
      %reduce_sum3A_211 = vector.broadcast %reduce_sum3A : i1 to vector<16xi1>
      %reduce_sum3A_212 = tpu.scan <sum>, %convert_element_type3A masked %reduce_sum3A_211 : vector<16xi32>, vector<16xi1> -> vector<16xi32>
      %reduce_sum3A_213 = vector.extract %reduce_sum3A_212[15] : i32 from vector<16xi32>
      %add3A_214 = arith.addi %scan3A_193, %reduce_sum3A_213 : i32
      %get3A_215 = arith.index_cast %scan3A_192 : i32 to index
      %get3A_216 = arith.constant 16 : index
      %get3A_217 = tpu.vector_load %arg5[%get3A_215, %get3A_216] {strides = array<i32>} : memref<160x128xi32, #tpu.memory_space<vmem>>, vector<16xi32>,
      %get3A_218 = arith.index_cast %scan3A_192 : i32 to index
      %get3A_219 = arith.constant 16 : index
      %get3A_220 = tpu.vector_load %arg6[%get3A_218, %get3A_219] {strides = array<i32>} : memref<160x128xi32, #tpu.memory_space<vmem>>, vector<16xi32>,
      %ge3A_221 = vector.broadcast %mul3A_0 : i32 to vector<16xi32>
      %ge3A_222 = arith.cmpi sge, %get3A_220, %ge3A_221 : vector<16xi32>
      %add3A_223 = arith.constant 5000 : i32
      %add3A_224 = arith.addi %mul3A_0, %add3A_223 : i32
      %lt3A_225 = vector.broadcast %add3A_224 : i32 to vector<16xi32>
      %lt3A_226 = arith.cmpi slt, %get3A_220, %lt3A_225 : vector<16xi32>
      %and3A_227 = arith.andi %ge3A_222, %lt3A_226 : vector<16xi1>
      %convert_element_type3A_228 = arith.extui %and3A_227 : vector<16xi1> to vector<16xi32>
      %broadcast_in_dim3A_229 = arith.constant true
      %broadcast_in_dim3A_230 = vector.broadcast %broadcast_in_dim3A_229 : i1 to vector<16xi1>
      %masked_cumsum3A_231 = tpu.scan <sum>, %convert_element_type3A_228 masked %broadcast_in_dim3A_230 : vector<16xi32>, vector<16xi1> -> vector<16xi32>
      %add3A_232 = vector.broadcast %add3A_214 : i32 to vector<16xi32>
      %add3A_233 = arith.addi %add3A_232, %masked_cumsum3A_231 : vector<16xi32>
      %sub3A_234 = arith.subi %add3A_233, %convert_element_type3A_228 : vector<16xi32>
      tpu.vector_store_idx %arg7[%sub3A_234], %get3A_217 masked %and3A_227 : memref<11776xi32, #tpu.memory_space<vmem>>[vector<16xi32>], vector<16xi32>, vector<16xi1>
      %sub3A_235 = vector.broadcast %mul3A_0 : i32 to vector<16xi32>
      %sub3A_236 = arith.subi %get3A_220, %sub3A_235 : vector<16xi32>
      tpu.vector_store_idx %arg8[%sub3A_234], %sub3A_236 masked %and3A_227 : memref<11776xi32, #tpu.memory_space<vmem>>[vector<16xi32>], vector<16xi32>, vector<16xi1>
      %reduce_sum3A_237 = arith.constant true
      %reduce_sum3A_238 = vector.broadcast %reduce_sum3A_237 : i1 to vector<16xi1>
      %reduce_sum3A_239 = tpu.scan <sum>, %convert_element_type3A_228 masked %reduce_sum3A_238 : vector<16xi32>, vector<16xi1> -> vector<16xi32>
      %reduce_sum3A_240 = vector.extract %reduce_sum3A_239[15] : i32 from vector<16xi32>
      %add3A_241 = arith.addi %add3A_214, %reduce_sum3A_240 : i32
      %get3A_242 = arith.index_cast %scan3A_192 : i32 to index
      %get3A_243 = arith.constant 32 : index
      %get3A_244 = tpu.vector_load %arg5[%get3A_242, %get3A_243] {strides = array<i32>} : memref<160x128xi32, #tpu.memory_space<vmem>>, vector<16xi32>,
      %get3A_245 = arith.index_cast %scan3A_192 : i32 to index
      %get3A_246 = arith.constant 32 : index
      %get3A_247 = tpu.vector_load %arg6[%get3A_245, %get3A_246] {strides = array<i32>} : memref<160x128xi32, #tpu.memory_space<vmem>>, vector<16xi32>,
      %ge3A_248 = vector.broadcast %mul3A_0 : i32 to vector<16xi32>
      %ge3A_249 = arith.cmpi sge, %get3A_247, %ge3A_248 : vector<16xi32>
      %add3A_250 = arith.constant 5000 : i32
      %add3A_251 = arith.addi %mul3A_0, %add3A_250 : i32
      %lt3A_252 = vector.broadcast %add3A_251 : i32 to vector<16xi32>
      %lt3A_253 = arith.cmpi slt, %get3A_247, %lt3A_252 : vector<16xi32>
      %and3A_254 = arith.andi %ge3A_249, %lt3A_253 : vector<16xi1>
      %convert_element_type3A_255 = arith.extui %and3A_254 : vector<16xi1> to vector<16xi32>
      %broadcast_in_dim3A_256 = arith.constant true
      %broadcast_in_dim3A_257 = vector.broadcast %broadcast_in_dim3A_256 : i1 to vector<16xi1>
      %masked_cumsum3A_258 = tpu.scan <sum>, %convert_element_type3A_255 masked %broadcast_in_dim3A_257 : vector<16xi32>, vector<16xi1> -> vector<16xi32>
      %add3A_259 = vector.broadcast %add3A_241 : i32 to vector<16xi32>
      %add3A_260 = arith.addi %add3A_259, %masked_cumsum3A_258 : vector<16xi32>
      %sub3A_261 = arith.subi %add3A_260, %convert_element_type3A_255 : vector<16xi32>
      tpu.vector_store_idx %arg7[%sub3A_261], %get3A_244 masked %and3A_254 : memref<11776xi32, #tpu.memory_space<vmem>>[vector<16xi32>], vector<16xi32>, vector<16xi1>
      %sub3A_262 = vector.broadcast %mul3A_0 : i32 to vector<16xi32>
      %sub3A_263 = arith.subi %get3A_247, %sub3A_262 : vector<16xi32>
      tpu.vector_store_idx %arg8[%sub3A_261], %sub3A_263 masked %and3A_254 : memref<11776xi32, #tpu.memory_space<vmem>>[vector<16xi32>], vector<16xi32>, vector<16xi1>
      %reduce_sum3A_264 = arith.constant true
      %reduce_sum3A_265 = vector.broadcast %reduce_sum3A_264 : i1 to vector<16xi1>
      %reduce_sum3A_266 = tpu.scan <sum>, %convert_element_type3A_255 masked %reduce_sum3A_265 : vector<16xi32>, vector<16xi1> -> vector<16xi32>
      %reduce_sum3A_267 = vector.extract %reduce_sum3A_266[15] : i32 from vector<16xi32>
      %add3A_268 = arith.addi %add3A_241, %reduce_sum3A_267 : i32
      %get3A_269 = arith.index_cast %scan3A_192 : i32 to index
      %get3A_270 = arith.constant 48 : index
      %get3A_271 = tpu.vector_load %arg5[%get3A_269, %get3A_270] {strides = array<i32>} : memref<160x128xi32, #tpu.memory_space<vmem>>, vector<16xi32>,
      %get3A_272 = arith.index_cast %scan3A_192 : i32 to index
      %get3A_273 = arith.constant 48 : index
      %get3A_274 = tpu.vector_load %arg6[%get3A_272, %get3A_273] {strides = array<i32>} : memref<160x128xi32, #tpu.memory_space<vmem>>, vector<16xi32>,
      %ge3A_275 = vector.broadcast %mul3A_0 : i32 to vector<16xi32>
      %ge3A_276 = arith.cmpi sge, %get3A_274, %ge3A_275 : vector<16xi32>
      %add3A_277 = arith.constant 5000 : i32
      %add3A_278 = arith.addi %mul3A_0, %add3A_277 : i32
      %lt3A_279 = vector.broadcast %add3A_278 : i32 to vector<16xi32>
      %lt3A_280 = arith.cmpi slt, %get3A_274, %lt3A_279 : vector<16xi32>
      %and3A_281 = arith.andi %ge3A_276, %lt3A_280 : vector<16xi1>
      %convert_element_type3A_282 = arith.extui %and3A_281 : vector<16xi1> to vector<16xi32>
      %broadcast_in_dim3A_283 = arith.constant true
      %broadcast_in_dim3A_284 = vector.broadcast %broadcast_in_dim3A_283 : i1 to vector<16xi1>
      %masked_cumsum3A_285 = tpu.scan <sum>, %convert_element_type3A_282 masked %broadcast_in_dim3A_284 : vector<16xi32>, vector<16xi1> -> vector<16xi32>
      %add3A_286 = vector.broadcast %add3A_268 : i32 to vector<16xi32>
      %add3A_287 = arith.addi %add3A_286, %masked_cumsum3A_285 : vector<16xi32>
      %sub3A_288 = arith.subi %add3A_287, %convert_element_type3A_282 : vector<16xi32>
      tpu.vector_store_idx %arg7[%sub3A_288], %get3A_271 masked %and3A_281 : memref<11776xi32, #tpu.memory_space<vmem>>[vector<16xi32>], vector<16xi32>, vector<16xi1>
      %sub3A_289 = vector.broadcast %mul3A_0 : i32 to vector<16xi32>
      %sub3A_290 = arith.subi %get3A_274, %sub3A_289 : vector<16xi32>
      tpu.vector_store_idx %arg8[%sub3A_288], %sub3A_290 masked %and3A_281 : memref<11776xi32, #tpu.memory_space<vmem>>[vector<16xi32>], vector<16xi32>, vector<16xi1>
      %reduce_sum3A_291 = arith.constant true
      %reduce_sum3A_292 = vector.broadcast %reduce_sum3A_291 : i1 to vector<16xi1>
      %reduce_sum3A_293 = tpu.scan <sum>, %convert_element_type3A_282 masked %reduce_sum3A_292 : vector<16xi32>, vector<16xi1> -> vector<16xi32>
      %reduce_sum3A_294 = vector.extract %reduce_sum3A_293[15] : i32 from vector<16xi32>
      %add3A_295 = arith.addi %add3A_268, %reduce_sum3A_294 : i32
      %get3A_296 = arith.index_cast %scan3A_192 : i32 to index
      %get3A_297 = arith.constant 64 : index
      %get3A_298 = tpu.vector_load %arg5[%get3A_296, %get3A_297] {strides = array<i32>} : memref<160x128xi32, #tpu.memory_space<vmem>>, vector<16xi32>,
      %get3A_299 = arith.index_cast %scan3A_192 : i32 to index
      %get3A_300 = arith.constant 64 : index
      %get3A_301 = tpu.vector_load %arg6[%get3A_299, %get3A_300] {strides = array<i32>} : memref<160x128xi32, #tpu.memory_space<vmem>>, vector<16xi32>,
      %ge3A_302 = vector.broadcast %mul3A_0 : i32 to vector<16xi32>
      %ge3A_303 = arith.cmpi sge, %get3A_301, %ge3A_302 : vector<16xi32>
      %add3A_304 = arith.constant 5000 : i32
      %add3A_305 = arith.addi %mul3A_0, %add3A_304 : i32
      %lt3A_306 = vector.broadcast %add3A_305 : i32 to vector<16xi32>
      %lt3A_307 = arith.cmpi slt, %get3A_301, %lt3A_306 : vector<16xi32>
      %and3A_308 = arith.andi %ge3A_303, %lt3A_307 : vector<16xi1>
      %convert_element_type3A_309 = arith.extui %and3A_308 : vector<16xi1> to vector<16xi32>
      %broadcast_in_dim3A_310 = arith.constant true
      %broadcast_in_dim3A_311 = vector.broadcast %broadcast_in_dim3A_310 : i1 to vector<16xi1>
      %masked_cumsum3A_312 = tpu.scan <sum>, %convert_element_type3A_309 masked %broadcast_in_dim3A_311 : vector<16xi32>, vector<16xi1> -> vector<16xi32>
      %add3A_313 = vector.broadcast %add3A_295 : i32 to vector<16xi32>
      %add3A_314 = arith.addi %add3A_313, %masked_cumsum3A_312 : vector<16xi32>
      %sub3A_315 = arith.subi %add3A_314, %convert_element_type3A_309 : vector<16xi32>
      tpu.vector_store_idx %arg7[%sub3A_315], %get3A_298 masked %and3A_308 : memref<11776xi32, #tpu.memory_space<vmem>>[vector<16xi32>], vector<16xi32>, vector<16xi1>
      %sub3A_316 = vector.broadcast %mul3A_0 : i32 to vector<16xi32>
      %sub3A_317 = arith.subi %get3A_301, %sub3A_316 : vector<16xi32>
      tpu.vector_store_idx %arg8[%sub3A_315], %sub3A_317 masked %and3A_308 : memref<11776xi32, #tpu.memory_space<vmem>>[vector<16xi32>], vector<16xi32>, vector<16xi1>
      %reduce_sum3A_318 = arith.constant true
      %reduce_sum3A_319 = vector.broadcast %reduce_sum3A_318 : i1 to vector<16xi1>
      %reduce_sum3A_320 = tpu.scan <sum>, %convert_element_type3A_309 masked %reduce_sum3A_319 : vector<16xi32>, vector<16xi1> -> vector<16xi32>
      %reduce_sum3A_321 = vector.extract %reduce_sum3A_320[15] : i32 from vector<16xi32>
      %add3A_322 = arith.addi %add3A_295, %reduce_sum3A_321 : i32
      %get3A_323 = arith.index_cast %scan3A_192 : i32 to index
      %get3A_324 = arith.constant 80 : index
      %get3A_325 = tpu.vector_load %arg5[%get3A_323, %get3A_324] {strides = array<i32>} : memref<160x128xi32, #tpu.memory_space<vmem>>, vector<16xi32>,
      %get3A_326 = arith.index_cast %scan3A_192 : i32 to index
      %get3A_327 = arith.constant 80 : index
      %get3A_328 = tpu.vector_load %arg6[%get3A_326, %get3A_327] {strides = array<i32>} : memref<160x128xi32, #tpu.memory_space<vmem>>, vector<16xi32>,
      %ge3A_329 = vector.broadcast %mul3A_0 : i32 to vector<16xi32>
      %ge3A_330 = arith.cmpi sge, %get3A_328, %ge3A_329 : vector<16xi32>
      %add3A_331 = arith.constant 5000 : i32
      %add3A_332 = arith.addi %mul3A_0, %add3A_331 : i32
      %lt3A_333 = vector.broadcast %add3A_332 : i32 to vector<16xi32>
      %lt3A_334 = arith.cmpi slt, %get3A_328, %lt3A_333 : vector<16xi32>
      %and3A_335 = arith.andi %ge3A_330, %lt3A_334 : vector<16xi1>
      %convert_element_type3A_336 = arith.extui %and3A_335 : vector<16xi1> to vector<16xi32>
      %broadcast_in_dim3A_337 = arith.constant true
      %broadcast_in_dim3A_338 = vector.broadcast %broadcast_in_dim3A_337 : i1 to vector<16xi1>
      %masked_cumsum3A_339 = tpu.scan <sum>, %convert_element_type3A_336 masked %broadcast_in_dim3A_338 : vector<16xi32>, vector<16xi1> -> vector<16xi32>
      %add3A_340 = vector.broadcast %add3A_322 : i32 to vector<16xi32>
      %add3A_341 = arith.addi %add3A_340, %masked_cumsum3A_339 : vector<16xi32>
      %sub3A_342 = arith.subi %add3A_341, %convert_element_type3A_336 : vector<16xi32>
      tpu.vector_store_idx %arg7[%sub3A_342], %get3A_325 masked %and3A_335 : memref<11776xi32, #tpu.memory_space<vmem>>[vector<16xi32>], vector<16xi32>, vector<16xi1>
      %sub3A_343 = vector.broadcast %mul3A_0 : i32 to vector<16xi32>
      %sub3A_344 = arith.subi %get3A_328, %sub3A_343 : vector<16xi32>
      tpu.vector_store_idx %arg8[%sub3A_342], %sub3A_344 masked %and3A_335 : memref<11776xi32, #tpu.memory_space<vmem>>[vector<16xi32>], vector<16xi32>, vector<16xi1>
      %reduce_sum3A_345 = arith.constant true
      %reduce_sum3A_346 = vector.broadcast %reduce_sum3A_345 : i1 to vector<16xi1>
      %reduce_sum3A_347 = tpu.scan <sum>, %convert_element_type3A_336 masked %reduce_sum3A_346 : vector<16xi32>, vector<16xi1> -> vector<16xi32>
      %reduce_sum3A_348 = vector.extract %reduce_sum3A_347[15] : i32 from vector<16xi32>
      %add3A_349 = arith.addi %add3A_322, %reduce_sum3A_348 : i32
      %get3A_350 = arith.index_cast %scan3A_192 : i32 to index
      %get3A_351 = arith.constant 96 : index
      %get3A_352 = tpu.vector_load %arg5[%get3A_350, %get3A_351] {strides = array<i32>} : memref<160x128xi32, #tpu.memory_space<vmem>>, vector<16xi32>,
      %get3A_353 = arith.index_cast %scan3A_192 : i32 to index
      %get3A_354 = arith.constant 96 : index
      %get3A_355 = tpu.vector_load %arg6[%get3A_353, %get3A_354] {strides = array<i32>} : memref<160x128xi32, #tpu.memory_space<vmem>>, vector<16xi32>,
      %ge3A_356 = vector.broadcast %mul3A_0 : i32 to vector<16xi32>
      %ge3A_357 = arith.cmpi sge, %get3A_355, %ge3A_356 : vector<16xi32>
      %add3A_358 = arith.constant 5000 : i32
      %add3A_359 = arith.addi %mul3A_0, %add3A_358 : i32
      %lt3A_360 = vector.broadcast %add3A_359 : i32 to vector<16xi32>
      %lt3A_361 = arith.cmpi slt, %get3A_355, %lt3A_360 : vector<16xi32>
      %and3A_362 = arith.andi %ge3A_357, %lt3A_361 : vector<16xi1>
      %convert_element_type3A_363 = arith.extui %and3A_362 : vector<16xi1> to vector<16xi32>
      %broadcast_in_dim3A_364 = arith.constant true
      %broadcast_in_dim3A_365 = vector.broadcast %broadcast_in_dim3A_364 : i1 to vector<16xi1>
      %masked_cumsum3A_366 = tpu.scan <sum>, %convert_element_type3A_363 masked %broadcast_in_dim3A_365 : vector<16xi32>, vector<16xi1> -> vector<16xi32>
      %add3A_367 = vector.broadcast %add3A_349 : i32 to vector<16xi32>
      %add3A_368 = arith.addi %add3A_367, %masked_cumsum3A_366 : vector<16xi32>
      %sub3A_369 = arith.subi %add3A_368, %convert_element_type3A_363 : vector<16xi32>
      tpu.vector_store_idx %arg7[%sub3A_369], %get3A_352 masked %and3A_362 : memref<11776xi32, #tpu.memory_space<vmem>>[vector<16xi32>], vector<16xi32>, vector<16xi1>
      %sub3A_370 = vector.broadcast %mul3A_0 : i32 to vector<16xi32>
      %sub3A_371 = arith.subi %get3A_355, %sub3A_370 : vector<16xi32>
      tpu.vector_store_idx %arg8[%sub3A_369], %sub3A_371 masked %and3A_362 : memref<11776xi32, #tpu.memory_space<vmem>>[vector<16xi32>], vector<16xi32>, vector<16xi1>
      %reduce_sum3A_372 = arith.constant true
      %reduce_sum3A_373 = vector.broadcast %reduce_sum3A_372 : i1 to vector<16xi1>
      %reduce_sum3A_374 = tpu.scan <sum>, %convert_element_type3A_363 masked %reduce_sum3A_373 : vector<16xi32>, vector<16xi1> -> vector<16xi32>
      %reduce_sum3A_375 = vector.extract %reduce_sum3A_374[15] : i32 from vector<16xi32>
      %add3A_376 = arith.addi %add3A_349, %reduce_sum3A_375 : i32
      %get3A_377 = arith.index_cast %scan3A_192 : i32 to index
      %get3A_378 = arith.constant 112 : index
      %get3A_379 = tpu.vector_load %arg5[%get3A_377, %get3A_378] {strides = array<i32>} : memref<160x128xi32, #tpu.memory_space<vmem>>, vector<16xi32>,
      %get3A_380 = arith.index_cast %scan3A_192 : i32 to index
      %get3A_381 = arith.constant 112 : index
      %get3A_382 = tpu.vector_load %arg6[%get3A_380, %get3A_381] {strides = array<i32>} : memref<160x128xi32, #tpu.memory_space<vmem>>, vector<16xi32>,
      %ge3A_383 = vector.broadcast %mul3A_0 : i32 to vector<16xi32>
      %ge3A_384 = arith.cmpi sge, %get3A_382, %ge3A_383 : vector<16xi32>
      %add3A_385 = arith.constant 5000 : i32
      %add3A_386 = arith.addi %mul3A_0, %add3A_385 : i32
      %lt3A_387 = vector.broadcast %add3A_386 : i32 to vector<16xi32>
      %lt3A_388 = arith.cmpi slt, %get3A_382, %lt3A_387 : vector<16xi32>
      %and3A_389 = arith.andi %ge3A_384, %lt3A_388 : vector<16xi1>
      %convert_element_type3A_390 = arith.extui %and3A_389 : vector<16xi1> to vector<16xi32>
      %broadcast_in_dim3A_391 = arith.constant true
      %broadcast_in_dim3A_392 = vector.broadcast %broadcast_in_dim3A_391 : i1 to vector<16xi1>
      %masked_cumsum3A_393 = tpu.scan <sum>, %convert_element_type3A_390 masked %broadcast_in_dim3A_392 : vector<16xi32>, vector<16xi1> -> vector<16xi32>
      %add3A_394 = vector.broadcast %add3A_376 : i32 to vector<16xi32>
      %add3A_395 = arith.addi %add3A_394, %masked_cumsum3A_393 : vector<16xi32>
      %sub3A_396 = arith.subi %add3A_395, %convert_element_type3A_390 : vector<16xi32>
      tpu.vector_store_idx %arg7[%sub3A_396], %get3A_379 masked %and3A_389 : memref<11776xi32, #tpu.memory_space<vmem>>[vector<16xi32>], vector<16xi32>, vector<16xi1>
      %sub3A_397 = vector.broadcast %mul3A_0 : i32 to vector<16xi32>
      %sub3A_398 = arith.subi %get3A_382, %sub3A_397 : vector<16xi32>
      tpu.vector_store_idx %arg8[%sub3A_396], %sub3A_398 masked %and3A_389 : memref<11776xi32, #tpu.memory_space<vmem>>[vector<16xi32>], vector<16xi32>, vector<16xi1>
      %reduce_sum3A_399 = arith.constant true
      %reduce_sum3A_400 = vector.broadcast %reduce_sum3A_399 : i1 to vector<16xi1>
      %reduce_sum3A_401 = tpu.scan <sum>, %convert_element_type3A_390 masked %reduce_sum3A_400 : vector<16xi32>, vector<16xi1> -> vector<16xi32>
      %reduce_sum3A_402 = vector.extract %reduce_sum3A_401[15] : i32 from vector<16xi32>
      %add3A_403 = arith.addi %add3A_376, %reduce_sum3A_402 : i32
      scf.yield %add3A_403 : i32
    }
    %scan3A_7 = arith.constant 160 : i32
    %broadcast_in_dim3A = arith.constant 0 : i32
    %broadcast_in_dim3A_8 = vector.broadcast %broadcast_in_dim3A : i32 to vector<16xi32>
    %broadcast_in_dim3A_9 = arith.constant 5000 : i32
    %broadcast_in_dim3A_10 = vector.broadcast %broadcast_in_dim3A_9 : i32 to vector<16xi32>
    %add3A = arith.constant 0 : i32
    %add3A_11 = arith.addi %scan3A_6, %add3A : i32
    %swap3A = arith.index_cast %add3A_11 : i32 to index
    %swap3A_12 = tpu.vector_load %arg7[%swap3A] {strides = array<i32>} : memref<11776xi32, #tpu.memory_space<vmem>>, vector<16xi32>,
    tpu.vector_store %arg7[%swap3A], %broadcast_in_dim3A_8 {strides = array<i32>} : memref<11776xi32, #tpu.memory_space<vmem>>, vector<16xi32>,
    %add3A_13 = arith.constant 0 : i32
    %add3A_14 = arith.addi %scan3A_6, %add3A_13 : i32
    %swap3A_15 = arith.index_cast %add3A_14 : i32 to index
    %swap3A_16 = tpu.vector_load %arg8[%swap3A_15] {strides = array<i32>} : memref<11776xi32, #tpu.memory_space<vmem>>, vector<16xi32>,
    tpu.vector_store %arg8[%swap3A_15], %broadcast_in_dim3A_10 {strides = array<i32>} : memref<11776xi32, #tpu.memory_space<vmem>>, vector<16xi32>,
    %add3A_17 = arith.constant 16 : i32
    %add3A_18 = arith.addi %scan3A_6, %add3A_17 : i32
    %swap3A_19 = arith.index_cast %add3A_18 : i32 to index
    %swap3A_20 = tpu.vector_load %arg7[%swap3A_19] {strides = array<i32>} : memref<11776xi32, #tpu.memory_space<vmem>>, vector<16xi32>,
    tpu.vector_store %arg7[%swap3A_19], %broadcast_in_dim3A_8 {strides = array<i32>} : memref<11776xi32, #tpu.memory_space<vmem>>, vector<16xi32>,
    %add3A_21 = arith.constant 16 : i32
    %add3A_22 = arith.addi %scan3A_6, %add3A_21 : i32
    %swap3A_23 = arith.index_cast %add3A_22 : i32 to index
    %swap3A_24 = tpu.vector_load %arg8[%swap3A_23] {strides = array<i32>} : memref<11776xi32, #tpu.memory_space<vmem>>, vector<16xi32>,
    tpu.vector_store %arg8[%swap3A_23], %broadcast_in_dim3A_10 {strides = array<i32>} : memref<11776xi32, #tpu.memory_space<vmem>>, vector<16xi32>,
    %add3A_25 = arith.constant 32 : i32
    %add3A_26 = arith.addi %scan3A_6, %add3A_25 : i32
    %swap3A_27 = arith.index_cast %add3A_26 : i32 to index
    %swap3A_28 = tpu.vector_load %arg7[%swap3A_27] {strides = array<i32>} : memref<11776xi32, #tpu.memory_space<vmem>>, vector<16xi32>,
    tpu.vector_store %arg7[%swap3A_27], %broadcast_in_dim3A_8 {strides = array<i32>} : memref<11776xi32, #tpu.memory_space<vmem>>, vector<16xi32>,
    %add3A_29 = arith.constant 32 : i32
    %add3A_30 = arith.addi %scan3A_6, %add3A_29 : i32
    %swap3A_31 = arith.index_cast %add3A_30 : i32 to index
    %swap3A_32 = tpu.vector_load %arg8[%swap3A_31] {strides = array<i32>} : memref<11776xi32, #tpu.memory_space<vmem>>, vector<16xi32>,
    tpu.vector_store %arg8[%swap3A_31], %broadcast_in_dim3A_10 {strides = array<i32>} : memref<11776xi32, #tpu.memory_space<vmem>>, vector<16xi32>,
    %add3A_33 = arith.constant 48 : i32
    %add3A_34 = arith.addi %scan3A_6, %add3A_33 : i32
    %swap3A_35 = arith.index_cast %add3A_34 : i32 to index
    %swap3A_36 = tpu.vector_load %arg7[%swap3A_35] {strides = array<i32>} : memref<11776xi32, #tpu.memory_space<vmem>>, vector<16xi32>,
    tpu.vector_store %arg7[%swap3A_35], %broadcast_in_dim3A_8 {strides = array<i32>} : memref<11776xi32, #tpu.memory_space<vmem>>, vector<16xi32>,
    %add3A_37 = arith.constant 48 : i32
    %add3A_38 = arith.addi %scan3A_6, %add3A_37 : i32
    %swap3A_39 = arith.index_cast %add3A_38 : i32 to index
    %swap3A_40 = tpu.vector_load %arg8[%swap3A_39] {strides = array<i32>} : memref<11776xi32, #tpu.memory_space<vmem>>, vector<16xi32>,
    tpu.vector_store %arg8[%swap3A_39], %broadcast_in_dim3A_10 {strides = array<i32>} : memref<11776xi32, #tpu.memory_space<vmem>>, vector<16xi32>,
    %add3A_41 = arith.constant 64 : i32
    %add3A_42 = arith.addi %scan3A_6, %add3A_41 : i32
    %swap3A_43 = arith.index_cast %add3A_42 : i32 to index
    %swap3A_44 = tpu.vector_load %arg7[%swap3A_43] {strides = array<i32>} : memref<11776xi32, #tpu.memory_space<vmem>>, vector<16xi32>,
    tpu.vector_store %arg7[%swap3A_43], %broadcast_in_dim3A_8 {strides = array<i32>} : memref<11776xi32, #tpu.memory_space<vmem>>, vector<16xi32>,
    %add3A_45 = arith.constant 64 : i32
    %add3A_46 = arith.addi %scan3A_6, %add3A_45 : i32
    %swap3A_47 = arith.index_cast %add3A_46 : i32 to index
    %swap3A_48 = tpu.vector_load %arg8[%swap3A_47] {strides = array<i32>} : memref<11776xi32, #tpu.memory_space<vmem>>, vector<16xi32>,
    tpu.vector_store %arg8[%swap3A_47], %broadcast_in_dim3A_10 {strides = array<i32>} : memref<11776xi32, #tpu.memory_space<vmem>>, vector<16xi32>,
    %add3A_49 = arith.constant 80 : i32
    %add3A_50 = arith.addi %scan3A_6, %add3A_49 : i32
    %swap3A_51 = arith.index_cast %add3A_50 : i32 to index
    %swap3A_52 = tpu.vector_load %arg7[%swap3A_51] {strides = array<i32>} : memref<11776xi32, #tpu.memory_space<vmem>>, vector<16xi32>,
    tpu.vector_store %arg7[%swap3A_51], %broadcast_in_dim3A_8 {strides = array<i32>} : memref<11776xi32, #tpu.memory_space<vmem>>, vector<16xi32>,
    %add3A_53 = arith.constant 80 : i32
    %add3A_54 = arith.addi %scan3A_6, %add3A_53 : i32
    %swap3A_55 = arith.index_cast %add3A_54 : i32 to index
    %swap3A_56 = tpu.vector_load %arg8[%swap3A_55] {strides = array<i32>} : memref<11776xi32, #tpu.memory_space<vmem>>, vector<16xi32>,
    tpu.vector_store %arg8[%swap3A_55], %broadcast_in_dim3A_10 {strides = array<i32>} : memref<11776xi32, #tpu.memory_space<vmem>>, vector<16xi32>,
    %add3A_57 = arith.constant 96 : i32
    %add3A_58 = arith.addi %scan3A_6, %add3A_57 : i32
    %swap3A_59 = arith.index_cast %add3A_58 : i32 to index
    %swap3A_60 = tpu.vector_load %arg7[%swap3A_59] {strides = array<i32>} : memref<11776xi32, #tpu.memory_space<vmem>>, vector<16xi32>,
    tpu.vector_store %arg7[%swap3A_59], %broadcast_in_dim3A_8 {strides = array<i32>} : memref<11776xi32, #tpu.memory_space<vmem>>, vector<16xi32>,
    %add3A_61 = arith.constant 96 : i32
    %add3A_62 = arith.addi %scan3A_6, %add3A_61 : i32
    %swap3A_63 = arith.index_cast %add3A_62 : i32 to index
    %swap3A_64 = tpu.vector_load %arg8[%swap3A_63] {strides = array<i32>} : memref<11776xi32, #tpu.memory_space<vmem>>, vector<16xi32>,
    tpu.vector_store %arg8[%swap3A_63], %broadcast_in_dim3A_10 {strides = array<i32>} : memref<11776xi32, #tpu.memory_space<vmem>>, vector<16xi32>,
    %add3A_65 = arith.constant 112 : i32
    %add3A_66 = arith.addi %scan3A_6, %add3A_65 : i32
    %swap3A_67 = arith.index_cast %add3A_66 : i32 to index
    %swap3A_68 = tpu.vector_load %arg7[%swap3A_67] {strides = array<i32>} : memref<11776xi32, #tpu.memory_space<vmem>>, vector<16xi32>,
    tpu.vector_store %arg7[%swap3A_67], %broadcast_in_dim3A_8 {strides = array<i32>} : memref<11776xi32, #tpu.memory_space<vmem>>, vector<16xi32>,
    %add3A_69 = arith.constant 112 : i32
    %add3A_70 = arith.addi %scan3A_6, %add3A_69 : i32
    %swap3A_71 = arith.index_cast %add3A_70 : i32 to index
    %swap3A_72 = tpu.vector_load %arg8[%swap3A_71] {strides = array<i32>} : memref<11776xi32, #tpu.memory_space<vmem>>, vector<16xi32>,
    tpu.vector_store %arg8[%swap3A_71], %broadcast_in_dim3A_10 {strides = array<i32>} : memref<11776xi32, #tpu.memory_space<vmem>>, vector<16xi32>,
    %add3A_73 = arith.constant 128 : i32
    %add3A_74 = arith.addi %scan3A_6, %add3A_73 : i32
    %swap3A_75 = arith.index_cast %add3A_74 : i32 to index
    %swap3A_76 = tpu.vector_load %arg7[%swap3A_75] {strides = array<i32>} : memref<11776xi32, #tpu.memory_space<vmem>>, vector<16xi32>,
    tpu.vector_store %arg7[%swap3A_75], %broadcast_in_dim3A_8 {strides = array<i32>} : memref<11776xi32, #tpu.memory_space<vmem>>, vector<16xi32>,
    %add3A_77 = arith.constant 128 : i32
    %add3A_78 = arith.addi %scan3A_6, %add3A_77 : i32
    %swap3A_79 = arith.index_cast %add3A_78 : i32 to index
    %swap3A_80 = tpu.vector_load %arg8[%swap3A_79] {strides = array<i32>} : memref<11776xi32, #tpu.memory_space<vmem>>, vector<16xi32>,
    tpu.vector_store %arg8[%swap3A_79], %broadcast_in_dim3A_10 {strides = array<i32>} : memref<11776xi32, #tpu.memory_space<vmem>>, vector<16xi32>,
    %add3A_81 = arith.constant 144 : i32
    %add3A_82 = arith.addi %scan3A_6, %add3A_81 : i32
    %swap3A_83 = arith.index_cast %add3A_82 : i32 to index
    %swap3A_84 = tpu.vector_load %arg7[%swap3A_83] {strides = array<i32>} : memref<11776xi32, #tpu.memory_space<vmem>>, vector<16xi32>,
    tpu.vector_store %arg7[%swap3A_83], %broadcast_in_dim3A_8 {strides = array<i32>} : memref<11776xi32, #tpu.memory_space<vmem>>, vector<16xi32>,
    %add3A_85 = arith.constant 144 : i32
    %add3A_86 = arith.addi %scan3A_6, %add3A_85 : i32
    %swap3A_87 = arith.index_cast %add3A_86 : i32 to index
    %swap3A_88 = tpu.vector_load %arg8[%swap3A_87] {strides = array<i32>} : memref<11776xi32, #tpu.memory_space<vmem>>, vector<16xi32>,
    tpu.vector_store %arg8[%swap3A_87], %broadcast_in_dim3A_10 {strides = array<i32>} : memref<11776xi32, #tpu.memory_space<vmem>>, vector<16xi32>,
    %add3A_89 = arith.constant 160 : i32
    %add3A_90 = arith.addi %scan3A_6, %add3A_89 : i32
    %swap3A_91 = arith.index_cast %add3A_90 : i32 to index
    %swap3A_92 = tpu.vector_load %arg7[%swap3A_91] {strides = array<i32>} : memref<11776xi32, #tpu.memory_space<vmem>>, vector<16xi32>,
    tpu.vector_store %arg7[%swap3A_91], %broadcast_in_dim3A_8 {strides = array<i32>} : memref<11776xi32, #tpu.memory_space<vmem>>, vector<16xi32>,
    %add3A_93 = arith.constant 160 : i32
    %add3A_94 = arith.addi %scan3A_6, %add3A_93 : i32
    %swap3A_95 = arith.index_cast %add3A_94 : i32 to index
    %swap3A_96 = tpu.vector_load %arg8[%swap3A_95] {strides = array<i32>} : memref<11776xi32, #tpu.memory_space<vmem>>, vector<16xi32>,
    tpu.vector_store %arg8[%swap3A_95], %broadcast_in_dim3A_10 {strides = array<i32>} : memref<11776xi32, #tpu.memory_space<vmem>>, vector<16xi32>,
    %add3A_97 = arith.constant 176 : i32
    %add3A_98 = arith.addi %scan3A_6, %add3A_97 : i32
    %swap3A_99 = arith.index_cast %add3A_98 : i32 to index
    %swap3A_100 = tpu.vector_load %arg7[%swap3A_99] {strides = array<i32>} : memref<11776xi32, #tpu.memory_space<vmem>>, vector<16xi32>,
    tpu.vector_store %arg7[%swap3A_99], %broadcast_in_dim3A_8 {strides = array<i32>} : memref<11776xi32, #tpu.memory_space<vmem>>, vector<16xi32>,
    %add3A_101 = arith.constant 176 : i32
    %add3A_102 = arith.addi %scan3A_6, %add3A_101 : i32
    %swap3A_103 = arith.index_cast %add3A_102 : i32 to index
    %swap3A_104 = tpu.vector_load %arg8[%swap3A_103] {strides = array<i32>} : memref<11776xi32, #tpu.memory_space<vmem>>, vector<16xi32>,
    tpu.vector_store %arg8[%swap3A_103], %broadcast_in_dim3A_10 {strides = array<i32>} : memref<11776xi32, #tpu.memory_space<vmem>>, vector<16xi32>,
    %add3A_105 = arith.constant 192 : i32
    %add3A_106 = arith.addi %scan3A_6, %add3A_105 : i32
    %swap3A_107 = arith.index_cast %add3A_106 : i32 to index
    %swap3A_108 = tpu.vector_load %arg7[%swap3A_107] {strides = array<i32>} : memref<11776xi32, #tpu.memory_space<vmem>>, vector<16xi32>,
    tpu.vector_store %arg7[%swap3A_107], %broadcast_in_dim3A_8 {strides = array<i32>} : memref<11776xi32, #tpu.memory_space<vmem>>, vector<16xi32>,
    %add3A_109 = arith.constant 192 : i32
    %add3A_110 = arith.addi %scan3A_6, %add3A_109 : i32
    %swap3A_111 = arith.index_cast %add3A_110 : i32 to index
    %swap3A_112 = tpu.vector_load %arg8[%swap3A_111] {strides = array<i32>} : memref<11776xi32, #tpu.memory_space<vmem>>, vector<16xi32>,
    tpu.vector_store %arg8[%swap3A_111], %broadcast_in_dim3A_10 {strides = array<i32>} : memref<11776xi32, #tpu.memory_space<vmem>>, vector<16xi32>,
    %add3A_113 = arith.constant 208 : i32
    %add3A_114 = arith.addi %scan3A_6, %add3A_113 : i32
    %swap3A_115 = arith.index_cast %add3A_114 : i32 to index
    %swap3A_116 = tpu.vector_load %arg7[%swap3A_115] {strides = array<i32>} : memref<11776xi32, #tpu.memory_space<vmem>>, vector<16xi32>,
    tpu.vector_store %arg7[%swap3A_115], %broadcast_in_dim3A_8 {strides = array<i32>} : memref<11776xi32, #tpu.memory_space<vmem>>, vector<16xi32>,
    %add3A_117 = arith.constant 208 : i32
    %add3A_118 = arith.addi %scan3A_6, %add3A_117 : i32
    %swap3A_119 = arith.index_cast %add3A_118 : i32 to index
    %swap3A_120 = tpu.vector_load %arg8[%swap3A_119] {strides = array<i32>} : memref<11776xi32, #tpu.memory_space<vmem>>, vector<16xi32>,
    tpu.vector_store %arg8[%swap3A_119], %broadcast_in_dim3A_10 {strides = array<i32>} : memref<11776xi32, #tpu.memory_space<vmem>>, vector<16xi32>,
    %add3A_121 = arith.constant 224 : i32
    %add3A_122 = arith.addi %scan3A_6, %add3A_121 : i32
    %swap3A_123 = arith.index_cast %add3A_122 : i32 to index
    %swap3A_124 = tpu.vector_load %arg7[%swap3A_123] {strides = array<i32>} : memref<11776xi32, #tpu.memory_space<vmem>>, vector<16xi32>,
    tpu.vector_store %arg7[%swap3A_123], %broadcast_in_dim3A_8 {strides = array<i32>} : memref<11776xi32, #tpu.memory_space<vmem>>, vector<16xi32>,
    %add3A_125 = arith.constant 224 : i32
    %add3A_126 = arith.addi %scan3A_6, %add3A_125 : i32
    %swap3A_127 = arith.index_cast %add3A_126 : i32 to index
    %swap3A_128 = tpu.vector_load %arg8[%swap3A_127] {strides = array<i32>} : memref<11776xi32, #tpu.memory_space<vmem>>, vector<16xi32>,
    tpu.vector_store %arg8[%swap3A_127], %broadcast_in_dim3A_10 {strides = array<i32>} : memref<11776xi32, #tpu.memory_space<vmem>>, vector<16xi32>,
    %add3A_129 = arith.constant 240 : i32
    %add3A_130 = arith.addi %scan3A_6, %add3A_129 : i32
    %swap3A_131 = arith.index_cast %add3A_130 : i32 to index
    %swap3A_132 = tpu.vector_load %arg7[%swap3A_131] {strides = array<i32>} : memref<11776xi32, #tpu.memory_space<vmem>>, vector<16xi32>,
    tpu.vector_store %arg7[%swap3A_131], %broadcast_in_dim3A_8 {strides = array<i32>} : memref<11776xi32, #tpu.memory_space<vmem>>, vector<16xi32>,
    %add3A_133 = arith.constant 240 : i32
    %add3A_134 = arith.addi %scan3A_6, %add3A_133 : i32
    %swap3A_135 = arith.index_cast %add3A_134 : i32 to index
    %swap3A_136 = tpu.vector_load %arg8[%swap3A_135] {strides = array<i32>} : memref<11776xi32, #tpu.memory_space<vmem>>, vector<16xi32>,
    tpu.vector_store %arg8[%swap3A_135], %broadcast_in_dim3A_10 {strides = array<i32>} : memref<11776xi32, #tpu.memory_space<vmem>>, vector<16xi32>,
    %add3A_137 = arith.constant 64 : i32
    %add3A_138 = arith.addi %scan3A_6, %add3A_137 : i32
    %sub3A = arith.constant 1 : i32
    %sub3A_139 = arith.subi %add3A_138, %sub3A : i32
    %jit3A = arith.constant 64 : i32
    %div3A = arith.divsi %sub3A_139, %jit3A : i32
    %sign3A = arith.constant 0 : i32
    %sign3A_140 = arith.cmpi sgt, %sub3A_139, %sign3A : i32
    %sign3A_141 = arith.extui %sign3A_140 : i1 to i32
    %sign3A_142 = arith.constant 0 : i32
    %sign3A_143 = arith.cmpi slt, %sub3A_139, %sign3A_142 : i32
    %sign3A_144 = arith.extui %sign3A_143 : i1 to i32
    %sign3A_145 = arith.subi %sign3A_141, %sign3A_144 : i32
    %sign3A_146 = arith.constant 0 : i32
    %sign3A_147 = arith.cmpi sgt, %jit3A, %sign3A_146 : i32
    %sign3A_148 = arith.extui %sign3A_147 : i1 to i32
    %sign3A_149 = arith.constant 0 : i32
    %sign3A_150 = arith.cmpi slt, %jit3A, %sign3A_149 : i32
    %sign3A_151 = arith.extui %sign3A_150 : i1 to i32
    %sign3A_152 = arith.subi %sign3A_148, %sign3A_151 : i32
    %ne3A = arith.cmpi ne, %sign3A_145, %sign3A_152 : i32
    %rem3A = arith.remsi %sub3A_139, %jit3A : i32
    %ne3A_153 = arith.constant 0 : i32
    %ne3A_154 = arith.cmpi ne, %rem3A, %ne3A_153 : i32
    %and3A = arith.andi %ne3A, %ne3A_154 : i1
    %sub3A_155 = arith.constant 1 : i32
    %sub3A_156 = arith.subi %div3A, %sub3A_155 : i32
    %select_n3A = arith.select %and3A, %sub3A_156, %div3A : i32
    %add3A_157 = arith.constant 4 : i32
    %add3A_158 = arith.addi %select_n3A, %add3A_157 : i32
    %sub3A_159 = arith.constant 1 : i32
    %sub3A_160 = arith.subi %add3A_158, %sub3A_159 : i32
    %jit3A_161 = arith.constant 4 : i32
    %div3A_162 = arith.divsi %sub3A_160, %jit3A_161 : i32
    %sign3A_163 = arith.constant 0 : i32
    %sign3A_164 = arith.cmpi sgt, %sub3A_160, %sign3A_163 : i32
    %sign3A_165 = arith.extui %sign3A_164 : i1 to i32
    %sign3A_166 = arith.constant 0 : i32
    %sign3A_167 = arith.cmpi slt, %sub3A_160, %sign3A_166 : i32
    %sign3A_168 = arith.extui %sign3A_167 : i1 to i32
    %sign3A_169 = arith.subi %sign3A_165, %sign3A_168 : i32
    %sign3A_170 = arith.constant 0 : i32
    %sign3A_171 = arith.cmpi sgt, %jit3A_161, %sign3A_170 : i32
    %sign3A_172 = arith.extui %sign3A_171 : i1 to i32
    %sign3A_173 = arith.constant 0 : i32
    %sign3A_174 = arith.cmpi slt, %jit3A_161, %sign3A_173 : i32
    %sign3A_175 = arith.extui %sign3A_174 : i1 to i32
    %sign3A_176 = arith.subi %sign3A_172, %sign3A_175 : i32
    %ne3A_177 = arith.cmpi ne, %sign3A_169, %sign3A_176 : i32
    %rem3A_178 = arith.remsi %sub3A_160, %jit3A_161 : i32
    %ne3A_179 = arith.constant 0 : i32
    %ne3A_180 = arith.cmpi ne, %rem3A_178, %ne3A_179 : i32
    %and3A_181 = arith.andi %ne3A_177, %ne3A_180 : i1
    %sub3A_182 = arith.constant 1 : i32
    %sub3A_183 = arith.subi %div3A_162, %sub3A_182 : i32
    %select_n3A_184 = arith.select %and3A_181, %sub3A_183, %div3A_162 : i32
    %mul3A_185 = arith.constant 4 : i32
    %mul3A_186 = arith.muli %select_n3A_184, %mul3A_185 : i32
    %broadcast_in_dim3A_187 = vector.broadcast %mul3A_186 : i32 to vector<16xi32>
    %swap3A_188 = arith.constant 0 : index
    %swap3A_189 = tpu.vector_load %arg9[%swap3A_188] {strides = array<i32>} : memref<16xi32, #tpu.memory_space<vmem>>, vector<16xi32>,
    tpu.vector_store %arg9[%swap3A_188], %broadcast_in_dim3A_187 {strides = array<i32>} : memref<16xi32, #tpu.memory_space<vmem>>, vector<16xi32>,
    %run_scoped3A_190 = arith.constant 0 : i32
    "tpu.region"() ({
      %run_scoped3A_192 = tpu.sem_alloc : memref<!tpu.dma_semaphore, #tpu.memory_space<semaphore_mem>>
      %dma_start3A = arith.constant 0 : i32
      %dma_start3A_193 = tpu.memref_slice %arg3[%arg0, %arg1, %run_scoped3A_190, %dma_start3A] : memref<2x16x2x11776xi32, #tpu.memory_space<hbm>> -> memref<1x1x1x11776xi32, #tpu.memory_space<hbm>>
      %dma_start3A_194 = tpu.memref_squeeze %dma_start3A_193 : memref<1x1x1x11776xi32, #tpu.memory_space<hbm>> -> memref<11776xi32, #tpu.memory_space<hbm>>
      %dma_start3A_195 = arith.constant 0 : i32
      %dma_start3A_196 = tpu.memref_slice %arg3[%arg0, %arg1, %run_scoped3A_190, %dma_start3A_195] : memref<2x16x2x11776xi32, #tpu.memory_space<hbm>> -> memref<1x1x1x11776xi32, #tpu.memory_space<hbm>>
      %dma_start3A_197 = tpu.memref_squeeze %dma_start3A_196 : memref<1x1x1x11776xi32, #tpu.memory_space<hbm>> -> memref<11776xi32, #tpu.memory_space<hbm>>
      tpu.enqueue_dma source(%arg7 : memref<11776xi32, #tpu.memory_space<vmem>>) target(%dma_start3A_197 : memref<11776xi32, #tpu.memory_space<hbm>>) target_semaphore(%run_scoped3A_192 : memref<!tpu.dma_semaphore, #tpu.memory_space<semaphore_mem>>)
      %dma_wait3A = arith.constant 0 : i32
      %dma_wait3A_198 = tpu.memref_slice %arg3[%arg0, %arg1, %run_scoped3A_190, %dma_wait3A] : memref<2x16x2x11776xi32, #tpu.memory_space<hbm>> -> memref<1x1x1x11776xi32, #tpu.memory_space<hbm>>
      %dma_wait3A_199 = tpu.memref_squeeze %dma_wait3A_198 : memref<1x1x1x11776xi32, #tpu.memory_space<hbm>> -> memref<11776xi32, #tpu.memory_space<hbm>>
      %dma_wait3A_200 = arith.constant 0 : i32
      %dma_wait3A_201 = tpu.memref_slice %arg3[%arg0, %arg1, %run_scoped3A_190, %dma_wait3A_200] : memref<2x16x2x11776xi32, #tpu.memory_space<hbm>> -> memref<1x1x1x11776xi32, #tpu.memory_space<hbm>>
      %dma_wait3A_202 = tpu.memref_squeeze %dma_wait3A_201 : memref<1x1x1x11776xi32, #tpu.memory_space<hbm>> -> memref<11776xi32, #tpu.memory_space<hbm>>
      tpu.wait_dma2 semaphore(%run_scoped3A_192 : memref<!tpu.dma_semaphore, #tpu.memory_space<semaphore_mem>>) src(%arg7 : memref<11776xi32, #tpu.memory_space<vmem>>) dst(%dma_wait3A_202 : memref<11776xi32, #tpu.memory_space<hbm>>)
      tpu.yield
    }) : () -> ()
    %run_scoped3A_191 = arith.constant 1 : i32
    "tpu.region"() ({
      %run_scoped3A_192 = tpu.sem_alloc : memref<!tpu.dma_semaphore, #tpu.memory_space<semaphore_mem>>
      %dma_start3A = arith.constant 0 : i32
      %dma_start3A_193 = tpu.memref_slice %arg3[%arg0, %arg1, %run_scoped3A_191, %dma_start3A] : memref<2x16x2x11776xi32, #tpu.memory_space<hbm>> -> memref<1x1x1x11776xi32, #tpu.memory_space<hbm>>
      %dma_start3A_194 = tpu.memref_squeeze %dma_start3A_193 : memref<1x1x1x11776xi32, #tpu.memory_space<hbm>> -> memref<11776xi32, #tpu.memory_space<hbm>>
      %dma_start3A_195 = arith.constant 0 : i32
      %dma_start3A_196 = tpu.memref_slice %arg3[%arg0, %arg1, %run_scoped3A_191, %dma_start3A_195] : memref<2x16x2x11776xi32, #tpu.memory_space<hbm>> -> memref<1x1x1x11776xi32, #tpu.memory_space<hbm>>
      %dma_start3A_197 = tpu.memref_squeeze %dma_start3A_196 : memref<1x1x1x11776xi32, #tpu.memory_space<hbm>> -> memref<11776xi32, #tpu.memory_space<hbm>>
      tpu.enqueue_dma source(%arg8 : memref<11776xi32, #tpu.memory_space<vmem>>) target(%dma_start3A_197 : memref<11776xi32, #tpu.memory_space<hbm>>) target_semaphore(%run_scoped3A_192 : memref<!tpu.dma_semaphore, #tpu.memory_space<semaphore_mem>>)
      %dma_wait3A = arith.constant 0 : i32
      %dma_wait3A_198 = tpu.memref_slice %arg3[%arg0, %arg1, %run_scoped3A_191, %dma_wait3A] : memref<2x16x2x11776xi32, #tpu.memory_space<hbm>> -> memref<1x1x1x11776xi32, #tpu.memory_space<hbm>>
      %dma_wait3A_199 = tpu.memref_squeeze %dma_wait3A_198 : memref<1x1x1x11776xi32, #tpu.memory_space<hbm>> -> memref<11776xi32, #tpu.memory_space<hbm>>
      %dma_wait3A_200 = arith.constant 0 : i32
      %dma_wait3A_201 = tpu.memref_slice %arg3[%arg0, %arg1, %run_scoped3A_191, %dma_wait3A_200] : memref<2x16x2x11776xi32, #tpu.memory_space<hbm>> -> memref<1x1x1x11776xi32, #tpu.memory_space<hbm>>
      %dma_wait3A_202 = tpu.memref_squeeze %dma_wait3A_201 : memref<1x1x1x11776xi32, #tpu.memory_space<hbm>> -> memref<11776xi32, #tpu.memory_space<hbm>>
      tpu.wait_dma2 semaphore(%run_scoped3A_192 : memref<!tpu.dma_semaphore, #tpu.memory_space<semaphore_mem>>) src(%arg8 : memref<11776xi32, #tpu.memory_space<vmem>>) dst(%dma_wait3A_202 : memref<11776xi32, #tpu.memory_space<hbm>>)
      tpu.yield
    }) : () -> ()
    "tpu.region"() ({
      %run_scoped3A_192 = tpu.sem_alloc : memref<!tpu.dma_semaphore, #tpu.memory_space<semaphore_mem>>
      %dma_start3A = arith.constant 0 : i32
      %dma_start3A_193 = tpu.memref_slice %arg4[%arg0, %arg1, %dma_start3A] : memref<2x16x16xi32, #tpu.memory_space<hbm>> -> memref<1x1x16xi32, #tpu.memory_space<hbm>>
      %dma_start3A_194 = tpu.memref_squeeze %dma_start3A_193 : memref<1x1x16xi32, #tpu.memory_space<hbm>> -> memref<16xi32, #tpu.memory_space<hbm>>
      %dma_start3A_195 = arith.constant 0 : i32
      %dma_start3A_196 = tpu.memref_slice %arg4[%arg0, %arg1, %dma_start3A_195] : memref<2x16x16xi32, #tpu.memory_space<hbm>> -> memref<1x1x16xi32, #tpu.memory_space<hbm>>
      %dma_start3A_197 = tpu.memref_squeeze %dma_start3A_196 : memref<1x1x16xi32, #tpu.memory_space<hbm>> -> memref<16xi32, #tpu.memory_space<hbm>>
      tpu.enqueue_dma source(%arg9 : memref<16xi32, #tpu.memory_space<vmem>>) target(%dma_start3A_197 : memref<16xi32, #tpu.memory_space<hbm>>) target_semaphore(%run_scoped3A_192 : memref<!tpu.dma_semaphore, #tpu.memory_space<semaphore_mem>>)
      %dma_wait3A = arith.constant 0 : i32
      %dma_wait3A_198 = tpu.memref_slice %arg4[%arg0, %arg1, %dma_wait3A] : memref<2x16x16xi32, #tpu.memory_space<hbm>> -> memref<1x1x16xi32, #tpu.memory_space<hbm>>
      %dma_wait3A_199 = tpu.memref_squeeze %dma_wait3A_198 : memref<1x1x16xi32, #tpu.memory_space<hbm>> -> memref<16xi32, #tpu.memory_space<hbm>>
      %dma_wait3A_200 = arith.constant 0 : i32
      %dma_wait3A_201 = tpu.memref_slice %arg4[%arg0, %arg1, %dma_wait3A_200] : memref<2x16x16xi32, #tpu.memory_space<hbm>> -> memref<1x1x16xi32, #tpu.memory_space<hbm>>
      %dma_wait3A_202 = tpu.memref_squeeze %dma_wait3A_201 : memref<1x1x16xi32, #tpu.memory_space<hbm>> -> memref<16xi32, #tpu.memory_space<hbm>>
      tpu.wait_dma2 semaphore(%run_scoped3A_192 : memref<!tpu.dma_semaphore, #tpu.memory_space<semaphore_mem>>) src(%arg9 : memref<16xi32, #tpu.memory_space<vmem>>) dst(%dma_wait3A_202 : memref<16xi32, #tpu.memory_space<hbm>>)
      tpu.yield
    }) : () -> ()
    return
  }
}

#map = affine_map<(d0, d1) -> (0, 0)>
#map1 = affine_map<(d0, d1) -> (0, 0, 0, 0)>
#map2 = affine_map<(d0, d1) -> (0, 0, 0)>
module attributes {stable_mosaic.version = 14 : i64} {
  func.func @_sc_agg(%arg0: i32, %arg1: i32, %arg2: memref<10000x144xf32, #tpu.memory_space<hbm>>, %arg3: memref<2x16x2x11776xi32, #tpu.memory_space<hbm>>, %arg4: memref<2x16x16xi32, #tpu.memory_space<hbm>>, %arg5: memref<320x144xf32, #tpu.memory_space<hbm>>, %arg6: memref<2x5120x144xf32, #tpu.memory_space<hbm>>, %arg7: memref<11776xi32, #tpu.memory_space<vmem>>, %arg8: memref<11776xi32, #tpu.memory_space<vmem>>, %arg9: memref<16xi32, #tpu.memory_space<vmem>>, %arg10: memref<64x144xf32, #tpu.memory_space<vmem>>, %arg11: memref<64x144xf32, #tpu.memory_space<vmem>>, %arg12: memref<64x144xf32, #tpu.memory_space<vmem>>, %arg13: memref<64x144xf32, #tpu.memory_space<vmem>>, %arg14: memref<!tpu.dma_semaphore, #tpu.memory_space<semaphore_mem>>, %arg15: memref<!tpu.dma_semaphore, #tpu.memory_space<semaphore_mem>>, %arg16: memref<!tpu.dma_semaphore, #tpu.memory_space<semaphore_mem>>, %arg17: memref<!tpu.dma_semaphore, #tpu.memory_space<semaphore_mem>>, %arg18: memref<!tpu.dma_semaphore, #tpu.memory_space<semaphore_mem>>, %arg19: memref<!tpu.dma_semaphore, #tpu.memory_space<semaphore_mem>>, %arg20: memref<!tpu.dma_semaphore, #tpu.memory_space<semaphore_mem>>, %arg21: memref<!tpu.dma_semaphore, #tpu.memory_space<semaphore_mem>>, %arg22: memref<5120x144xf32, #tpu.memory_space<vmem_shared>>) attributes {dimension_semantics = [#tpu.dimension_semantics<core_parallel>, #tpu.dimension_semantics<subcore_parallel>], iteration_bounds = array<i64: 2, 16>, scalar_prefetch = 0 : i64, scratch_operands = 16 : i64, tpu.core_type = #tpu.core_type<sc_vector_subcore>, window_params = [{transform_indices = #map}, {transform_indices = #map1}, {transform_indices = #map2}, {transform_indices = #map}, {transform_indices = #map2}]} {
    %run_scoped3A = arith.constant 0 : i32
    "tpu.region"() ({
      %run_scoped3A_62 = tpu.sem_alloc : memref<!tpu.dma_semaphore, #tpu.memory_space<semaphore_mem>>
      %dma_start3A_63 = arith.constant 0 : i32
      %dma_start3A_64 = tpu.memref_slice %arg3[%arg0, %arg1, %run_scoped3A, %dma_start3A_63] : memref<2x16x2x11776xi32, #tpu.memory_space<hbm>> -> memref<1x1x1x11776xi32, #tpu.memory_space<hbm>>
      %dma_start3A_65 = tpu.memref_squeeze %dma_start3A_64 : memref<1x1x1x11776xi32, #tpu.memory_space<hbm>> -> memref<11776xi32, #tpu.memory_space<hbm>>
      %dma_start3A_66 = arith.constant 0 : i32
      %dma_start3A_67 = tpu.memref_slice %arg3[%arg0, %arg1, %run_scoped3A, %dma_start3A_66] : memref<2x16x2x11776xi32, #tpu.memory_space<hbm>> -> memref<1x1x1x11776xi32, #tpu.memory_space<hbm>>
      %dma_start3A_68 = tpu.memref_squeeze %dma_start3A_67 : memref<1x1x1x11776xi32, #tpu.memory_space<hbm>> -> memref<11776xi32, #tpu.memory_space<hbm>>
      tpu.enqueue_dma source(%dma_start3A_68 : memref<11776xi32, #tpu.memory_space<hbm>>) target(%arg7 : memref<11776xi32, #tpu.memory_space<vmem>>) target_semaphore(%run_scoped3A_62 : memref<!tpu.dma_semaphore, #tpu.memory_space<semaphore_mem>>)
      %dma_wait3A_69 = arith.constant 0 : i32
      %dma_wait3A_70 = tpu.memref_slice %arg3[%arg0, %arg1, %run_scoped3A, %dma_wait3A_69] : memref<2x16x2x11776xi32, #tpu.memory_space<hbm>> -> memref<1x1x1x11776xi32, #tpu.memory_space<hbm>>
      %dma_wait3A_71 = tpu.memref_squeeze %dma_wait3A_70 : memref<1x1x1x11776xi32, #tpu.memory_space<hbm>> -> memref<11776xi32, #tpu.memory_space<hbm>>
      %dma_wait3A_72 = arith.constant 0 : i32
      %dma_wait3A_73 = tpu.memref_slice %arg3[%arg0, %arg1, %run_scoped3A, %dma_wait3A_72] : memref<2x16x2x11776xi32, #tpu.memory_space<hbm>> -> memref<1x1x1x11776xi32, #tpu.memory_space<hbm>>
      %dma_wait3A_74 = tpu.memref_squeeze %dma_wait3A_73 : memref<1x1x1x11776xi32, #tpu.memory_space<hbm>> -> memref<11776xi32, #tpu.memory_space<hbm>>
      tpu.wait_dma2 semaphore(%run_scoped3A_62 : memref<!tpu.dma_semaphore, #tpu.memory_space<semaphore_mem>>) src(%dma_wait3A_74 : memref<11776xi32, #tpu.memory_space<hbm>>) dst(%arg7 : memref<11776xi32, #tpu.memory_space<vmem>>)
      tpu.yield
    }) : () -> ()
    %run_scoped3A_0 = arith.constant 1 : i32
    "tpu.region"() ({
      %run_scoped3A_62 = tpu.sem_alloc : memref<!tpu.dma_semaphore, #tpu.memory_space<semaphore_mem>>
      %dma_start3A_63 = arith.constant 0 : i32
      %dma_start3A_64 = tpu.memref_slice %arg3[%arg0, %arg1, %run_scoped3A_0, %dma_start3A_63] : memref<2x16x2x11776xi32, #tpu.memory_space<hbm>> -> memref<1x1x1x11776xi32, #tpu.memory_space<hbm>>
      %dma_start3A_65 = tpu.memref_squeeze %dma_start3A_64 : memref<1x1x1x11776xi32, #tpu.memory_space<hbm>> -> memref<11776xi32, #tpu.memory_space<hbm>>
      %dma_start3A_66 = arith.constant 0 : i32
      %dma_start3A_67 = tpu.memref_slice %arg3[%arg0, %arg1, %run_scoped3A_0, %dma_start3A_66] : memref<2x16x2x11776xi32, #tpu.memory_space<hbm>> -> memref<1x1x1x11776xi32, #tpu.memory_space<hbm>>
      %dma_start3A_68 = tpu.memref_squeeze %dma_start3A_67 : memref<1x1x1x11776xi32, #tpu.memory_space<hbm>> -> memref<11776xi32, #tpu.memory_space<hbm>>
      tpu.enqueue_dma source(%dma_start3A_68 : memref<11776xi32, #tpu.memory_space<hbm>>) target(%arg8 : memref<11776xi32, #tpu.memory_space<vmem>>) target_semaphore(%run_scoped3A_62 : memref<!tpu.dma_semaphore, #tpu.memory_space<semaphore_mem>>)
      %dma_wait3A_69 = arith.constant 0 : i32
      %dma_wait3A_70 = tpu.memref_slice %arg3[%arg0, %arg1, %run_scoped3A_0, %dma_wait3A_69] : memref<2x16x2x11776xi32, #tpu.memory_space<hbm>> -> memref<1x1x1x11776xi32, #tpu.memory_space<hbm>>
      %dma_wait3A_71 = tpu.memref_squeeze %dma_wait3A_70 : memref<1x1x1x11776xi32, #tpu.memory_space<hbm>> -> memref<11776xi32, #tpu.memory_space<hbm>>
      %dma_wait3A_72 = arith.constant 0 : i32
      %dma_wait3A_73 = tpu.memref_slice %arg3[%arg0, %arg1, %run_scoped3A_0, %dma_wait3A_72] : memref<2x16x2x11776xi32, #tpu.memory_space<hbm>> -> memref<1x1x1x11776xi32, #tpu.memory_space<hbm>>
      %dma_wait3A_74 = tpu.memref_squeeze %dma_wait3A_73 : memref<1x1x1x11776xi32, #tpu.memory_space<hbm>> -> memref<11776xi32, #tpu.memory_space<hbm>>
      tpu.wait_dma2 semaphore(%run_scoped3A_62 : memref<!tpu.dma_semaphore, #tpu.memory_space<semaphore_mem>>) src(%dma_wait3A_74 : memref<11776xi32, #tpu.memory_space<hbm>>) dst(%arg8 : memref<11776xi32, #tpu.memory_space<vmem>>)
      tpu.yield
    }) : () -> ()
    "tpu.region"() ({
      %run_scoped3A_62 = tpu.sem_alloc : memref<!tpu.dma_semaphore, #tpu.memory_space<semaphore_mem>>
      %dma_start3A_63 = arith.constant 0 : i32
      %dma_start3A_64 = tpu.memref_slice %arg4[%arg0, %arg1, %dma_start3A_63] : memref<2x16x16xi32, #tpu.memory_space<hbm>> -> memref<1x1x16xi32, #tpu.memory_space<hbm>>
      %dma_start3A_65 = tpu.memref_squeeze %dma_start3A_64 : memref<1x1x16xi32, #tpu.memory_space<hbm>> -> memref<16xi32, #tpu.memory_space<hbm>>
      %dma_start3A_66 = arith.constant 0 : i32
      %dma_start3A_67 = tpu.memref_slice %arg4[%arg0, %arg1, %dma_start3A_66] : memref<2x16x16xi32, #tpu.memory_space<hbm>> -> memref<1x1x16xi32, #tpu.memory_space<hbm>>
      %dma_start3A_68 = tpu.memref_squeeze %dma_start3A_67 : memref<1x1x16xi32, #tpu.memory_space<hbm>> -> memref<16xi32, #tpu.memory_space<hbm>>
      tpu.enqueue_dma source(%dma_start3A_68 : memref<16xi32, #tpu.memory_space<hbm>>) target(%arg9 : memref<16xi32, #tpu.memory_space<vmem>>) target_semaphore(%run_scoped3A_62 : memref<!tpu.dma_semaphore, #tpu.memory_space<semaphore_mem>>)
      %dma_wait3A_69 = arith.constant 0 : i32
      %dma_wait3A_70 = tpu.memref_slice %arg4[%arg0, %arg1, %dma_wait3A_69] : memref<2x16x16xi32, #tpu.memory_space<hbm>> -> memref<1x1x16xi32, #tpu.memory_space<hbm>>
      %dma_wait3A_71 = tpu.memref_squeeze %dma_wait3A_70 : memref<1x1x16xi32, #tpu.memory_space<hbm>> -> memref<16xi32, #tpu.memory_space<hbm>>
      %dma_wait3A_72 = arith.constant 0 : i32
      %dma_wait3A_73 = tpu.memref_slice %arg4[%arg0, %arg1, %dma_wait3A_72] : memref<2x16x16xi32, #tpu.memory_space<hbm>> -> memref<1x1x16xi32, #tpu.memory_space<hbm>>
      %dma_wait3A_74 = tpu.memref_squeeze %dma_wait3A_73 : memref<1x1x16xi32, #tpu.memory_space<hbm>> -> memref<16xi32, #tpu.memory_space<hbm>>
      tpu.wait_dma2 semaphore(%run_scoped3A_62 : memref<!tpu.dma_semaphore, #tpu.memory_space<semaphore_mem>>) src(%dma_wait3A_74 : memref<16xi32, #tpu.memory_space<hbm>>) dst(%arg9 : memref<16xi32, #tpu.memory_space<vmem>>)
      tpu.yield
    }) : () -> ()
    %get3A = arith.constant 0 : index
    %get3A_1 = tpu.vector_load %arg9[%get3A] {strides = array<i32>} : memref<16xi32, #tpu.memory_space<vmem>>, vector<16xi32>,
    %reduce_max3A = arith.constant true
    %reduce_max3A_2 = vector.broadcast %reduce_max3A : i1 to vector<16xi1>
    %reduce_max3A_3 = arith.constant -2147483648 : i32
    %reduce_max3A_4 = vector.broadcast %reduce_max3A_3 : i32 to vector<16xi32>
    %reduce_max3A_5 = arith.xori %get3A_1, %reduce_max3A_4 : vector<16xi32>
    %reduce_max3A_6 = tpu.scan <max>, %reduce_max3A_5 masked %reduce_max3A_2 : vector<16xi32>, vector<16xi1> -> vector<16xi32>
    %reduce_max3A_7 = arith.xori %reduce_max3A_6, %reduce_max3A_4 : vector<16xi32>
    %reduce_max3A_8 = vector.extract %reduce_max3A_7[15] : i32 from vector<16xi32>
    %max3A = arith.constant 4 : i32
    %max3A_9 = arith.maxsi %reduce_max3A_8, %max3A : i32
    %dma_start3A = arith.constant 0 : i32
    %dma_start3A_10 = tpu.memref_slice %arg7[%dma_start3A] : memref<11776xi32, #tpu.memory_space<vmem>> -> memref<64xi32, #tpu.memory_space<vmem>>
    %dma_start3A_11 = arith.constant 0 : i32
    %dma_start3A_12 = arith.constant 0 : i32
    %dma_start3A_13 = tpu.memref_slice %arg2[%dma_start3A_11, %dma_start3A_12] : memref<10000x144xf32, #tpu.memory_space<hbm>> -> memref<10000x144xf32, #tpu.memory_space<hbm>>
    tpu.enqueue_indirect_dma source(%dma_start3A_13 : memref<10000x144xf32, #tpu.memory_space<hbm>>) target(%arg10 : memref<64x144xf32, #tpu.memory_space<vmem>>) offsets(%dma_start3A_10 : memref<64xi32, #tpu.memory_space<vmem>>) semaphore(%arg14 : memref<!tpu.dma_semaphore, #tpu.memory_space<semaphore_mem>>)
    %dma_start3A_14 = arith.constant 64 : i32
    %dma_start3A_15 = tpu.memref_slice %arg7[%dma_start3A_14] : memref<11776xi32, #tpu.memory_space<vmem>> -> memref<64xi32, #tpu.memory_space<vmem>>
    %dma_start3A_16 = arith.constant 0 : i32
    %dma_start3A_17 = arith.constant 0 : i32
    %dma_start3A_18 = tpu.memref_slice %arg2[%dma_start3A_16, %dma_start3A_17] : memref<10000x144xf32, #tpu.memory_space<hbm>> -> memref<10000x144xf32, #tpu.memory_space<hbm>>
    tpu.enqueue_indirect_dma source(%dma_start3A_18 : memref<10000x144xf32, #tpu.memory_space<hbm>>) target(%arg11 : memref<64x144xf32, #tpu.memory_space<vmem>>) offsets(%dma_start3A_15 : memref<64xi32, #tpu.memory_space<vmem>>) semaphore(%arg15 : memref<!tpu.dma_semaphore, #tpu.memory_space<semaphore_mem>>)
    %dma_start3A_19 = arith.constant 128 : i32
    %dma_start3A_20 = tpu.memref_slice %arg7[%dma_start3A_19] : memref<11776xi32, #tpu.memory_space<vmem>> -> memref<64xi32, #tpu.memory_space<vmem>>
    %dma_start3A_21 = arith.constant 0 : i32
    %dma_start3A_22 = arith.constant 0 : i32
    %dma_start3A_23 = tpu.memref_slice %arg2[%dma_start3A_21, %dma_start3A_22] : memref<10000x144xf32, #tpu.memory_space<hbm>> -> memref<10000x144xf32, #tpu.memory_space<hbm>>
    tpu.enqueue_indirect_dma source(%dma_start3A_23 : memref<10000x144xf32, #tpu.memory_space<hbm>>) target(%arg12 : memref<64x144xf32, #tpu.memory_space<vmem>>) offsets(%dma_start3A_20 : memref<64xi32, #tpu.memory_space<vmem>>) semaphore(%arg16 : memref<!tpu.dma_semaphore, #tpu.memory_space<semaphore_mem>>)
    %mul3A = arith.constant 320 : i32
    %mul3A_24 = arith.muli %arg1, %mul3A : i32
    "tpu.region"() ({
      %run_scoped3A_62 = tpu.sem_alloc : memref<!tpu.dma_semaphore, #tpu.memory_space<semaphore_mem>>
      %dma_start3A_63 = arith.constant 0 : i32
      %dma_start3A_64 = tpu.memref_slice %arg22[%mul3A_24, %dma_start3A_63] : memref<5120x144xf32, #tpu.memory_space<vmem_shared>> -> memref<320x144xf32, #tpu.memory_space<vmem_shared>>
      tpu.enqueue_dma source(%arg5 : memref<320x144xf32, #tpu.memory_space<hbm>>) target(%dma_start3A_64 : memref<320x144xf32, #tpu.memory_space<vmem_shared>>) target_semaphore(%run_scoped3A_62 : memref<!tpu.dma_semaphore, #tpu.memory_space<semaphore_mem>>)
      %dma_wait3A_65 = arith.constant 0 : i32
      %dma_wait3A_66 = tpu.memref_slice %arg22[%mul3A_24, %dma_wait3A_65] : memref<5120x144xf32, #tpu.memory_space<vmem_shared>> -> memref<320x144xf32, #tpu.memory_space<vmem_shared>>
      tpu.wait_dma2 semaphore(%run_scoped3A_62 : memref<!tpu.dma_semaphore, #tpu.memory_space<semaphore_mem>>) src(%arg5 : memref<320x144xf32, #tpu.memory_space<hbm>>) dst(%dma_wait3A_66 : memref<320x144xf32, #tpu.memory_space<vmem_shared>>)
      tpu.yield
    }) : () -> ()
    %barrier3A = arith.constant 0 : index
    tpu.barrier barrier_id(%barrier3A)
    %jit3A = arith.constant 4 : i32
    %div3A = arith.divsi %max3A_9, %jit3A : i32
    %sign3A = arith.constant 0 : i32
    %sign3A_25 = arith.cmpi sgt, %max3A_9, %sign3A : i32
    %sign3A_26 = arith.extui %sign3A_25 : i1 to i32
    %sign3A_27 = arith.constant 0 : i32
    %sign3A_28 = arith.cmpi slt, %max3A_9, %sign3A_27 : i32
    %sign3A_29 = arith.extui %sign3A_28 : i1 to i32
    %sign3A_30 = arith.subi %sign3A_26, %sign3A_29 : i32
    %sign3A_31 = arith.constant 0 : i32
    %sign3A_32 = arith.cmpi sgt, %jit3A, %sign3A_31 : i32
    %sign3A_33 = arith.extui %sign3A_32 : i1 to i32
    %sign3A_34 = arith.constant 0 : i32
    %sign3A_35 = arith.cmpi slt, %jit3A, %sign3A_34 : i32
    %sign3A_36 = arith.extui %sign3A_35 : i1 to i32
    %sign3A_37 = arith.subi %sign3A_33, %sign3A_36 : i32
    %ne3A = arith.cmpi ne, %sign3A_30, %sign3A_37 : i32
    %rem3A = arith.remsi %max3A_9, %jit3A : i32
    %ne3A_38 = arith.constant 0 : i32
    %ne3A_39 = arith.cmpi ne, %rem3A, %ne3A_38 : i32
    %and3A = arith.andi %ne3A, %ne3A_39 : i1
    %sub3A = arith.constant 1 : i32
    %sub3A_40 = arith.subi %div3A, %sub3A : i32
    %select_n3A = arith.select %and3A, %sub3A_40, %div3A : i32
    %while3A = arith.constant 0 : i32
    %while3A_41 = arith.constant 0 : i32
    %while3A_42 = arith.subi %select_n3A, %while3A_41 : i32
    %while3A_43 = arith.addi %while3A_41, %while3A_42 : i32
    %while3A_44 = arith.constant 1 : i32
    %while3A_45 = arith.divsi %while3A_42, %while3A_44 : i32
    %while3A_46 = arith.muli %while3A_45, %while3A_44 : i32
    %while3A_47 = arith.addi %while3A_41, %while3A_46 : i32
    %while3A_48 = arith.constant 1 : i32
    scf.for %while3A_62 = %while3A_41 to %while3A_47 step %while3A_48  : i32 {
      %mul3A_63 = arith.constant 4 : i32
      %mul3A_64 = arith.muli %while3A_62, %mul3A_63 : i32
      %add3A = arith.constant 0 : i32
      %add3A_65 = arith.addi %mul3A_64, %add3A : i32
      %mul3A_66 = arith.constant 64 : i32
      %mul3A_67 = arith.muli %add3A_65, %mul3A_66 : i32
      %dma_wait3A_68 = tpu.memref_slice %arg7[%mul3A_67] : memref<11776xi32, #tpu.memory_space<vmem>> -> memref<64xi32, #tpu.memory_space<vmem>>
      %dma_wait3A_69 = arith.constant 0 : i32
      %dma_wait3A_70 = arith.constant 0 : i32
      %dma_wait3A_71 = tpu.memref_slice %arg2[%dma_wait3A_69, %dma_wait3A_70] : memref<10000x144xf32, #tpu.memory_space<hbm>> -> memref<10000x144xf32, #tpu.memory_space<hbm>>
      tpu.wait_indirect_dma semaphore(%arg14 : memref<!tpu.dma_semaphore, #tpu.memory_space<semaphore_mem>>) src(%dma_wait3A_71 : memref<10000x144xf32, #tpu.memory_space<hbm>>) dst(%arg10 : memref<64x144xf32, #tpu.memory_space<vmem>>)
      %ge3A = arith.constant 1 : i32
      %ge3A_72 = arith.cmpi sge, %add3A_65, %ge3A : i32
      %convert_element_type3A = arith.extui %ge3A_72 : i1 to i32
      %cond3A = arith.constant 0 : i32
      %cond3A_73 = arith.cmpi ne, %convert_element_type3A, %cond3A : i32
      scf.if %cond3A_73 {
        %sub3A_166 = arith.constant 1 : i32
        %sub3A_167 = arith.subi %add3A_65, %sub3A_166 : i32
        %mul3A_168 = arith.constant 64 : i32
        %mul3A_169 = arith.muli %sub3A_167, %mul3A_168 : i32
        %dma_wait3A_170 = tpu.memref_slice %arg8[%mul3A_169] : memref<11776xi32, #tpu.memory_space<vmem>> -> memref<64xi32, #tpu.memory_space<vmem>>
        %dma_wait3A_171 = arith.constant 0 : i32
        %dma_wait3A_172 = arith.constant 0 : i32
        %dma_wait3A_173 = tpu.memref_slice %arg22[%dma_wait3A_171, %dma_wait3A_172] : memref<5120x144xf32, #tpu.memory_space<vmem_shared>> -> memref<5120x144xf32, #tpu.memory_space<vmem_shared>>
        tpu.wait_indirect_dma semaphore(%arg21 : memref<!tpu.dma_semaphore, #tpu.memory_space<semaphore_mem>>) src(%arg13 : memref<64x144xf32, #tpu.memory_space<vmem>>) dst(%dma_wait3A_173 : memref<5120x144xf32, #tpu.memory_space<vmem_shared>>)
      } else {
      }
      %mul3A_74 = arith.constant 64 : i32
      %mul3A_75 = arith.muli %add3A_65, %mul3A_74 : i32
      %dma_start3A_76 = tpu.memref_slice %arg8[%mul3A_75] : memref<11776xi32, #tpu.memory_space<vmem>> -> memref<64xi32, #tpu.memory_space<vmem>>
      %dma_start3A_77 = arith.constant 0 : i32
      %dma_start3A_78 = arith.constant 0 : i32
      %dma_start3A_79 = tpu.memref_slice %arg22[%dma_start3A_77, %dma_start3A_78] : memref<5120x144xf32, #tpu.memory_space<vmem_shared>> -> memref<5120x144xf32, #tpu.memory_space<vmem_shared>>
      tpu.enqueue_indirect_dma source(%arg10 : memref<64x144xf32, #tpu.memory_space<vmem>>) target(%dma_start3A_79 : memref<5120x144xf32, #tpu.memory_space<vmem_shared>>) offsets(%dma_start3A_76 : memref<64xi32, #tpu.memory_space<vmem>>) semaphore(%arg18 : memref<!tpu.dma_semaphore, #tpu.memory_space<semaphore_mem>>) {add = true}
      %add3A_80 = arith.constant 3 : i32
      %add3A_81 = arith.addi %add3A_65, %add3A_80 : i32
      %lt3A = arith.cmpi slt, %add3A_81, %max3A_9 : i32
      %convert_element_type3A_82 = arith.extui %lt3A : i1 to i32
      %cond3A_83 = arith.constant 0 : i32
      %cond3A_84 = arith.cmpi ne, %convert_element_type3A_82, %cond3A_83 : i32
      scf.if %cond3A_84 {
        %mul3A_166 = arith.constant 64 : i32
        %mul3A_167 = arith.muli %add3A_81, %mul3A_166 : i32
        %dma_start3A_168 = tpu.memref_slice %arg7[%mul3A_167] : memref<11776xi32, #tpu.memory_space<vmem>> -> memref<64xi32, #tpu.memory_space<vmem>>
        %dma_start3A_169 = arith.constant 0 : i32
        %dma_start3A_170 = arith.constant 0 : i32
        %dma_start3A_171 = tpu.memref_slice %arg2[%dma_start3A_169, %dma_start3A_170] : memref<10000x144xf32, #tpu.memory_space<hbm>> -> memref<10000x144xf32, #tpu.memory_space<hbm>>
        tpu.enqueue_indirect_dma source(%dma_start3A_171 : memref<10000x144xf32, #tpu.memory_space<hbm>>) target(%arg13 : memref<64x144xf32, #tpu.memory_space<vmem>>) offsets(%dma_start3A_168 : memref<64xi32, #tpu.memory_space<vmem>>) semaphore(%arg17 : memref<!tpu.dma_semaphore, #tpu.memory_space<semaphore_mem>>)
      } else {
      }
      %mul3A_85 = arith.constant 4 : i32
      %mul3A_86 = arith.muli %while3A_62, %mul3A_85 : i32
      %add3A_87 = arith.constant 1 : i32
      %add3A_88 = arith.addi %mul3A_86, %add3A_87 : i32
      %mul3A_89 = arith.constant 64 : i32
      %mul3A_90 = arith.muli %add3A_88, %mul3A_89 : i32
      %dma_wait3A_91 = tpu.memref_slice %arg7[%mul3A_90] : memref<11776xi32, #tpu.memory_space<vmem>> -> memref<64xi32, #tpu.memory_space<vmem>>
      %dma_wait3A_92 = arith.constant 0 : i32
      %dma_wait3A_93 = arith.constant 0 : i32
      %dma_wait3A_94 = tpu.memref_slice %arg2[%dma_wait3A_92, %dma_wait3A_93] : memref<10000x144xf32, #tpu.memory_space<hbm>> -> memref<10000x144xf32, #tpu.memory_space<hbm>>
      tpu.wait_indirect_dma semaphore(%arg15 : memref<!tpu.dma_semaphore, #tpu.memory_space<semaphore_mem>>) src(%dma_wait3A_94 : memref<10000x144xf32, #tpu.memory_space<hbm>>) dst(%arg11 : memref<64x144xf32, #tpu.memory_space<vmem>>)
      %ge3A_95 = arith.constant 1 : i32
      %ge3A_96 = arith.cmpi sge, %add3A_88, %ge3A_95 : i32
      %convert_element_type3A_97 = arith.extui %ge3A_96 : i1 to i32
      %cond3A_98 = arith.constant 0 : i32
      %cond3A_99 = arith.cmpi ne, %convert_element_type3A_97, %cond3A_98 : i32
      scf.if %cond3A_99 {
        %sub3A_166 = arith.constant 1 : i32
        %sub3A_167 = arith.subi %add3A_88, %sub3A_166 : i32
        %mul3A_168 = arith.constant 64 : i32
        %mul3A_169 = arith.muli %sub3A_167, %mul3A_168 : i32
        %dma_wait3A_170 = tpu.memref_slice %arg8[%mul3A_169] : memref<11776xi32, #tpu.memory_space<vmem>> -> memref<64xi32, #tpu.memory_space<vmem>>
        %dma_wait3A_171 = arith.constant 0 : i32
        %dma_wait3A_172 = arith.constant 0 : i32
        %dma_wait3A_173 = tpu.memref_slice %arg22[%dma_wait3A_171, %dma_wait3A_172] : memref<5120x144xf32, #tpu.memory_space<vmem_shared>> -> memref<5120x144xf32, #tpu.memory_space<vmem_shared>>
        tpu.wait_indirect_dma semaphore(%arg18 : memref<!tpu.dma_semaphore, #tpu.memory_space<semaphore_mem>>) src(%arg10 : memref<64x144xf32, #tpu.memory_space<vmem>>) dst(%dma_wait3A_173 : memref<5120x144xf32, #tpu.memory_space<vmem_shared>>)
      } else {
      }
      %mul3A_100 = arith.constant 64 : i32
      %mul3A_101 = arith.muli %add3A_88, %mul3A_100 : i32
      %dma_start3A_102 = tpu.memref_slice %arg8[%mul3A_101] : memref<11776xi32, #tpu.memory_space<vmem>> -> memref<64xi32, #tpu.memory_space<vmem>>
      %dma_start3A_103 = arith.constant 0 : i32
      %dma_start3A_104 = arith.constant 0 : i32
      %dma_start3A_105 = tpu.memref_slice %arg22[%dma_start3A_103, %dma_start3A_104] : memref<5120x144xf32, #tpu.memory_space<vmem_shared>> -> memref<5120x144xf32, #tpu.memory_space<vmem_shared>>
      tpu.enqueue_indirect_dma source(%arg11 : memref<64x144xf32, #tpu.memory_space<vmem>>) target(%dma_start3A_105 : memref<5120x144xf32, #tpu.memory_space<vmem_shared>>) offsets(%dma_start3A_102 : memref<64xi32, #tpu.memory_space<vmem>>) semaphore(%arg19 : memref<!tpu.dma_semaphore, #tpu.memory_space<semaphore_mem>>) {add = true}
      %add3A_106 = arith.constant 3 : i32
      %add3A_107 = arith.addi %add3A_88, %add3A_106 : i32
      %lt3A_108 = arith.cmpi slt, %add3A_107, %max3A_9 : i32
      %convert_element_type3A_109 = arith.extui %lt3A_108 : i1 to i32
      %cond3A_110 = arith.constant 0 : i32
      %cond3A_111 = arith.cmpi ne, %convert_element_type3A_109, %cond3A_110 : i32
      scf.if %cond3A_111 {
        %mul3A_166 = arith.constant 64 : i32
        %mul3A_167 = arith.muli %add3A_107, %mul3A_166 : i32
        %dma_start3A_168 = tpu.memref_slice %arg7[%mul3A_167] : memref<11776xi32, #tpu.memory_space<vmem>> -> memref<64xi32, #tpu.memory_space<vmem>>
        %dma_start3A_169 = arith.constant 0 : i32
        %dma_start3A_170 = arith.constant 0 : i32
        %dma_start3A_171 = tpu.memref_slice %arg2[%dma_start3A_169, %dma_start3A_170] : memref<10000x144xf32, #tpu.memory_space<hbm>> -> memref<10000x144xf32, #tpu.memory_space<hbm>>
        tpu.enqueue_indirect_dma source(%dma_start3A_171 : memref<10000x144xf32, #tpu.memory_space<hbm>>) target(%arg10 : memref<64x144xf32, #tpu.memory_space<vmem>>) offsets(%dma_start3A_168 : memref<64xi32, #tpu.memory_space<vmem>>) semaphore(%arg14 : memref<!tpu.dma_semaphore, #tpu.memory_space<semaphore_mem>>)
      } else {
      }
      %mul3A_112 = arith.constant 4 : i32
      %mul3A_113 = arith.muli %while3A_62, %mul3A_112 : i32
      %add3A_114 = arith.constant 2 : i32
      %add3A_115 = arith.addi %mul3A_113, %add3A_114 : i32
      %mul3A_116 = arith.constant 64 : i32
      %mul3A_117 = arith.muli %add3A_115, %mul3A_116 : i32
      %dma_wait3A_118 = tpu.memref_slice %arg7[%mul3A_117] : memref<11776xi32, #tpu.memory_space<vmem>> -> memref<64xi32, #tpu.memory_space<vmem>>
      %dma_wait3A_119 = arith.constant 0 : i32
      %dma_wait3A_120 = arith.constant 0 : i32
      %dma_wait3A_121 = tpu.memref_slice %arg2[%dma_wait3A_119, %dma_wait3A_120] : memref<10000x144xf32, #tpu.memory_space<hbm>> -> memref<10000x144xf32, #tpu.memory_space<hbm>>
      tpu.wait_indirect_dma semaphore(%arg16 : memref<!tpu.dma_semaphore, #tpu.memory_space<semaphore_mem>>) src(%dma_wait3A_121 : memref<10000x144xf32, #tpu.memory_space<hbm>>) dst(%arg12 : memref<64x144xf32, #tpu.memory_space<vmem>>)
      %ge3A_122 = arith.constant 1 : i32
      %ge3A_123 = arith.cmpi sge, %add3A_115, %ge3A_122 : i32
      %convert_element_type3A_124 = arith.extui %ge3A_123 : i1 to i32
      %cond3A_125 = arith.constant 0 : i32
      %cond3A_126 = arith.cmpi ne, %convert_element_type3A_124, %cond3A_125 : i32
      scf.if %cond3A_126 {
        %sub3A_166 = arith.constant 1 : i32
        %sub3A_167 = arith.subi %add3A_115, %sub3A_166 : i32
        %mul3A_168 = arith.constant 64 : i32
        %mul3A_169 = arith.muli %sub3A_167, %mul3A_168 : i32
        %dma_wait3A_170 = tpu.memref_slice %arg8[%mul3A_169] : memref<11776xi32, #tpu.memory_space<vmem>> -> memref<64xi32, #tpu.memory_space<vmem>>
        %dma_wait3A_171 = arith.constant 0 : i32
        %dma_wait3A_172 = arith.constant 0 : i32
        %dma_wait3A_173 = tpu.memref_slice %arg22[%dma_wait3A_171, %dma_wait3A_172] : memref<5120x144xf32, #tpu.memory_space<vmem_shared>> -> memref<5120x144xf32, #tpu.memory_space<vmem_shared>>
        tpu.wait_indirect_dma semaphore(%arg19 : memref<!tpu.dma_semaphore, #tpu.memory_space<semaphore_mem>>) src(%arg11 : memref<64x144xf32, #tpu.memory_space<vmem>>) dst(%dma_wait3A_173 : memref<5120x144xf32, #tpu.memory_space<vmem_shared>>)
      } else {
      }
      %mul3A_127 = arith.constant 64 : i32
      %mul3A_128 = arith.muli %add3A_115, %mul3A_127 : i32
      %dma_start3A_129 = tpu.memref_slice %arg8[%mul3A_128] : memref<11776xi32, #tpu.memory_space<vmem>> -> memref<64xi32, #tpu.memory_space<vmem>>
      %dma_start3A_130 = arith.constant 0 : i32
      %dma_start3A_131 = arith.constant 0 : i32
      %dma_start3A_132 = tpu.memref_slice %arg22[%dma_start3A_130, %dma_start3A_131] : memref<5120x144xf32, #tpu.memory_space<vmem_shared>> -> memref<5120x144xf32, #tpu.memory_space<vmem_shared>>
      tpu.enqueue_indirect_dma source(%arg12 : memref<64x144xf32, #tpu.memory_space<vmem>>) target(%dma_start3A_132 : memref<5120x144xf32, #tpu.memory_space<vmem_shared>>) offsets(%dma_start3A_129 : memref<64xi32, #tpu.memory_space<vmem>>) semaphore(%arg20 : memref<!tpu.dma_semaphore, #tpu.memory_space<semaphore_mem>>) {add = true}
      %add3A_133 = arith.constant 3 : i32
      %add3A_134 = arith.addi %add3A_115, %add3A_133 : i32
      %lt3A_135 = arith.cmpi slt, %add3A_134, %max3A_9 : i32
      %convert_element_type3A_136 = arith.extui %lt3A_135 : i1 to i32
      %cond3A_137 = arith.constant 0 : i32
      %cond3A_138 = arith.cmpi ne, %convert_element_type3A_136, %cond3A_137 : i32
      scf.if %cond3A_138 {
        %mul3A_166 = arith.constant 64 : i32
        %mul3A_167 = arith.muli %add3A_134, %mul3A_166 : i32
        %dma_start3A_168 = tpu.memref_slice %arg7[%mul3A_167] : memref<11776xi32, #tpu.memory_space<vmem>> -> memref<64xi32, #tpu.memory_space<vmem>>
        %dma_start3A_169 = arith.constant 0 : i32
        %dma_start3A_170 = arith.constant 0 : i32
        %dma_start3A_171 = tpu.memref_slice %arg2[%dma_start3A_169, %dma_start3A_170] : memref<10000x144xf32, #tpu.memory_space<hbm>> -> memref<10000x144xf32, #tpu.memory_space<hbm>>
        tpu.enqueue_indirect_dma source(%dma_start3A_171 : memref<10000x144xf32, #tpu.memory_space<hbm>>) target(%arg11 : memref<64x144xf32, #tpu.memory_space<vmem>>) offsets(%dma_start3A_168 : memref<64xi32, #tpu.memory_space<vmem>>) semaphore(%arg15 : memref<!tpu.dma_semaphore, #tpu.memory_space<semaphore_mem>>)
      } else {
      }
      %mul3A_139 = arith.constant 4 : i32
      %mul3A_140 = arith.muli %while3A_62, %mul3A_139 : i32
      %add3A_141 = arith.constant 3 : i32
      %add3A_142 = arith.addi %mul3A_140, %add3A_141 : i32
      %mul3A_143 = arith.constant 64 : i32
      %mul3A_144 = arith.muli %add3A_142, %mul3A_143 : i32
      %dma_wait3A_145 = tpu.memref_slice %arg7[%mul3A_144] : memref<11776xi32, #tpu.memory_space<vmem>> -> memref<64xi32, #tpu.memory_space<vmem>>
      %dma_wait3A_146 = arith.constant 0 : i32
      %dma_wait3A_147 = arith.constant 0 : i32
      %dma_wait3A_148 = tpu.memref_slice %arg2[%dma_wait3A_146, %dma_wait3A_147] : memref<10000x144xf32, #tpu.memory_space<hbm>> -> memref<10000x144xf32, #tpu.memory_space<hbm>>
      tpu.wait_indirect_dma semaphore(%arg17 : memref<!tpu.dma_semaphore, #tpu.memory_space<semaphore_mem>>) src(%dma_wait3A_148 : memref<10000x144xf32, #tpu.memory_space<hbm>>) dst(%arg13 : memref<64x144xf32, #tpu.memory_space<vmem>>)
      %ge3A_149 = arith.constant 1 : i32
      %ge3A_150 = arith.cmpi sge, %add3A_142, %ge3A_149 : i32
      %convert_element_type3A_151 = arith.extui %ge3A_150 : i1 to i32
      %cond3A_152 = arith.constant 0 : i32
      %cond3A_153 = arith.cmpi ne, %convert_element_type3A_151, %cond3A_152 : i32
      scf.if %cond3A_153 {
        %sub3A_166 = arith.constant 1 : i32
        %sub3A_167 = arith.subi %add3A_142, %sub3A_166 : i32
        %mul3A_168 = arith.constant 64 : i32
        %mul3A_169 = arith.muli %sub3A_167, %mul3A_168 : i32
        %dma_wait3A_170 = tpu.memref_slice %arg8[%mul3A_169] : memref<11776xi32, #tpu.memory_space<vmem>> -> memref<64xi32, #tpu.memory_space<vmem>>
        %dma_wait3A_171 = arith.constant 0 : i32
        %dma_wait3A_172 = arith.constant 0 : i32
        %dma_wait3A_173 = tpu.memref_slice %arg22[%dma_wait3A_171, %dma_wait3A_172] : memref<5120x144xf32, #tpu.memory_space<vmem_shared>> -> memref<5120x144xf32, #tpu.memory_space<vmem_shared>>
        tpu.wait_indirect_dma semaphore(%arg20 : memref<!tpu.dma_semaphore, #tpu.memory_space<semaphore_mem>>) src(%arg12 : memref<64x144xf32, #tpu.memory_space<vmem>>) dst(%dma_wait3A_173 : memref<5120x144xf32, #tpu.memory_space<vmem_shared>>)
      } else {
      }
      %mul3A_154 = arith.constant 64 : i32
      %mul3A_155 = arith.muli %add3A_142, %mul3A_154 : i32
      %dma_start3A_156 = tpu.memref_slice %arg8[%mul3A_155] : memref<11776xi32, #tpu.memory_space<vmem>> -> memref<64xi32, #tpu.memory_space<vmem>>
      %dma_start3A_157 = arith.constant 0 : i32
      %dma_start3A_158 = arith.constant 0 : i32
      %dma_start3A_159 = tpu.memref_slice %arg22[%dma_start3A_157, %dma_start3A_158] : memref<5120x144xf32, #tpu.memory_space<vmem_shared>> -> memref<5120x144xf32, #tpu.memory_space<vmem_shared>>
      tpu.enqueue_indirect_dma source(%arg13 : memref<64x144xf32, #tpu.memory_space<vmem>>) target(%dma_start3A_159 : memref<5120x144xf32, #tpu.memory_space<vmem_shared>>) offsets(%dma_start3A_156 : memref<64xi32, #tpu.memory_space<vmem>>) semaphore(%arg21 : memref<!tpu.dma_semaphore, #tpu.memory_space<semaphore_mem>>) {add = true}
      %add3A_160 = arith.constant 3 : i32
      %add3A_161 = arith.addi %add3A_142, %add3A_160 : i32
      %lt3A_162 = arith.cmpi slt, %add3A_161, %max3A_9 : i32
      %convert_element_type3A_163 = arith.extui %lt3A_162 : i1 to i32
      %cond3A_164 = arith.constant 0 : i32
      %cond3A_165 = arith.cmpi ne, %convert_element_type3A_163, %cond3A_164 : i32
      scf.if %cond3A_165 {
        %mul3A_166 = arith.constant 64 : i32
        %mul3A_167 = arith.muli %add3A_161, %mul3A_166 : i32
        %dma_start3A_168 = tpu.memref_slice %arg7[%mul3A_167] : memref<11776xi32, #tpu.memory_space<vmem>> -> memref<64xi32, #tpu.memory_space<vmem>>
        %dma_start3A_169 = arith.constant 0 : i32
        %dma_start3A_170 = arith.constant 0 : i32
        %dma_start3A_171 = tpu.memref_slice %arg2[%dma_start3A_169, %dma_start3A_170] : memref<10000x144xf32, #tpu.memory_space<hbm>> -> memref<10000x144xf32, #tpu.memory_space<hbm>>
        tpu.enqueue_indirect_dma source(%dma_start3A_171 : memref<10000x144xf32, #tpu.memory_space<hbm>>) target(%arg12 : memref<64x144xf32, #tpu.memory_space<vmem>>) offsets(%dma_start3A_168 : memref<64xi32, #tpu.memory_space<vmem>>) semaphore(%arg16 : memref<!tpu.dma_semaphore, #tpu.memory_space<semaphore_mem>>)
      } else {
      }
    }
    %while3A_49 = arith.constant 1 : i32
    scf.for %while3A_62 = %while3A_47 to %while3A_43 step %while3A_49  : i32 {
      %mul3A_63 = arith.constant 4 : i32
      %mul3A_64 = arith.muli %while3A_62, %mul3A_63 : i32
      %add3A = arith.constant 0 : i32
      %add3A_65 = arith.addi %mul3A_64, %add3A : i32
      %mul3A_66 = arith.constant 64 : i32
      %mul3A_67 = arith.muli %add3A_65, %mul3A_66 : i32
      %dma_wait3A_68 = tpu.memref_slice %arg7[%mul3A_67] : memref<11776xi32, #tpu.memory_space<vmem>> -> memref<64xi32, #tpu.memory_space<vmem>>
      %dma_wait3A_69 = arith.constant 0 : i32
      %dma_wait3A_70 = arith.constant 0 : i32
      %dma_wait3A_71 = tpu.memref_slice %arg2[%dma_wait3A_69, %dma_wait3A_70] : memref<10000x144xf32, #tpu.memory_space<hbm>> -> memref<10000x144xf32, #tpu.memory_space<hbm>>
      tpu.wait_indirect_dma semaphore(%arg14 : memref<!tpu.dma_semaphore, #tpu.memory_space<semaphore_mem>>) src(%dma_wait3A_71 : memref<10000x144xf32, #tpu.memory_space<hbm>>) dst(%arg10 : memref<64x144xf32, #tpu.memory_space<vmem>>)
      %ge3A = arith.constant 1 : i32
      %ge3A_72 = arith.cmpi sge, %add3A_65, %ge3A : i32
      %convert_element_type3A = arith.extui %ge3A_72 : i1 to i32
      %cond3A = arith.constant 0 : i32
      %cond3A_73 = arith.cmpi ne, %convert_element_type3A, %cond3A : i32
      scf.if %cond3A_73 {
        %sub3A_166 = arith.constant 1 : i32
        %sub3A_167 = arith.subi %add3A_65, %sub3A_166 : i32
        %mul3A_168 = arith.constant 64 : i32
        %mul3A_169 = arith.muli %sub3A_167, %mul3A_168 : i32
        %dma_wait3A_170 = tpu.memref_slice %arg8[%mul3A_169] : memref<11776xi32, #tpu.memory_space<vmem>> -> memref<64xi32, #tpu.memory_space<vmem>>
        %dma_wait3A_171 = arith.constant 0 : i32
        %dma_wait3A_172 = arith.constant 0 : i32
        %dma_wait3A_173 = tpu.memref_slice %arg22[%dma_wait3A_171, %dma_wait3A_172] : memref<5120x144xf32, #tpu.memory_space<vmem_shared>> -> memref<5120x144xf32, #tpu.memory_space<vmem_shared>>
        tpu.wait_indirect_dma semaphore(%arg21 : memref<!tpu.dma_semaphore, #tpu.memory_space<semaphore_mem>>) src(%arg13 : memref<64x144xf32, #tpu.memory_space<vmem>>) dst(%dma_wait3A_173 : memref<5120x144xf32, #tpu.memory_space<vmem_shared>>)
      } else {
      }
      %mul3A_74 = arith.constant 64 : i32
      %mul3A_75 = arith.muli %add3A_65, %mul3A_74 : i32
      %dma_start3A_76 = tpu.memref_slice %arg8[%mul3A_75] : memref<11776xi32, #tpu.memory_space<vmem>> -> memref<64xi32, #tpu.memory_space<vmem>>
      %dma_start3A_77 = arith.constant 0 : i32
      %dma_start3A_78 = arith.constant 0 : i32
      %dma_start3A_79 = tpu.memref_slice %arg22[%dma_start3A_77, %dma_start3A_78] : memref<5120x144xf32, #tpu.memory_space<vmem_shared>> -> memref<5120x144xf32, #tpu.memory_space<vmem_shared>>
      tpu.enqueue_indirect_dma source(%arg10 : memref<64x144xf32, #tpu.memory_space<vmem>>) target(%dma_start3A_79 : memref<5120x144xf32, #tpu.memory_space<vmem_shared>>) offsets(%dma_start3A_76 : memref<64xi32, #tpu.memory_space<vmem>>) semaphore(%arg18 : memref<!tpu.dma_semaphore, #tpu.memory_space<semaphore_mem>>) {add = true}
      %add3A_80 = arith.constant 3 : i32
      %add3A_81 = arith.addi %add3A_65, %add3A_80 : i32
      %lt3A = arith.cmpi slt, %add3A_81, %max3A_9 : i32
      %convert_element_type3A_82 = arith.extui %lt3A : i1 to i32
      %cond3A_83 = arith.constant 0 : i32
      %cond3A_84 = arith.cmpi ne, %convert_element_type3A_82, %cond3A_83 : i32
      scf.if %cond3A_84 {
        %mul3A_166 = arith.constant 64 : i32
        %mul3A_167 = arith.muli %add3A_81, %mul3A_166 : i32
        %dma_start3A_168 = tpu.memref_slice %arg7[%mul3A_167] : memref<11776xi32, #tpu.memory_space<vmem>> -> memref<64xi32, #tpu.memory_space<vmem>>
        %dma_start3A_169 = arith.constant 0 : i32
        %dma_start3A_170 = arith.constant 0 : i32
        %dma_start3A_171 = tpu.memref_slice %arg2[%dma_start3A_169, %dma_start3A_170] : memref<10000x144xf32, #tpu.memory_space<hbm>> -> memref<10000x144xf32, #tpu.memory_space<hbm>>
        tpu.enqueue_indirect_dma source(%dma_start3A_171 : memref<10000x144xf32, #tpu.memory_space<hbm>>) target(%arg13 : memref<64x144xf32, #tpu.memory_space<vmem>>) offsets(%dma_start3A_168 : memref<64xi32, #tpu.memory_space<vmem>>) semaphore(%arg17 : memref<!tpu.dma_semaphore, #tpu.memory_space<semaphore_mem>>)
      } else {
      }
      %mul3A_85 = arith.constant 4 : i32
      %mul3A_86 = arith.muli %while3A_62, %mul3A_85 : i32
      %add3A_87 = arith.constant 1 : i32
      %add3A_88 = arith.addi %mul3A_86, %add3A_87 : i32
      %mul3A_89 = arith.constant 64 : i32
      %mul3A_90 = arith.muli %add3A_88, %mul3A_89 : i32
      %dma_wait3A_91 = tpu.memref_slice %arg7[%mul3A_90] : memref<11776xi32, #tpu.memory_space<vmem>> -> memref<64xi32, #tpu.memory_space<vmem>>
      %dma_wait3A_92 = arith.constant 0 : i32
      %dma_wait3A_93 = arith.constant 0 : i32
      %dma_wait3A_94 = tpu.memref_slice %arg2[%dma_wait3A_92, %dma_wait3A_93] : memref<10000x144xf32, #tpu.memory_space<hbm>> -> memref<10000x144xf32, #tpu.memory_space<hbm>>
      tpu.wait_indirect_dma semaphore(%arg15 : memref<!tpu.dma_semaphore, #tpu.memory_space<semaphore_mem>>) src(%dma_wait3A_94 : memref<10000x144xf32, #tpu.memory_space<hbm>>) dst(%arg11 : memref<64x144xf32, #tpu.memory_space<vmem>>)
      %ge3A_95 = arith.constant 1 : i32
      %ge3A_96 = arith.cmpi sge, %add3A_88, %ge3A_95 : i32
      %convert_element_type3A_97 = arith.extui %ge3A_96 : i1 to i32
      %cond3A_98 = arith.constant 0 : i32
      %cond3A_99 = arith.cmpi ne, %convert_element_type3A_97, %cond3A_98 : i32
      scf.if %cond3A_99 {
        %sub3A_166 = arith.constant 1 : i32
        %sub3A_167 = arith.subi %add3A_88, %sub3A_166 : i32
        %mul3A_168 = arith.constant 64 : i32
        %mul3A_169 = arith.muli %sub3A_167, %mul3A_168 : i32
        %dma_wait3A_170 = tpu.memref_slice %arg8[%mul3A_169] : memref<11776xi32, #tpu.memory_space<vmem>> -> memref<64xi32, #tpu.memory_space<vmem>>
        %dma_wait3A_171 = arith.constant 0 : i32
        %dma_wait3A_172 = arith.constant 0 : i32
        %dma_wait3A_173 = tpu.memref_slice %arg22[%dma_wait3A_171, %dma_wait3A_172] : memref<5120x144xf32, #tpu.memory_space<vmem_shared>> -> memref<5120x144xf32, #tpu.memory_space<vmem_shared>>
        tpu.wait_indirect_dma semaphore(%arg18 : memref<!tpu.dma_semaphore, #tpu.memory_space<semaphore_mem>>) src(%arg10 : memref<64x144xf32, #tpu.memory_space<vmem>>) dst(%dma_wait3A_173 : memref<5120x144xf32, #tpu.memory_space<vmem_shared>>)
      } else {
      }
      %mul3A_100 = arith.constant 64 : i32
      %mul3A_101 = arith.muli %add3A_88, %mul3A_100 : i32
      %dma_start3A_102 = tpu.memref_slice %arg8[%mul3A_101] : memref<11776xi32, #tpu.memory_space<vmem>> -> memref<64xi32, #tpu.memory_space<vmem>>
      %dma_start3A_103 = arith.constant 0 : i32
      %dma_start3A_104 = arith.constant 0 : i32
      %dma_start3A_105 = tpu.memref_slice %arg22[%dma_start3A_103, %dma_start3A_104] : memref<5120x144xf32, #tpu.memory_space<vmem_shared>> -> memref<5120x144xf32, #tpu.memory_space<vmem_shared>>
      tpu.enqueue_indirect_dma source(%arg11 : memref<64x144xf32, #tpu.memory_space<vmem>>) target(%dma_start3A_105 : memref<5120x144xf32, #tpu.memory_space<vmem_shared>>) offsets(%dma_start3A_102 : memref<64xi32, #tpu.memory_space<vmem>>) semaphore(%arg19 : memref<!tpu.dma_semaphore, #tpu.memory_space<semaphore_mem>>) {add = true}
      %add3A_106 = arith.constant 3 : i32
      %add3A_107 = arith.addi %add3A_88, %add3A_106 : i32
      %lt3A_108 = arith.cmpi slt, %add3A_107, %max3A_9 : i32
      %convert_element_type3A_109 = arith.extui %lt3A_108 : i1 to i32
      %cond3A_110 = arith.constant 0 : i32
      %cond3A_111 = arith.cmpi ne, %convert_element_type3A_109, %cond3A_110 : i32
      scf.if %cond3A_111 {
        %mul3A_166 = arith.constant 64 : i32
        %mul3A_167 = arith.muli %add3A_107, %mul3A_166 : i32
        %dma_start3A_168 = tpu.memref_slice %arg7[%mul3A_167] : memref<11776xi32, #tpu.memory_space<vmem>> -> memref<64xi32, #tpu.memory_space<vmem>>
        %dma_start3A_169 = arith.constant 0 : i32
        %dma_start3A_170 = arith.constant 0 : i32
        %dma_start3A_171 = tpu.memref_slice %arg2[%dma_start3A_169, %dma_start3A_170] : memref<10000x144xf32, #tpu.memory_space<hbm>> -> memref<10000x144xf32, #tpu.memory_space<hbm>>
        tpu.enqueue_indirect_dma source(%dma_start3A_171 : memref<10000x144xf32, #tpu.memory_space<hbm>>) target(%arg10 : memref<64x144xf32, #tpu.memory_space<vmem>>) offsets(%dma_start3A_168 : memref<64xi32, #tpu.memory_space<vmem>>) semaphore(%arg14 : memref<!tpu.dma_semaphore, #tpu.memory_space<semaphore_mem>>)
      } else {
      }
      %mul3A_112 = arith.constant 4 : i32
      %mul3A_113 = arith.muli %while3A_62, %mul3A_112 : i32
      %add3A_114 = arith.constant 2 : i32
      %add3A_115 = arith.addi %mul3A_113, %add3A_114 : i32
      %mul3A_116 = arith.constant 64 : i32
      %mul3A_117 = arith.muli %add3A_115, %mul3A_116 : i32
      %dma_wait3A_118 = tpu.memref_slice %arg7[%mul3A_117] : memref<11776xi32, #tpu.memory_space<vmem>> -> memref<64xi32, #tpu.memory_space<vmem>>
      %dma_wait3A_119 = arith.constant 0 : i32
      %dma_wait3A_120 = arith.constant 0 : i32
      %dma_wait3A_121 = tpu.memref_slice %arg2[%dma_wait3A_119, %dma_wait3A_120] : memref<10000x144xf32, #tpu.memory_space<hbm>> -> memref<10000x144xf32, #tpu.memory_space<hbm>>
      tpu.wait_indirect_dma semaphore(%arg16 : memref<!tpu.dma_semaphore, #tpu.memory_space<semaphore_mem>>) src(%dma_wait3A_121 : memref<10000x144xf32, #tpu.memory_space<hbm>>) dst(%arg12 : memref<64x144xf32, #tpu.memory_space<vmem>>)
      %ge3A_122 = arith.constant 1 : i32
      %ge3A_123 = arith.cmpi sge, %add3A_115, %ge3A_122 : i32
      %convert_element_type3A_124 = arith.extui %ge3A_123 : i1 to i32
      %cond3A_125 = arith.constant 0 : i32
      %cond3A_126 = arith.cmpi ne, %convert_element_type3A_124, %cond3A_125 : i32
      scf.if %cond3A_126 {
        %sub3A_166 = arith.constant 1 : i32
        %sub3A_167 = arith.subi %add3A_115, %sub3A_166 : i32
        %mul3A_168 = arith.constant 64 : i32
        %mul3A_169 = arith.muli %sub3A_167, %mul3A_168 : i32
        %dma_wait3A_170 = tpu.memref_slice %arg8[%mul3A_169] : memref<11776xi32, #tpu.memory_space<vmem>> -> memref<64xi32, #tpu.memory_space<vmem>>
        %dma_wait3A_171 = arith.constant 0 : i32
        %dma_wait3A_172 = arith.constant 0 : i32
        %dma_wait3A_173 = tpu.memref_slice %arg22[%dma_wait3A_171, %dma_wait3A_172] : memref<5120x144xf32, #tpu.memory_space<vmem_shared>> -> memref<5120x144xf32, #tpu.memory_space<vmem_shared>>
        tpu.wait_indirect_dma semaphore(%arg19 : memref<!tpu.dma_semaphore, #tpu.memory_space<semaphore_mem>>) src(%arg11 : memref<64x144xf32, #tpu.memory_space<vmem>>) dst(%dma_wait3A_173 : memref<5120x144xf32, #tpu.memory_space<vmem_shared>>)
      } else {
      }
      %mul3A_127 = arith.constant 64 : i32
      %mul3A_128 = arith.muli %add3A_115, %mul3A_127 : i32
      %dma_start3A_129 = tpu.memref_slice %arg8[%mul3A_128] : memref<11776xi32, #tpu.memory_space<vmem>> -> memref<64xi32, #tpu.memory_space<vmem>>
      %dma_start3A_130 = arith.constant 0 : i32
      %dma_start3A_131 = arith.constant 0 : i32
      %dma_start3A_132 = tpu.memref_slice %arg22[%dma_start3A_130, %dma_start3A_131] : memref<5120x144xf32, #tpu.memory_space<vmem_shared>> -> memref<5120x144xf32, #tpu.memory_space<vmem_shared>>
      tpu.enqueue_indirect_dma source(%arg12 : memref<64x144xf32, #tpu.memory_space<vmem>>) target(%dma_start3A_132 : memref<5120x144xf32, #tpu.memory_space<vmem_shared>>) offsets(%dma_start3A_129 : memref<64xi32, #tpu.memory_space<vmem>>) semaphore(%arg20 : memref<!tpu.dma_semaphore, #tpu.memory_space<semaphore_mem>>) {add = true}
      %add3A_133 = arith.constant 3 : i32
      %add3A_134 = arith.addi %add3A_115, %add3A_133 : i32
      %lt3A_135 = arith.cmpi slt, %add3A_134, %max3A_9 : i32
      %convert_element_type3A_136 = arith.extui %lt3A_135 : i1 to i32
      %cond3A_137 = arith.constant 0 : i32
      %cond3A_138 = arith.cmpi ne, %convert_element_type3A_136, %cond3A_137 : i32
      scf.if %cond3A_138 {
        %mul3A_166 = arith.constant 64 : i32
        %mul3A_167 = arith.muli %add3A_134, %mul3A_166 : i32
        %dma_start3A_168 = tpu.memref_slice %arg7[%mul3A_167] : memref<11776xi32, #tpu.memory_space<vmem>> -> memref<64xi32, #tpu.memory_space<vmem>>
        %dma_start3A_169 = arith.constant 0 : i32
        %dma_start3A_170 = arith.constant 0 : i32
        %dma_start3A_171 = tpu.memref_slice %arg2[%dma_start3A_169, %dma_start3A_170] : memref<10000x144xf32, #tpu.memory_space<hbm>> -> memref<10000x144xf32, #tpu.memory_space<hbm>>
        tpu.enqueue_indirect_dma source(%dma_start3A_171 : memref<10000x144xf32, #tpu.memory_space<hbm>>) target(%arg11 : memref<64x144xf32, #tpu.memory_space<vmem>>) offsets(%dma_start3A_168 : memref<64xi32, #tpu.memory_space<vmem>>) semaphore(%arg15 : memref<!tpu.dma_semaphore, #tpu.memory_space<semaphore_mem>>)
      } else {
      }
      %mul3A_139 = arith.constant 4 : i32
      %mul3A_140 = arith.muli %while3A_62, %mul3A_139 : i32
      %add3A_141 = arith.constant 3 : i32
      %add3A_142 = arith.addi %mul3A_140, %add3A_141 : i32
      %mul3A_143 = arith.constant 64 : i32
      %mul3A_144 = arith.muli %add3A_142, %mul3A_143 : i32
      %dma_wait3A_145 = tpu.memref_slice %arg7[%mul3A_144] : memref<11776xi32, #tpu.memory_space<vmem>> -> memref<64xi32, #tpu.memory_space<vmem>>
      %dma_wait3A_146 = arith.constant 0 : i32
      %dma_wait3A_147 = arith.constant 0 : i32
      %dma_wait3A_148 = tpu.memref_slice %arg2[%dma_wait3A_146, %dma_wait3A_147] : memref<10000x144xf32, #tpu.memory_space<hbm>> -> memref<10000x144xf32, #tpu.memory_space<hbm>>
      tpu.wait_indirect_dma semaphore(%arg17 : memref<!tpu.dma_semaphore, #tpu.memory_space<semaphore_mem>>) src(%dma_wait3A_148 : memref<10000x144xf32, #tpu.memory_space<hbm>>) dst(%arg13 : memref<64x144xf32, #tpu.memory_space<vmem>>)
      %ge3A_149 = arith.constant 1 : i32
      %ge3A_150 = arith.cmpi sge, %add3A_142, %ge3A_149 : i32
      %convert_element_type3A_151 = arith.extui %ge3A_150 : i1 to i32
      %cond3A_152 = arith.constant 0 : i32
      %cond3A_153 = arith.cmpi ne, %convert_element_type3A_151, %cond3A_152 : i32
      scf.if %cond3A_153 {
        %sub3A_166 = arith.constant 1 : i32
        %sub3A_167 = arith.subi %add3A_142, %sub3A_166 : i32
        %mul3A_168 = arith.constant 64 : i32
        %mul3A_169 = arith.muli %sub3A_167, %mul3A_168 : i32
        %dma_wait3A_170 = tpu.memref_slice %arg8[%mul3A_169] : memref<11776xi32, #tpu.memory_space<vmem>> -> memref<64xi32, #tpu.memory_space<vmem>>
        %dma_wait3A_171 = arith.constant 0 : i32
        %dma_wait3A_172 = arith.constant 0 : i32
        %dma_wait3A_173 = tpu.memref_slice %arg22[%dma_wait3A_171, %dma_wait3A_172] : memref<5120x144xf32, #tpu.memory_space<vmem_shared>> -> memref<5120x144xf32, #tpu.memory_space<vmem_shared>>
        tpu.wait_indirect_dma semaphore(%arg20 : memref<!tpu.dma_semaphore, #tpu.memory_space<semaphore_mem>>) src(%arg12 : memref<64x144xf32, #tpu.memory_space<vmem>>) dst(%dma_wait3A_173 : memref<5120x144xf32, #tpu.memory_space<vmem_shared>>)
      } else {
      }
      %mul3A_154 = arith.constant 64 : i32
      %mul3A_155 = arith.muli %add3A_142, %mul3A_154 : i32
      %dma_start3A_156 = tpu.memref_slice %arg8[%mul3A_155] : memref<11776xi32, #tpu.memory_space<vmem>> -> memref<64xi32, #tpu.memory_space<vmem>>
      %dma_start3A_157 = arith.constant 0 : i32
      %dma_start3A_158 = arith.constant 0 : i32
      %dma_start3A_159 = tpu.memref_slice %arg22[%dma_start3A_157, %dma_start3A_158] : memref<5120x144xf32, #tpu.memory_space<vmem_shared>> -> memref<5120x144xf32, #tpu.memory_space<vmem_shared>>
      tpu.enqueue_indirect_dma source(%arg13 : memref<64x144xf32, #tpu.memory_space<vmem>>) target(%dma_start3A_159 : memref<5120x144xf32, #tpu.memory_space<vmem_shared>>) offsets(%dma_start3A_156 : memref<64xi32, #tpu.memory_space<vmem>>) semaphore(%arg21 : memref<!tpu.dma_semaphore, #tpu.memory_space<semaphore_mem>>) {add = true}
      %add3A_160 = arith.constant 3 : i32
      %add3A_161 = arith.addi %add3A_142, %add3A_160 : i32
      %lt3A_162 = arith.cmpi slt, %add3A_161, %max3A_9 : i32
      %convert_element_type3A_163 = arith.extui %lt3A_162 : i1 to i32
      %cond3A_164 = arith.constant 0 : i32
      %cond3A_165 = arith.cmpi ne, %convert_element_type3A_163, %cond3A_164 : i32
      scf.if %cond3A_165 {
        %mul3A_166 = arith.constant 64 : i32
        %mul3A_167 = arith.muli %add3A_161, %mul3A_166 : i32
        %dma_start3A_168 = tpu.memref_slice %arg7[%mul3A_167] : memref<11776xi32, #tpu.memory_space<vmem>> -> memref<64xi32, #tpu.memory_space<vmem>>
        %dma_start3A_169 = arith.constant 0 : i32
        %dma_start3A_170 = arith.constant 0 : i32
        %dma_start3A_171 = tpu.memref_slice %arg2[%dma_start3A_169, %dma_start3A_170] : memref<10000x144xf32, #tpu.memory_space<hbm>> -> memref<10000x144xf32, #tpu.memory_space<hbm>>
        tpu.enqueue_indirect_dma source(%dma_start3A_171 : memref<10000x144xf32, #tpu.memory_space<hbm>>) target(%arg12 : memref<64x144xf32, #tpu.memory_space<vmem>>) offsets(%dma_start3A_168 : memref<64xi32, #tpu.memory_space<vmem>>) semaphore(%arg16 : memref<!tpu.dma_semaphore, #tpu.memory_space<semaphore_mem>>)
      } else {
      }
    }
    %sub3A_50 = arith.constant 1 : i32
    %sub3A_51 = arith.subi %max3A_9, %sub3A_50 : i32
    %mul3A_52 = arith.constant 64 : i32
    %mul3A_53 = arith.muli %sub3A_51, %mul3A_52 : i32
    %dma_wait3A = tpu.memref_slice %arg8[%mul3A_53] : memref<11776xi32, #tpu.memory_space<vmem>> -> memref<64xi32, #tpu.memory_space<vmem>>
    %dma_wait3A_54 = arith.constant 0 : i32
    %dma_wait3A_55 = arith.constant 0 : i32
    %dma_wait3A_56 = tpu.memref_slice %arg22[%dma_wait3A_54, %dma_wait3A_55] : memref<5120x144xf32, #tpu.memory_space<vmem_shared>> -> memref<5120x144xf32, #tpu.memory_space<vmem_shared>>
    tpu.wait_indirect_dma semaphore(%arg21 : memref<!tpu.dma_semaphore, #tpu.memory_space<semaphore_mem>>) src(%arg13 : memref<64x144xf32, #tpu.memory_space<vmem>>) dst(%dma_wait3A_56 : memref<5120x144xf32, #tpu.memory_space<vmem_shared>>)
    %barrier3A_57 = arith.constant 0 : index
    tpu.barrier barrier_id(%barrier3A_57)
    %mul3A_58 = arith.constant 320 : i32
    %mul3A_59 = arith.muli %arg1, %mul3A_58 : i32
    %mul3A_60 = arith.constant 320 : i32
    %mul3A_61 = arith.muli %arg1, %mul3A_60 : i32
    "tpu.region"() ({
      %run_scoped3A_62 = tpu.sem_alloc : memref<!tpu.dma_semaphore, #tpu.memory_space<semaphore_mem>>
      %dma_start3A_63 = arith.constant 0 : i32
      %dma_start3A_64 = tpu.memref_slice %arg6[%arg0, %mul3A_61, %dma_start3A_63] : memref<2x5120x144xf32, #tpu.memory_space<hbm>> -> memref<1x320x144xf32, #tpu.memory_space<hbm>>
      %dma_start3A_65 = tpu.memref_squeeze %dma_start3A_64 : memref<1x320x144xf32, #tpu.memory_space<hbm>> -> memref<320x144xf32, #tpu.memory_space<hbm>>
      %dma_start3A_66 = arith.constant 0 : i32
      %dma_start3A_67 = tpu.memref_slice %arg22[%mul3A_59, %dma_start3A_66] : memref<5120x144xf32, #tpu.memory_space<vmem_shared>> -> memref<320x144xf32, #tpu.memory_space<vmem_shared>>
      tpu.enqueue_dma source(%dma_start3A_67 : memref<320x144xf32, #tpu.memory_space<vmem_shared>>) target(%dma_start3A_65 : memref<320x144xf32, #tpu.memory_space<hbm>>) target_semaphore(%run_scoped3A_62 : memref<!tpu.dma_semaphore, #tpu.memory_space<semaphore_mem>>)
      %dma_wait3A_68 = arith.constant 0 : i32
      %dma_wait3A_69 = tpu.memref_slice %arg6[%arg0, %mul3A_61, %dma_wait3A_68] : memref<2x5120x144xf32, #tpu.memory_space<hbm>> -> memref<1x320x144xf32, #tpu.memory_space<hbm>>
      %dma_wait3A_70 = tpu.memref_squeeze %dma_wait3A_69 : memref<1x320x144xf32, #tpu.memory_space<hbm>> -> memref<320x144xf32, #tpu.memory_space<hbm>>
      %dma_wait3A_71 = arith.constant 0 : i32
      %dma_wait3A_72 = tpu.memref_slice %arg22[%mul3A_59, %dma_wait3A_71] : memref<5120x144xf32, #tpu.memory_space<vmem_shared>> -> memref<320x144xf32, #tpu.memory_space<vmem_shared>>
      tpu.wait_dma2 semaphore(%run_scoped3A_62 : memref<!tpu.dma_semaphore, #tpu.memory_space<semaphore_mem>>) src(%dma_wait3A_72 : memref<320x144xf32, #tpu.memory_space<vmem_shared>>) dst(%dma_wait3A_70 : memref<320x144xf32, #tpu.memory_space<hbm>>)
      tpu.yield
    }) : () -> ()
    return
  }
}

#map = affine_map<(d0, d1) -> (0, 0)>
#map1 = affine_map<(d0, d1) -> (0, 0, 0, 0)>
#map2 = affine_map<(d0, d1) -> (0, 0, 0)>
module attributes {stable_mosaic.version = 14 : i64} {
  func.func @_sc_agg(%arg0: i32, %arg1: i32, %arg2: memref<10000x144xf32, #tpu.memory_space<hbm>>, %arg3: memref<2x16x2x11776xi32, #tpu.memory_space<hbm>>, %arg4: memref<2x16x16xi32, #tpu.memory_space<hbm>>, %arg5: memref<320x144xf32, #tpu.memory_space<hbm>>, %arg6: memref<2x5120x144xf32, #tpu.memory_space<hbm>>, %arg7: memref<11776xi32, #tpu.memory_space<vmem>>, %arg8: memref<11776xi32, #tpu.memory_space<vmem>>, %arg9: memref<16xi32, #tpu.memory_space<vmem>>, %arg10: memref<64x144xf32, #tpu.memory_space<vmem>>, %arg11: memref<64x144xf32, #tpu.memory_space<vmem>>, %arg12: memref<64x144xf32, #tpu.memory_space<vmem>>, %arg13: memref<64x144xf32, #tpu.memory_space<vmem>>, %arg14: memref<!tpu.dma_semaphore, #tpu.memory_space<semaphore_mem>>, %arg15: memref<!tpu.dma_semaphore, #tpu.memory_space<semaphore_mem>>, %arg16: memref<!tpu.dma_semaphore, #tpu.memory_space<semaphore_mem>>, %arg17: memref<!tpu.dma_semaphore, #tpu.memory_space<semaphore_mem>>, %arg18: memref<!tpu.dma_semaphore, #tpu.memory_space<semaphore_mem>>, %arg19: memref<!tpu.dma_semaphore, #tpu.memory_space<semaphore_mem>>, %arg20: memref<!tpu.dma_semaphore, #tpu.memory_space<semaphore_mem>>, %arg21: memref<!tpu.dma_semaphore, #tpu.memory_space<semaphore_mem>>, %arg22: memref<5120x144xf32, #tpu.memory_space<vmem_shared>>) attributes {dimension_semantics = [#tpu.dimension_semantics<core_parallel>, #tpu.dimension_semantics<subcore_parallel>], iteration_bounds = array<i64: 2, 16>, scalar_prefetch = 0 : i64, scratch_operands = 16 : i64, tpu.core_type = #tpu.core_type<sc_vector_subcore>, window_params = [{transform_indices = #map}, {transform_indices = #map1}, {transform_indices = #map2}, {transform_indices = #map}, {transform_indices = #map2}]} {
    %run_scoped3A = arith.constant 0 : i32
    "tpu.region"() ({
      %run_scoped3A_62 = tpu.sem_alloc : memref<!tpu.dma_semaphore, #tpu.memory_space<semaphore_mem>>
      %dma_start3A_63 = arith.constant 0 : i32
      %dma_start3A_64 = tpu.memref_slice %arg3[%arg0, %arg1, %run_scoped3A, %dma_start3A_63] : memref<2x16x2x11776xi32, #tpu.memory_space<hbm>> -> memref<1x1x1x11776xi32, #tpu.memory_space<hbm>>
      %dma_start3A_65 = tpu.memref_squeeze %dma_start3A_64 : memref<1x1x1x11776xi32, #tpu.memory_space<hbm>> -> memref<11776xi32, #tpu.memory_space<hbm>>
      %dma_start3A_66 = arith.constant 0 : i32
      %dma_start3A_67 = tpu.memref_slice %arg3[%arg0, %arg1, %run_scoped3A, %dma_start3A_66] : memref<2x16x2x11776xi32, #tpu.memory_space<hbm>> -> memref<1x1x1x11776xi32, #tpu.memory_space<hbm>>
      %dma_start3A_68 = tpu.memref_squeeze %dma_start3A_67 : memref<1x1x1x11776xi32, #tpu.memory_space<hbm>> -> memref<11776xi32, #tpu.memory_space<hbm>>
      tpu.enqueue_dma source(%dma_start3A_68 : memref<11776xi32, #tpu.memory_space<hbm>>) target(%arg7 : memref<11776xi32, #tpu.memory_space<vmem>>) target_semaphore(%run_scoped3A_62 : memref<!tpu.dma_semaphore, #tpu.memory_space<semaphore_mem>>)
      %dma_wait3A_69 = arith.constant 0 : i32
      %dma_wait3A_70 = tpu.memref_slice %arg3[%arg0, %arg1, %run_scoped3A, %dma_wait3A_69] : memref<2x16x2x11776xi32, #tpu.memory_space<hbm>> -> memref<1x1x1x11776xi32, #tpu.memory_space<hbm>>
      %dma_wait3A_71 = tpu.memref_squeeze %dma_wait3A_70 : memref<1x1x1x11776xi32, #tpu.memory_space<hbm>> -> memref<11776xi32, #tpu.memory_space<hbm>>
      %dma_wait3A_72 = arith.constant 0 : i32
      %dma_wait3A_73 = tpu.memref_slice %arg3[%arg0, %arg1, %run_scoped3A, %dma_wait3A_72] : memref<2x16x2x11776xi32, #tpu.memory_space<hbm>> -> memref<1x1x1x11776xi32, #tpu.memory_space<hbm>>
      %dma_wait3A_74 = tpu.memref_squeeze %dma_wait3A_73 : memref<1x1x1x11776xi32, #tpu.memory_space<hbm>> -> memref<11776xi32, #tpu.memory_space<hbm>>
      tpu.wait_dma2 semaphore(%run_scoped3A_62 : memref<!tpu.dma_semaphore, #tpu.memory_space<semaphore_mem>>) src(%dma_wait3A_74 : memref<11776xi32, #tpu.memory_space<hbm>>) dst(%arg7 : memref<11776xi32, #tpu.memory_space<vmem>>)
      tpu.yield
    }) : () -> ()
    %run_scoped3A_0 = arith.constant 1 : i32
    "tpu.region"() ({
      %run_scoped3A_62 = tpu.sem_alloc : memref<!tpu.dma_semaphore, #tpu.memory_space<semaphore_mem>>
      %dma_start3A_63 = arith.constant 0 : i32
      %dma_start3A_64 = tpu.memref_slice %arg3[%arg0, %arg1, %run_scoped3A_0, %dma_start3A_63] : memref<2x16x2x11776xi32, #tpu.memory_space<hbm>> -> memref<1x1x1x11776xi32, #tpu.memory_space<hbm>>
      %dma_start3A_65 = tpu.memref_squeeze %dma_start3A_64 : memref<1x1x1x11776xi32, #tpu.memory_space<hbm>> -> memref<11776xi32, #tpu.memory_space<hbm>>
      %dma_start3A_66 = arith.constant 0 : i32
      %dma_start3A_67 = tpu.memref_slice %arg3[%arg0, %arg1, %run_scoped3A_0, %dma_start3A_66] : memref<2x16x2x11776xi32, #tpu.memory_space<hbm>> -> memref<1x1x1x11776xi32, #tpu.memory_space<hbm>>
      %dma_start3A_68 = tpu.memref_squeeze %dma_start3A_67 : memref<1x1x1x11776xi32, #tpu.memory_space<hbm>> -> memref<11776xi32, #tpu.memory_space<hbm>>
      tpu.enqueue_dma source(%dma_start3A_68 : memref<11776xi32, #tpu.memory_space<hbm>>) target(%arg8 : memref<11776xi32, #tpu.memory_space<vmem>>) target_semaphore(%run_scoped3A_62 : memref<!tpu.dma_semaphore, #tpu.memory_space<semaphore_mem>>)
      %dma_wait3A_69 = arith.constant 0 : i32
      %dma_wait3A_70 = tpu.memref_slice %arg3[%arg0, %arg1, %run_scoped3A_0, %dma_wait3A_69] : memref<2x16x2x11776xi32, #tpu.memory_space<hbm>> -> memref<1x1x1x11776xi32, #tpu.memory_space<hbm>>
      %dma_wait3A_71 = tpu.memref_squeeze %dma_wait3A_70 : memref<1x1x1x11776xi32, #tpu.memory_space<hbm>> -> memref<11776xi32, #tpu.memory_space<hbm>>
      %dma_wait3A_72 = arith.constant 0 : i32
      %dma_wait3A_73 = tpu.memref_slice %arg3[%arg0, %arg1, %run_scoped3A_0, %dma_wait3A_72] : memref<2x16x2x11776xi32, #tpu.memory_space<hbm>> -> memref<1x1x1x11776xi32, #tpu.memory_space<hbm>>
      %dma_wait3A_74 = tpu.memref_squeeze %dma_wait3A_73 : memref<1x1x1x11776xi32, #tpu.memory_space<hbm>> -> memref<11776xi32, #tpu.memory_space<hbm>>
      tpu.wait_dma2 semaphore(%run_scoped3A_62 : memref<!tpu.dma_semaphore, #tpu.memory_space<semaphore_mem>>) src(%dma_wait3A_74 : memref<11776xi32, #tpu.memory_space<hbm>>) dst(%arg8 : memref<11776xi32, #tpu.memory_space<vmem>>)
      tpu.yield
    }) : () -> ()
    "tpu.region"() ({
      %run_scoped3A_62 = tpu.sem_alloc : memref<!tpu.dma_semaphore, #tpu.memory_space<semaphore_mem>>
      %dma_start3A_63 = arith.constant 0 : i32
      %dma_start3A_64 = tpu.memref_slice %arg4[%arg0, %arg1, %dma_start3A_63] : memref<2x16x16xi32, #tpu.memory_space<hbm>> -> memref<1x1x16xi32, #tpu.memory_space<hbm>>
      %dma_start3A_65 = tpu.memref_squeeze %dma_start3A_64 : memref<1x1x16xi32, #tpu.memory_space<hbm>> -> memref<16xi32, #tpu.memory_space<hbm>>
      %dma_start3A_66 = arith.constant 0 : i32
      %dma_start3A_67 = tpu.memref_slice %arg4[%arg0, %arg1, %dma_start3A_66] : memref<2x16x16xi32, #tpu.memory_space<hbm>> -> memref<1x1x16xi32, #tpu.memory_space<hbm>>
      %dma_start3A_68 = tpu.memref_squeeze %dma_start3A_67 : memref<1x1x16xi32, #tpu.memory_space<hbm>> -> memref<16xi32, #tpu.memory_space<hbm>>
      tpu.enqueue_dma source(%dma_start3A_68 : memref<16xi32, #tpu.memory_space<hbm>>) target(%arg9 : memref<16xi32, #tpu.memory_space<vmem>>) target_semaphore(%run_scoped3A_62 : memref<!tpu.dma_semaphore, #tpu.memory_space<semaphore_mem>>)
      %dma_wait3A_69 = arith.constant 0 : i32
      %dma_wait3A_70 = tpu.memref_slice %arg4[%arg0, %arg1, %dma_wait3A_69] : memref<2x16x16xi32, #tpu.memory_space<hbm>> -> memref<1x1x16xi32, #tpu.memory_space<hbm>>
      %dma_wait3A_71 = tpu.memref_squeeze %dma_wait3A_70 : memref<1x1x16xi32, #tpu.memory_space<hbm>> -> memref<16xi32, #tpu.memory_space<hbm>>
      %dma_wait3A_72 = arith.constant 0 : i32
      %dma_wait3A_73 = tpu.memref_slice %arg4[%arg0, %arg1, %dma_wait3A_72] : memref<2x16x16xi32, #tpu.memory_space<hbm>> -> memref<1x1x16xi32, #tpu.memory_space<hbm>>
      %dma_wait3A_74 = tpu.memref_squeeze %dma_wait3A_73 : memref<1x1x16xi32, #tpu.memory_space<hbm>> -> memref<16xi32, #tpu.memory_space<hbm>>
      tpu.wait_dma2 semaphore(%run_scoped3A_62 : memref<!tpu.dma_semaphore, #tpu.memory_space<semaphore_mem>>) src(%dma_wait3A_74 : memref<16xi32, #tpu.memory_space<hbm>>) dst(%arg9 : memref<16xi32, #tpu.memory_space<vmem>>)
      tpu.yield
    }) : () -> ()
    %get3A = arith.constant 0 : index
    %get3A_1 = tpu.vector_load %arg9[%get3A] {strides = array<i32>} : memref<16xi32, #tpu.memory_space<vmem>>, vector<16xi32>,
    %reduce_max3A = arith.constant true
    %reduce_max3A_2 = vector.broadcast %reduce_max3A : i1 to vector<16xi1>
    %reduce_max3A_3 = arith.constant -2147483648 : i32
    %reduce_max3A_4 = vector.broadcast %reduce_max3A_3 : i32 to vector<16xi32>
    %reduce_max3A_5 = arith.xori %get3A_1, %reduce_max3A_4 : vector<16xi32>
    %reduce_max3A_6 = tpu.scan <max>, %reduce_max3A_5 masked %reduce_max3A_2 : vector<16xi32>, vector<16xi1> -> vector<16xi32>
    %reduce_max3A_7 = arith.xori %reduce_max3A_6, %reduce_max3A_4 : vector<16xi32>
    %reduce_max3A_8 = vector.extract %reduce_max3A_7[15] : i32 from vector<16xi32>
    %max3A = arith.constant 4 : i32
    %max3A_9 = arith.maxsi %reduce_max3A_8, %max3A : i32
    %dma_start3A = arith.constant 0 : i32
    %dma_start3A_10 = tpu.memref_slice %arg7[%dma_start3A] : memref<11776xi32, #tpu.memory_space<vmem>> -> memref<64xi32, #tpu.memory_space<vmem>>
    %dma_start3A_11 = arith.constant 0 : i32
    %dma_start3A_12 = arith.constant 0 : i32
    %dma_start3A_13 = tpu.memref_slice %arg2[%dma_start3A_11, %dma_start3A_12] : memref<10000x144xf32, #tpu.memory_space<hbm>> -> memref<10000x144xf32, #tpu.memory_space<hbm>>
    tpu.enqueue_indirect_dma source(%dma_start3A_13 : memref<10000x144xf32, #tpu.memory_space<hbm>>) target(%arg10 : memref<64x144xf32, #tpu.memory_space<vmem>>) offsets(%dma_start3A_10 : memref<64xi32, #tpu.memory_space<vmem>>) semaphore(%arg14 : memref<!tpu.dma_semaphore, #tpu.memory_space<semaphore_mem>>)
    %dma_start3A_14 = arith.constant 64 : i32
    %dma_start3A_15 = tpu.memref_slice %arg7[%dma_start3A_14] : memref<11776xi32, #tpu.memory_space<vmem>> -> memref<64xi32, #tpu.memory_space<vmem>>
    %dma_start3A_16 = arith.constant 0 : i32
    %dma_start3A_17 = arith.constant 0 : i32
    %dma_start3A_18 = tpu.memref_slice %arg2[%dma_start3A_16, %dma_start3A_17] : memref<10000x144xf32, #tpu.memory_space<hbm>> -> memref<10000x144xf32, #tpu.memory_space<hbm>>
    tpu.enqueue_indirect_dma source(%dma_start3A_18 : memref<10000x144xf32, #tpu.memory_space<hbm>>) target(%arg11 : memref<64x144xf32, #tpu.memory_space<vmem>>) offsets(%dma_start3A_15 : memref<64xi32, #tpu.memory_space<vmem>>) semaphore(%arg15 : memref<!tpu.dma_semaphore, #tpu.memory_space<semaphore_mem>>)
    %dma_start3A_19 = arith.constant 128 : i32
    %dma_start3A_20 = tpu.memref_slice %arg7[%dma_start3A_19] : memref<11776xi32, #tpu.memory_space<vmem>> -> memref<64xi32, #tpu.memory_space<vmem>>
    %dma_start3A_21 = arith.constant 0 : i32
    %dma_start3A_22 = arith.constant 0 : i32
    %dma_start3A_23 = tpu.memref_slice %arg2[%dma_start3A_21, %dma_start3A_22] : memref<10000x144xf32, #tpu.memory_space<hbm>> -> memref<10000x144xf32, #tpu.memory_space<hbm>>
    tpu.enqueue_indirect_dma source(%dma_start3A_23 : memref<10000x144xf32, #tpu.memory_space<hbm>>) target(%arg12 : memref<64x144xf32, #tpu.memory_space<vmem>>) offsets(%dma_start3A_20 : memref<64xi32, #tpu.memory_space<vmem>>) semaphore(%arg16 : memref<!tpu.dma_semaphore, #tpu.memory_space<semaphore_mem>>)
    %mul3A = arith.constant 320 : i32
    %mul3A_24 = arith.muli %arg1, %mul3A : i32
    "tpu.region"() ({
      %run_scoped3A_62 = tpu.sem_alloc : memref<!tpu.dma_semaphore, #tpu.memory_space<semaphore_mem>>
      %dma_start3A_63 = arith.constant 0 : i32
      %dma_start3A_64 = tpu.memref_slice %arg22[%mul3A_24, %dma_start3A_63] : memref<5120x144xf32, #tpu.memory_space<vmem_shared>> -> memref<320x144xf32, #tpu.memory_space<vmem_shared>>
      tpu.enqueue_dma source(%arg5 : memref<320x144xf32, #tpu.memory_space<hbm>>) target(%dma_start3A_64 : memref<320x144xf32, #tpu.memory_space<vmem_shared>>) target_semaphore(%run_scoped3A_62 : memref<!tpu.dma_semaphore, #tpu.memory_space<semaphore_mem>>)
      %dma_wait3A_65 = arith.constant 0 : i32
      %dma_wait3A_66 = tpu.memref_slice %arg22[%mul3A_24, %dma_wait3A_65] : memref<5120x144xf32, #tpu.memory_space<vmem_shared>> -> memref<320x144xf32, #tpu.memory_space<vmem_shared>>
      tpu.wait_dma2 semaphore(%run_scoped3A_62 : memref<!tpu.dma_semaphore, #tpu.memory_space<semaphore_mem>>) src(%arg5 : memref<320x144xf32, #tpu.memory_space<hbm>>) dst(%dma_wait3A_66 : memref<320x144xf32, #tpu.memory_space<vmem_shared>>)
      tpu.yield
    }) : () -> ()
    %barrier3A = arith.constant 0 : index
    tpu.barrier barrier_id(%barrier3A)
    %jit3A = arith.constant 4 : i32
    %div3A = arith.divsi %max3A_9, %jit3A : i32
    %sign3A = arith.constant 0 : i32
    %sign3A_25 = arith.cmpi sgt, %max3A_9, %sign3A : i32
    %sign3A_26 = arith.extui %sign3A_25 : i1 to i32
    %sign3A_27 = arith.constant 0 : i32
    %sign3A_28 = arith.cmpi slt, %max3A_9, %sign3A_27 : i32
    %sign3A_29 = arith.extui %sign3A_28 : i1 to i32
    %sign3A_30 = arith.subi %sign3A_26, %sign3A_29 : i32
    %sign3A_31 = arith.constant 0 : i32
    %sign3A_32 = arith.cmpi sgt, %jit3A, %sign3A_31 : i32
    %sign3A_33 = arith.extui %sign3A_32 : i1 to i32
    %sign3A_34 = arith.constant 0 : i32
    %sign3A_35 = arith.cmpi slt, %jit3A, %sign3A_34 : i32
    %sign3A_36 = arith.extui %sign3A_35 : i1 to i32
    %sign3A_37 = arith.subi %sign3A_33, %sign3A_36 : i32
    %ne3A = arith.cmpi ne, %sign3A_30, %sign3A_37 : i32
    %rem3A = arith.remsi %max3A_9, %jit3A : i32
    %ne3A_38 = arith.constant 0 : i32
    %ne3A_39 = arith.cmpi ne, %rem3A, %ne3A_38 : i32
    %and3A = arith.andi %ne3A, %ne3A_39 : i1
    %sub3A = arith.constant 1 : i32
    %sub3A_40 = arith.subi %div3A, %sub3A : i32
    %select_n3A = arith.select %and3A, %sub3A_40, %div3A : i32
    %while3A = arith.constant 0 : i32
    %while3A_41 = arith.constant 0 : i32
    %while3A_42 = arith.subi %select_n3A, %while3A_41 : i32
    %while3A_43 = arith.addi %while3A_41, %while3A_42 : i32
    %while3A_44 = arith.constant 1 : i32
    %while3A_45 = arith.divsi %while3A_42, %while3A_44 : i32
    %while3A_46 = arith.muli %while3A_45, %while3A_44 : i32
    %while3A_47 = arith.addi %while3A_41, %while3A_46 : i32
    %while3A_48 = arith.constant 1 : i32
    scf.for %while3A_62 = %while3A_41 to %while3A_47 step %while3A_48  : i32 {
      %mul3A_63 = arith.constant 4 : i32
      %mul3A_64 = arith.muli %while3A_62, %mul3A_63 : i32
      %add3A = arith.constant 0 : i32
      %add3A_65 = arith.addi %mul3A_64, %add3A : i32
      %mul3A_66 = arith.constant 64 : i32
      %mul3A_67 = arith.muli %add3A_65, %mul3A_66 : i32
      %dma_wait3A_68 = tpu.memref_slice %arg7[%mul3A_67] : memref<11776xi32, #tpu.memory_space<vmem>> -> memref<64xi32, #tpu.memory_space<vmem>>
      %dma_wait3A_69 = arith.constant 0 : i32
      %dma_wait3A_70 = arith.constant 0 : i32
      %dma_wait3A_71 = tpu.memref_slice %arg2[%dma_wait3A_69, %dma_wait3A_70] : memref<10000x144xf32, #tpu.memory_space<hbm>> -> memref<10000x144xf32, #tpu.memory_space<hbm>>
      tpu.wait_indirect_dma semaphore(%arg14 : memref<!tpu.dma_semaphore, #tpu.memory_space<semaphore_mem>>) src(%dma_wait3A_71 : memref<10000x144xf32, #tpu.memory_space<hbm>>) dst(%arg10 : memref<64x144xf32, #tpu.memory_space<vmem>>)
      %ge3A = arith.constant 1 : i32
      %ge3A_72 = arith.cmpi sge, %add3A_65, %ge3A : i32
      %convert_element_type3A = arith.extui %ge3A_72 : i1 to i32
      %cond3A = arith.constant 0 : i32
      %cond3A_73 = arith.cmpi ne, %convert_element_type3A, %cond3A : i32
      scf.if %cond3A_73 {
        %sub3A_166 = arith.constant 1 : i32
        %sub3A_167 = arith.subi %add3A_65, %sub3A_166 : i32
        %mul3A_168 = arith.constant 64 : i32
        %mul3A_169 = arith.muli %sub3A_167, %mul3A_168 : i32
        %dma_wait3A_170 = tpu.memref_slice %arg8[%mul3A_169] : memref<11776xi32, #tpu.memory_space<vmem>> -> memref<64xi32, #tpu.memory_space<vmem>>
        %dma_wait3A_171 = arith.constant 0 : i32
        %dma_wait3A_172 = arith.constant 0 : i32
        %dma_wait3A_173 = tpu.memref_slice %arg22[%dma_wait3A_171, %dma_wait3A_172] : memref<5120x144xf32, #tpu.memory_space<vmem_shared>> -> memref<5120x144xf32, #tpu.memory_space<vmem_shared>>
        tpu.wait_indirect_dma semaphore(%arg21 : memref<!tpu.dma_semaphore, #tpu.memory_space<semaphore_mem>>) src(%arg13 : memref<64x144xf32, #tpu.memory_space<vmem>>) dst(%dma_wait3A_173 : memref<5120x144xf32, #tpu.memory_space<vmem_shared>>)
      } else {
      }
      %mul3A_74 = arith.constant 64 : i32
      %mul3A_75 = arith.muli %add3A_65, %mul3A_74 : i32
      %dma_start3A_76 = tpu.memref_slice %arg8[%mul3A_75] : memref<11776xi32, #tpu.memory_space<vmem>> -> memref<64xi32, #tpu.memory_space<vmem>>
      %dma_start3A_77 = arith.constant 0 : i32
      %dma_start3A_78 = arith.constant 0 : i32
      %dma_start3A_79 = tpu.memref_slice %arg22[%dma_start3A_77, %dma_start3A_78] : memref<5120x144xf32, #tpu.memory_space<vmem_shared>> -> memref<5120x144xf32, #tpu.memory_space<vmem_shared>>
      tpu.enqueue_indirect_dma source(%arg10 : memref<64x144xf32, #tpu.memory_space<vmem>>) target(%dma_start3A_79 : memref<5120x144xf32, #tpu.memory_space<vmem_shared>>) offsets(%dma_start3A_76 : memref<64xi32, #tpu.memory_space<vmem>>) semaphore(%arg18 : memref<!tpu.dma_semaphore, #tpu.memory_space<semaphore_mem>>) {add = true}
      %add3A_80 = arith.constant 3 : i32
      %add3A_81 = arith.addi %add3A_65, %add3A_80 : i32
      %lt3A = arith.cmpi slt, %add3A_81, %max3A_9 : i32
      %convert_element_type3A_82 = arith.extui %lt3A : i1 to i32
      %cond3A_83 = arith.constant 0 : i32
      %cond3A_84 = arith.cmpi ne, %convert_element_type3A_82, %cond3A_83 : i32
      scf.if %cond3A_84 {
        %mul3A_166 = arith.constant 64 : i32
        %mul3A_167 = arith.muli %add3A_81, %mul3A_166 : i32
        %dma_start3A_168 = tpu.memref_slice %arg7[%mul3A_167] : memref<11776xi32, #tpu.memory_space<vmem>> -> memref<64xi32, #tpu.memory_space<vmem>>
        %dma_start3A_169 = arith.constant 0 : i32
        %dma_start3A_170 = arith.constant 0 : i32
        %dma_start3A_171 = tpu.memref_slice %arg2[%dma_start3A_169, %dma_start3A_170] : memref<10000x144xf32, #tpu.memory_space<hbm>> -> memref<10000x144xf32, #tpu.memory_space<hbm>>
        tpu.enqueue_indirect_dma source(%dma_start3A_171 : memref<10000x144xf32, #tpu.memory_space<hbm>>) target(%arg13 : memref<64x144xf32, #tpu.memory_space<vmem>>) offsets(%dma_start3A_168 : memref<64xi32, #tpu.memory_space<vmem>>) semaphore(%arg17 : memref<!tpu.dma_semaphore, #tpu.memory_space<semaphore_mem>>)
      } else {
      }
      %mul3A_85 = arith.constant 4 : i32
      %mul3A_86 = arith.muli %while3A_62, %mul3A_85 : i32
      %add3A_87 = arith.constant 1 : i32
      %add3A_88 = arith.addi %mul3A_86, %add3A_87 : i32
      %mul3A_89 = arith.constant 64 : i32
      %mul3A_90 = arith.muli %add3A_88, %mul3A_89 : i32
      %dma_wait3A_91 = tpu.memref_slice %arg7[%mul3A_90] : memref<11776xi32, #tpu.memory_space<vmem>> -> memref<64xi32, #tpu.memory_space<vmem>>
      %dma_wait3A_92 = arith.constant 0 : i32
      %dma_wait3A_93 = arith.constant 0 : i32
      %dma_wait3A_94 = tpu.memref_slice %arg2[%dma_wait3A_92, %dma_wait3A_93] : memref<10000x144xf32, #tpu.memory_space<hbm>> -> memref<10000x144xf32, #tpu.memory_space<hbm>>
      tpu.wait_indirect_dma semaphore(%arg15 : memref<!tpu.dma_semaphore, #tpu.memory_space<semaphore_mem>>) src(%dma_wait3A_94 : memref<10000x144xf32, #tpu.memory_space<hbm>>) dst(%arg11 : memref<64x144xf32, #tpu.memory_space<vmem>>)
      %ge3A_95 = arith.constant 1 : i32
      %ge3A_96 = arith.cmpi sge, %add3A_88, %ge3A_95 : i32
      %convert_element_type3A_97 = arith.extui %ge3A_96 : i1 to i32
      %cond3A_98 = arith.constant 0 : i32
      %cond3A_99 = arith.cmpi ne, %convert_element_type3A_97, %cond3A_98 : i32
      scf.if %cond3A_99 {
        %sub3A_166 = arith.constant 1 : i32
        %sub3A_167 = arith.subi %add3A_88, %sub3A_166 : i32
        %mul3A_168 = arith.constant 64 : i32
        %mul3A_169 = arith.muli %sub3A_167, %mul3A_168 : i32
        %dma_wait3A_170 = tpu.memref_slice %arg8[%mul3A_169] : memref<11776xi32, #tpu.memory_space<vmem>> -> memref<64xi32, #tpu.memory_space<vmem>>
        %dma_wait3A_171 = arith.constant 0 : i32
        %dma_wait3A_172 = arith.constant 0 : i32
        %dma_wait3A_173 = tpu.memref_slice %arg22[%dma_wait3A_171, %dma_wait3A_172] : memref<5120x144xf32, #tpu.memory_space<vmem_shared>> -> memref<5120x144xf32, #tpu.memory_space<vmem_shared>>
        tpu.wait_indirect_dma semaphore(%arg18 : memref<!tpu.dma_semaphore, #tpu.memory_space<semaphore_mem>>) src(%arg10 : memref<64x144xf32, #tpu.memory_space<vmem>>) dst(%dma_wait3A_173 : memref<5120x144xf32, #tpu.memory_space<vmem_shared>>)
      } else {
      }
      %mul3A_100 = arith.constant 64 : i32
      %mul3A_101 = arith.muli %add3A_88, %mul3A_100 : i32
      %dma_start3A_102 = tpu.memref_slice %arg8[%mul3A_101] : memref<11776xi32, #tpu.memory_space<vmem>> -> memref<64xi32, #tpu.memory_space<vmem>>
      %dma_start3A_103 = arith.constant 0 : i32
      %dma_start3A_104 = arith.constant 0 : i32
      %dma_start3A_105 = tpu.memref_slice %arg22[%dma_start3A_103, %dma_start3A_104] : memref<5120x144xf32, #tpu.memory_space<vmem_shared>> -> memref<5120x144xf32, #tpu.memory_space<vmem_shared>>
      tpu.enqueue_indirect_dma source(%arg11 : memref<64x144xf32, #tpu.memory_space<vmem>>) target(%dma_start3A_105 : memref<5120x144xf32, #tpu.memory_space<vmem_shared>>) offsets(%dma_start3A_102 : memref<64xi32, #tpu.memory_space<vmem>>) semaphore(%arg19 : memref<!tpu.dma_semaphore, #tpu.memory_space<semaphore_mem>>) {add = true}
      %add3A_106 = arith.constant 3 : i32
      %add3A_107 = arith.addi %add3A_88, %add3A_106 : i32
      %lt3A_108 = arith.cmpi slt, %add3A_107, %max3A_9 : i32
      %convert_element_type3A_109 = arith.extui %lt3A_108 : i1 to i32
      %cond3A_110 = arith.constant 0 : i32
      %cond3A_111 = arith.cmpi ne, %convert_element_type3A_109, %cond3A_110 : i32
      scf.if %cond3A_111 {
        %mul3A_166 = arith.constant 64 : i32
        %mul3A_167 = arith.muli %add3A_107, %mul3A_166 : i32
        %dma_start3A_168 = tpu.memref_slice %arg7[%mul3A_167] : memref<11776xi32, #tpu.memory_space<vmem>> -> memref<64xi32, #tpu.memory_space<vmem>>
        %dma_start3A_169 = arith.constant 0 : i32
        %dma_start3A_170 = arith.constant 0 : i32
        %dma_start3A_171 = tpu.memref_slice %arg2[%dma_start3A_169, %dma_start3A_170] : memref<10000x144xf32, #tpu.memory_space<hbm>> -> memref<10000x144xf32, #tpu.memory_space<hbm>>
        tpu.enqueue_indirect_dma source(%dma_start3A_171 : memref<10000x144xf32, #tpu.memory_space<hbm>>) target(%arg10 : memref<64x144xf32, #tpu.memory_space<vmem>>) offsets(%dma_start3A_168 : memref<64xi32, #tpu.memory_space<vmem>>) semaphore(%arg14 : memref<!tpu.dma_semaphore, #tpu.memory_space<semaphore_mem>>)
      } else {
      }
      %mul3A_112 = arith.constant 4 : i32
      %mul3A_113 = arith.muli %while3A_62, %mul3A_112 : i32
      %add3A_114 = arith.constant 2 : i32
      %add3A_115 = arith.addi %mul3A_113, %add3A_114 : i32
      %mul3A_116 = arith.constant 64 : i32
      %mul3A_117 = arith.muli %add3A_115, %mul3A_116 : i32
      %dma_wait3A_118 = tpu.memref_slice %arg7[%mul3A_117] : memref<11776xi32, #tpu.memory_space<vmem>> -> memref<64xi32, #tpu.memory_space<vmem>>
      %dma_wait3A_119 = arith.constant 0 : i32
      %dma_wait3A_120 = arith.constant 0 : i32
      %dma_wait3A_121 = tpu.memref_slice %arg2[%dma_wait3A_119, %dma_wait3A_120] : memref<10000x144xf32, #tpu.memory_space<hbm>> -> memref<10000x144xf32, #tpu.memory_space<hbm>>
      tpu.wait_indirect_dma semaphore(%arg16 : memref<!tpu.dma_semaphore, #tpu.memory_space<semaphore_mem>>) src(%dma_wait3A_121 : memref<10000x144xf32, #tpu.memory_space<hbm>>) dst(%arg12 : memref<64x144xf32, #tpu.memory_space<vmem>>)
      %ge3A_122 = arith.constant 1 : i32
      %ge3A_123 = arith.cmpi sge, %add3A_115, %ge3A_122 : i32
      %convert_element_type3A_124 = arith.extui %ge3A_123 : i1 to i32
      %cond3A_125 = arith.constant 0 : i32
      %cond3A_126 = arith.cmpi ne, %convert_element_type3A_124, %cond3A_125 : i32
      scf.if %cond3A_126 {
        %sub3A_166 = arith.constant 1 : i32
        %sub3A_167 = arith.subi %add3A_115, %sub3A_166 : i32
        %mul3A_168 = arith.constant 64 : i32
        %mul3A_169 = arith.muli %sub3A_167, %mul3A_168 : i32
        %dma_wait3A_170 = tpu.memref_slice %arg8[%mul3A_169] : memref<11776xi32, #tpu.memory_space<vmem>> -> memref<64xi32, #tpu.memory_space<vmem>>
        %dma_wait3A_171 = arith.constant 0 : i32
        %dma_wait3A_172 = arith.constant 0 : i32
        %dma_wait3A_173 = tpu.memref_slice %arg22[%dma_wait3A_171, %dma_wait3A_172] : memref<5120x144xf32, #tpu.memory_space<vmem_shared>> -> memref<5120x144xf32, #tpu.memory_space<vmem_shared>>
        tpu.wait_indirect_dma semaphore(%arg19 : memref<!tpu.dma_semaphore, #tpu.memory_space<semaphore_mem>>) src(%arg11 : memref<64x144xf32, #tpu.memory_space<vmem>>) dst(%dma_wait3A_173 : memref<5120x144xf32, #tpu.memory_space<vmem_shared>>)
      } else {
      }
      %mul3A_127 = arith.constant 64 : i32
      %mul3A_128 = arith.muli %add3A_115, %mul3A_127 : i32
      %dma_start3A_129 = tpu.memref_slice %arg8[%mul3A_128] : memref<11776xi32, #tpu.memory_space<vmem>> -> memref<64xi32, #tpu.memory_space<vmem>>
      %dma_start3A_130 = arith.constant 0 : i32
      %dma_start3A_131 = arith.constant 0 : i32
      %dma_start3A_132 = tpu.memref_slice %arg22[%dma_start3A_130, %dma_start3A_131] : memref<5120x144xf32, #tpu.memory_space<vmem_shared>> -> memref<5120x144xf32, #tpu.memory_space<vmem_shared>>
      tpu.enqueue_indirect_dma source(%arg12 : memref<64x144xf32, #tpu.memory_space<vmem>>) target(%dma_start3A_132 : memref<5120x144xf32, #tpu.memory_space<vmem_shared>>) offsets(%dma_start3A_129 : memref<64xi32, #tpu.memory_space<vmem>>) semaphore(%arg20 : memref<!tpu.dma_semaphore, #tpu.memory_space<semaphore_mem>>) {add = true}
      %add3A_133 = arith.constant 3 : i32
      %add3A_134 = arith.addi %add3A_115, %add3A_133 : i32
      %lt3A_135 = arith.cmpi slt, %add3A_134, %max3A_9 : i32
      %convert_element_type3A_136 = arith.extui %lt3A_135 : i1 to i32
      %cond3A_137 = arith.constant 0 : i32
      %cond3A_138 = arith.cmpi ne, %convert_element_type3A_136, %cond3A_137 : i32
      scf.if %cond3A_138 {
        %mul3A_166 = arith.constant 64 : i32
        %mul3A_167 = arith.muli %add3A_134, %mul3A_166 : i32
        %dma_start3A_168 = tpu.memref_slice %arg7[%mul3A_167] : memref<11776xi32, #tpu.memory_space<vmem>> -> memref<64xi32, #tpu.memory_space<vmem>>
        %dma_start3A_169 = arith.constant 0 : i32
        %dma_start3A_170 = arith.constant 0 : i32
        %dma_start3A_171 = tpu.memref_slice %arg2[%dma_start3A_169, %dma_start3A_170] : memref<10000x144xf32, #tpu.memory_space<hbm>> -> memref<10000x144xf32, #tpu.memory_space<hbm>>
        tpu.enqueue_indirect_dma source(%dma_start3A_171 : memref<10000x144xf32, #tpu.memory_space<hbm>>) target(%arg11 : memref<64x144xf32, #tpu.memory_space<vmem>>) offsets(%dma_start3A_168 : memref<64xi32, #tpu.memory_space<vmem>>) semaphore(%arg15 : memref<!tpu.dma_semaphore, #tpu.memory_space<semaphore_mem>>)
      } else {
      }
      %mul3A_139 = arith.constant 4 : i32
      %mul3A_140 = arith.muli %while3A_62, %mul3A_139 : i32
      %add3A_141 = arith.constant 3 : i32
      %add3A_142 = arith.addi %mul3A_140, %add3A_141 : i32
      %mul3A_143 = arith.constant 64 : i32
      %mul3A_144 = arith.muli %add3A_142, %mul3A_143 : i32
      %dma_wait3A_145 = tpu.memref_slice %arg7[%mul3A_144] : memref<11776xi32, #tpu.memory_space<vmem>> -> memref<64xi32, #tpu.memory_space<vmem>>
      %dma_wait3A_146 = arith.constant 0 : i32
      %dma_wait3A_147 = arith.constant 0 : i32
      %dma_wait3A_148 = tpu.memref_slice %arg2[%dma_wait3A_146, %dma_wait3A_147] : memref<10000x144xf32, #tpu.memory_space<hbm>> -> memref<10000x144xf32, #tpu.memory_space<hbm>>
      tpu.wait_indirect_dma semaphore(%arg17 : memref<!tpu.dma_semaphore, #tpu.memory_space<semaphore_mem>>) src(%dma_wait3A_148 : memref<10000x144xf32, #tpu.memory_space<hbm>>) dst(%arg13 : memref<64x144xf32, #tpu.memory_space<vmem>>)
      %ge3A_149 = arith.constant 1 : i32
      %ge3A_150 = arith.cmpi sge, %add3A_142, %ge3A_149 : i32
      %convert_element_type3A_151 = arith.extui %ge3A_150 : i1 to i32
      %cond3A_152 = arith.constant 0 : i32
      %cond3A_153 = arith.cmpi ne, %convert_element_type3A_151, %cond3A_152 : i32
      scf.if %cond3A_153 {
        %sub3A_166 = arith.constant 1 : i32
        %sub3A_167 = arith.subi %add3A_142, %sub3A_166 : i32
        %mul3A_168 = arith.constant 64 : i32
        %mul3A_169 = arith.muli %sub3A_167, %mul3A_168 : i32
        %dma_wait3A_170 = tpu.memref_slice %arg8[%mul3A_169] : memref<11776xi32, #tpu.memory_space<vmem>> -> memref<64xi32, #tpu.memory_space<vmem>>
        %dma_wait3A_171 = arith.constant 0 : i32
        %dma_wait3A_172 = arith.constant 0 : i32
        %dma_wait3A_173 = tpu.memref_slice %arg22[%dma_wait3A_171, %dma_wait3A_172] : memref<5120x144xf32, #tpu.memory_space<vmem_shared>> -> memref<5120x144xf32, #tpu.memory_space<vmem_shared>>
        tpu.wait_indirect_dma semaphore(%arg20 : memref<!tpu.dma_semaphore, #tpu.memory_space<semaphore_mem>>) src(%arg12 : memref<64x144xf32, #tpu.memory_space<vmem>>) dst(%dma_wait3A_173 : memref<5120x144xf32, #tpu.memory_space<vmem_shared>>)
      } else {
      }
      %mul3A_154 = arith.constant 64 : i32
      %mul3A_155 = arith.muli %add3A_142, %mul3A_154 : i32
      %dma_start3A_156 = tpu.memref_slice %arg8[%mul3A_155] : memref<11776xi32, #tpu.memory_space<vmem>> -> memref<64xi32, #tpu.memory_space<vmem>>
      %dma_start3A_157 = arith.constant 0 : i32
      %dma_start3A_158 = arith.constant 0 : i32
      %dma_start3A_159 = tpu.memref_slice %arg22[%dma_start3A_157, %dma_start3A_158] : memref<5120x144xf32, #tpu.memory_space<vmem_shared>> -> memref<5120x144xf32, #tpu.memory_space<vmem_shared>>
      tpu.enqueue_indirect_dma source(%arg13 : memref<64x144xf32, #tpu.memory_space<vmem>>) target(%dma_start3A_159 : memref<5120x144xf32, #tpu.memory_space<vmem_shared>>) offsets(%dma_start3A_156 : memref<64xi32, #tpu.memory_space<vmem>>) semaphore(%arg21 : memref<!tpu.dma_semaphore, #tpu.memory_space<semaphore_mem>>) {add = true}
      %add3A_160 = arith.constant 3 : i32
      %add3A_161 = arith.addi %add3A_142, %add3A_160 : i32
      %lt3A_162 = arith.cmpi slt, %add3A_161, %max3A_9 : i32
      %convert_element_type3A_163 = arith.extui %lt3A_162 : i1 to i32
      %cond3A_164 = arith.constant 0 : i32
      %cond3A_165 = arith.cmpi ne, %convert_element_type3A_163, %cond3A_164 : i32
      scf.if %cond3A_165 {
        %mul3A_166 = arith.constant 64 : i32
        %mul3A_167 = arith.muli %add3A_161, %mul3A_166 : i32
        %dma_start3A_168 = tpu.memref_slice %arg7[%mul3A_167] : memref<11776xi32, #tpu.memory_space<vmem>> -> memref<64xi32, #tpu.memory_space<vmem>>
        %dma_start3A_169 = arith.constant 0 : i32
        %dma_start3A_170 = arith.constant 0 : i32
        %dma_start3A_171 = tpu.memref_slice %arg2[%dma_start3A_169, %dma_start3A_170] : memref<10000x144xf32, #tpu.memory_space<hbm>> -> memref<10000x144xf32, #tpu.memory_space<hbm>>
        tpu.enqueue_indirect_dma source(%dma_start3A_171 : memref<10000x144xf32, #tpu.memory_space<hbm>>) target(%arg12 : memref<64x144xf32, #tpu.memory_space<vmem>>) offsets(%dma_start3A_168 : memref<64xi32, #tpu.memory_space<vmem>>) semaphore(%arg16 : memref<!tpu.dma_semaphore, #tpu.memory_space<semaphore_mem>>)
      } else {
      }
    }
    %while3A_49 = arith.constant 1 : i32
    scf.for %while3A_62 = %while3A_47 to %while3A_43 step %while3A_49  : i32 {
      %mul3A_63 = arith.constant 4 : i32
      %mul3A_64 = arith.muli %while3A_62, %mul3A_63 : i32
      %add3A = arith.constant 0 : i32
      %add3A_65 = arith.addi %mul3A_64, %add3A : i32
      %mul3A_66 = arith.constant 64 : i32
      %mul3A_67 = arith.muli %add3A_65, %mul3A_66 : i32
      %dma_wait3A_68 = tpu.memref_slice %arg7[%mul3A_67] : memref<11776xi32, #tpu.memory_space<vmem>> -> memref<64xi32, #tpu.memory_space<vmem>>
      %dma_wait3A_69 = arith.constant 0 : i32
      %dma_wait3A_70 = arith.constant 0 : i32
      %dma_wait3A_71 = tpu.memref_slice %arg2[%dma_wait3A_69, %dma_wait3A_70] : memref<10000x144xf32, #tpu.memory_space<hbm>> -> memref<10000x144xf32, #tpu.memory_space<hbm>>
      tpu.wait_indirect_dma semaphore(%arg14 : memref<!tpu.dma_semaphore, #tpu.memory_space<semaphore_mem>>) src(%dma_wait3A_71 : memref<10000x144xf32, #tpu.memory_space<hbm>>) dst(%arg10 : memref<64x144xf32, #tpu.memory_space<vmem>>)
      %ge3A = arith.constant 1 : i32
      %ge3A_72 = arith.cmpi sge, %add3A_65, %ge3A : i32
      %convert_element_type3A = arith.extui %ge3A_72 : i1 to i32
      %cond3A = arith.constant 0 : i32
      %cond3A_73 = arith.cmpi ne, %convert_element_type3A, %cond3A : i32
      scf.if %cond3A_73 {
        %sub3A_166 = arith.constant 1 : i32
        %sub3A_167 = arith.subi %add3A_65, %sub3A_166 : i32
        %mul3A_168 = arith.constant 64 : i32
        %mul3A_169 = arith.muli %sub3A_167, %mul3A_168 : i32
        %dma_wait3A_170 = tpu.memref_slice %arg8[%mul3A_169] : memref<11776xi32, #tpu.memory_space<vmem>> -> memref<64xi32, #tpu.memory_space<vmem>>
        %dma_wait3A_171 = arith.constant 0 : i32
        %dma_wait3A_172 = arith.constant 0 : i32
        %dma_wait3A_173 = tpu.memref_slice %arg22[%dma_wait3A_171, %dma_wait3A_172] : memref<5120x144xf32, #tpu.memory_space<vmem_shared>> -> memref<5120x144xf32, #tpu.memory_space<vmem_shared>>
        tpu.wait_indirect_dma semaphore(%arg21 : memref<!tpu.dma_semaphore, #tpu.memory_space<semaphore_mem>>) src(%arg13 : memref<64x144xf32, #tpu.memory_space<vmem>>) dst(%dma_wait3A_173 : memref<5120x144xf32, #tpu.memory_space<vmem_shared>>)
      } else {
      }
      %mul3A_74 = arith.constant 64 : i32
      %mul3A_75 = arith.muli %add3A_65, %mul3A_74 : i32
      %dma_start3A_76 = tpu.memref_slice %arg8[%mul3A_75] : memref<11776xi32, #tpu.memory_space<vmem>> -> memref<64xi32, #tpu.memory_space<vmem>>
      %dma_start3A_77 = arith.constant 0 : i32
      %dma_start3A_78 = arith.constant 0 : i32
      %dma_start3A_79 = tpu.memref_slice %arg22[%dma_start3A_77, %dma_start3A_78] : memref<5120x144xf32, #tpu.memory_space<vmem_shared>> -> memref<5120x144xf32, #tpu.memory_space<vmem_shared>>
      tpu.enqueue_indirect_dma source(%arg10 : memref<64x144xf32, #tpu.memory_space<vmem>>) target(%dma_start3A_79 : memref<5120x144xf32, #tpu.memory_space<vmem_shared>>) offsets(%dma_start3A_76 : memref<64xi32, #tpu.memory_space<vmem>>) semaphore(%arg18 : memref<!tpu.dma_semaphore, #tpu.memory_space<semaphore_mem>>) {add = true}
      %add3A_80 = arith.constant 3 : i32
      %add3A_81 = arith.addi %add3A_65, %add3A_80 : i32
      %lt3A = arith.cmpi slt, %add3A_81, %max3A_9 : i32
      %convert_element_type3A_82 = arith.extui %lt3A : i1 to i32
      %cond3A_83 = arith.constant 0 : i32
      %cond3A_84 = arith.cmpi ne, %convert_element_type3A_82, %cond3A_83 : i32
      scf.if %cond3A_84 {
        %mul3A_166 = arith.constant 64 : i32
        %mul3A_167 = arith.muli %add3A_81, %mul3A_166 : i32
        %dma_start3A_168 = tpu.memref_slice %arg7[%mul3A_167] : memref<11776xi32, #tpu.memory_space<vmem>> -> memref<64xi32, #tpu.memory_space<vmem>>
        %dma_start3A_169 = arith.constant 0 : i32
        %dma_start3A_170 = arith.constant 0 : i32
        %dma_start3A_171 = tpu.memref_slice %arg2[%dma_start3A_169, %dma_start3A_170] : memref<10000x144xf32, #tpu.memory_space<hbm>> -> memref<10000x144xf32, #tpu.memory_space<hbm>>
        tpu.enqueue_indirect_dma source(%dma_start3A_171 : memref<10000x144xf32, #tpu.memory_space<hbm>>) target(%arg13 : memref<64x144xf32, #tpu.memory_space<vmem>>) offsets(%dma_start3A_168 : memref<64xi32, #tpu.memory_space<vmem>>) semaphore(%arg17 : memref<!tpu.dma_semaphore, #tpu.memory_space<semaphore_mem>>)
      } else {
      }
      %mul3A_85 = arith.constant 4 : i32
      %mul3A_86 = arith.muli %while3A_62, %mul3A_85 : i32
      %add3A_87 = arith.constant 1 : i32
      %add3A_88 = arith.addi %mul3A_86, %add3A_87 : i32
      %mul3A_89 = arith.constant 64 : i32
      %mul3A_90 = arith.muli %add3A_88, %mul3A_89 : i32
      %dma_wait3A_91 = tpu.memref_slice %arg7[%mul3A_90] : memref<11776xi32, #tpu.memory_space<vmem>> -> memref<64xi32, #tpu.memory_space<vmem>>
      %dma_wait3A_92 = arith.constant 0 : i32
      %dma_wait3A_93 = arith.constant 0 : i32
      %dma_wait3A_94 = tpu.memref_slice %arg2[%dma_wait3A_92, %dma_wait3A_93] : memref<10000x144xf32, #tpu.memory_space<hbm>> -> memref<10000x144xf32, #tpu.memory_space<hbm>>
      tpu.wait_indirect_dma semaphore(%arg15 : memref<!tpu.dma_semaphore, #tpu.memory_space<semaphore_mem>>) src(%dma_wait3A_94 : memref<10000x144xf32, #tpu.memory_space<hbm>>) dst(%arg11 : memref<64x144xf32, #tpu.memory_space<vmem>>)
      %ge3A_95 = arith.constant 1 : i32
      %ge3A_96 = arith.cmpi sge, %add3A_88, %ge3A_95 : i32
      %convert_element_type3A_97 = arith.extui %ge3A_96 : i1 to i32
      %cond3A_98 = arith.constant 0 : i32
      %cond3A_99 = arith.cmpi ne, %convert_element_type3A_97, %cond3A_98 : i32
      scf.if %cond3A_99 {
        %sub3A_166 = arith.constant 1 : i32
        %sub3A_167 = arith.subi %add3A_88, %sub3A_166 : i32
        %mul3A_168 = arith.constant 64 : i32
        %mul3A_169 = arith.muli %sub3A_167, %mul3A_168 : i32
        %dma_wait3A_170 = tpu.memref_slice %arg8[%mul3A_169] : memref<11776xi32, #tpu.memory_space<vmem>> -> memref<64xi32, #tpu.memory_space<vmem>>
        %dma_wait3A_171 = arith.constant 0 : i32
        %dma_wait3A_172 = arith.constant 0 : i32
        %dma_wait3A_173 = tpu.memref_slice %arg22[%dma_wait3A_171, %dma_wait3A_172] : memref<5120x144xf32, #tpu.memory_space<vmem_shared>> -> memref<5120x144xf32, #tpu.memory_space<vmem_shared>>
        tpu.wait_indirect_dma semaphore(%arg18 : memref<!tpu.dma_semaphore, #tpu.memory_space<semaphore_mem>>) src(%arg10 : memref<64x144xf32, #tpu.memory_space<vmem>>) dst(%dma_wait3A_173 : memref<5120x144xf32, #tpu.memory_space<vmem_shared>>)
      } else {
      }
      %mul3A_100 = arith.constant 64 : i32
      %mul3A_101 = arith.muli %add3A_88, %mul3A_100 : i32
      %dma_start3A_102 = tpu.memref_slice %arg8[%mul3A_101] : memref<11776xi32, #tpu.memory_space<vmem>> -> memref<64xi32, #tpu.memory_space<vmem>>
      %dma_start3A_103 = arith.constant 0 : i32
      %dma_start3A_104 = arith.constant 0 : i32
      %dma_start3A_105 = tpu.memref_slice %arg22[%dma_start3A_103, %dma_start3A_104] : memref<5120x144xf32, #tpu.memory_space<vmem_shared>> -> memref<5120x144xf32, #tpu.memory_space<vmem_shared>>
      tpu.enqueue_indirect_dma source(%arg11 : memref<64x144xf32, #tpu.memory_space<vmem>>) target(%dma_start3A_105 : memref<5120x144xf32, #tpu.memory_space<vmem_shared>>) offsets(%dma_start3A_102 : memref<64xi32, #tpu.memory_space<vmem>>) semaphore(%arg19 : memref<!tpu.dma_semaphore, #tpu.memory_space<semaphore_mem>>) {add = true}
      %add3A_106 = arith.constant 3 : i32
      %add3A_107 = arith.addi %add3A_88, %add3A_106 : i32
      %lt3A_108 = arith.cmpi slt, %add3A_107, %max3A_9 : i32
      %convert_element_type3A_109 = arith.extui %lt3A_108 : i1 to i32
      %cond3A_110 = arith.constant 0 : i32
      %cond3A_111 = arith.cmpi ne, %convert_element_type3A_109, %cond3A_110 : i32
      scf.if %cond3A_111 {
        %mul3A_166 = arith.constant 64 : i32
        %mul3A_167 = arith.muli %add3A_107, %mul3A_166 : i32
        %dma_start3A_168 = tpu.memref_slice %arg7[%mul3A_167] : memref<11776xi32, #tpu.memory_space<vmem>> -> memref<64xi32, #tpu.memory_space<vmem>>
        %dma_start3A_169 = arith.constant 0 : i32
        %dma_start3A_170 = arith.constant 0 : i32
        %dma_start3A_171 = tpu.memref_slice %arg2[%dma_start3A_169, %dma_start3A_170] : memref<10000x144xf32, #tpu.memory_space<hbm>> -> memref<10000x144xf32, #tpu.memory_space<hbm>>
        tpu.enqueue_indirect_dma source(%dma_start3A_171 : memref<10000x144xf32, #tpu.memory_space<hbm>>) target(%arg10 : memref<64x144xf32, #tpu.memory_space<vmem>>) offsets(%dma_start3A_168 : memref<64xi32, #tpu.memory_space<vmem>>) semaphore(%arg14 : memref<!tpu.dma_semaphore, #tpu.memory_space<semaphore_mem>>)
      } else {
      }
      %mul3A_112 = arith.constant 4 : i32
      %mul3A_113 = arith.muli %while3A_62, %mul3A_112 : i32
      %add3A_114 = arith.constant 2 : i32
      %add3A_115 = arith.addi %mul3A_113, %add3A_114 : i32
      %mul3A_116 = arith.constant 64 : i32
      %mul3A_117 = arith.muli %add3A_115, %mul3A_116 : i32
      %dma_wait3A_118 = tpu.memref_slice %arg7[%mul3A_117] : memref<11776xi32, #tpu.memory_space<vmem>> -> memref<64xi32, #tpu.memory_space<vmem>>
      %dma_wait3A_119 = arith.constant 0 : i32
      %dma_wait3A_120 = arith.constant 0 : i32
      %dma_wait3A_121 = tpu.memref_slice %arg2[%dma_wait3A_119, %dma_wait3A_120] : memref<10000x144xf32, #tpu.memory_space<hbm>> -> memref<10000x144xf32, #tpu.memory_space<hbm>>
      tpu.wait_indirect_dma semaphore(%arg16 : memref<!tpu.dma_semaphore, #tpu.memory_space<semaphore_mem>>) src(%dma_wait3A_121 : memref<10000x144xf32, #tpu.memory_space<hbm>>) dst(%arg12 : memref<64x144xf32, #tpu.memory_space<vmem>>)
      %ge3A_122 = arith.constant 1 : i32
      %ge3A_123 = arith.cmpi sge, %add3A_115, %ge3A_122 : i32
      %convert_element_type3A_124 = arith.extui %ge3A_123 : i1 to i32
      %cond3A_125 = arith.constant 0 : i32
      %cond3A_126 = arith.cmpi ne, %convert_element_type3A_124, %cond3A_125 : i32
      scf.if %cond3A_126 {
        %sub3A_166 = arith.constant 1 : i32
        %sub3A_167 = arith.subi %add3A_115, %sub3A_166 : i32
        %mul3A_168 = arith.constant 64 : i32
        %mul3A_169 = arith.muli %sub3A_167, %mul3A_168 : i32
        %dma_wait3A_170 = tpu.memref_slice %arg8[%mul3A_169] : memref<11776xi32, #tpu.memory_space<vmem>> -> memref<64xi32, #tpu.memory_space<vmem>>
        %dma_wait3A_171 = arith.constant 0 : i32
        %dma_wait3A_172 = arith.constant 0 : i32
        %dma_wait3A_173 = tpu.memref_slice %arg22[%dma_wait3A_171, %dma_wait3A_172] : memref<5120x144xf32, #tpu.memory_space<vmem_shared>> -> memref<5120x144xf32, #tpu.memory_space<vmem_shared>>
        tpu.wait_indirect_dma semaphore(%arg19 : memref<!tpu.dma_semaphore, #tpu.memory_space<semaphore_mem>>) src(%arg11 : memref<64x144xf32, #tpu.memory_space<vmem>>) dst(%dma_wait3A_173 : memref<5120x144xf32, #tpu.memory_space<vmem_shared>>)
      } else {
      }
      %mul3A_127 = arith.constant 64 : i32
      %mul3A_128 = arith.muli %add3A_115, %mul3A_127 : i32
      %dma_start3A_129 = tpu.memref_slice %arg8[%mul3A_128] : memref<11776xi32, #tpu.memory_space<vmem>> -> memref<64xi32, #tpu.memory_space<vmem>>
      %dma_start3A_130 = arith.constant 0 : i32
      %dma_start3A_131 = arith.constant 0 : i32
      %dma_start3A_132 = tpu.memref_slice %arg22[%dma_start3A_130, %dma_start3A_131] : memref<5120x144xf32, #tpu.memory_space<vmem_shared>> -> memref<5120x144xf32, #tpu.memory_space<vmem_shared>>
      tpu.enqueue_indirect_dma source(%arg12 : memref<64x144xf32, #tpu.memory_space<vmem>>) target(%dma_start3A_132 : memref<5120x144xf32, #tpu.memory_space<vmem_shared>>) offsets(%dma_start3A_129 : memref<64xi32, #tpu.memory_space<vmem>>) semaphore(%arg20 : memref<!tpu.dma_semaphore, #tpu.memory_space<semaphore_mem>>) {add = true}
      %add3A_133 = arith.constant 3 : i32
      %add3A_134 = arith.addi %add3A_115, %add3A_133 : i32
      %lt3A_135 = arith.cmpi slt, %add3A_134, %max3A_9 : i32
      %convert_element_type3A_136 = arith.extui %lt3A_135 : i1 to i32
      %cond3A_137 = arith.constant 0 : i32
      %cond3A_138 = arith.cmpi ne, %convert_element_type3A_136, %cond3A_137 : i32
      scf.if %cond3A_138 {
        %mul3A_166 = arith.constant 64 : i32
        %mul3A_167 = arith.muli %add3A_134, %mul3A_166 : i32
        %dma_start3A_168 = tpu.memref_slice %arg7[%mul3A_167] : memref<11776xi32, #tpu.memory_space<vmem>> -> memref<64xi32, #tpu.memory_space<vmem>>
        %dma_start3A_169 = arith.constant 0 : i32
        %dma_start3A_170 = arith.constant 0 : i32
        %dma_start3A_171 = tpu.memref_slice %arg2[%dma_start3A_169, %dma_start3A_170] : memref<10000x144xf32, #tpu.memory_space<hbm>> -> memref<10000x144xf32, #tpu.memory_space<hbm>>
        tpu.enqueue_indirect_dma source(%dma_start3A_171 : memref<10000x144xf32, #tpu.memory_space<hbm>>) target(%arg11 : memref<64x144xf32, #tpu.memory_space<vmem>>) offsets(%dma_start3A_168 : memref<64xi32, #tpu.memory_space<vmem>>) semaphore(%arg15 : memref<!tpu.dma_semaphore, #tpu.memory_space<semaphore_mem>>)
      } else {
      }
      %mul3A_139 = arith.constant 4 : i32
      %mul3A_140 = arith.muli %while3A_62, %mul3A_139 : i32
      %add3A_141 = arith.constant 3 : i32
      %add3A_142 = arith.addi %mul3A_140, %add3A_141 : i32
      %mul3A_143 = arith.constant 64 : i32
      %mul3A_144 = arith.muli %add3A_142, %mul3A_143 : i32
      %dma_wait3A_145 = tpu.memref_slice %arg7[%mul3A_144] : memref<11776xi32, #tpu.memory_space<vmem>> -> memref<64xi32, #tpu.memory_space<vmem>>
      %dma_wait3A_146 = arith.constant 0 : i32
      %dma_wait3A_147 = arith.constant 0 : i32
      %dma_wait3A_148 = tpu.memref_slice %arg2[%dma_wait3A_146, %dma_wait3A_147] : memref<10000x144xf32, #tpu.memory_space<hbm>> -> memref<10000x144xf32, #tpu.memory_space<hbm>>
      tpu.wait_indirect_dma semaphore(%arg17 : memref<!tpu.dma_semaphore, #tpu.memory_space<semaphore_mem>>) src(%dma_wait3A_148 : memref<10000x144xf32, #tpu.memory_space<hbm>>) dst(%arg13 : memref<64x144xf32, #tpu.memory_space<vmem>>)
      %ge3A_149 = arith.constant 1 : i32
      %ge3A_150 = arith.cmpi sge, %add3A_142, %ge3A_149 : i32
      %convert_element_type3A_151 = arith.extui %ge3A_150 : i1 to i32
      %cond3A_152 = arith.constant 0 : i32
      %cond3A_153 = arith.cmpi ne, %convert_element_type3A_151, %cond3A_152 : i32
      scf.if %cond3A_153 {
        %sub3A_166 = arith.constant 1 : i32
        %sub3A_167 = arith.subi %add3A_142, %sub3A_166 : i32
        %mul3A_168 = arith.constant 64 : i32
        %mul3A_169 = arith.muli %sub3A_167, %mul3A_168 : i32
        %dma_wait3A_170 = tpu.memref_slice %arg8[%mul3A_169] : memref<11776xi32, #tpu.memory_space<vmem>> -> memref<64xi32, #tpu.memory_space<vmem>>
        %dma_wait3A_171 = arith.constant 0 : i32
        %dma_wait3A_172 = arith.constant 0 : i32
        %dma_wait3A_173 = tpu.memref_slice %arg22[%dma_wait3A_171, %dma_wait3A_172] : memref<5120x144xf32, #tpu.memory_space<vmem_shared>> -> memref<5120x144xf32, #tpu.memory_space<vmem_shared>>
        tpu.wait_indirect_dma semaphore(%arg20 : memref<!tpu.dma_semaphore, #tpu.memory_space<semaphore_mem>>) src(%arg12 : memref<64x144xf32, #tpu.memory_space<vmem>>) dst(%dma_wait3A_173 : memref<5120x144xf32, #tpu.memory_space<vmem_shared>>)
      } else {
      }
      %mul3A_154 = arith.constant 64 : i32
      %mul3A_155 = arith.muli %add3A_142, %mul3A_154 : i32
      %dma_start3A_156 = tpu.memref_slice %arg8[%mul3A_155] : memref<11776xi32, #tpu.memory_space<vmem>> -> memref<64xi32, #tpu.memory_space<vmem>>
      %dma_start3A_157 = arith.constant 0 : i32
      %dma_start3A_158 = arith.constant 0 : i32
      %dma_start3A_159 = tpu.memref_slice %arg22[%dma_start3A_157, %dma_start3A_158] : memref<5120x144xf32, #tpu.memory_space<vmem_shared>> -> memref<5120x144xf32, #tpu.memory_space<vmem_shared>>
      tpu.enqueue_indirect_dma source(%arg13 : memref<64x144xf32, #tpu.memory_space<vmem>>) target(%dma_start3A_159 : memref<5120x144xf32, #tpu.memory_space<vmem_shared>>) offsets(%dma_start3A_156 : memref<64xi32, #tpu.memory_space<vmem>>) semaphore(%arg21 : memref<!tpu.dma_semaphore, #tpu.memory_space<semaphore_mem>>) {add = true}
      %add3A_160 = arith.constant 3 : i32
      %add3A_161 = arith.addi %add3A_142, %add3A_160 : i32
      %lt3A_162 = arith.cmpi slt, %add3A_161, %max3A_9 : i32
      %convert_element_type3A_163 = arith.extui %lt3A_162 : i1 to i32
      %cond3A_164 = arith.constant 0 : i32
      %cond3A_165 = arith.cmpi ne, %convert_element_type3A_163, %cond3A_164 : i32
      scf.if %cond3A_165 {
        %mul3A_166 = arith.constant 64 : i32
        %mul3A_167 = arith.muli %add3A_161, %mul3A_166 : i32
        %dma_start3A_168 = tpu.memref_slice %arg7[%mul3A_167] : memref<11776xi32, #tpu.memory_space<vmem>> -> memref<64xi32, #tpu.memory_space<vmem>>
        %dma_start3A_169 = arith.constant 0 : i32
        %dma_start3A_170 = arith.constant 0 : i32
        %dma_start3A_171 = tpu.memref_slice %arg2[%dma_start3A_169, %dma_start3A_170] : memref<10000x144xf32, #tpu.memory_space<hbm>> -> memref<10000x144xf32, #tpu.memory_space<hbm>>
        tpu.enqueue_indirect_dma source(%dma_start3A_171 : memref<10000x144xf32, #tpu.memory_space<hbm>>) target(%arg12 : memref<64x144xf32, #tpu.memory_space<vmem>>) offsets(%dma_start3A_168 : memref<64xi32, #tpu.memory_space<vmem>>) semaphore(%arg16 : memref<!tpu.dma_semaphore, #tpu.memory_space<semaphore_mem>>)
      } else {
      }
    }
    %sub3A_50 = arith.constant 1 : i32
    %sub3A_51 = arith.subi %max3A_9, %sub3A_50 : i32
    %mul3A_52 = arith.constant 64 : i32
    %mul3A_53 = arith.muli %sub3A_51, %mul3A_52 : i32
    %dma_wait3A = tpu.memref_slice %arg8[%mul3A_53] : memref<11776xi32, #tpu.memory_space<vmem>> -> memref<64xi32, #tpu.memory_space<vmem>>
    %dma_wait3A_54 = arith.constant 0 : i32
    %dma_wait3A_55 = arith.constant 0 : i32
    %dma_wait3A_56 = tpu.memref_slice %arg22[%dma_wait3A_54, %dma_wait3A_55] : memref<5120x144xf32, #tpu.memory_space<vmem_shared>> -> memref<5120x144xf32, #tpu.memory_space<vmem_shared>>
    tpu.wait_indirect_dma semaphore(%arg21 : memref<!tpu.dma_semaphore, #tpu.memory_space<semaphore_mem>>) src(%arg13 : memref<64x144xf32, #tpu.memory_space<vmem>>) dst(%dma_wait3A_56 : memref<5120x144xf32, #tpu.memory_space<vmem_shared>>)
    %barrier3A_57 = arith.constant 0 : index
    tpu.barrier barrier_id(%barrier3A_57)
    %mul3A_58 = arith.constant 320 : i32
    %mul3A_59 = arith.muli %arg1, %mul3A_58 : i32
    %mul3A_60 = arith.constant 320 : i32
    %mul3A_61 = arith.muli %arg1, %mul3A_60 : i32
    "tpu.region"() ({
      %run_scoped3A_62 = tpu.sem_alloc : memref<!tpu.dma_semaphore, #tpu.memory_space<semaphore_mem>>
      %dma_start3A_63 = arith.constant 0 : i32
      %dma_start3A_64 = tpu.memref_slice %arg6[%arg0, %mul3A_61, %dma_start3A_63] : memref<2x5120x144xf32, #tpu.memory_space<hbm>> -> memref<1x320x144xf32, #tpu.memory_space<hbm>>
      %dma_start3A_65 = tpu.memref_squeeze %dma_start3A_64 : memref<1x320x144xf32, #tpu.memory_space<hbm>> -> memref<320x144xf32, #tpu.memory_space<hbm>>
      %dma_start3A_66 = arith.constant 0 : i32
      %dma_start3A_67 = tpu.memref_slice %arg22[%mul3A_59, %dma_start3A_66] : memref<5120x144xf32, #tpu.memory_space<vmem_shared>> -> memref<320x144xf32, #tpu.memory_space<vmem_shared>>
      tpu.enqueue_dma source(%dma_start3A_67 : memref<320x144xf32, #tpu.memory_space<vmem_shared>>) target(%dma_start3A_65 : memref<320x144xf32, #tpu.memory_space<hbm>>) target_semaphore(%run_scoped3A_62 : memref<!tpu.dma_semaphore, #tpu.memory_space<semaphore_mem>>)
      %dma_wait3A_68 = arith.constant 0 : i32
      %dma_wait3A_69 = tpu.memref_slice %arg6[%arg0, %mul3A_61, %dma_wait3A_68] : memref<2x5120x144xf32, #tpu.memory_space<hbm>> -> memref<1x320x144xf32, #tpu.memory_space<hbm>>
      %dma_wait3A_70 = tpu.memref_squeeze %dma_wait3A_69 : memref<1x320x144xf32, #tpu.memory_space<hbm>> -> memref<320x144xf32, #tpu.memory_space<hbm>>
      %dma_wait3A_71 = arith.constant 0 : i32
      %dma_wait3A_72 = tpu.memref_slice %arg22[%mul3A_59, %dma_wait3A_71] : memref<5120x144xf32, #tpu.memory_space<vmem_shared>> -> memref<320x144xf32, #tpu.memory_space<vmem_shared>>
      tpu.wait_dma2 semaphore(%run_scoped3A_62 : memref<!tpu.dma_semaphore, #tpu.memory_space<semaphore_mem>>) src(%dma_wait3A_72 : memref<320x144xf32, #tpu.memory_space<vmem_shared>>) dst(%dma_wait3A_70 : memref<320x144xf32, #tpu.memory_space<hbm>>)
      tpu.yield
    }) : () -> ()
    return
  }
}

module attributes {stable_mosaic.version = 14 : i64} {
  func.func @_tc_layer_body(%arg0: memref<2x5120x144xf32, #tpu.memory_space<vmem>>, %arg1: memref<10000x144xf32, #tpu.memory_space<vmem>>, %arg2: memref<128x128xf32, #tpu.memory_space<vmem>>, %arg3: memref<128xf32, #tpu.memory_space<vmem>>, %arg4: memref<128x128xf32, #tpu.memory_space<vmem>>, %arg5: memref<128xf32, #tpu.memory_space<vmem>>, %arg6: memref<128xf32, #tpu.memory_space<vmem>>, %arg7: memref<10000x144xf32, #tpu.memory_space<vmem>>) attributes {dimension_semantics = [], scalar_prefetch = 0 : i64, scratch_operands = 0 : i64, tpu.core_type = #tpu.core_type<tc>} {
    %get3A = arith.constant 0 : index
    %get3A_0 = arith.constant 0 : index
    %get3A_1 = arith.constant 0 : index
    %get3A_2 = vector.load %arg0[%get3A, %get3A_0, %get3A_1] : memref<2x5120x144xf32, #tpu.memory_space<vmem>>, vector<2x5120x144xf32>
    %get3A_3 = arith.constant 0 : index
    %get3A_4 = arith.constant 0 : index
    %get3A_5 = vector.load %arg1[%get3A_3, %get3A_4] : memref<10000x144xf32, #tpu.memory_space<vmem>>, vector<10000x144xf32>
    %get3A_6 = arith.constant 0 : index
    %get3A_7 = arith.constant 0 : index
    %get3A_8 = vector.load %arg2[%get3A_6, %get3A_7] : memref<128x128xf32, #tpu.memory_space<vmem>>, vector<128x128xf32>
    %get3A_9 = arith.constant 0 : index
    %get3A_10 = vector.load %arg3[%get3A_9] : memref<128xf32, #tpu.memory_space<vmem>>, vector<128xf32>
    %get3A_11 = arith.constant 0 : index
    %get3A_12 = arith.constant 0 : index
    %get3A_13 = vector.load %arg4[%get3A_11, %get3A_12] : memref<128x128xf32, #tpu.memory_space<vmem>>, vector<128x128xf32>
    %get3A_14 = arith.constant 0 : index
    %get3A_15 = vector.load %arg5[%get3A_14] : memref<128xf32, #tpu.memory_space<vmem>>, vector<128xf32>
    %get3A_16 = arith.constant 0 : index
    %get3A_17 = vector.load %arg6[%get3A_16] : memref<128xf32, #tpu.memory_space<vmem>>, vector<128xf32>
    %slice3A = vector.extract_strided_slice %get3A_2 {offsets = [0, 0, 0], sizes = [1, 5000, 144], strides = [1, 1, 1]} : vector<2x5120x144xf32> to vector<1x5000x144xf32>
    %squeeze3A = vector.shape_cast %slice3A : vector<1x5000x144xf32> to vector<5000x144xf32>
    %slice3A_18 = vector.extract_strided_slice %get3A_2 {offsets = [1, 0, 0], sizes = [1, 5000, 144], strides = [1, 1, 1]} : vector<2x5120x144xf32> to vector<1x5000x144xf32>
    %squeeze3A_19 = vector.shape_cast %slice3A_18 : vector<1x5000x144xf32> to vector<5000x144xf32>
    %concatenate3A = tpu.concatenate %squeeze3A, %squeeze3A_19 in 0 : vector<5000x144xf32>, vector<5000x144xf32> -> vector<10000x144xf32>
    %slice3A_20 = vector.extract_strided_slice %concatenate3A {offsets = [0, 128], sizes = [10000, 1], strides = [1, 1]} : vector<10000x144xf32> to vector<10000x1xf32>
    %max3A = arith.constant 1.000000e+00 : f32
    %max3A_21 = vector.broadcast %max3A : f32 to vector<10000x1xf32>
    %max3A_22 = arith.maximumf %slice3A_20, %max3A_21 : vector<10000x1xf32>
    %slice3A_23 = vector.extract_strided_slice %concatenate3A {offsets = [0, 0], sizes = [10000, 128], strides = [1, 1]} : vector<10000x144xf32> to vector<10000x128xf32>
    %div3A = vector.broadcast %max3A_22 : vector<10000x1xf32> to vector<10000x128xf32>
    %div3A_24 = arith.divf %slice3A_23, %div3A : vector<10000x128xf32>
    %dot_general3A = arith.constant dense<0.000000e+00> : vector<10000x128xf32>
    %dot_general3A_25 = tpu.matmul %div3A_24, %get3A_8, %dot_general3A {dimension_numbers = #tpu.dot_dimension_numbers<[1], [0], [0], [1], [0, 0, 1, 1], [], []>, transpose_lhs_hint = false} : vector<10000x128xf32>, vector<128x128xf32>, vector<10000x128xf32> -> vector<10000x128xf32>
    %broadcast_in_dim3A = vector.shape_cast %get3A_10 : vector<128xf32> to vector<1x128xf32>
    %add3A = vector.broadcast %broadcast_in_dim3A : vector<1x128xf32> to vector<10000x128xf32>
    %add3A_26 = arith.addf %dot_general3A_25, %add3A : vector<10000x128xf32>
    %slice3A_27 = vector.extract_strided_slice %get3A_5 {offsets = [0, 0], sizes = [10000, 128], strides = [1, 1]} : vector<10000x144xf32> to vector<10000x128xf32>
    %dot_general3A_28 = arith.constant dense<0.000000e+00> : vector<10000x128xf32>
    %dot_general3A_29 = tpu.matmul %slice3A_27, %get3A_13, %dot_general3A_28 {dimension_numbers = #tpu.dot_dimension_numbers<[1], [0], [0], [1], [0, 0, 1, 1], [], []>, transpose_lhs_hint = false} : vector<10000x128xf32>, vector<128x128xf32>, vector<10000x128xf32> -> vector<10000x128xf32>
    %add3A_30 = arith.addf %add3A_26, %dot_general3A_29 : vector<10000x128xf32>
    %reduce_sum3A = arith.constant dense<0.000000e+00> : vector<128xf32>
    %reduce_sum3A_31 = vector.multi_reduction <add>, %add3A_30, %reduce_sum3A [0] : vector<10000x128xf32> to vector<128xf32>
    %broadcast_in_dim3A_32 = vector.shape_cast %reduce_sum3A_31 : vector<128xf32> to vector<1x128xf32>
    %div3A_33 = arith.constant 1.000000e+04 : f32
    %div3A_34 = vector.broadcast %div3A_33 : f32 to vector<1x128xf32>
    %div3A_35 = arith.divf %broadcast_in_dim3A_32, %div3A_34 : vector<1x128xf32>
    %sub3A = vector.broadcast %div3A_35 : vector<1x128xf32> to vector<10000x128xf32>
    %sub3A_36 = arith.subf %add3A_30, %sub3A : vector<10000x128xf32>
    %sub3A_37 = vector.broadcast %div3A_35 : vector<1x128xf32> to vector<10000x128xf32>
    %sub3A_38 = arith.subf %add3A_30, %sub3A_37 : vector<10000x128xf32>
    %mul3A = arith.mulf %sub3A_36, %sub3A_38 : vector<10000x128xf32>
    %reduce_sum3A_39 = arith.constant dense<0.000000e+00> : vector<128xf32>
    %reduce_sum3A_40 = vector.multi_reduction <add>, %mul3A, %reduce_sum3A_39 [0] : vector<10000x128xf32> to vector<128xf32>
    %broadcast_in_dim3A_41 = vector.shape_cast %reduce_sum3A_40 : vector<128xf32> to vector<1x128xf32>
    %div3A_42 = arith.constant 1.000000e+04 : f32
    %div3A_43 = vector.broadcast %div3A_42 : f32 to vector<1x128xf32>
    %div3A_44 = arith.divf %broadcast_in_dim3A_41, %div3A_43 : vector<1x128xf32>
    %sub3A_45 = vector.broadcast %div3A_35 : vector<1x128xf32> to vector<10000x128xf32>
    %sub3A_46 = arith.subf %add3A_30, %sub3A_45 : vector<10000x128xf32>
    %add3A_47 = arith.constant 9.99999974E-6 : f32
    %add3A_48 = vector.broadcast %add3A_47 : f32 to vector<1x128xf32>
    %add3A_49 = arith.addf %div3A_44, %add3A_48 : vector<1x128xf32>
    %rsqrt3A = math.rsqrt %add3A_49 : vector<1x128xf32>
    %mul3A_50 = vector.broadcast %rsqrt3A : vector<1x128xf32> to vector<10000x128xf32>
    %mul3A_51 = arith.mulf %sub3A_46, %mul3A_50 : vector<10000x128xf32>
    %broadcast_in_dim3A_52 = vector.shape_cast %get3A_15 : vector<128xf32> to vector<1x128xf32>
    %mul3A_53 = vector.broadcast %broadcast_in_dim3A_52 : vector<1x128xf32> to vector<10000x128xf32>
    %mul3A_54 = arith.mulf %mul3A_51, %mul3A_53 : vector<10000x128xf32>
    %broadcast_in_dim3A_55 = vector.shape_cast %get3A_17 : vector<128xf32> to vector<1x128xf32>
    %add3A_56 = vector.broadcast %broadcast_in_dim3A_55 : vector<1x128xf32> to vector<10000x128xf32>
    %add3A_57 = arith.addf %mul3A_54, %add3A_56 : vector<10000x128xf32>
    %max3A_58 = arith.constant 0.000000e+00 : f32
    %max3A_59 = vector.broadcast %max3A_58 : f32 to vector<10000x128xf32>
    %max3A_60 = arith.maximumf %add3A_57, %max3A_59 : vector<10000x128xf32>
    %swap3A = arith.constant 0 : index
    %swap3A_61 = arith.constant 0 : index
    %swap3A_62 = vector.load %arg7[%swap3A, %swap3A_61] : memref<10000x144xf32, #tpu.memory_space<vmem>>, vector<10000x128xf32>
    tpu.vector_store %arg7[%swap3A, %swap3A_61], %max3A_60 {strides = array<i32>} : memref<10000x144xf32, #tpu.memory_space<vmem>>, vector<10000x128xf32>,
    %iota3A = tpu.iota {dimensions = array<i32: 1>} : vector<10000x16xi32>
    %eq3A = arith.constant 0 : i32
    %eq3A_63 = vector.broadcast %eq3A : i32 to vector<10000x16xi32>
    %eq3A_64 = arith.cmpi eq, %iota3A, %eq3A_63 : vector<10000x16xi32>
    %jit3A = arith.constant 1.000000e+00 : f32
    %jit3A_65 = arith.constant 0.000000e+00 : f32
    %broadcast_in_dim3A_66 = vector.broadcast %jit3A : f32 to vector<10000x16xf32>
    %broadcast_in_dim3A_67 = vector.broadcast %jit3A_65 : f32 to vector<10000x16xf32>
    %select_n3A = arith.select %eq3A_64, %broadcast_in_dim3A_66, %broadcast_in_dim3A_67 : vector<10000x16xi1>, vector<10000x16xf32>
    %swap3A_68 = arith.constant 0 : index
    %swap3A_69 = arith.constant 128 : index
    %swap3A_70 = vector.load %arg7[%swap3A_68, %swap3A_69] : memref<10000x144xf32, #tpu.memory_space<vmem>>, vector<10000x16xf32>
    tpu.vector_store %arg7[%swap3A_68, %swap3A_69], %select_n3A {strides = array<i32>} : memref<10000x144xf32, #tpu.memory_space<vmem>>, vector<10000x16xf32>,
    return
  }
}

module attributes {stable_mosaic.version = 14 : i64} {
  func.func @_tc_last_body(%arg0: memref<2x5120x144xf32, #tpu.memory_space<vmem>>, %arg1: memref<10000x144xf32, #tpu.memory_space<vmem>>, %arg2: memref<128x128xf32, #tpu.memory_space<vmem>>, %arg3: memref<128xf32, #tpu.memory_space<vmem>>, %arg4: memref<128x128xf32, #tpu.memory_space<vmem>>, %arg5: memref<128xf32, #tpu.memory_space<vmem>>, %arg6: memref<128xf32, #tpu.memory_space<vmem>>, %arg7: memref<128x1xf32, #tpu.memory_space<vmem>>, %arg8: memref<1xf32, #tpu.memory_space<vmem>>, %arg9: memref<10000x1xf32, #tpu.memory_space<vmem>>) attributes {dimension_semantics = [], scalar_prefetch = 0 : i64, scratch_operands = 0 : i64, tpu.core_type = #tpu.core_type<tc>} {
    %get3A = arith.constant 0 : index
    %get3A_0 = arith.constant 0 : index
    %get3A_1 = arith.constant 0 : index
    %get3A_2 = vector.load %arg0[%get3A, %get3A_0, %get3A_1] : memref<2x5120x144xf32, #tpu.memory_space<vmem>>, vector<2x5120x144xf32>
    %get3A_3 = arith.constant 0 : index
    %get3A_4 = arith.constant 0 : index
    %get3A_5 = vector.load %arg1[%get3A_3, %get3A_4] : memref<10000x144xf32, #tpu.memory_space<vmem>>, vector<10000x144xf32>
    %get3A_6 = arith.constant 0 : index
    %get3A_7 = arith.constant 0 : index
    %get3A_8 = vector.load %arg2[%get3A_6, %get3A_7] : memref<128x128xf32, #tpu.memory_space<vmem>>, vector<128x128xf32>
    %get3A_9 = arith.constant 0 : index
    %get3A_10 = vector.load %arg3[%get3A_9] : memref<128xf32, #tpu.memory_space<vmem>>, vector<128xf32>
    %get3A_11 = arith.constant 0 : index
    %get3A_12 = arith.constant 0 : index
    %get3A_13 = vector.load %arg4[%get3A_11, %get3A_12] : memref<128x128xf32, #tpu.memory_space<vmem>>, vector<128x128xf32>
    %get3A_14 = arith.constant 0 : index
    %get3A_15 = vector.load %arg5[%get3A_14] : memref<128xf32, #tpu.memory_space<vmem>>, vector<128xf32>
    %get3A_16 = arith.constant 0 : index
    %get3A_17 = vector.load %arg6[%get3A_16] : memref<128xf32, #tpu.memory_space<vmem>>, vector<128xf32>
    %slice3A = vector.extract_strided_slice %get3A_2 {offsets = [0, 0, 0], sizes = [1, 5000, 144], strides = [1, 1, 1]} : vector<2x5120x144xf32> to vector<1x5000x144xf32>
    %squeeze3A = vector.shape_cast %slice3A : vector<1x5000x144xf32> to vector<5000x144xf32>
    %slice3A_18 = vector.extract_strided_slice %get3A_2 {offsets = [1, 0, 0], sizes = [1, 5000, 144], strides = [1, 1, 1]} : vector<2x5120x144xf32> to vector<1x5000x144xf32>
    %squeeze3A_19 = vector.shape_cast %slice3A_18 : vector<1x5000x144xf32> to vector<5000x144xf32>
    %concatenate3A = tpu.concatenate %squeeze3A, %squeeze3A_19 in 0 : vector<5000x144xf32>, vector<5000x144xf32> -> vector<10000x144xf32>
    %slice3A_20 = vector.extract_strided_slice %concatenate3A {offsets = [0, 128], sizes = [10000, 1], strides = [1, 1]} : vector<10000x144xf32> to vector<10000x1xf32>
    %max3A = arith.constant 1.000000e+00 : f32
    %max3A_21 = vector.broadcast %max3A : f32 to vector<10000x1xf32>
    %max3A_22 = arith.maximumf %slice3A_20, %max3A_21 : vector<10000x1xf32>
    %slice3A_23 = vector.extract_strided_slice %concatenate3A {offsets = [0, 0], sizes = [10000, 128], strides = [1, 1]} : vector<10000x144xf32> to vector<10000x128xf32>
    %div3A = vector.broadcast %max3A_22 : vector<10000x1xf32> to vector<10000x128xf32>
    %div3A_24 = arith.divf %slice3A_23, %div3A : vector<10000x128xf32>
    %dot_general3A = arith.constant dense<0.000000e+00> : vector<10000x128xf32>
    %dot_general3A_25 = tpu.matmul %div3A_24, %get3A_8, %dot_general3A {dimension_numbers = #tpu.dot_dimension_numbers<[1], [0], [0], [1], [0, 0, 1, 1], [], []>, transpose_lhs_hint = false} : vector<10000x128xf32>, vector<128x128xf32>, vector<10000x128xf32> -> vector<10000x128xf32>
    %broadcast_in_dim3A = vector.shape_cast %get3A_10 : vector<128xf32> to vector<1x128xf32>
    %add3A = vector.broadcast %broadcast_in_dim3A : vector<1x128xf32> to vector<10000x128xf32>
    %add3A_26 = arith.addf %dot_general3A_25, %add3A : vector<10000x128xf32>
    %slice3A_27 = vector.extract_strided_slice %get3A_5 {offsets = [0, 0], sizes = [10000, 128], strides = [1, 1]} : vector<10000x144xf32> to vector<10000x128xf32>
    %dot_general3A_28 = arith.constant dense<0.000000e+00> : vector<10000x128xf32>
    %dot_general3A_29 = tpu.matmul %slice3A_27, %get3A_13, %dot_general3A_28 {dimension_numbers = #tpu.dot_dimension_numbers<[1], [0], [0], [1], [0, 0, 1, 1], [], []>, transpose_lhs_hint = false} : vector<10000x128xf32>, vector<128x128xf32>, vector<10000x128xf32> -> vector<10000x128xf32>
    %add3A_30 = arith.addf %add3A_26, %dot_general3A_29 : vector<10000x128xf32>
    %reduce_sum3A = arith.constant dense<0.000000e+00> : vector<128xf32>
    %reduce_sum3A_31 = vector.multi_reduction <add>, %add3A_30, %reduce_sum3A [0] : vector<10000x128xf32> to vector<128xf32>
    %broadcast_in_dim3A_32 = vector.shape_cast %reduce_sum3A_31 : vector<128xf32> to vector<1x128xf32>
    %div3A_33 = arith.constant 1.000000e+04 : f32
    %div3A_34 = vector.broadcast %div3A_33 : f32 to vector<1x128xf32>
    %div3A_35 = arith.divf %broadcast_in_dim3A_32, %div3A_34 : vector<1x128xf32>
    %sub3A = vector.broadcast %div3A_35 : vector<1x128xf32> to vector<10000x128xf32>
    %sub3A_36 = arith.subf %add3A_30, %sub3A : vector<10000x128xf32>
    %sub3A_37 = vector.broadcast %div3A_35 : vector<1x128xf32> to vector<10000x128xf32>
    %sub3A_38 = arith.subf %add3A_30, %sub3A_37 : vector<10000x128xf32>
    %mul3A = arith.mulf %sub3A_36, %sub3A_38 : vector<10000x128xf32>
    %reduce_sum3A_39 = arith.constant dense<0.000000e+00> : vector<128xf32>
    %reduce_sum3A_40 = vector.multi_reduction <add>, %mul3A, %reduce_sum3A_39 [0] : vector<10000x128xf32> to vector<128xf32>
    %broadcast_in_dim3A_41 = vector.shape_cast %reduce_sum3A_40 : vector<128xf32> to vector<1x128xf32>
    %div3A_42 = arith.constant 1.000000e+04 : f32
    %div3A_43 = vector.broadcast %div3A_42 : f32 to vector<1x128xf32>
    %div3A_44 = arith.divf %broadcast_in_dim3A_41, %div3A_43 : vector<1x128xf32>
    %sub3A_45 = vector.broadcast %div3A_35 : vector<1x128xf32> to vector<10000x128xf32>
    %sub3A_46 = arith.subf %add3A_30, %sub3A_45 : vector<10000x128xf32>
    %add3A_47 = arith.constant 9.99999974E-6 : f32
    %add3A_48 = vector.broadcast %add3A_47 : f32 to vector<1x128xf32>
    %add3A_49 = arith.addf %div3A_44, %add3A_48 : vector<1x128xf32>
    %rsqrt3A = math.rsqrt %add3A_49 : vector<1x128xf32>
    %mul3A_50 = vector.broadcast %rsqrt3A : vector<1x128xf32> to vector<10000x128xf32>
    %mul3A_51 = arith.mulf %sub3A_46, %mul3A_50 : vector<10000x128xf32>
    %broadcast_in_dim3A_52 = vector.shape_cast %get3A_15 : vector<128xf32> to vector<1x128xf32>
    %mul3A_53 = vector.broadcast %broadcast_in_dim3A_52 : vector<1x128xf32> to vector<10000x128xf32>
    %mul3A_54 = arith.mulf %mul3A_51, %mul3A_53 : vector<10000x128xf32>
    %broadcast_in_dim3A_55 = vector.shape_cast %get3A_17 : vector<128xf32> to vector<1x128xf32>
    %add3A_56 = vector.broadcast %broadcast_in_dim3A_55 : vector<1x128xf32> to vector<10000x128xf32>
    %add3A_57 = arith.addf %mul3A_54, %add3A_56 : vector<10000x128xf32>
    %max3A_58 = arith.constant 0.000000e+00 : f32
    %max3A_59 = vector.broadcast %max3A_58 : f32 to vector<10000x128xf32>
    %max3A_60 = arith.maximumf %add3A_57, %max3A_59 : vector<10000x128xf32>
    %get3A_61 = arith.constant 0 : index
    %get3A_62 = arith.constant 0 : index
    %get3A_63 = vector.load %arg7[%get3A_61, %get3A_62] : memref<128x1xf32, #tpu.memory_space<vmem>>, vector<128x1xf32>
    %dot_general3A_64 = arith.constant dense<0.000000e+00> : vector<10000x1xf32>
    %dot_general3A_65 = tpu.matmul %max3A_60, %get3A_63, %dot_general3A_64 {dimension_numbers = #tpu.dot_dimension_numbers<[1], [0], [0], [1], [0, 0, 1, 1], [], []>, transpose_lhs_hint = false} : vector<10000x128xf32>, vector<128x1xf32>, vector<10000x1xf32> -> vector<10000x1xf32>
    %get3A_66 = arith.constant 0 : index
    %get3A_67 = vector.load %arg8[%get3A_66] : memref<1xf32, #tpu.memory_space<vmem>>, vector<1xf32>
    %get3A_68 = vector.extract %get3A_67[0] : f32 from vector<1xf32>
    %add3A_69 = vector.broadcast %get3A_68 : f32 to vector<10000x1xf32>
    %add3A_70 = arith.addf %dot_general3A_65, %add3A_69 : vector<10000x1xf32>
    %swap3A = arith.constant 0 : index
    %swap3A_71 = arith.constant 0 : index
    %swap3A_72 = vector.load %arg9[%swap3A, %swap3A_71] : memref<10000x1xf32, #tpu.memory_space<vmem>>, vector<10000x1xf32>
    tpu.vector_store %arg9[%swap3A, %swap3A_71], %add3A_70 {strides = array<i32>} : memref<10000x1xf32, #tpu.memory_space<vmem>>, vector<10000x1xf32>,
    return
  }
}

</mosaic_0001>

<sc_bundles>
// kernel: kernel.12.cloned.1.call-start
scs
__scs_entry_jumppad:
0x0: {  	(pc) =	sbr.rel $0x88, $3  }
0x1: {  	(tag) =	ssettag $0x0;
	lr =	simm.s32 $0x1  }
0x2: {  	[smem:$0x3F8E] =	sst lr;
	_ =	strace $0xD0000000  }
0x3: {  	_ = 	snop  }
0x4: {  	_ = 	snop  }
0x5: {  	_ = 	snop  }
0x6: {  	_ = 	snop  }
0x7: {  	_ = 	snop  }
__scs_overlays_trampoline_lowered:
0x8: {  	[smem:$0x3F9D] =	sst s0  }
0x9: {  	[smem:$0x3F9E] =	sst s1  }
0xa: {  	[smem:$0x3F9F] =	sst s2  }
0xb: {  	[smem:$0x3FA0] =	sst s3  }
0xc: {  	[smem:$0x3FA1] =	sst s4  }
0xd: {  	[smem:$0x3FA2] =	sst s5  }
0xe: {  	[smem:$0x3FA3] =	sst s6  }
0xf: {  	[smem:$0x3FA4] =	sst s7  }
0x10: {  	[smem:$0x3FA5] =	sst s8  }
0x11: {  	[smem:$0x3FA6] =	sst s9;
	s0 =	simm.s32 @!p0 $0x0  }
0x12: {  	s1 =	sld [smem:$0x3F8C];
	s0 =	simm.s32 @p0 $0x1  }
0x13: {  	[smem:$0x3FA7] =	sst s0;
	s0 =	simm.s32 @!p1 $0x0  }
0x14: {  	s2 =	sld [smem:$0x3F8B];
	s0 =	simm.s32 @p1 $0x1  }
0x15: {  	[smem:$0x3FA8] =	sst s0;
	s0 =	simm.s32 @!p2 $0x0  }
0x16: {  	s3 =	sld [smem:$0x3FDB];
	s0 =	simm.s32 @p2 $0x1  }
0x17: {  	s4 =	simm.s32 $0x1BF5;
	[smem:$0x3FAA] =	sst s0  }
0x18: {  	s0 =	sld [smem:$0x3F8D];
	_ =	swait.ge [sflag:s4], $0x0  }
0x19: {  	s7 =	sld [smem:$0x3F8E]  }
0x1a: {  	s8 =	sadd.s32 $0xFFFFE003, lr  }
0x1b: {  	s9 =	sadd.s32 $0xFFFFFEF7, lr;
	s5 =	simm.s32 $0xFFFFFFFF;
	p2 =	slt.u32 s8, $0xFFFFF086  }
0x1c: {  	p1 =	slt.u32 s9, $0xF7A;
	s5 =	simm.s32 @!p2 $0x0  }
0x1d: {  	s5 =	simm.s32 @p1 $0x1;
	p0 =	seq.s32 s7, s2  }
0x1e: {  	s7 =	smul.u32 @!p0 $0xF7A, s2;
	p2 =	seq.s32 @!p0 s5, $0x0  }
0x1f: {  	s9 =	smul.u32 $0xF7A, s1;
	s8 =	simm.s32 @!p0 $0x1BF5;
	p2 =	por !p2, p0  }
0x20: {  	[sflag:s8] =	ssyncset.s32 @!p0 $0xFFFFF086;
	s6 =	sadd.s32 @!p0 s3, s7;
	s7 =	simm.s32 @!p0 $0x108  }
0x21: {  	s3 =	sadd.s32 s3, s9;
	s6 =	sadd.s32 @!p0 $0x88, s6;
	s7 =	simm.s32 @p2 $0x1082  }
0x22: {  	[simem:s7], [sflag:s8] =	dma.local @!p0 [hbm:s6], $0xF7A  }
0x23: {  	s9 =	sor.u32 $0xD0000000, s2;
	s6 =	simm.s32 $0x108;
	_ =	swait.ge @!p0 [sflag:s8], $0x0  }
0x24: {  	s3 =	sadd.s32 $0x88, s3;
	s6 =	simm.s32 @!p1 $0x1082;
	[sflag:s4] =	ssyncset.s32 $0xFFFFF086  }
0x25: {  	[simem:s6], [sflag:s4] =	dma.local [hbm:s3], $0xF7A  }
0x26: {  	[smem:$0x3F8E] =	sst s1;
	(tag) =	ssettag s2;
	_ =	strace s9  }
0x27: {  	s1 =	sld [smem:$0x3F9E]  }
0x28: {  	s2 =	sld [smem:$0x3F9F]  }
0x29: {  	s4 =	sld [smem:$0x3FA1]  }
0x2a: {  	p0 =	seq.s32 s5, $0x0;
	s5 =	sld [smem:$0x3FA2]  }
0x2b: {  	s6 =	sld [smem:$0x3FA3]  }
0x2c: {  	s7 =	sld [smem:$0x3FA4]  }
0x2d: {  	s3 =	simm.s32 $0x108;
	s8 =	sld [smem:$0x3FA5]  }
0x2e: {  	s3 =	simm.s32 @!p0 $0x1082;
	s9 =	sld [smem:$0x3FA6]  }
0x2f: {  	lr =	sadd.s32 s0, s3;
	s0 =	sld [smem:$0x3F9D]  }
0x30: {  	s3 =	sld [smem:$0x3FA0]  }
0x31: {  	[smem:$0x3FA9] =	sst s10  }
0x32: {  	s10 =	sld [smem:$0x3FA7];
	_ =	sdelay $0x3  }
0x33: {  	p0 =	seq.s32 s10, $0x1;
	s10 =	sld [smem:$0x3FA9];
	_ =	sdelay $0x3  }
0x34: {  	[smem:$0x3FA9] =	sst s10  }
0x35: {  	s10 =	sld [smem:$0x3FA8];
	_ =	sdelay $0x3  }
0x36: {  	p1 =	seq.s32 s10, $0x1;
	s10 =	sld [smem:$0x3FA9];
	_ =	sdelay $0x3  }
0x37: {  	[smem:$0x3FA9] =	sst s10  }
0x38: {  	s10 =	sld [smem:$0x3FAA]  }
0x39: {  	_ = 	snop;
	(pc) =	sbr.ind lr, $3  }
0x3a: {  	_ = 	snop  }
0x3b: {  	_ = 	snop  }
0x3c: {  	p2 =	seq.s32 s10, $0x1;
	s10 =	sld [smem:$0x3FA9]  }
0x3d: {  	_ =	shalt  }
0x3e: {  	_ =	shalt  }
0x3f: {  	_ =	shalt  }
0x40: {  	_ =	shalt  }
0x41: {  	_ =	shalt  }
0x42: {  	_ =	shalt  }
0x43: {  	_ =	shalt  }
0x44: {  	_ =	shalt  }
0x45: {  	_ =	shalt  }
0x46: {  	_ =	shalt  }
0x47: {  	_ =	shalt  }
0x48: {  	_ =	shalt  }
0x49: {  	_ =	shalt  }
0x4a: {  	_ =	shalt  }
0x4b: {  	_ =	shalt  }
0x4c: {  	_ =	shalt  }
0x4d: {  	_ =	shalt  }
0x4e: {  	_ =	shalt  }
0x4f: {  	_ =	shalt  }
0x50: {  	_ =	shalt  }
0x51: {  	_ =	shalt  }
0x52: {  	_ =	shalt  }
0x53: {  	_ =	shalt  }
0x54: {  	_ =	shalt  }
0x55: {  	_ =	shalt  }
0x56: {  	_ =	shalt  }
0x57: {  	_ =	shalt  }
0x58: {  	_ =	shalt  }
0x59: {  	_ =	shalt  }
0x5a: {  	_ =	shalt  }
0x5b: {  	_ =	shalt  }
0x5c: {  	_ =	shalt  }
0x5d: {  	_ =	shalt  }
0x5e: {  	_ =	shalt  }
0x5f: {  	_ =	shalt  }
0x60: {  	_ =	shalt  }
0x61: {  	_ =	shalt  }
0x62: {  	_ =	shalt  }
0x63: {  	_ =	shalt  }
0x64: {  	_ =	shalt  }
0x65: {  	_ =	shalt  }
0x66: {  	_ =	shalt  }
0x67: {  	_ =	shalt  }
0x68: {  	_ =	shalt  }
0x69: {  	_ =	shalt  }
0x6a: {  	_ =	shalt  }
0x6b: {  	_ =	shalt  }
0x6c: {  	_ =	shalt  }
0x6d: {  	_ =	shalt  }
0x6e: {  	_ =	shalt  }
0x6f: {  	_ =	shalt  }
0x70: {  	_ =	shalt  }
0x71: {  	_ =	shalt  }
0x72: {  	_ =	shalt  }
0x73: {  	_ =	shalt  }
0x74: {  	_ =	shalt  }
0x75: {  	_ =	shalt  }
0x76: {  	_ =	shalt  }
0x77: {  	_ =	shalt  }
0x78: {  	_ =	shalt  }
0x79: {  	_ =	shalt  }
0x7a: {  	_ =	shalt  }
0x7b: {  	_ =	shalt  }
0x7c: {  	_ =	shalt  }
0x7d: {  	_ =	shalt  }
0x7e: {  	_ =	shalt  }
0x7f: {  	_ =	shalt  }
0x80: {  	_ =	shalt  }
0x81: {  	_ =	shalt  }
0x82: {  	_ =	shalt  }
0x83: {  	_ =	shalt  }
0x84: {  	_ =	shalt  }
0x85: {  	_ =	shalt  }
0x86: {  	_ =	shalt  }
0x87: {  	_ =	shalt  }
.Lfunc_end0:
.L_simem_size_0:
called_computation.1_lowered:
.L_overlay_start_0:
0x88: {  	s2 =	sld [smem:$0x3FD9]  }
0x89: {  	s3 =	sld [smem:$0x3FFE];
	_ =	sdelay $0x1  }
0x8a: {  	s1 =	srdreg.scid  }
0x8b: {  	s0 =	sand.u32 $0x1, s1  }
0x8c: {  	s17 =	sshll.u32 s0, $0xA;
	s2 =	sadd.s32 s3, s2  }
0x8d: {  	s2 =	sadd.s32 s2, s17  }
0x8e: {  	[smem:$0x3FB5] =	sst s2  }
0x8f: {  	_ = 	snop  }
0x90: {  	s2 =	sld [smem:$0x3FD0];
	(tm) =	ssettm $0x1  }
0x91: {  	s18 =	sld [smem:$0x3FFB];
	_ =	sdelay $0x3  }
0x92: {  	_ =	strace s18  }
0x93: {  	s3 =	sld [smem:$0x3FFC];
	_ =	sdelay $0x3  }
0x94: {  	_ =	strace s3  }
0x95: {  	s3 =	sld [smem:$0x3FFD];
	_ =	sdelay $0x3  }
0x96: {  	_ =	strace s3  }
0x97: {  	_ =	strace $0x8FFFFFFF  }
0x98: {  	s19 =	sld [smem:$0x3FDB];
	_ =	sdelay $0x1  }
0x99: {  	s4 =	simm.s32 $_scs_section_size  }
0x9a: {  	s5 =	simm.s32 $_size__tile_overlayer_lowered;
	s6 =	simm.s32 $_tile_overlayer_lowered  }
0x9b: {  	s22 =	simm.s32 $0x1BFF;
	s21 =	sshll.u32 s6, $0x1;
	s3 =	sadd.s32 s4, s19  }
0x9c: {  	s7 =	simm.s32 $0x0;
	s20 =	sshll.u32 s5, $0x1;
	s5 =	sadd.s32 s21, s3  }
0x9d: {  	[timem:s7], [sflag:s22] =	dma.local [hbm:s5], s20  }
0x9e: {  	_ =	swait.ge [sflag:s22], s20  }
0x9f: {  	s4 =	ssub.s32 $0x0, s20;
	[sflag:s22] =	ssyncset.done $0x0  }
0xa0: {  	[sflag:s22] =	ssyncadd.s32 s4;
	_ =	sdelay $0x1  }
0xa1: {  	s23 =	simm.s32 $0x1B8B  }
0xa2: {  	_ =	swait.ge [sflag:s23], $0x1  }
0xa3: {  	[sflag:s23] =	ssyncset.done $0x0  }
0xa4: {  	s25 =	simm.s32 $0x1B8E;
	s24 =	sld [smem:$0x3FFE];
	[sflag:s23] =	ssyncadd.s32 $0xFFFFFFFF  }
0xa5: {  	s26 =	simm.s32 $execute0_lowered;
	[smem:$0x3FD2] =	sst s25  }
0xa6: {  	s5 =	sshll.u32 s26, $0x1;
	_ =	strace $0x80000049;
	[dreg:$0x1] =	wrdreg $0xFFFFFFFF  }
0xa7: {  	s28 =	simm.s32 $_size_execute0_lowered;
	s3 =	sadd.s32 s3, s5;
	[dreg:$0x0] =	wrdreg $0x0  }
0xa8: {  	s5 =	sshll.u32 s28, $0x1;
	[dreg:$0x2] =	wrdreg s3  }
0xa9: {  	[dreg:$0x3] =	wrdreg s5  }
0xaa: {  	[dreg:$0x4] =	wrdreg $0xC0  }
0xab: {  	_ =	task [dreg:s7], $0x5FFFF  }
0xac: {  	[dreg:$0x1] =	wrdreg $0xFFFFFFFF  }
0xad: {  	[dreg:$0x0] =	wrdreg $0x60  }
0xae: {  	[dreg:$0x2] =	wrdreg s24  }
0xaf: {  	[dreg:$0x3] =	wrdreg s2  }
0xb0: {  	[dreg:$0x4] =	wrdreg $0xEC100  }
0xb1: {  	[dreg:$0x5] =	wrdreg $0x9  }
0xb2: {  	_ =	task.clear_ibuf [dreg:s7], $0x6FFFF;
	_ =	strace $0x90000049  }
0xb3: {  	s29 =	simm.s32 $0x9;
	_ =	strace $0x8000004B  }
0xb4: {  	_ =	swait.ge [sflag:s29], $0x1  }
0xb5: {  	[sflag:s29] =	ssyncadd.s32 $0xFFFFFFFF  }
0xb6: {  	_ =	strace $0x9000004B  }
0xb7: {  	_ =	sfence  }
0xb8: {  	s30 =	sld [smem:$0x0];
	_ =	sdelay $0x2  }
0xb9: {  	s31 =	sshll.u32 s1, $0xD;
	s1 =	sshrl.u32 s1, $0x2  }
0xba: {  	s3 =	sand.u32 $0x4000, s31;
	s1 =	sadd.s32 s1, s30  }
0xbb: {  	s0 =	sor.u32 s3, s0;
	s1 =	sshll.u32 s1, $0x11  }
0xbc: {  	s0 =	sor.u32 s1, s0  }
0xbd: {  	s0 =	sadd.s32 $0x8F2B, s0  }
0xbe: {  	[sflag:s0] =	ssyncadd.remote.s32 $0x1  }
0xbf: {  	_ =	sfence.sel $0xFFFF  }
0xc0: {  	[dreg:$0x0] =	wrdreg $0xFFFFFFFF;
	(pc) =	sbr.abs _section_cstart, $3  }
0xc1: {  	[dreg:$0x1] =	wrdreg $0xFFFFFFFF  }
0xc2: {  	_ =	task.clear_ibuf [dreg:s7], $0x2FFFF;
	_ =	strace $0x9FFFFFFF  }
0xc3: {  	(tm) =	ssettm $0x7FFFFFFF  }
tec
execute0_lowered:
.L_overlay_start_1:
0x0: {  	(tag) =	ssettag $0x1  }
0x1: {  	s0 =	rddreg [dreg:$0x0]  }
0x2: {  	s1 =	srdreg.scid;
	s7 =	rddreg [dreg:$0x1]  }
0x3: {  	s13 =	stileid.u32;
	s2 =	rddreg [dreg:$0x2]  }
0x4: {  	s3 =	simm.s32 $0x0;
	s12 =	simm.s32 $0x2E00;
	s14 =	simm.s32 $0x40  }
0x5: {  	s15 =	simm.s32 $0x5C10;
	s16 =	simm.s32 $0x8010;
	s18 =	simm.s32 $0xA410  }
0x6: {  	s21 =	simm.s32 $0x1;
	s28 =	simm.s32 $0x3;
	s29 =	simm.s32 $0x6  }
0x7: {  	s31 =	simm.s32 $0x4;
	s17 =	simm.s32 $0x0;
	s5 =	smul.u32 $0x5C00, s13  }
0x8: {  	s1 =	sand.u32 $0x1, s1;
	s9 =	smul.u32 $0xB400, s13;
	[smem:$0x7FF] =	sst s3  }
0x9: {  	s22 =	sadd.s32 $0x2E00, s0;
	s23 =	sshll.u32 s13, $0x1;
	s4 =	smul.u32 $0x5C000, s1  }
0xa: {  	s30 =	sshll.u32 s13, $0x6;
	s13 =	simm.s32 $0x8;
	s6 =	smul.u32 $0xB4000, s1  }
0xb: {  	_ =	strace $0x8000004A;
	s10 =	ssub.s32 $0x2, s1;
	[dreg:$0x5] =	wrdreg s22  }
0xc: {  	s1 =	sshll.u32 s1, $0x5;
	s19 =	sor.u32 $0x1C09, s30;
	s11 =	sshrl.u32 s10, $0x1  }
0xd: {  	s26 =	sadd.s32 s9, s2;
	s5 =	sadd.s32 s5, s4;
	s4 =	sadd.s32 $0x2DE00, s0  }
0xe: {  	s6 =	sadd.s32 s9, s6;
	s10 =	ssub.s32 s10, s11;
	s11 =	sadd.s32 s7, s23  }
0xf: {  	s20 =	sshrl.u32 s26, $0x3;
	s23 =	simm.s32 $0xC810;
	s5 =	sshrl.u32 s5, $0x3  }
.Ltmp0:
0x10: {  	s6 =	sshrl.u32 s6, $0x3;
	s8 =	sadd.s32 s5, s0;
	(pc) =	sbr.rel .LBB2_1-.Ltmp0, $4  }
0x11: {  	s10 =	smax.u32 s10, $0x1;
	s0 =	sadd.s32 s6, s0;
	s24 =	sadd.s32 $0x16E00, s8  }
0x12: {  	s25 =	sadd.s32 $0x173C0, s8;
	s8 =	sadd.s32 s1, s11;
	s9 =	sadd.s32 $0x59E00, s0  }
0x13: {  	s11 =	simm.s32 $0x9;
	s1 =	simm.s32 $0x7;
	[dreg:$0x6] =	wrdreg s24  }
0x14: {  	[dreg:$0x7] =	wrdreg s25;
	s24 =	simm.s32 $0x2;
	s25 =	simm.s32 $0x5  }
.LBB2_4:
0x15: {  	_ =	swait.ge [sflag:s13], $0x2400  }
0x16: {  	s17 =	sadd.s32 $0x1, s17;
	[sflag:s13] =	ssyncset.done $0x0  }
0x17: {  	p0 =	sne.s32 s17, s10;
	[sflag:s13] =	ssyncadd.s32 $0xFFFFDC00  }
.Ltmp1:
0x18: {  	[bflag:$0x0] =	sbarrier.arrive $0xFFFF;
	(pc) =	sbr.rel @!p0 .LBB2_5-.Ltmp1, $4  }
0x19: {  	[hbm:s9], [sflag:s19] =	dma.local [spmem:s20], $0x1680  }
0x1a: {  	_ =	swait.ge [sflag:s11], $0x1680  }
0x1b: {  	[sflag:s11] =	ssyncset.done $0x0  }
0x1c: {  	[sflag:s11] =	ssyncadd.s32 $0xFFFFE980  }
.LBB2_1:
0x1d: {  	s0 =	rddreg [dreg:$0x6]  }
0x1e: {  	[tilespmem:s3], [sflag:$0x9] =	stream.linear.gather [hbm4b:s0+s3], $0x2E00, $0x38;
	[tilespmem:$0x1A010] =	vst v63  }
0x1f: {  	_ =	swait.ge [sflag:s11], $0x2E00  }
0x20: {  	[sflag:s11] =	ssyncset.done $0x0  }
0x21: {  	s22 =	rddreg [dreg:$0x7];
	[sflag:s11] =	ssyncadd.s32 $0xFFFFD200  }
0x22: {  	[tilespmem:s12], [sflag:$0x9] =	stream.linear.gather [hbm4b:s22+s3], $0x2E00, $0x38;
	[tilespmem:$0x1A010] =	vst v63  }
0x23: {  	_ =	swait.ge [sflag:s11], $0x2E00  }
0x24: {  	[sflag:s11] =	ssyncset.done $0x0  }
0x25: {  	s26 =	simm.s32 $0x5C00;
	[sflag:s11] =	ssyncadd.s32 $0xFFFFD200  }
0x26: {  	[tilespmem:s26], [sflag:$0x9] =	stream.linear.gather [hbm4b:s8+s3], $0x10, $0x38;
	[tilespmem:$0x1A010] =	vst v63  }
0x27: {  	_ =	swait.ge [sflag:s11], $0x10  }
0x28: {  	[sflag:s11] =	ssyncset.done $0x0  }
0x29: {  	[sflag:s11] =	ssyncadd.s32 $0xFFFFFFF0  }
0x2a: {  	v0 =	vld [tilespmem:$0x5C00];
	_ =	sdelay $0x4  }
0x2b: {  	v0 =	vxor.u32 $0x80000000, v0  }
0x2c: {  	(xrf0) =	vmax.scan.msk.u32 $0xffff, v0;
	_ =	sdelay $0x5  }
0x2d: {  	v0, _, _ =	vpop (xrf0)  }
0x2e: {  	(v2sf) =	vpush v0, $0xF;
	_ =	sdelay $0x9  }
0x2f: {  	[tilespmem:s15], [sflag:$0x1] =	stream.indirect.gather [hbm4b:s4+s14], $0x90, s3, s14, $0xb8;
	[tilespmem:$0x1A010] =	vst v63  }
0x30: {  	_ = 	snop  }
0x31: {  	[tilespmem:s16], [sflag:$0x2] =	stream.indirect.gather [hbm4b:s4+s14], $0x90, s14, s14, $0xb8;
	[tilespmem:$0x1A010] =	vst v63  }
0x32: {  	s30 =	simm.s32 $0x80  }
0x33: {  	[tilespmem:s18], [sflag:$0x3] =	stream.indirect.gather [hbm4b:s4+s14], $0x90, s30, s14, $0xb8;
	[tilespmem:$0x1A010] =	vst v63  }
0x34: {  	s5 =	rddreg [dreg:$0x5];
	s22 =	spop (v2sf)  }
0x35: {  	[spmem:s20], [sflag:s19] =	dma.local [hbm:s5], $0x1680  }
0x36: {  	_ =	swait.ge [sflag:s11], $0x1680  }
0x37: {  	[sflag:s11] =	ssyncset.done $0x0  }
0x38: {  	[sflag:s11] =	ssyncadd.s32 $0xFFFFE980  }
0x39: {  	[bflag:$0x0] =	sbarrier.arrive $0xFFFF  }
0x3a: {  	_ =	swait.ge [sflag:s21], $0x2400  }
0x3b: {  	[sflag:s21] =	ssyncset.done $0x0  }
0x3c: {  	[sflag:s21] =	ssyncadd.s32 $0xFFFFDC00  }
0x3d: {  	[spmem:s2] =	stream.indirect.scatter.add.f32 [tilespmem:s15], [sflag:$0x5], $0x90, s12, s14, $0xb8;
	[tilespmem:$0x1A010] =	vst v63  }
0x3e: {  	s6 =	simm.s32 $0xC0  }
0x3f: {  	[tilespmem:s23], [sflag:$0x4] =	stream.indirect.gather [hbm4b:s4+s14], $0x90, s6, s14, $0xb8;
	[tilespmem:$0x1A010] =	vst v63  }
0x40: {  	_ =	swait.ge [sflag:s24], $0x2400  }
0x41: {  	[sflag:s24] =	ssyncset.done $0x0  }
0x42: {  	[sflag:s24] =	ssyncadd.s32 $0xFFFFDC00  }
0x43: {  	_ =	swait.ge [sflag:s25], $0x2400  }
0x44: {  	s22 =	sxor.u32 $0x80000000, s22;
	[sflag:s25] =	ssyncset.done $0x0  }
0x45: {  	s7 =	simm.s32 $0x2E40;
	p0 =	slt.s32 s22, $0x5;
	[sflag:s25] =	ssyncadd.s32 $0xFFFFDC00  }
0x46: {  	[spmem:s2] =	stream.indirect.scatter.add.f32 [tilespmem:s16], [sflag:$0x6], $0x90, s7, s14, $0xb8;
	[tilespmem:$0x1A010] =	vst v63  }
0x47: {  	s26 =	simm.s32 @!p0 $0x40;
	s30 =	simm.s32 @!p0 $0x100;
	s0 =	simm.s32 @!p0 $0x5C10  }
0x48: {  	[tilespmem:s0], [sflag:$0x1] =	stream.indirect.gather @!p0 [hbm4b:s4+s26], $0x90, s30, s26, $0xb8;
	[tilespmem:$0x1A010] =	vst v63  }
0x49: {  	_ =	swait.ge [sflag:s28], $0x2400  }
0x4a: {  	[sflag:s28] =	ssyncset.done $0x0  }
0x4b: {  	[sflag:s28] =	ssyncadd.s32 $0xFFFFDC00  }
0x4c: {  	_ =	swait.ge [sflag:s29], $0x2400  }
0x4d: {  	[sflag:s29] =	ssyncset.done $0x0  }
0x4e: {  	s26 =	simm.s32 $0x2E80;
	p0 =	slt.s32 s22, $0x6;
	[sflag:s29] =	ssyncadd.s32 $0xFFFFDC00  }
0x4f: {  	[spmem:s2] =	stream.indirect.scatter.add.f32 [tilespmem:s18], [sflag:$0x7], $0x90, s26, s14, $0xb8;
	[tilespmem:$0x1A010] =	vst v63  }
0x50: {  	s0 =	simm.s32 @!p0 $0x40;
	s30 =	simm.s32 @!p0 $0x8010;
	s26 =	simm.s32 @!p0 $0x140  }
0x51: {  	[tilespmem:s30], [sflag:$0x2] =	stream.indirect.gather @!p0 [hbm4b:s4+s0], $0x90, s26, s0, $0xb8;
	[tilespmem:$0x1A010] =	vst v63  }
0x52: {  	_ =	swait.ge [sflag:s31], $0x2400  }
0x53: {  	[sflag:s31] =	ssyncset.done $0x0  }
0x54: {  	[sflag:s31] =	ssyncadd.s32 $0xFFFFDC00  }
0x55: {  	_ =	swait.ge [sflag:s1], $0x2400  }
0x56: {  	[sflag:s1] =	ssyncset.done $0x0  }
0x57: {  	s30 =	simm.s32 $0x2EC0;
	p0 =	slt.s32 s22, $0x7;
	[sflag:s1] =	ssyncadd.s32 $0xFFFFDC00  }
0x58: {  	[spmem:s2] =	stream.indirect.scatter.add.f32 [tilespmem:s23], [sflag:$0x8], $0x90, s30, s14, $0xb8;
	[tilespmem:$0x1A010] =	vst v63  }
0x59: {  	s0 =	simm.s32 @!p0 $0x40;
	s26 =	simm.s32 @!p0 $0x180;
	s30 =	simm.s32 @!p0 $0xA410  }
0x5a: {  	[tilespmem:s30], [sflag:$0x3] =	stream.indirect.gather @!p0 [hbm4b:s4+s0], $0x90, s26, s0, $0xb8;
	[tilespmem:$0x1A010] =	vst v63  }
0x5b: {  	p0 =	sgt.s32 s22, $0x4  }
0x5c: {  	s22 =	simm.s32 @!p0 $0x4  }
0x5d: {  	s26 =	sshrl.u32 s22, $0x2  }
0x5e: {  	p0 =	seq.s32 s26, $0x1  }
.Ltmp2:
0x5f: {  	_ = 	snop;
	(pc) =	sbr.rel @p0 .LBB2_4-.Ltmp2, $1  }
0x60: {  	_ =	sdelay $0x3  }
0x61: {  	s0 =	sshll.u32 s26, $0x2  }
0x62: {  	s0 =	sadd.s32 $0xFFFFFFFC, s0  }
0x63: {  	s26 =	simm.s32 $0x0;
	s30 =	simm.s32 $0x0;
	[dreg:$0x4] =	wrdreg s0  }
.LBB2_3:
0x64: {  	_ =	swait.ge [sflag:s21], $0x2400  }
0x65: {  	[sflag:s21] =	ssyncset.done $0x0  }
0x66: {  	[sflag:s21] =	ssyncadd.s32 $0xFFFFDC00  }
0x67: {  	_ =	swait.ge [sflag:s13], $0x2400  }
0x68: {  	s0 =	sshra.s32 s26, $0x2;
	s6 =	sadd.s32 $0x7, s30;
	[sflag:s13] =	ssyncset.done $0x0  }
0x69: {  	s5 =	sadd.s32 $0x2F00, s0;
	p0 =	sge.u32 s6, s22;
	[sflag:s13] =	ssyncadd.s32 $0xFFFFDC00  }
0x6a: {  	[spmem:s2] =	stream.indirect.scatter.add.f32 [tilespmem:s15], [sflag:$0x5], $0x90, s5, s14, $0xb8;
	[tilespmem:$0x1A010] =	vst v63  }
0x6b: {  	s5 =	sshra.s32 @!p0 s26, $0x2  }
0x6c: {  	s6 =	simm.s32 @!p0 $0x40;
	s7 =	simm.s32 @!p0 $0xC810;
	s5 =	sadd.s32 @!p0 $0x1C0, s5  }
0x6d: {  	[tilespmem:s7], [sflag:$0x4] =	stream.indirect.gather @!p0 [hbm4b:s4+s6], $0x90, s5, s6, $0xb8;
	[tilespmem:$0x1A010] =	vst v63  }
0x6e: {  	_ =	swait.ge [sflag:s24], $0x2400  }
0x6f: {  	[sflag:s24] =	ssyncset.done $0x0  }
0x70: {  	[sflag:s24] =	ssyncadd.s32 $0xFFFFDC00  }
0x71: {  	s6 =	sadd.s32 $0x8, s30;
	_ =	swait.ge [sflag:s25], $0x2400  }
0x72: {  	p0 =	sge.u32 s6, s22;
	[sflag:s25] =	ssyncset.done $0x0  }
0x73: {  	s7 =	sadd.s32 $0x2F40, s0;
	s5 =	sshra.s32 @!p0 s26, $0x2;
	[sflag:s25] =	ssyncadd.s32 $0xFFFFDC00  }
0x74: {  	[spmem:s2] =	stream.indirect.scatter.add.f32 [tilespmem:s16], [sflag:$0x6], $0x90, s7, s14, $0xb8;
	[tilespmem:$0x1A010] =	vst v63  }
0x75: {  	s6 =	simm.s32 @!p0 $0x40;
	s5 =	sadd.s32 @!p0 $0x200, s5;
	s7 =	simm.s32 @!p0 $0x5C10  }
0x76: {  	[tilespmem:s7], [sflag:$0x1] =	stream.indirect.gather @!p0 [hbm4b:s4+s6], $0x90, s5, s6, $0xb8;
	[tilespmem:$0x1A010] =	vst v63  }
0x77: {  	_ =	swait.ge [sflag:s28], $0x2400  }
0x78: {  	[sflag:s28] =	ssyncset.done $0x0  }
0x79: {  	[sflag:s28] =	ssyncadd.s32 $0xFFFFDC00  }
0x7a: {  	s6 =	sadd.s32 $0x9, s30;
	_ =	swait.ge [sflag:s29], $0x2400  }
0x7b: {  	p0 =	sge.u32 s6, s22;
	[sflag:s29] =	ssyncset.done $0x0  }
0x7c: {  	s7 =	sadd.s32 $0x2F80, s0;
	s5 =	sshra.s32 @!p0 s26, $0x2;
	[sflag:s29] =	ssyncadd.s32 $0xFFFFDC00  }
0x7d: {  	[spmem:s2] =	stream.indirect.scatter.add.f32 [tilespmem:s18], [sflag:$0x7], $0x90, s7, s14, $0xb8;
	[tilespmem:$0x1A010] =	vst v63  }
0x7e: {  	s6 =	simm.s32 @!p0 $0x40;
	s5 =	sadd.s32 @!p0 $0x240, s5;
	s7 =	simm.s32 @!p0 $0x8010  }
0x7f: {  	[tilespmem:s7], [sflag:$0x2] =	stream.indirect.gather @!p0 [hbm4b:s4+s6], $0x90, s5, s6, $0xb8;
	[tilespmem:$0x1A010] =	vst v63  }
0x80: {  	_ =	swait.ge [sflag:s31], $0x2400  }
0x81: {  	[sflag:s31] =	ssyncset.done $0x0  }
0x82: {  	[sflag:s31] =	ssyncadd.s32 $0xFFFFDC00  }
0x83: {  	_ =	swait.ge [sflag:s1], $0x2400  }
0x84: {  	s7 =	sadd.s32 $0xA, s30;
	[sflag:s1] =	ssyncset.done $0x0  }
0x85: {  	s0 =	sadd.s32 $0x2FC0, s0;
	p0 =	sge.u32 s7, s22;
	[sflag:s1] =	ssyncadd.s32 $0xFFFFDC00  }
0x86: {  	[spmem:s2] =	stream.indirect.scatter.add.f32 [tilespmem:s23], [sflag:$0x8], $0x90, s0, s14, $0xb8;
	[tilespmem:$0x1A010] =	vst v63  }
0x87: {  	s30 =	sadd.s32 $0x4, s30;
	s5 =	simm.s32 @!p0 $0x40;
	s0 =	sshra.s32 @!p0 s26, $0x2  }
0x88: {  	s6 =	simm.s32 @!p0 $0xA410;
	s7 =	rddreg [dreg:$0x4];
	s0 =	sadd.s32 @!p0 $0x280, s0  }
0x89: {  	[tilespmem:s6], [sflag:$0x3] =	stream.indirect.gather @!p0 [hbm4b:s4+s5], $0x90, s0, s5, $0xb8;
	[tilespmem:$0x1A010] =	vst v63  }
0x8a: {  	p0 =	sne.s32 s7, s30  }
.Ltmp3:
0x8b: {  	_ = 	snop;
	(pc) =	sbr.rel @p0 .LBB2_3-.Ltmp3, $2  }
0x8c: {  	_ =	sdelay $0x2  }
0x8d: {  	s26 =	sadd.s32 $0x400, s26  }
.Ltmp4:
0x8e: {  	_ = 	snop;
	(pc) =	sbr.rel .LBB2_4-.Ltmp4, $1  }
0x8f: {  	_ =	sdelay $0x3  }
.LBB2_5:
0x90: {  	_ =	sfence.sel $0x180000  }
0x91: {  	[bflag:$0x0] =	sbarrier.arrive $0xFFFF  }
0x92: {  	_ =	strace $0x9000004A  }
0x93: {  	s0 =	stileid.u32;
	[bflag:$0x2] =	sbarrier.arrive $0xFFFF  }
0x94: {  	p0 =	sne.s32 s0, $0x0;
	s0 =	rddreg [dreg:$0x3]  }
0x95: {  	s0 =	sadd.s32 @!p0 $0x100000, s0  }
0x96: {  	[sflag:s0] =	ssyncadd.tile.s32 @!p0 $0x1;
	_ =	shalt  }
.Lfunc_end2:
_tile_overlayer_lowered:
.L_overlay_start_2:
0x97: {  	(tag) =	ssettag $0x2  }
0x98: {  	s0 =	rddreg [dreg:$0x0];
	s2 =	stileid.u32  }
0x99: {  	s1 =	rddreg [dreg:$0x1];
	p0 =	sne.s32 s2, $0x0  }
0x9a: {  	s3 =	rddreg [dreg:$0x2];
	[bflag:$0x3] =	sbarrier.arrive $0xFFFF;
	s2 =	simm.s32 @!p0 $0x1C09  }
0x9b: {  	[timem:s3], [sflag:s2] =	dma.local @!p0 [hbm:s0], s1  }
0x9c: {  	s0 =	simm.s32 @!p0 $0x9  }
0x9d: {  	_ =	swait.ge @!p0 [sflag:s0], s1  }
0x9e: {  	s1 =	ssub.s32 @!p0 $0x0, s1;
	[sflag:s0] =	ssyncset.done @!p0 $0x0  }
0x9f: {  	[sflag:s0] =	ssyncadd.s32 @!p0 s1  }
0xa0: {  	[bflag:$0x3] =	sbarrier.arrive $0xFFFF  }
0xa1: {  	_ =	shalt  }

// kernel: kernel.15.cloned.1.call-start
scs
__scs_entry_jumppad:
0x0: {  	(pc) =	sbr.rel $0x88, $3  }
0x1: {  	(tag) =	ssettag $0x0;
	lr =	simm.s32 $0x1  }
0x2: {  	[smem:$0x3F8E] =	sst lr;
	_ =	strace $0xD0000000  }
0x3: {  	_ = 	snop  }
0x4: {  	_ = 	snop  }
0x5: {  	_ = 	snop  }
0x6: {  	_ = 	snop  }
0x7: {  	_ = 	snop  }
__scs_overlays_trampoline_lowered:
0x8: {  	[smem:$0x3F9D] =	sst s0  }
0x9: {  	[smem:$0x3F9E] =	sst s1  }
0xa: {  	[smem:$0x3F9F] =	sst s2  }
0xb: {  	[smem:$0x3FA0] =	sst s3  }
0xc: {  	[smem:$0x3FA1] =	sst s4  }
0xd: {  	[smem:$0x3FA2] =	sst s5  }
0xe: {  	[smem:$0x3FA3] =	sst s6  }
0xf: {  	[smem:$0x3FA4] =	sst s7  }
0x10: {  	[smem:$0x3FA5] =	sst s8  }
0x11: {  	[smem:$0x3FA6] =	sst s9;
	s0 =	simm.s32 @!p0 $0x0  }
0x12: {  	s1 =	sld [smem:$0x3F8C];
	s0 =	simm.s32 @p0 $0x1  }
0x13: {  	[smem:$0x3FA7] =	sst s0;
	s0 =	simm.s32 @!p1 $0x0  }
0x14: {  	s2 =	sld [smem:$0x3F8B];
	s0 =	simm.s32 @p1 $0x1  }
0x15: {  	[smem:$0x3FA8] =	sst s0;
	s0 =	simm.s32 @!p2 $0x0  }
0x16: {  	s3 =	sld [smem:$0x3FDB];
	s0 =	simm.s32 @p2 $0x1  }
0x17: {  	s4 =	simm.s32 $0x1BF5;
	[smem:$0x3FAA] =	sst s0  }
0x18: {  	s0 =	sld [smem:$0x3F8D];
	_ =	swait.ge [sflag:s4], $0x0  }
0x19: {  	s7 =	sld [smem:$0x3F8E]  }
0x1a: {  	s8 =	sadd.s32 $0xFFFFE003, lr  }
0x1b: {  	s9 =	sadd.s32 $0xFFFFFEF7, lr;
	s5 =	simm.s32 $0xFFFFFFFF;
	p2 =	slt.u32 s8, $0xFFFFF086  }
0x1c: {  	p1 =	slt.u32 s9, $0xF7A;
	s5 =	simm.s32 @!p2 $0x0  }
0x1d: {  	s5 =	simm.s32 @p1 $0x1;
	p0 =	seq.s32 s7, s2  }
0x1e: {  	s7 =	smul.u32 @!p0 $0xF7A, s2;
	p2 =	seq.s32 @!p0 s5, $0x0  }
0x1f: {  	s9 =	smul.u32 $0xF7A, s1;
	s8 =	simm.s32 @!p0 $0x1BF5;
	p2 =	por !p2, p0  }
0x20: {  	[sflag:s8] =	ssyncset.s32 @!p0 $0xFFFFF086;
	s6 =	sadd.s32 @!p0 s3, s7;
	s7 =	simm.s32 @!p0 $0x108  }
0x21: {  	s3 =	sadd.s32 s3, s9;
	s6 =	sadd.s32 @!p0 $0x88, s6;
	s7 =	simm.s32 @p2 $0x1082  }
0x22: {  	[simem:s7], [sflag:s8] =	dma.local @!p0 [hbm:s6], $0xF7A  }
0x23: {  	s9 =	sor.u32 $0xD0000000, s2;
	s6 =	simm.s32 $0x108;
	_ =	swait.ge @!p0 [sflag:s8], $0x0  }
0x24: {  	s3 =	sadd.s32 $0x88, s3;
	s6 =	simm.s32 @!p1 $0x1082;
	[sflag:s4] =	ssyncset.s32 $0xFFFFF086  }
0x25: {  	[simem:s6], [sflag:s4] =	dma.local [hbm:s3], $0xF7A  }
0x26: {  	[smem:$0x3F8E] =	sst s1;
	(tag) =	ssettag s2;
	_ =	strace s9  }
0x27: {  	s1 =	sld [smem:$0x3F9E]  }
0x28: {  	s2 =	sld [smem:$0x3F9F]  }
0x29: {  	s4 =	sld [smem:$0x3FA1]  }
0x2a: {  	p0 =	seq.s32 s5, $0x0;
	s5 =	sld [smem:$0x3FA2]  }
0x2b: {  	s6 =	sld [smem:$0x3FA3]  }
0x2c: {  	s7 =	sld [smem:$0x3FA4]  }
0x2d: {  	s3 =	simm.s32 $0x108;
	s8 =	sld [smem:$0x3FA5]  }
0x2e: {  	s3 =	simm.s32 @!p0 $0x1082;
	s9 =	sld [smem:$0x3FA6]  }
0x2f: {  	lr =	sadd.s32 s0, s3;
	s0 =	sld [smem:$0x3F9D]  }
0x30: {  	s3 =	sld [smem:$0x3FA0]  }
0x31: {  	[smem:$0x3FA9] =	sst s10  }
0x32: {  	s10 =	sld [smem:$0x3FA7];
	_ =	sdelay $0x3  }
0x33: {  	p0 =	seq.s32 s10, $0x1;
	s10 =	sld [smem:$0x3FA9];
	_ =	sdelay $0x3  }
0x34: {  	[smem:$0x3FA9] =	sst s10  }
0x35: {  	s10 =	sld [smem:$0x3FA8];
	_ =	sdelay $0x3  }
0x36: {  	p1 =	seq.s32 s10, $0x1;
	s10 =	sld [smem:$0x3FA9];
	_ =	sdelay $0x3  }
0x37: {  	[smem:$0x3FA9] =	sst s10  }
0x38: {  	s10 =	sld [smem:$0x3FAA]  }
0x39: {  	_ = 	snop;
	(pc) =	sbr.ind lr, $3  }
0x3a: {  	_ = 	snop  }
0x3b: {  	_ = 	snop  }
0x3c: {  	p2 =	seq.s32 s10, $0x1;
	s10 =	sld [smem:$0x3FA9]  }
0x3d: {  	_ =	shalt  }
0x3e: {  	_ =	shalt  }
0x3f: {  	_ =	shalt  }
0x40: {  	_ =	shalt  }
0x41: {  	_ =	shalt  }
0x42: {  	_ =	shalt  }
0x43: {  	_ =	shalt  }
0x44: {  	_ =	shalt  }
0x45: {  	_ =	shalt  }
0x46: {  	_ =	shalt  }
0x47: {  	_ =	shalt  }
0x48: {  	_ =	shalt  }
0x49: {  	_ =	shalt  }
0x4a: {  	_ =	shalt  }
0x4b: {  	_ =	shalt  }
0x4c: {  	_ =	shalt  }
0x4d: {  	_ =	shalt  }
0x4e: {  	_ =	shalt  }
0x4f: {  	_ =	shalt  }
0x50: {  	_ =	shalt  }
0x51: {  	_ =	shalt  }
0x52: {  	_ =	shalt  }
0x53: {  	_ =	shalt  }
0x54: {  	_ =	shalt  }
0x55: {  	_ =	shalt  }
0x56: {  	_ =	shalt  }
0x57: {  	_ =	shalt  }
0x58: {  	_ =	shalt  }
0x59: {  	_ =	shalt  }
0x5a: {  	_ =	shalt  }
0x5b: {  	_ =	shalt  }
0x5c: {  	_ =	shalt  }
0x5d: {  	_ =	shalt  }
0x5e: {  	_ =	shalt  }
0x5f: {  	_ =	shalt  }
0x60: {  	_ =	shalt  }
0x61: {  	_ =	shalt  }
0x62: {  	_ =	shalt  }
0x63: {  	_ =	shalt  }
0x64: {  	_ =	shalt  }
0x65: {  	_ =	shalt  }
0x66: {  	_ =	shalt  }
0x67: {  	_ =	shalt  }
0x68: {  	_ =	shalt  }
0x69: {  	_ =	shalt  }
0x6a: {  	_ =	shalt  }
0x6b: {  	_ =	shalt  }
0x6c: {  	_ =	shalt  }
0x6d: {  	_ =	shalt  }
0x6e: {  	_ =	shalt  }
0x6f: {  	_ =	shalt  }
0x70: {  	_ =	shalt  }
0x71: {  	_ =	shalt  }
0x72: {  	_ =	shalt  }
0x73: {  	_ =	shalt  }
0x74: {  	_ =	shalt  }
0x75: {  	_ =	shalt  }
0x76: {  	_ =	shalt  }
0x77: {  	_ =	shalt  }
0x78: {  	_ =	shalt  }
0x79: {  	_ =	shalt  }
0x7a: {  	_ =	shalt  }
0x7b: {  	_ =	shalt  }
0x7c: {  	_ =	shalt  }
0x7d: {  	_ =	shalt  }
0x7e: {  	_ =	shalt  }
0x7f: {  	_ =	shalt  }
0x80: {  	_ =	shalt  }
0x81: {  	_ =	shalt  }
0x82: {  	_ =	shalt  }
0x83: {  	_ =	shalt  }
0x84: {  	_ =	shalt  }
0x85: {  	_ =	shalt  }
0x86: {  	_ =	shalt  }
0x87: {  	_ =	shalt  }
.Lfunc_end0:
.L_simem_size_0:
called_computation.2_lowered:
.L_overlay_start_0:
0x88: {  	s2 =	sld [smem:$0x3FD9]  }
0x89: {  	s3 =	sld [smem:$0x3FFE];
	_ =	sdelay $0x1  }
0x8a: {  	s1 =	srdreg.scid  }
0x8b: {  	s0 =	sand.u32 $0x1, s1  }
0x8c: {  	s17 =	sshll.u32 s0, $0xA;
	s2 =	sadd.s32 s3, s2  }
0x8d: {  	s2 =	sadd.s32 s2, s17  }
0x8e: {  	[smem:$0x3FB5] =	sst s2  }
0x8f: {  	_ = 	snop  }
0x90: {  	s2 =	sld [smem:$0x3FD0];
	(tm) =	ssettm $0x1  }
0x91: {  	s18 =	sld [smem:$0x3FFB];
	_ =	sdelay $0x3  }
0x92: {  	_ =	strace s18  }
0x93: {  	s3 =	sld [smem:$0x3FFC];
	_ =	sdelay $0x3  }
0x94: {  	_ =	strace s3  }
0x95: {  	s3 =	sld [smem:$0x3FFD];
	_ =	sdelay $0x3  }
0x96: {  	_ =	strace s3  }
0x97: {  	_ =	strace $0x8FFFFFFF  }
0x98: {  	s19 =	sld [smem:$0x3FDB];
	_ =	sdelay $0x1  }
0x99: {  	s4 =	simm.s32 $_scs_section_size  }
0x9a: {  	s5 =	simm.s32 $_size__tile_overlayer_lowered;
	s6 =	simm.s32 $_tile_overlayer_lowered  }
0x9b: {  	s22 =	simm.s32 $0x1BFF;
	s21 =	sshll.u32 s6, $0x1;
	s3 =	sadd.s32 s4, s19  }
0x9c: {  	s7 =	simm.s32 $0x0;
	s20 =	sshll.u32 s5, $0x1;
	s5 =	sadd.s32 s21, s3  }
0x9d: {  	[timem:s7], [sflag:s22] =	dma.local [hbm:s5], s20  }
0x9e: {  	_ =	swait.ge [sflag:s22], s20  }
0x9f: {  	s4 =	ssub.s32 $0x0, s20;
	[sflag:s22] =	ssyncset.done $0x0  }
0xa0: {  	[sflag:s22] =	ssyncadd.s32 s4;
	_ =	sdelay $0x1  }
0xa1: {  	s23 =	simm.s32 $0x1B8B  }
0xa2: {  	_ =	swait.ge [sflag:s23], $0x1  }
0xa3: {  	[sflag:s23] =	ssyncset.done $0x0  }
0xa4: {  	s25 =	simm.s32 $0x1B8E;
	s24 =	sld [smem:$0x3FFE];
	[sflag:s23] =	ssyncadd.s32 $0xFFFFFFFF  }
0xa5: {  	s26 =	simm.s32 $execute0_lowered;
	[smem:$0x3FD2] =	sst s25  }
0xa6: {  	s5 =	sshll.u32 s26, $0x1;
	_ =	strace $0x8000004C;
	[dreg:$0x1] =	wrdreg $0xFFFFFFFF  }
0xa7: {  	s28 =	simm.s32 $_size_execute0_lowered;
	s3 =	sadd.s32 s3, s5;
	[dreg:$0x0] =	wrdreg $0x0  }
0xa8: {  	s5 =	sshll.u32 s28, $0x1;
	[dreg:$0x2] =	wrdreg s3  }
0xa9: {  	[dreg:$0x3] =	wrdreg s5  }
0xaa: {  	[dreg:$0x4] =	wrdreg $0xC0  }
0xab: {  	_ =	task [dreg:s7], $0x5FFFF  }
0xac: {  	[dreg:$0x1] =	wrdreg $0xFFFFFFFF  }
0xad: {  	[dreg:$0x0] =	wrdreg $0x60  }
0xae: {  	[dreg:$0x2] =	wrdreg s24  }
0xaf: {  	[dreg:$0x3] =	wrdreg s2  }
0xb0: {  	[dreg:$0x4] =	wrdreg $0xEC100  }
0xb1: {  	[dreg:$0x5] =	wrdreg $0x9  }
0xb2: {  	_ =	task.clear_ibuf [dreg:s7], $0x6FFFF;
	_ =	strace $0x9000004C  }
0xb3: {  	s29 =	simm.s32 $0x9;
	_ =	strace $0x8000004E  }
0xb4: {  	_ =	swait.ge [sflag:s29], $0x1  }
0xb5: {  	[sflag:s29] =	ssyncadd.s32 $0xFFFFFFFF  }
0xb6: {  	_ =	strace $0x9000004E  }
0xb7: {  	_ =	sfence  }
0xb8: {  	s30 =	sld [smem:$0x0];
	_ =	sdelay $0x2  }
0xb9: {  	s31 =	sshll.u32 s1, $0xD;
	s1 =	sshrl.u32 s1, $0x2  }
0xba: {  	s3 =	sand.u32 $0x4000, s31;
	s1 =	sadd.s32 s1, s30  }
0xbb: {  	s0 =	sor.u32 s3, s0;
	s1 =	sshll.u32 s1, $0x11  }
0xbc: {  	s0 =	sor.u32 s1, s0  }
0xbd: {  	s0 =	sadd.s32 $0x8F2B, s0  }
0xbe: {  	[sflag:s0] =	ssyncadd.remote.s32 $0x1  }
0xbf: {  	_ =	sfence.sel $0xFFFF  }
0xc0: {  	[dreg:$0x0] =	wrdreg $0xFFFFFFFF;
	(pc) =	sbr.abs _section_cstart, $3  }
0xc1: {  	[dreg:$0x1] =	wrdreg $0xFFFFFFFF  }
0xc2: {  	_ =	task.clear_ibuf [dreg:s7], $0x2FFFF;
	_ =	strace $0x9FFFFFFF  }
0xc3: {  	(tm) =	ssettm $0x7FFFFFFF  }
tec
execute0_lowered:
.L_overlay_start_1:
0x0: {  	(tag) =	ssettag $0x1  }
0x1: {  	s0 =	rddreg [dreg:$0x0]  }
0x2: {  	s1 =	srdreg.scid;
	s7 =	rddreg [dreg:$0x1]  }
0x3: {  	s13 =	stileid.u32;
	s2 =	rddreg [dreg:$0x2]  }
0x4: {  	s3 =	simm.s32 $0x0;
	s12 =	simm.s32 $0x2E00;
	s14 =	simm.s32 $0x40  }
0x5: {  	s15 =	simm.s32 $0x5C10;
	s16 =	simm.s32 $0x8010;
	s18 =	simm.s32 $0xA410  }
0x6: {  	s21 =	simm.s32 $0x1;
	s28 =	simm.s32 $0x3;
	s29 =	simm.s32 $0x6  }
0x7: {  	s31 =	simm.s32 $0x4;
	s17 =	simm.s32 $0x0;
	s5 =	smul.u32 $0x5C00, s13  }
0x8: {  	s1 =	sand.u32 $0x1, s1;
	s9 =	smul.u32 $0xB400, s13;
	[smem:$0x7FF] =	sst s3  }
0x9: {  	s22 =	sadd.s32 $0x2E00, s0;
	s23 =	sshll.u32 s13, $0x1;
	s4 =	smul.u32 $0x5C000, s1  }
0xa: {  	s30 =	sshll.u32 s13, $0x6;
	s13 =	simm.s32 $0x8;
	s6 =	smul.u32 $0xB4000, s1  }
0xb: {  	_ =	strace $0x8000004D;
	s10 =	ssub.s32 $0x2, s1;
	[dreg:$0x5] =	wrdreg s22  }
0xc: {  	s1 =	sshll.u32 s1, $0x5;
	s19 =	sor.u32 $0x1C09, s30;
	s11 =	sshrl.u32 s10, $0x1  }
0xd: {  	s26 =	sadd.s32 s9, s2;
	s5 =	sadd.s32 s5, s4;
	s4 =	sadd.s32 $0x2DE00, s0  }
0xe: {  	s6 =	sadd.s32 s9, s6;
	s10 =	ssub.s32 s10, s11;
	s11 =	sadd.s32 s7, s23  }
0xf: {  	s20 =	sshrl.u32 s26, $0x3;
	s23 =	simm.s32 $0xC810;
	s5 =	sshrl.u32 s5, $0x3  }
.Ltmp0:
0x10: {  	s6 =	sshrl.u32 s6, $0x3;
	s8 =	sadd.s32 s5, s0;
	(pc) =	sbr.rel .LBB2_1-.Ltmp0, $4  }
0x11: {  	s10 =	smax.u32 s10, $0x1;
	s0 =	sadd.s32 s6, s0;
	s24 =	sadd.s32 $0x16E00, s8  }
0x12: {  	s25 =	sadd.s32 $0x173C0, s8;
	s8 =	sadd.s32 s1, s11;
	s9 =	sadd.s32 $0x59E00, s0  }
0x13: {  	s11 =	simm.s32 $0x9;
	s1 =	simm.s32 $0x7;
	[dreg:$0x6] =	wrdreg s24  }
0x14: {  	[dreg:$0x7] =	wrdreg s25;
	s24 =	simm.s32 $0x2;
	s25 =	simm.s32 $0x5  }
.LBB2_4:
0x15: {  	_ =	swait.ge [sflag:s13], $0x2400  }
0x16: {  	s17 =	sadd.s32 $0x1, s17;
	[sflag:s13] =	ssyncset.done $0x0  }
0x17: {  	p0 =	sne.s32 s17, s10;
	[sflag:s13] =	ssyncadd.s32 $0xFFFFDC00  }
.Ltmp1:
0x18: {  	[bflag:$0x0] =	sbarrier.arrive $0xFFFF;
	(pc) =	sbr.rel @!p0 .LBB2_5-.Ltmp1, $4  }
0x19: {  	[hbm:s9], [sflag:s19] =	dma.local [spmem:s20], $0x1680  }
0x1a: {  	_ =	swait.ge [sflag:s11], $0x1680  }
0x1b: {  	[sflag:s11] =	ssyncset.done $0x0  }
0x1c: {  	[sflag:s11] =	ssyncadd.s32 $0xFFFFE980  }
.LBB2_1:
0x1d: {  	s0 =	rddreg [dreg:$0x6]  }
0x1e: {  	[tilespmem:s3], [sflag:$0x9] =	stream.linear.gather [hbm4b:s0+s3], $0x2E00, $0x38;
	[tilespmem:$0x1A010] =	vst v63  }
0x1f: {  	_ =	swait.ge [sflag:s11], $0x2E00  }
0x20: {  	[sflag:s11] =	ssyncset.done $0x0  }
0x21: {  	s22 =	rddreg [dreg:$0x7];
	[sflag:s11] =	ssyncadd.s32 $0xFFFFD200  }
0x22: {  	[tilespmem:s12], [sflag:$0x9] =	stream.linear.gather [hbm4b:s22+s3], $0x2E00, $0x38;
	[tilespmem:$0x1A010] =	vst v63  }
0x23: {  	_ =	swait.ge [sflag:s11], $0x2E00  }
0x24: {  	[sflag:s11] =	ssyncset.done $0x0  }
0x25: {  	s26 =	simm.s32 $0x5C00;
	[sflag:s11] =	ssyncadd.s32 $0xFFFFD200  }
0x26: {  	[tilespmem:s26], [sflag:$0x9] =	stream.linear.gather [hbm4b:s8+s3], $0x10, $0x38;
	[tilespmem:$0x1A010] =	vst v63  }
0x27: {  	_ =	swait.ge [sflag:s11], $0x10  }
0x28: {  	[sflag:s11] =	ssyncset.done $0x0  }
0x29: {  	[sflag:s11] =	ssyncadd.s32 $0xFFFFFFF0  }
0x2a: {  	v0 =	vld [tilespmem:$0x5C00];
	_ =	sdelay $0x4  }
0x2b: {  	v0 =	vxor.u32 $0x80000000, v0  }
0x2c: {  	(xrf0) =	vmax.scan.msk.u32 $0xffff, v0;
	_ =	sdelay $0x5  }
0x2d: {  	v0, _, _ =	vpop (xrf0)  }
0x2e: {  	(v2sf) =	vpush v0, $0xF;
	_ =	sdelay $0x9  }
0x2f: {  	[tilespmem:s15], [sflag:$0x1] =	stream.indirect.gather [hbm4b:s4+s14], $0x90, s3, s14, $0xb8;
	[tilespmem:$0x1A010] =	vst v63  }
0x30: {  	_ = 	snop  }
0x31: {  	[tilespmem:s16], [sflag:$0x2] =	stream.indirect.gather [hbm4b:s4+s14], $0x90, s14, s14, $0xb8;
	[tilespmem:$0x1A010] =	vst v63  }
0x32: {  	s30 =	simm.s32 $0x80  }
0x33: {  	[tilespmem:s18], [sflag:$0x3] =	stream.indirect.gather [hbm4b:s4+s14], $0x90, s30, s14, $0xb8;
	[tilespmem:$0x1A010] =	vst v63  }
0x34: {  	s5 =	rddreg [dreg:$0x5];
	s22 =	spop (v2sf)  }
0x35: {  	[spmem:s20], [sflag:s19] =	dma.local [hbm:s5], $0x1680  }
0x36: {  	_ =	swait.ge [sflag:s11], $0x1680  }
0x37: {  	[sflag:s11] =	ssyncset.done $0x0  }
0x38: {  	[sflag:s11] =	ssyncadd.s32 $0xFFFFE980  }
0x39: {  	[bflag:$0x0] =	sbarrier.arrive $0xFFFF  }
0x3a: {  	_ =	swait.ge [sflag:s21], $0x2400  }
0x3b: {  	[sflag:s21] =	ssyncset.done $0x0  }
0x3c: {  	[sflag:s21] =	ssyncadd.s32 $0xFFFFDC00  }
0x3d: {  	[spmem:s2] =	stream.indirect.scatter.add.f32 [tilespmem:s15], [sflag:$0x5], $0x90, s12, s14, $0xb8;
	[tilespmem:$0x1A010] =	vst v63  }
0x3e: {  	s6 =	simm.s32 $0xC0  }
0x3f: {  	[tilespmem:s23], [sflag:$0x4] =	stream.indirect.gather [hbm4b:s4+s14], $0x90, s6, s14, $0xb8;
	[tilespmem:$0x1A010] =	vst v63  }
0x40: {  	_ =	swait.ge [sflag:s24], $0x2400  }
0x41: {  	[sflag:s24] =	ssyncset.done $0x0  }
0x42: {  	[sflag:s24] =	ssyncadd.s32 $0xFFFFDC00  }
0x43: {  	_ =	swait.ge [sflag:s25], $0x2400  }
0x44: {  	s22 =	sxor.u32 $0x80000000, s22;
	[sflag:s25] =	ssyncset.done $0x0  }
0x45: {  	s7 =	simm.s32 $0x2E40;
	p0 =	slt.s32 s22, $0x5;
	[sflag:s25] =	ssyncadd.s32 $0xFFFFDC00  }
0x46: {  	[spmem:s2] =	stream.indirect.scatter.add.f32 [tilespmem:s16], [sflag:$0x6], $0x90, s7, s14, $0xb8;
	[tilespmem:$0x1A010] =	vst v63  }
0x47: {  	s26 =	simm.s32 @!p0 $0x40;
	s30 =	simm.s32 @!p0 $0x100;
	s0 =	simm.s32 @!p0 $0x5C10  }
0x48: {  	[tilespmem:s0], [sflag:$0x1] =	stream.indirect.gather @!p0 [hbm4b:s4+s26], $0x90, s30, s26, $0xb8;
	[tilespmem:$0x1A010] =	vst v63  }
0x49: {  	_ =	swait.ge [sflag:s28], $0x2400  }
0x4a: {  	[sflag:s28] =	ssyncset.done $0x0  }
0x4b: {  	[sflag:s28] =	ssyncadd.s32 $0xFFFFDC00  }
0x4c: {  	_ =	swait.ge [sflag:s29], $0x2400  }
0x4d: {  	[sflag:s29] =	ssyncset.done $0x0  }
0x4e: {  	s26 =	simm.s32 $0x2E80;
	p0 =	slt.s32 s22, $0x6;
	[sflag:s29] =	ssyncadd.s32 $0xFFFFDC00  }
0x4f: {  	[spmem:s2] =	stream.indirect.scatter.add.f32 [tilespmem:s18], [sflag:$0x7], $0x90, s26, s14, $0xb8;
	[tilespmem:$0x1A010] =	vst v63  }
0x50: {  	s0 =	simm.s32 @!p0 $0x40;
	s30 =	simm.s32 @!p0 $0x8010;
	s26 =	simm.s32 @!p0 $0x140  }
0x51: {  	[tilespmem:s30], [sflag:$0x2] =	stream.indirect.gather @!p0 [hbm4b:s4+s0], $0x90, s26, s0, $0xb8;
	[tilespmem:$0x1A010] =	vst v63  }
0x52: {  	_ =	swait.ge [sflag:s31], $0x2400  }
0x53: {  	[sflag:s31] =	ssyncset.done $0x0  }
0x54: {  	[sflag:s31] =	ssyncadd.s32 $0xFFFFDC00  }
0x55: {  	_ =	swait.ge [sflag:s1], $0x2400  }
0x56: {  	[sflag:s1] =	ssyncset.done $0x0  }
0x57: {  	s30 =	simm.s32 $0x2EC0;
	p0 =	slt.s32 s22, $0x7;
	[sflag:s1] =	ssyncadd.s32 $0xFFFFDC00  }
0x58: {  	[spmem:s2] =	stream.indirect.scatter.add.f32 [tilespmem:s23], [sflag:$0x8], $0x90, s30, s14, $0xb8;
	[tilespmem:$0x1A010] =	vst v63  }
0x59: {  	s0 =	simm.s32 @!p0 $0x40;
	s26 =	simm.s32 @!p0 $0x180;
	s30 =	simm.s32 @!p0 $0xA410  }
0x5a: {  	[tilespmem:s30], [sflag:$0x3] =	stream.indirect.gather @!p0 [hbm4b:s4+s0], $0x90, s26, s0, $0xb8;
	[tilespmem:$0x1A010] =	vst v63  }
0x5b: {  	p0 =	sgt.s32 s22, $0x4  }
0x5c: {  	s22 =	simm.s32 @!p0 $0x4  }
0x5d: {  	s26 =	sshrl.u32 s22, $0x2  }
0x5e: {  	p0 =	seq.s32 s26, $0x1  }
.Ltmp2:
0x5f: {  	_ = 	snop;
	(pc) =	sbr.rel @p0 .LBB2_4-.Ltmp2, $1  }
0x60: {  	_ =	sdelay $0x3  }
0x61: {  	s0 =	sshll.u32 s26, $0x2  }
0x62: {  	s0 =	sadd.s32 $0xFFFFFFFC, s0  }
0x63: {  	s26 =	simm.s32 $0x0;
	s30 =	simm.s32 $0x0;
	[dreg:$0x4] =	wrdreg s0  }
.LBB2_3:
0x64: {  	_ =	swait.ge [sflag:s21], $0x2400  }
0x65: {  	[sflag:s21] =	ssyncset.done $0x0  }
0x66: {  	[sflag:s21] =	ssyncadd.s32 $0xFFFFDC00  }
0x67: {  	_ =	swait.ge [sflag:s13], $0x2400  }
0x68: {  	s0 =	sshra.s32 s26, $0x2;
	s6 =	sadd.s32 $0x7, s30;
	[sflag:s13] =	ssyncset.done $0x0  }
0x69: {  	s5 =	sadd.s32 $0x2F00, s0;
	p0 =	sge.u32 s6, s22;
	[sflag:s13] =	ssyncadd.s32 $0xFFFFDC00  }
0x6a: {  	[spmem:s2] =	stream.indirect.scatter.add.f32 [tilespmem:s15], [sflag:$0x5], $0x90, s5, s14, $0xb8;
	[tilespmem:$0x1A010] =	vst v63  }
0x6b: {  	s5 =	sshra.s32 @!p0 s26, $0x2  }
0x6c: {  	s6 =	simm.s32 @!p0 $0x40;
	s7 =	simm.s32 @!p0 $0xC810;
	s5 =	sadd.s32 @!p0 $0x1C0, s5  }
0x6d: {  	[tilespmem:s7], [sflag:$0x4] =	stream.indirect.gather @!p0 [hbm4b:s4+s6], $0x90, s5, s6, $0xb8;
	[tilespmem:$0x1A010] =	vst v63  }
0x6e: {  	_ =	swait.ge [sflag:s24], $0x2400  }
0x6f: {  	[sflag:s24] =	ssyncset.done $0x0  }
0x70: {  	[sflag:s24] =	ssyncadd.s32 $0xFFFFDC00  }
0x71: {  	s6 =	sadd.s32 $0x8, s30;
	_ =	swait.ge [sflag:s25], $0x2400  }
0x72: {  	p0 =	sge.u32 s6, s22;
	[sflag:s25] =	ssyncset.done $0x0  }
0x73: {  	s7 =	sadd.s32 $0x2F40, s0;
	s5 =	sshra.s32 @!p0 s26, $0x2;
	[sflag:s25] =	ssyncadd.s32 $0xFFFFDC00  }
0x74: {  	[spmem:s2] =	stream.indirect.scatter.add.f32 [tilespmem:s16], [sflag:$0x6], $0x90, s7, s14, $0xb8;
	[tilespmem:$0x1A010] =	vst v63  }
0x75: {  	s6 =	simm.s32 @!p0 $0x40;
	s5 =	sadd.s32 @!p0 $0x200, s5;
	s7 =	simm.s32 @!p0 $0x5C10  }
0x76: {  	[tilespmem:s7], [sflag:$0x1] =	stream.indirect.gather @!p0 [hbm4b:s4+s6], $0x90, s5, s6, $0xb8;
	[tilespmem:$0x1A010] =	vst v63  }
0x77: {  	_ =	swait.ge [sflag:s28], $0x2400  }
0x78: {  	[sflag:s28] =	ssyncset.done $0x0  }
0x79: {  	[sflag:s28] =	ssyncadd.s32 $0xFFFFDC00  }
0x7a: {  	s6 =	sadd.s32 $0x9, s30;
	_ =	swait.ge [sflag:s29], $0x2400  }
0x7b: {  	p0 =	sge.u32 s6, s22;
	[sflag:s29] =	ssyncset.done $0x0  }
0x7c: {  	s7 =	sadd.s32 $0x2F80, s0;
	s5 =	sshra.s32 @!p0 s26, $0x2;
	[sflag:s29] =	ssyncadd.s32 $0xFFFFDC00  }
0x7d: {  	[spmem:s2] =	stream.indirect.scatter.add.f32 [tilespmem:s18], [sflag:$0x7], $0x90, s7, s14, $0xb8;
	[tilespmem:$0x1A010] =	vst v63  }
0x7e: {  	s6 =	simm.s32 @!p0 $0x40;
	s5 =	sadd.s32 @!p0 $0x240, s5;
	s7 =	simm.s32 @!p0 $0x8010  }
0x7f: {  	[tilespmem:s7], [sflag:$0x2] =	stream.indirect.gather @!p0 [hbm4b:s4+s6], $0x90, s5, s6, $0xb8;
	[tilespmem:$0x1A010] =	vst v63  }
0x80: {  	_ =	swait.ge [sflag:s31], $0x2400  }
0x81: {  	[sflag:s31] =	ssyncset.done $0x0  }
0x82: {  	[sflag:s31] =	ssyncadd.s32 $0xFFFFDC00  }
0x83: {  	_ =	swait.ge [sflag:s1], $0x2400  }
0x84: {  	s7 =	sadd.s32 $0xA, s30;
	[sflag:s1] =	ssyncset.done $0x0  }
0x85: {  	s0 =	sadd.s32 $0x2FC0, s0;
	p0 =	sge.u32 s7, s22;
	[sflag:s1] =	ssyncadd.s32 $0xFFFFDC00  }
0x86: {  	[spmem:s2] =	stream.indirect.scatter.add.f32 [tilespmem:s23], [sflag:$0x8], $0x90, s0, s14, $0xb8;
	[tilespmem:$0x1A010] =	vst v63  }
0x87: {  	s30 =	sadd.s32 $0x4, s30;
	s5 =	simm.s32 @!p0 $0x40;
	s0 =	sshra.s32 @!p0 s26, $0x2  }
0x88: {  	s6 =	simm.s32 @!p0 $0xA410;
	s7 =	rddreg [dreg:$0x4];
	s0 =	sadd.s32 @!p0 $0x280, s0  }
0x89: {  	[tilespmem:s6], [sflag:$0x3] =	stream.indirect.gather @!p0 [hbm4b:s4+s5], $0x90, s0, s5, $0xb8;
	[tilespmem:$0x1A010] =	vst v63  }
0x8a: {  	p0 =	sne.s32 s7, s30  }
.Ltmp3:
0x8b: {  	_ = 	snop;
	(pc) =	sbr.rel @p0 .LBB2_3-.Ltmp3, $2  }
0x8c: {  	_ =	sdelay $0x2  }
0x8d: {  	s26 =	sadd.s32 $0x400, s26  }
.Ltmp4:
0x8e: {  	_ = 	snop;
	(pc) =	sbr.rel .LBB2_4-.Ltmp4, $1  }
0x8f: {  	_ =	sdelay $0x3  }
.LBB2_5:
0x90: {  	_ =	sfence.sel $0x180000  }
0x91: {  	[bflag:$0x0] =	sbarrier.arrive $0xFFFF  }
0x92: {  	_ =	strace $0x9000004D  }
0x93: {  	s0 =	stileid.u32;
	[bflag:$0x2] =	sbarrier.arrive $0xFFFF  }
0x94: {  	p0 =	sne.s32 s0, $0x0;
	s0 =	rddreg [dreg:$0x3]  }
0x95: {  	s0 =	sadd.s32 @!p0 $0x100000, s0  }
0x96: {  	[sflag:s0] =	ssyncadd.tile.s32 @!p0 $0x1;
	_ =	shalt  }
.Lfunc_end2:
_tile_overlayer_lowered:
.L_overlay_start_2:
0x97: {  	(tag) =	ssettag $0x2  }
0x98: {  	s0 =	rddreg [dreg:$0x0];
	s2 =	stileid.u32  }
0x99: {  	s1 =	rddreg [dreg:$0x1];
	p0 =	sne.s32 s2, $0x0  }
0x9a: {  	s3 =	rddreg [dreg:$0x2];
	[bflag:$0x3] =	sbarrier.arrive $0xFFFF;
	s2 =	simm.s32 @!p0 $0x1C09  }
0x9b: {  	[timem:s3], [sflag:s2] =	dma.local @!p0 [hbm:s0], s1  }
0x9c: {  	s0 =	simm.s32 @!p0 $0x9  }
0x9d: {  	_ =	swait.ge @!p0 [sflag:s0], s1  }
0x9e: {  	s1 =	ssub.s32 @!p0 $0x0, s1;
	[sflag:s0] =	ssyncset.done @!p0 $0x0  }
0x9f: {  	[sflag:s0] =	ssyncadd.s32 @!p0 s1  }
0xa0: {  	[bflag:$0x3] =	sbarrier.arrive $0xFFFF  }
0xa1: {  	_ =	shalt  }

// kernel: kernel.18.cloned.1.call-start
scs
__scs_entry_jumppad:
0x0: {  	(pc) =	sbr.rel $0x88, $3  }
0x1: {  	(tag) =	ssettag $0x0;
	lr =	simm.s32 $0x1  }
0x2: {  	[smem:$0x3F8E] =	sst lr;
	_ =	strace $0xD0000000  }
0x3: {  	_ = 	snop  }
0x4: {  	_ = 	snop  }
0x5: {  	_ = 	snop  }
0x6: {  	_ = 	snop  }
0x7: {  	_ = 	snop  }
__scs_overlays_trampoline_lowered:
0x8: {  	[smem:$0x3F9D] =	sst s0  }
0x9: {  	[smem:$0x3F9E] =	sst s1  }
0xa: {  	[smem:$0x3F9F] =	sst s2  }
0xb: {  	[smem:$0x3FA0] =	sst s3  }
0xc: {  	[smem:$0x3FA1] =	sst s4  }
0xd: {  	[smem:$0x3FA2] =	sst s5  }
0xe: {  	[smem:$0x3FA3] =	sst s6  }
0xf: {  	[smem:$0x3FA4] =	sst s7  }
0x10: {  	[smem:$0x3FA5] =	sst s8  }
0x11: {  	[smem:$0x3FA6] =	sst s9;
	s0 =	simm.s32 @!p0 $0x0  }
0x12: {  	s1 =	sld [smem:$0x3F8C];
	s0 =	simm.s32 @p0 $0x1  }
0x13: {  	[smem:$0x3FA7] =	sst s0;
	s0 =	simm.s32 @!p1 $0x0  }
0x14: {  	s2 =	sld [smem:$0x3F8B];
	s0 =	simm.s32 @p1 $0x1  }
0x15: {  	[smem:$0x3FA8] =	sst s0;
	s0 =	simm.s32 @!p2 $0x0  }
0x16: {  	s3 =	sld [smem:$0x3FDB];
	s0 =	simm.s32 @p2 $0x1  }
0x17: {  	s4 =	simm.s32 $0x1BF5;
	[smem:$0x3FAA] =	sst s0  }
0x18: {  	s0 =	sld [smem:$0x3F8D];
	_ =	swait.ge [sflag:s4], $0x0  }
0x19: {  	s7 =	sld [smem:$0x3F8E]  }
0x1a: {  	s8 =	sadd.s32 $0xFFFFE003, lr  }
0x1b: {  	s9 =	sadd.s32 $0xFFFFFEF7, lr;
	s5 =	simm.s32 $0xFFFFFFFF;
	p2 =	slt.u32 s8, $0xFFFFF086  }
0x1c: {  	p1 =	slt.u32 s9, $0xF7A;
	s5 =	simm.s32 @!p2 $0x0  }
0x1d: {  	s5 =	simm.s32 @p1 $0x1;
	p0 =	seq.s32 s7, s2  }
0x1e: {  	s7 =	smul.u32 @!p0 $0xF7A, s2;
	p2 =	seq.s32 @!p0 s5, $0x0  }
0x1f: {  	s9 =	smul.u32 $0xF7A, s1;
	s8 =	simm.s32 @!p0 $0x1BF5;
	p2 =	por !p2, p0  }
0x20: {  	[sflag:s8] =	ssyncset.s32 @!p0 $0xFFFFF086;
	s6 =	sadd.s32 @!p0 s3, s7;
	s7 =	simm.s32 @!p0 $0x108  }
0x21: {  	s3 =	sadd.s32 s3, s9;
	s6 =	sadd.s32 @!p0 $0x88, s6;
	s7 =	simm.s32 @p2 $0x1082  }
0x22: {  	[simem:s7], [sflag:s8] =	dma.local @!p0 [hbm:s6], $0xF7A  }
0x23: {  	s9 =	sor.u32 $0xD0000000, s2;
	s6 =	simm.s32 $0x108;
	_ =	swait.ge @!p0 [sflag:s8], $0x0  }
0x24: {  	s3 =	sadd.s32 $0x88, s3;
	s6 =	simm.s32 @!p1 $0x1082;
	[sflag:s4] =	ssyncset.s32 $0xFFFFF086  }
0x25: {  	[simem:s6], [sflag:s4] =	dma.local [hbm:s3], $0xF7A  }
0x26: {  	[smem:$0x3F8E] =	sst s1;
	(tag) =	ssettag s2;
	_ =	strace s9  }
0x27: {  	s1 =	sld [smem:$0x3F9E]  }
0x28: {  	s2 =	sld [smem:$0x3F9F]  }
0x29: {  	s4 =	sld [smem:$0x3FA1]  }
0x2a: {  	p0 =	seq.s32 s5, $0x0;
	s5 =	sld [smem:$0x3FA2]  }
0x2b: {  	s6 =	sld [smem:$0x3FA3]  }
0x2c: {  	s7 =	sld [smem:$0x3FA4]  }
0x2d: {  	s3 =	simm.s32 $0x108;
	s8 =	sld [smem:$0x3FA5]  }
0x2e: {  	s3 =	simm.s32 @!p0 $0x1082;
	s9 =	sld [smem:$0x3FA6]  }
0x2f: {  	lr =	sadd.s32 s0, s3;
	s0 =	sld [smem:$0x3F9D]  }
0x30: {  	s3 =	sld [smem:$0x3FA0]  }
0x31: {  	[smem:$0x3FA9] =	sst s10  }
0x32: {  	s10 =	sld [smem:$0x3FA7];
	_ =	sdelay $0x3  }
0x33: {  	p0 =	seq.s32 s10, $0x1;
	s10 =	sld [smem:$0x3FA9];
	_ =	sdelay $0x3  }
0x34: {  	[smem:$0x3FA9] =	sst s10  }
0x35: {  	s10 =	sld [smem:$0x3FA8];
	_ =	sdelay $0x3  }
0x36: {  	p1 =	seq.s32 s10, $0x1;
	s10 =	sld [smem:$0x3FA9];
	_ =	sdelay $0x3  }
0x37: {  	[smem:$0x3FA9] =	sst s10  }
0x38: {  	s10 =	sld [smem:$0x3FAA]  }
0x39: {  	_ = 	snop;
	(pc) =	sbr.ind lr, $3  }
0x3a: {  	_ = 	snop  }
0x3b: {  	_ = 	snop  }
0x3c: {  	p2 =	seq.s32 s10, $0x1;
	s10 =	sld [smem:$0x3FA9]  }
0x3d: {  	_ =	shalt  }
0x3e: {  	_ =	shalt  }
0x3f: {  	_ =	shalt  }
0x40: {  	_ =	shalt  }
0x41: {  	_ =	shalt  }
0x42: {  	_ =	shalt  }
0x43: {  	_ =	shalt  }
0x44: {  	_ =	shalt  }
0x45: {  	_ =	shalt  }
0x46: {  	_ =	shalt  }
0x47: {  	_ =	shalt  }
0x48: {  	_ =	shalt  }
0x49: {  	_ =	shalt  }
0x4a: {  	_ =	shalt  }
0x4b: {  	_ =	shalt  }
0x4c: {  	_ =	shalt  }
0x4d: {  	_ =	shalt  }
0x4e: {  	_ =	shalt  }
0x4f: {  	_ =	shalt  }
0x50: {  	_ =	shalt  }
0x51: {  	_ =	shalt  }
0x52: {  	_ =	shalt  }
0x53: {  	_ =	shalt  }
0x54: {  	_ =	shalt  }
0x55: {  	_ =	shalt  }
0x56: {  	_ =	shalt  }
0x57: {  	_ =	shalt  }
0x58: {  	_ =	shalt  }
0x59: {  	_ =	shalt  }
0x5a: {  	_ =	shalt  }
0x5b: {  	_ =	shalt  }
0x5c: {  	_ =	shalt  }
0x5d: {  	_ =	shalt  }
0x5e: {  	_ =	shalt  }
0x5f: {  	_ =	shalt  }
0x60: {  	_ =	shalt  }
0x61: {  	_ =	shalt  }
0x62: {  	_ =	shalt  }
0x63: {  	_ =	shalt  }
0x64: {  	_ =	shalt  }
0x65: {  	_ =	shalt  }
0x66: {  	_ =	shalt  }
0x67: {  	_ =	shalt  }
0x68: {  	_ =	shalt  }
0x69: {  	_ =	shalt  }
0x6a: {  	_ =	shalt  }
0x6b: {  	_ =	shalt  }
0x6c: {  	_ =	shalt  }
0x6d: {  	_ =	shalt  }
0x6e: {  	_ =	shalt  }
0x6f: {  	_ =	shalt  }
0x70: {  	_ =	shalt  }
0x71: {  	_ =	shalt  }
0x72: {  	_ =	shalt  }
0x73: {  	_ =	shalt  }
0x74: {  	_ =	shalt  }
0x75: {  	_ =	shalt  }
0x76: {  	_ =	shalt  }
0x77: {  	_ =	shalt  }
0x78: {  	_ =	shalt  }
0x79: {  	_ =	shalt  }
0x7a: {  	_ =	shalt  }
0x7b: {  	_ =	shalt  }
0x7c: {  	_ =	shalt  }
0x7d: {  	_ =	shalt  }
0x7e: {  	_ =	shalt  }
0x7f: {  	_ =	shalt  }
0x80: {  	_ =	shalt  }
0x81: {  	_ =	shalt  }
0x82: {  	_ =	shalt  }
0x83: {  	_ =	shalt  }
0x84: {  	_ =	shalt  }
0x85: {  	_ =	shalt  }
0x86: {  	_ =	shalt  }
0x87: {  	_ =	shalt  }
.Lfunc_end0:
.L_simem_size_0:
called_computation.3_lowered:
.L_overlay_start_0:
0x88: {  	s2 =	sld [smem:$0x3FD9]  }
0x89: {  	s3 =	sld [smem:$0x3FFE];
	_ =	sdelay $0x1  }
0x8a: {  	s1 =	srdreg.scid  }
0x8b: {  	s0 =	sand.u32 $0x1, s1  }
0x8c: {  	s17 =	sshll.u32 s0, $0xA;
	s2 =	sadd.s32 s3, s2  }
0x8d: {  	s2 =	sadd.s32 s2, s17  }
0x8e: {  	[smem:$0x3FB5] =	sst s2  }
0x8f: {  	_ = 	snop  }
0x90: {  	s2 =	sld [smem:$0x3FD0];
	(tm) =	ssettm $0x1  }
0x91: {  	s18 =	sld [smem:$0x3FFB];
	_ =	sdelay $0x3  }
0x92: {  	_ =	strace s18  }
0x93: {  	s3 =	sld [smem:$0x3FFC];
	_ =	sdelay $0x3  }
0x94: {  	_ =	strace s3  }
0x95: {  	s3 =	sld [smem:$0x3FFD];
	_ =	sdelay $0x3  }
0x96: {  	_ =	strace s3  }
0x97: {  	_ =	strace $0x8FFFFFFF  }
0x98: {  	s19 =	sld [smem:$0x3FDB];
	_ =	sdelay $0x1  }
0x99: {  	s4 =	simm.s32 $_scs_section_size  }
0x9a: {  	s5 =	simm.s32 $_size__tile_overlayer_lowered;
	s6 =	simm.s32 $_tile_overlayer_lowered  }
0x9b: {  	s22 =	simm.s32 $0x1BFF;
	s21 =	sshll.u32 s6, $0x1;
	s3 =	sadd.s32 s4, s19  }
0x9c: {  	s7 =	simm.s32 $0x0;
	s20 =	sshll.u32 s5, $0x1;
	s5 =	sadd.s32 s21, s3  }
0x9d: {  	[timem:s7], [sflag:s22] =	dma.local [hbm:s5], s20  }
0x9e: {  	_ =	swait.ge [sflag:s22], s20  }
0x9f: {  	s4 =	ssub.s32 $0x0, s20;
	[sflag:s22] =	ssyncset.done $0x0  }
0xa0: {  	[sflag:s22] =	ssyncadd.s32 s4;
	_ =	sdelay $0x1  }
0xa1: {  	s23 =	simm.s32 $0x1B8B  }
0xa2: {  	_ =	swait.ge [sflag:s23], $0x1  }
0xa3: {  	[sflag:s23] =	ssyncset.done $0x0  }
0xa4: {  	s25 =	simm.s32 $0x1B8E;
	s24 =	sld [smem:$0x3FFE];
	[sflag:s23] =	ssyncadd.s32 $0xFFFFFFFF  }
0xa5: {  	s26 =	simm.s32 $execute0_lowered;
	[smem:$0x3FD2] =	sst s25  }
0xa6: {  	s5 =	sshll.u32 s26, $0x1;
	_ =	strace $0x8000004F;
	[dreg:$0x1] =	wrdreg $0xFFFFFFFF  }
0xa7: {  	s28 =	simm.s32 $_size_execute0_lowered;
	s3 =	sadd.s32 s3, s5;
	[dreg:$0x0] =	wrdreg $0x0  }
0xa8: {  	s5 =	sshll.u32 s28, $0x1;
	[dreg:$0x2] =	wrdreg s3  }
0xa9: {  	[dreg:$0x3] =	wrdreg s5  }
0xaa: {  	[dreg:$0x4] =	wrdreg $0xC0  }
0xab: {  	_ =	task [dreg:s7], $0x5FFFF  }
0xac: {  	[dreg:$0x1] =	wrdreg $0xFFFFFFFF  }
0xad: {  	[dreg:$0x0] =	wrdreg $0x60  }
0xae: {  	[dreg:$0x2] =	wrdreg s24  }
0xaf: {  	[dreg:$0x3] =	wrdreg s2  }
0xb0: {  	[dreg:$0x4] =	wrdreg $0xEC100  }
0xb1: {  	[dreg:$0x5] =	wrdreg $0x9  }
0xb2: {  	_ =	task.clear_ibuf [dreg:s7], $0x6FFFF;
	_ =	strace $0x9000004F  }
0xb3: {  	s29 =	simm.s32 $0x9;
	_ =	strace $0x80000051  }
0xb4: {  	_ =	swait.ge [sflag:s29], $0x1  }
0xb5: {  	[sflag:s29] =	ssyncadd.s32 $0xFFFFFFFF  }
0xb6: {  	_ =	strace $0x90000051  }
0xb7: {  	_ =	sfence  }
0xb8: {  	s30 =	sld [smem:$0x0];
	_ =	sdelay $0x2  }
0xb9: {  	s31 =	sshll.u32 s1, $0xD;
	s1 =	sshrl.u32 s1, $0x2  }
0xba: {  	s3 =	sand.u32 $0x4000, s31;
	s1 =	sadd.s32 s1, s30  }
0xbb: {  	s0 =	sor.u32 s3, s0;
	s1 =	sshll.u32 s1, $0x11  }
0xbc: {  	s0 =	sor.u32 s1, s0  }
0xbd: {  	s0 =	sadd.s32 $0x8F2B, s0  }
0xbe: {  	[sflag:s0] =	ssyncadd.remote.s32 $0x1  }
0xbf: {  	_ =	sfence.sel $0xFFFF  }
0xc0: {  	[dreg:$0x0] =	wrdreg $0xFFFFFFFF;
	(pc) =	sbr.abs _section_cstart, $3  }
0xc1: {  	[dreg:$0x1] =	wrdreg $0xFFFFFFFF  }
0xc2: {  	_ =	task.clear_ibuf [dreg:s7], $0x2FFFF;
	_ =	strace $0x9FFFFFFF  }
0xc3: {  	(tm) =	ssettm $0x7FFFFFFF  }
tec
execute0_lowered:
.L_overlay_start_1:
0x0: {  	(tag) =	ssettag $0x1  }
0x1: {  	s0 =	rddreg [dreg:$0x0]  }
0x2: {  	s1 =	srdreg.scid;
	s7 =	rddreg [dreg:$0x1]  }
0x3: {  	s13 =	stileid.u32;
	s2 =	rddreg [dreg:$0x2]  }
0x4: {  	s3 =	simm.s32 $0x0;
	s12 =	simm.s32 $0x2E00;
	s14 =	simm.s32 $0x40  }
0x5: {  	s15 =	simm.s32 $0x5C10;
	s16 =	simm.s32 $0x8010;
	s18 =	simm.s32 $0xA410  }
0x6: {  	s21 =	simm.s32 $0x1;
	s28 =	simm.s32 $0x3;
	s29 =	simm.s32 $0x6  }
0x7: {  	s31 =	simm.s32 $0x4;
	s17 =	simm.s32 $0x0;
	s5 =	smul.u32 $0x5C00, s13  }
0x8: {  	s1 =	sand.u32 $0x1, s1;
	s9 =	smul.u32 $0xB400, s13;
	[smem:$0x7FF] =	sst s3  }
0x9: {  	s22 =	sadd.s32 $0x2E00, s0;
	s23 =	sshll.u32 s13, $0x1;
	s4 =	smul.u32 $0x5C000, s1  }
0xa: {  	s30 =	sshll.u32 s13, $0x6;
	s13 =	simm.s32 $0x8;
	s6 =	smul.u32 $0xB4000, s1  }
0xb: {  	_ =	strace $0x80000050;
	s10 =	ssub.s32 $0x2, s1;
	[dreg:$0x5] =	wrdreg s22  }
0xc: {  	s1 =	sshll.u32 s1, $0x5;
	s19 =	sor.u32 $0x1C09, s30;
	s11 =	sshrl.u32 s10, $0x1  }
0xd: {  	s26 =	sadd.s32 s9, s2;
	s5 =	sadd.s32 s5, s4;
	s4 =	sadd.s32 $0x2DE00, s0  }
0xe: {  	s6 =	sadd.s32 s9, s6;
	s10 =	ssub.s32 s10, s11;
	s11 =	sadd.s32 s7, s23  }
0xf: {  	s20 =	sshrl.u32 s26, $0x3;
	s23 =	simm.s32 $0xC810;
	s5 =	sshrl.u32 s5, $0x3  }
.Ltmp0:
0x10: {  	s6 =	sshrl.u32 s6, $0x3;
	s8 =	sadd.s32 s5, s0;
	(pc) =	sbr.rel .LBB2_1-.Ltmp0, $4  }
0x11: {  	s10 =	smax.u32 s10, $0x1;
	s0 =	sadd.s32 s6, s0;
	s24 =	sadd.s32 $0x16E00, s8  }
0x12: {  	s25 =	sadd.s32 $0x173C0, s8;
	s8 =	sadd.s32 s1, s11;
	s9 =	sadd.s32 $0x59E00, s0  }
0x13: {  	s11 =	simm.s32 $0x9;
	s1 =	simm.s32 $0x7;
	[dreg:$0x6] =	wrdreg s24  }
0x14: {  	[dreg:$0x7] =	wrdreg s25;
	s24 =	simm.s32 $0x2;
	s25 =	simm.s32 $0x5  }
.LBB2_4:
0x15: {  	_ =	swait.ge [sflag:s13], $0x2400  }
0x16: {  	s17 =	sadd.s32 $0x1, s17;
	[sflag:s13] =	ssyncset.done $0x0  }
0x17: {  	p0 =	sne.s32 s17, s10;
	[sflag:s13] =	ssyncadd.s32 $0xFFFFDC00  }
.Ltmp1:
0x18: {  	[bflag:$0x0] =	sbarrier.arrive $0xFFFF;
	(pc) =	sbr.rel @!p0 .LBB2_5-.Ltmp1, $4  }
0x19: {  	[hbm:s9], [sflag:s19] =	dma.local [spmem:s20], $0x1680  }
0x1a: {  	_ =	swait.ge [sflag:s11], $0x1680  }
0x1b: {  	[sflag:s11] =	ssyncset.done $0x0  }
0x1c: {  	[sflag:s11] =	ssyncadd.s32 $0xFFFFE980  }
.LBB2_1:
0x1d: {  	s0 =	rddreg [dreg:$0x6]  }
0x1e: {  	[tilespmem:s3], [sflag:$0x9] =	stream.linear.gather [hbm4b:s0+s3], $0x2E00, $0x38;
	[tilespmem:$0x1A010] =	vst v63  }
0x1f: {  	_ =	swait.ge [sflag:s11], $0x2E00  }
0x20: {  	[sflag:s11] =	ssyncset.done $0x0  }
0x21: {  	s22 =	rddreg [dreg:$0x7];
	[sflag:s11] =	ssyncadd.s32 $0xFFFFD200  }
0x22: {  	[tilespmem:s12], [sflag:$0x9] =	stream.linear.gather [hbm4b:s22+s3], $0x2E00, $0x38;
	[tilespmem:$0x1A010] =	vst v63  }
0x23: {  	_ =	swait.ge [sflag:s11], $0x2E00  }
0x24: {  	[sflag:s11] =	ssyncset.done $0x0  }
0x25: {  	s26 =	simm.s32 $0x5C00;
	[sflag:s11] =	ssyncadd.s32 $0xFFFFD200  }
0x26: {  	[tilespmem:s26], [sflag:$0x9] =	stream.linear.gather [hbm4b:s8+s3], $0x10, $0x38;
	[tilespmem:$0x1A010] =	vst v63  }
0x27: {  	_ =	swait.ge [sflag:s11], $0x10  }
0x28: {  	[sflag:s11] =	ssyncset.done $0x0  }
0x29: {  	[sflag:s11] =	ssyncadd.s32 $0xFFFFFFF0  }
0x2a: {  	v0 =	vld [tilespmem:$0x5C00];
	_ =	sdelay $0x4  }
0x2b: {  	v0 =	vxor.u32 $0x80000000, v0  }
0x2c: {  	(xrf0) =	vmax.scan.msk.u32 $0xffff, v0;
	_ =	sdelay $0x5  }
0x2d: {  	v0, _, _ =	vpop (xrf0)  }
0x2e: {  	(v2sf) =	vpush v0, $0xF;
	_ =	sdelay $0x9  }
0x2f: {  	[tilespmem:s15], [sflag:$0x1] =	stream.indirect.gather [hbm4b:s4+s14], $0x90, s3, s14, $0xb8;
	[tilespmem:$0x1A010] =	vst v63  }
0x30: {  	_ = 	snop  }
0x31: {  	[tilespmem:s16], [sflag:$0x2] =	stream.indirect.gather [hbm4b:s4+s14], $0x90, s14, s14, $0xb8;
	[tilespmem:$0x1A010] =	vst v63  }
0x32: {  	s30 =	simm.s32 $0x80  }
0x33: {  	[tilespmem:s18], [sflag:$0x3] =	stream.indirect.gather [hbm4b:s4+s14], $0x90, s30, s14, $0xb8;
	[tilespmem:$0x1A010] =	vst v63  }
0x34: {  	s5 =	rddreg [dreg:$0x5];
	s22 =	spop (v2sf)  }
0x35: {  	[spmem:s20], [sflag:s19] =	dma.local [hbm:s5], $0x1680  }
0x36: {  	_ =	swait.ge [sflag:s11], $0x1680  }
0x37: {  	[sflag:s11] =	ssyncset.done $0x0  }
0x38: {  	[sflag:s11] =	ssyncadd.s32 $0xFFFFE980  }
0x39: {  	[bflag:$0x0] =	sbarrier.arrive $0xFFFF  }
0x3a: {  	_ =	swait.ge [sflag:s21], $0x2400  }
0x3b: {  	[sflag:s21] =	ssyncset.done $0x0  }
0x3c: {  	[sflag:s21] =	ssyncadd.s32 $0xFFFFDC00  }
0x3d: {  	[spmem:s2] =	stream.indirect.scatter.add.f32 [tilespmem:s15], [sflag:$0x5], $0x90, s12, s14, $0xb8;
	[tilespmem:$0x1A010] =	vst v63  }
0x3e: {  	s6 =	simm.s32 $0xC0  }
0x3f: {  	[tilespmem:s23], [sflag:$0x4] =	stream.indirect.gather [hbm4b:s4+s14], $0x90, s6, s14, $0xb8;
	[tilespmem:$0x1A010] =	vst v63  }
0x40: {  	_ =	swait.ge [sflag:s24], $0x2400  }
0x41: {  	[sflag:s24] =	ssyncset.done $0x0  }
0x42: {  	[sflag:s24] =	ssyncadd.s32 $0xFFFFDC00  }
0x43: {  	_ =	swait.ge [sflag:s25], $0x2400  }
0x44: {  	s22 =	sxor.u32 $0x80000000, s22;
	[sflag:s25] =	ssyncset.done $0x0  }
0x45: {  	s7 =	simm.s32 $0x2E40;
	p0 =	slt.s32 s22, $0x5;
	[sflag:s25] =	ssyncadd.s32 $0xFFFFDC00  }
0x46: {  	[spmem:s2] =	stream.indirect.scatter.add.f32 [tilespmem:s16], [sflag:$0x6], $0x90, s7, s14, $0xb8;
	[tilespmem:$0x1A010] =	vst v63  }
0x47: {  	s26 =	simm.s32 @!p0 $0x40;
	s30 =	simm.s32 @!p0 $0x100;
	s0 =	simm.s32 @!p0 $0x5C10  }
0x48: {  	[tilespmem:s0], [sflag:$0x1] =	stream.indirect.gather @!p0 [hbm4b:s4+s26], $0x90, s30, s26, $0xb8;
	[tilespmem:$0x1A010] =	vst v63  }
0x49: {  	_ =	swait.ge [sflag:s28], $0x2400  }
0x4a: {  	[sflag:s28] =	ssyncset.done $0x0  }
0x4b: {  	[sflag:s28] =	ssyncadd.s32 $0xFFFFDC00  }
0x4c: {  	_ =	swait.ge [sflag:s29], $0x2400  }
0x4d: {  	[sflag:s29] =	ssyncset.done $0x0  }
0x4e: {  	s26 =	simm.s32 $0x2E80;
	p0 =	slt.s32 s22, $0x6;
	[sflag:s29] =	ssyncadd.s32 $0xFFFFDC00  }
0x4f: {  	[spmem:s2] =	stream.indirect.scatter.add.f32 [tilespmem:s18], [sflag:$0x7], $0x90, s26, s14, $0xb8;
	[tilespmem:$0x1A010] =	vst v63  }
0x50: {  	s0 =	simm.s32 @!p0 $0x40;
	s30 =	simm.s32 @!p0 $0x8010;
	s26 =	simm.s32 @!p0 $0x140  }
0x51: {  	[tilespmem:s30], [sflag:$0x2] =	stream.indirect.gather @!p0 [hbm4b:s4+s0], $0x90, s26, s0, $0xb8;
	[tilespmem:$0x1A010] =	vst v63  }
0x52: {  	_ =	swait.ge [sflag:s31], $0x2400  }
0x53: {  	[sflag:s31] =	ssyncset.done $0x0  }
0x54: {  	[sflag:s31] =	ssyncadd.s32 $0xFFFFDC00  }
0x55: {  	_ =	swait.ge [sflag:s1], $0x2400  }
0x56: {  	[sflag:s1] =	ssyncset.done $0x0  }
0x57: {  	s30 =	simm.s32 $0x2EC0;
	p0 =	slt.s32 s22, $0x7;
	[sflag:s1] =	ssyncadd.s32 $0xFFFFDC00  }
0x58: {  	[spmem:s2] =	stream.indirect.scatter.add.f32 [tilespmem:s23], [sflag:$0x8], $0x90, s30, s14, $0xb8;
	[tilespmem:$0x1A010] =	vst v63  }
0x59: {  	s0 =	simm.s32 @!p0 $0x40;
	s26 =	simm.s32 @!p0 $0x180;
	s30 =	simm.s32 @!p0 $0xA410  }
0x5a: {  	[tilespmem:s30], [sflag:$0x3] =	stream.indirect.gather @!p0 [hbm4b:s4+s0], $0x90, s26, s0, $0xb8;
	[tilespmem:$0x1A010] =	vst v63  }
0x5b: {  	p0 =	sgt.s32 s22, $0x4  }
0x5c: {  	s22 =	simm.s32 @!p0 $0x4  }
0x5d: {  	s26 =	sshrl.u32 s22, $0x2  }
0x5e: {  	p0 =	seq.s32 s26, $0x1  }
.Ltmp2:
0x5f: {  	_ = 	snop;
	(pc) =	sbr.rel @p0 .LBB2_4-.Ltmp2, $1  }
0x60: {  	_ =	sdelay $0x3  }
0x61: {  	s0 =	sshll.u32 s26, $0x2  }
0x62: {  	s0 =	sadd.s32 $0xFFFFFFFC, s0  }
0x63: {  	s26 =	simm.s32 $0x0;
	s30 =	simm.s32 $0x0;
	[dreg:$0x4] =	wrdreg s0  }
.LBB2_3:
0x64: {  	_ =	swait.ge [sflag:s21], $0x2400  }
0x65: {  	[sflag:s21] =	ssyncset.done $0x0  }
0x66: {  	[sflag:s21] =	ssyncadd.s32 $0xFFFFDC00  }
0x67: {  	_ =	swait.ge [sflag:s13], $0x2400  }
0x68: {  	s0 =	sshra.s32 s26, $0x2;
	s6 =	sadd.s32 $0x7, s30;
	[sflag:s13] =	ssyncset.done $0x0  }
0x69: {  	s5 =	sadd.s32 $0x2F00, s0;
	p0 =	sge.u32 s6, s22;
	[sflag:s13] =	ssyncadd.s32 $0xFFFFDC00  }
0x6a: {  	[spmem:s2] =	stream.indirect.scatter.add.f32 [tilespmem:s15], [sflag:$0x5], $0x90, s5, s14, $0xb8;
	[tilespmem:$0x1A010] =	vst v63  }
0x6b: {  	s5 =	sshra.s32 @!p0 s26, $0x2  }
0x6c: {  	s6 =	simm.s32 @!p0 $0x40;
	s7 =	simm.s32 @!p0 $0xC810;
	s5 =	sadd.s32 @!p0 $0x1C0, s5  }
0x6d: {  	[tilespmem:s7], [sflag:$0x4] =	stream.indirect.gather @!p0 [hbm4b:s4+s6], $0x90, s5, s6, $0xb8;
	[tilespmem:$0x1A010] =	vst v63  }
0x6e: {  	_ =	swait.ge [sflag:s24], $0x2400  }
0x6f: {  	[sflag:s24] =	ssyncset.done $0x0  }
0x70: {  	[sflag:s24] =	ssyncadd.s32 $0xFFFFDC00  }
0x71: {  	s6 =	sadd.s32 $0x8, s30;
	_ =	swait.ge [sflag:s25], $0x2400  }
0x72: {  	p0 =	sge.u32 s6, s22;
	[sflag:s25] =	ssyncset.done $0x0  }
0x73: {  	s7 =	sadd.s32 $0x2F40, s0;
	s5 =	sshra.s32 @!p0 s26, $0x2;
	[sflag:s25] =	ssyncadd.s32 $0xFFFFDC00  }
0x74: {  	[spmem:s2] =	stream.indirect.scatter.add.f32 [tilespmem:s16], [sflag:$0x6], $0x90, s7, s14, $0xb8;
	[tilespmem:$0x1A010] =	vst v63  }
0x75: {  	s6 =	simm.s32 @!p0 $0x40;
	s5 =	sadd.s32 @!p0 $0x200, s5;
	s7 =	simm.s32 @!p0 $0x5C10  }
0x76: {  	[tilespmem:s7], [sflag:$0x1] =	stream.indirect.gather @!p0 [hbm4b:s4+s6], $0x90, s5, s6, $0xb8;
	[tilespmem:$0x1A010] =	vst v63  }
0x77: {  	_ =	swait.ge [sflag:s28], $0x2400  }
0x78: {  	[sflag:s28] =	ssyncset.done $0x0  }
0x79: {  	[sflag:s28] =	ssyncadd.s32 $0xFFFFDC00  }
0x7a: {  	s6 =	sadd.s32 $0x9, s30;
	_ =	swait.ge [sflag:s29], $0x2400  }
0x7b: {  	p0 =	sge.u32 s6, s22;
	[sflag:s29] =	ssyncset.done $0x0  }
0x7c: {  	s7 =	sadd.s32 $0x2F80, s0;
	s5 =	sshra.s32 @!p0 s26, $0x2;
	[sflag:s29] =	ssyncadd.s32 $0xFFFFDC00  }
0x7d: {  	[spmem:s2] =	stream.indirect.scatter.add.f32 [tilespmem:s18], [sflag:$0x7], $0x90, s7, s14, $0xb8;
	[tilespmem:$0x1A010] =	vst v63  }
0x7e: {  	s6 =	simm.s32 @!p0 $0x40;
	s5 =	sadd.s32 @!p0 $0x240, s5;
	s7 =	simm.s32 @!p0 $0x8010  }
0x7f: {  	[tilespmem:s7], [sflag:$0x2] =	stream.indirect.gather @!p0 [hbm4b:s4+s6], $0x90, s5, s6, $0xb8;
	[tilespmem:$0x1A010] =	vst v63  }
0x80: {  	_ =	swait.ge [sflag:s31], $0x2400  }
0x81: {  	[sflag:s31] =	ssyncset.done $0x0  }
0x82: {  	[sflag:s31] =	ssyncadd.s32 $0xFFFFDC00  }
0x83: {  	_ =	swait.ge [sflag:s1], $0x2400  }
0x84: {  	s7 =	sadd.s32 $0xA, s30;
	[sflag:s1] =	ssyncset.done $0x0  }
0x85: {  	s0 =	sadd.s32 $0x2FC0, s0;
	p0 =	sge.u32 s7, s22;
	[sflag:s1] =	ssyncadd.s32 $0xFFFFDC00  }
0x86: {  	[spmem:s2] =	stream.indirect.scatter.add.f32 [tilespmem:s23], [sflag:$0x8], $0x90, s0, s14, $0xb8;
	[tilespmem:$0x1A010] =	vst v63  }
0x87: {  	s30 =	sadd.s32 $0x4, s30;
	s5 =	simm.s32 @!p0 $0x40;
	s0 =	sshra.s32 @!p0 s26, $0x2  }
0x88: {  	s6 =	simm.s32 @!p0 $0xA410;
	s7 =	rddreg [dreg:$0x4];
	s0 =	sadd.s32 @!p0 $0x280, s0  }
0x89: {  	[tilespmem:s6], [sflag:$0x3] =	stream.indirect.gather @!p0 [hbm4b:s4+s5], $0x90, s0, s5, $0xb8;
	[tilespmem:$0x1A010] =	vst v63  }
0x8a: {  	p0 =	sne.s32 s7, s30  }
.Ltmp3:
0x8b: {  	_ = 	snop;
	(pc) =	sbr.rel @p0 .LBB2_3-.Ltmp3, $2  }
0x8c: {  	_ =	sdelay $0x2  }
0x8d: {  	s26 =	sadd.s32 $0x400, s26  }
.Ltmp4:
0x8e: {  	_ = 	snop;
	(pc) =	sbr.rel .LBB2_4-.Ltmp4, $1  }
0x8f: {  	_ =	sdelay $0x3  }
.LBB2_5:
0x90: {  	_ =	sfence.sel $0x180000  }
0x91: {  	[bflag:$0x0] =	sbarrier.arrive $0xFFFF  }
0x92: {  	_ =	strace $0x90000050  }
0x93: {  	s0 =	stileid.u32;
	[bflag:$0x2] =	sbarrier.arrive $0xFFFF  }
0x94: {  	p0 =	sne.s32 s0, $0x0;
	s0 =	rddreg [dreg:$0x3]  }
0x95: {  	s0 =	sadd.s32 @!p0 $0x100000, s0  }
0x96: {  	[sflag:s0] =	ssyncadd.tile.s32 @!p0 $0x1;
	_ =	shalt  }
.Lfunc_end2:
_tile_overlayer_lowered:
.L_overlay_start_2:
0x97: {  	(tag) =	ssettag $0x2  }
0x98: {  	s0 =	rddreg [dreg:$0x0];
	s2 =	stileid.u32  }
0x99: {  	s1 =	rddreg [dreg:$0x1];
	p0 =	sne.s32 s2, $0x0  }
0x9a: {  	s3 =	rddreg [dreg:$0x2];
	[bflag:$0x3] =	sbarrier.arrive $0xFFFF;
	s2 =	simm.s32 @!p0 $0x1C09  }
0x9b: {  	[timem:s3], [sflag:s2] =	dma.local @!p0 [hbm:s0], s1  }
0x9c: {  	s0 =	simm.s32 @!p0 $0x9  }
0x9d: {  	_ =	swait.ge @!p0 [sflag:s0], s1  }
0x9e: {  	s1 =	ssub.s32 @!p0 $0x0, s1;
	[sflag:s0] =	ssyncset.done @!p0 $0x0  }
0x9f: {  	[sflag:s0] =	ssyncadd.s32 @!p0 s1  }
0xa0: {  	[bflag:$0x3] =	sbarrier.arrive $0xFFFF  }
0xa1: {  	_ =	shalt  }

// kernel: kernel.9.cloned.1.call-start
scs
__scs_entry_jumppad:
0x0: {  	(pc) =	sbr.rel $0x88, $3  }
0x1: {  	(tag) =	ssettag $0x0;
	lr =	simm.s32 $0x1  }
0x2: {  	[smem:$0x3F8E] =	sst lr;
	_ =	strace $0xD0000000  }
0x3: {  	_ = 	snop  }
0x4: {  	_ = 	snop  }
0x5: {  	_ = 	snop  }
0x6: {  	_ = 	snop  }
0x7: {  	_ = 	snop  }
__scs_overlays_trampoline_lowered:
0x8: {  	[smem:$0x3F9D] =	sst s0  }
0x9: {  	[smem:$0x3F9E] =	sst s1  }
0xa: {  	[smem:$0x3F9F] =	sst s2  }
0xb: {  	[smem:$0x3FA0] =	sst s3  }
0xc: {  	[smem:$0x3FA1] =	sst s4  }
0xd: {  	[smem:$0x3FA2] =	sst s5  }
0xe: {  	[smem:$0x3FA3] =	sst s6  }
0xf: {  	[smem:$0x3FA4] =	sst s7  }
0x10: {  	[smem:$0x3FA5] =	sst s8  }
0x11: {  	[smem:$0x3FA6] =	sst s9;
	s0 =	simm.s32 @!p0 $0x0  }
0x12: {  	s1 =	sld [smem:$0x3F8C];
	s0 =	simm.s32 @p0 $0x1  }
0x13: {  	[smem:$0x3FA7] =	sst s0;
	s0 =	simm.s32 @!p1 $0x0  }
0x14: {  	s2 =	sld [smem:$0x3F8B];
	s0 =	simm.s32 @p1 $0x1  }
0x15: {  	[smem:$0x3FA8] =	sst s0;
	s0 =	simm.s32 @!p2 $0x0  }
0x16: {  	s3 =	sld [smem:$0x3FDB];
	s0 =	simm.s32 @p2 $0x1  }
0x17: {  	s4 =	simm.s32 $0x1BF5;
	[smem:$0x3FAA] =	sst s0  }
0x18: {  	s0 =	sld [smem:$0x3F8D];
	_ =	swait.ge [sflag:s4], $0x0  }
0x19: {  	s7 =	sld [smem:$0x3F8E]  }
0x1a: {  	s8 =	sadd.s32 $0xFFFFE003, lr  }
0x1b: {  	s9 =	sadd.s32 $0xFFFFFEF7, lr;
	s5 =	simm.s32 $0xFFFFFFFF;
	p2 =	slt.u32 s8, $0xFFFFF086  }
0x1c: {  	p1 =	slt.u32 s9, $0xF7A;
	s5 =	simm.s32 @!p2 $0x0  }
0x1d: {  	s5 =	simm.s32 @p1 $0x1;
	p0 =	seq.s32 s7, s2  }
0x1e: {  	s7 =	smul.u32 @!p0 $0xF7A, s2;
	p2 =	seq.s32 @!p0 s5, $0x0  }
0x1f: {  	s9 =	smul.u32 $0xF7A, s1;
	s8 =	simm.s32 @!p0 $0x1BF5;
	p2 =	por !p2, p0  }
0x20: {  	[sflag:s8] =	ssyncset.s32 @!p0 $0xFFFFF086;
	s6 =	sadd.s32 @!p0 s3, s7;
	s7 =	simm.s32 @!p0 $0x108  }
0x21: {  	s3 =	sadd.s32 s3, s9;
	s6 =	sadd.s32 @!p0 $0x88, s6;
	s7 =	simm.s32 @p2 $0x1082  }
0x22: {  	[simem:s7], [sflag:s8] =	dma.local @!p0 [hbm:s6], $0xF7A  }
0x23: {  	s9 =	sor.u32 $0xD0000000, s2;
	s6 =	simm.s32 $0x108;
	_ =	swait.ge @!p0 [sflag:s8], $0x0  }
0x24: {  	s3 =	sadd.s32 $0x88, s3;
	s6 =	simm.s32 @!p1 $0x1082;
	[sflag:s4] =	ssyncset.s32 $0xFFFFF086  }
0x25: {  	[simem:s6], [sflag:s4] =	dma.local [hbm:s3], $0xF7A  }
0x26: {  	[smem:$0x3F8E] =	sst s1;
	(tag) =	ssettag s2;
	_ =	strace s9  }
0x27: {  	s1 =	sld [smem:$0x3F9E]  }
0x28: {  	s2 =	sld [smem:$0x3F9F]  }
0x29: {  	s4 =	sld [smem:$0x3FA1]  }
0x2a: {  	p0 =	seq.s32 s5, $0x0;
	s5 =	sld [smem:$0x3FA2]  }
0x2b: {  	s6 =	sld [smem:$0x3FA3]  }
0x2c: {  	s7 =	sld [smem:$0x3FA4]  }
0x2d: {  	s3 =	simm.s32 $0x108;
	s8 =	sld [smem:$0x3FA5]  }
0x2e: {  	s3 =	simm.s32 @!p0 $0x1082;
	s9 =	sld [smem:$0x3FA6]  }
0x2f: {  	lr =	sadd.s32 s0, s3;
	s0 =	sld [smem:$0x3F9D]  }
0x30: {  	s3 =	sld [smem:$0x3FA0]  }
0x31: {  	[smem:$0x3FA9] =	sst s10  }
0x32: {  	s10 =	sld [smem:$0x3FA7];
	_ =	sdelay $0x3  }
0x33: {  	p0 =	seq.s32 s10, $0x1;
	s10 =	sld [smem:$0x3FA9];
	_ =	sdelay $0x3  }
0x34: {  	[smem:$0x3FA9] =	sst s10  }
0x35: {  	s10 =	sld [smem:$0x3FA8];
	_ =	sdelay $0x3  }
0x36: {  	p1 =	seq.s32 s10, $0x1;
	s10 =	sld [smem:$0x3FA9];
	_ =	sdelay $0x3  }
0x37: {  	[smem:$0x3FA9] =	sst s10  }
0x38: {  	s10 =	sld [smem:$0x3FAA]  }
0x39: {  	_ = 	snop;
	(pc) =	sbr.ind lr, $3  }
0x3a: {  	_ = 	snop  }
0x3b: {  	_ = 	snop  }
0x3c: {  	p2 =	seq.s32 s10, $0x1;
	s10 =	sld [smem:$0x3FA9]  }
0x3d: {  	_ =	shalt  }
0x3e: {  	_ =	shalt  }
0x3f: {  	_ =	shalt  }
0x40: {  	_ =	shalt  }
0x41: {  	_ =	shalt  }
0x42: {  	_ =	shalt  }
0x43: {  	_ =	shalt  }
0x44: {  	_ =	shalt  }
0x45: {  	_ =	shalt  }
0x46: {  	_ =	shalt  }
0x47: {  	_ =	shalt  }
0x48: {  	_ =	shalt  }
0x49: {  	_ =	shalt  }
0x4a: {  	_ =	shalt  }
0x4b: {  	_ =	shalt  }
0x4c: {  	_ =	shalt  }
0x4d: {  	_ =	shalt  }
0x4e: {  	_ =	shalt  }
0x4f: {  	_ =	shalt  }
0x50: {  	_ =	shalt  }
0x51: {  	_ =	shalt  }
0x52: {  	_ =	shalt  }
0x53: {  	_ =	shalt  }
0x54: {  	_ =	shalt  }
0x55: {  	_ =	shalt  }
0x56: {  	_ =	shalt  }
0x57: {  	_ =	shalt  }
0x58: {  	_ =	shalt  }
0x59: {  	_ =	shalt  }
0x5a: {  	_ =	shalt  }
0x5b: {  	_ =	shalt  }
0x5c: {  	_ =	shalt  }
0x5d: {  	_ =	shalt  }
0x5e: {  	_ =	shalt  }
0x5f: {  	_ =	shalt  }
0x60: {  	_ =	shalt  }
0x61: {  	_ =	shalt  }
0x62: {  	_ =	shalt  }
0x63: {  	_ =	shalt  }
0x64: {  	_ =	shalt  }
0x65: {  	_ =	shalt  }
0x66: {  	_ =	shalt  }
0x67: {  	_ =	shalt  }
0x68: {  	_ =	shalt  }
0x69: {  	_ =	shalt  }
0x6a: {  	_ =	shalt  }
0x6b: {  	_ =	shalt  }
0x6c: {  	_ =	shalt  }
0x6d: {  	_ =	shalt  }
0x6e: {  	_ =	shalt  }
0x6f: {  	_ =	shalt  }
0x70: {  	_ =	shalt  }
0x71: {  	_ =	shalt  }
0x72: {  	_ =	shalt  }
0x73: {  	_ =	shalt  }
0x74: {  	_ =	shalt  }
0x75: {  	_ =	shalt  }
0x76: {  	_ =	shalt  }
0x77: {  	_ =	shalt  }
0x78: {  	_ =	shalt  }
0x79: {  	_ =	shalt  }
0x7a: {  	_ =	shalt  }
0x7b: {  	_ =	shalt  }
0x7c: {  	_ =	shalt  }
0x7d: {  	_ =	shalt  }
0x7e: {  	_ =	shalt  }
0x7f: {  	_ =	shalt  }
0x80: {  	_ =	shalt  }
0x81: {  	_ =	shalt  }
0x82: {  	_ =	shalt  }
0x83: {  	_ =	shalt  }
0x84: {  	_ =	shalt  }
0x85: {  	_ =	shalt  }
0x86: {  	_ =	shalt  }
0x87: {  	_ =	shalt  }
.Lfunc_end0:
.L_simem_size_0:
called_computation_lowered:
.L_overlay_start_0:
0x88: {  	s2 =	sld [smem:$0x3FD9]  }
0x89: {  	s3 =	sld [smem:$0x3FFE];
	_ =	sdelay $0x1  }
0x8a: {  	s1 =	srdreg.scid  }
0x8b: {  	s0 =	sand.u32 $0x1, s1  }
0x8c: {  	s17 =	sshll.u32 s0, $0xA;
	s2 =	sadd.s32 s3, s2  }
0x8d: {  	s2 =	sadd.s32 s2, s17  }
0x8e: {  	[smem:$0x3FB5] =	sst s2  }
0x8f: {  	_ = 	snop  }
0x90: {  	s2 =	sld [smem:$0x3FD0];
	(tm) =	ssettm $0x1  }
0x91: {  	s18 =	sld [smem:$0x3FFB];
	_ =	sdelay $0x3  }
0x92: {  	_ =	strace s18  }
0x93: {  	s3 =	sld [smem:$0x3FFC];
	_ =	sdelay $0x3  }
0x94: {  	_ =	strace s3  }
0x95: {  	s3 =	sld [smem:$0x3FFD];
	_ =	sdelay $0x3  }
0x96: {  	_ =	strace s3  }
0x97: {  	_ =	strace $0x8FFFFFFF  }
0x98: {  	s19 =	sld [smem:$0x3FDB];
	_ =	sdelay $0x1  }
0x99: {  	s4 =	simm.s32 $_scs_section_size  }
0x9a: {  	s5 =	simm.s32 $_size__tile_overlayer_lowered;
	s6 =	simm.s32 $_tile_overlayer_lowered  }
0x9b: {  	s22 =	simm.s32 $0x1BFF;
	s21 =	sshll.u32 s6, $0x1;
	s3 =	sadd.s32 s4, s19  }
0x9c: {  	s7 =	simm.s32 $0x0;
	s20 =	sshll.u32 s5, $0x1;
	s5 =	sadd.s32 s21, s3  }
0x9d: {  	[timem:s7], [sflag:s22] =	dma.local [hbm:s5], s20  }
0x9e: {  	_ =	swait.ge [sflag:s22], s20  }
0x9f: {  	s4 =	ssub.s32 $0x0, s20;
	[sflag:s22] =	ssyncset.done $0x0  }
0xa0: {  	[sflag:s22] =	ssyncadd.s32 s4;
	_ =	sdelay $0x1  }
0xa1: {  	s23 =	simm.s32 $0x1B8B  }
0xa2: {  	_ =	swait.ge [sflag:s23], $0x1  }
0xa3: {  	[sflag:s23] =	ssyncset.done $0x0  }
0xa4: {  	s25 =	simm.s32 $0x1B8E;
	s24 =	sld [smem:$0x3FFE];
	[sflag:s23] =	ssyncadd.s32 $0xFFFFFFFF  }
0xa5: {  	s26 =	simm.s32 $execute0_lowered;
	[smem:$0x3FD2] =	sst s25  }
0xa6: {  	s5 =	sshll.u32 s26, $0x1;
	_ =	strace $0x80000046;
	[dreg:$0x1] =	wrdreg $0xFFFFFFFF  }
0xa7: {  	s28 =	simm.s32 $_size_execute0_lowered;
	s3 =	sadd.s32 s3, s5;
	[dreg:$0x0] =	wrdreg $0x0  }
0xa8: {  	s5 =	sshll.u32 s28, $0x1;
	[dreg:$0x2] =	wrdreg s3  }
0xa9: {  	[dreg:$0x3] =	wrdreg s5  }
0xaa: {  	[dreg:$0x4] =	wrdreg $0xC0  }
0xab: {  	_ =	task [dreg:s7], $0x5FFFF  }
0xac: {  	[dreg:$0x1] =	wrdreg $0xFFFFFFFF  }
0xad: {  	[dreg:$0x0] =	wrdreg $0x60  }
0xae: {  	[dreg:$0x2] =	wrdreg s24  }
0xaf: {  	[dreg:$0x3] =	wrdreg s2  }
0xb0: {  	[dreg:$0x4] =	wrdreg $0x9  }
0xb1: {  	_ =	task.clear_ibuf [dreg:s7], $0x5FFFF;
	_ =	strace $0x90000046  }
0xb2: {  	s29 =	simm.s32 $0x9;
	_ =	strace $0x80000048  }
0xb3: {  	_ =	swait.ge [sflag:s29], $0x1  }
0xb4: {  	[sflag:s29] =	ssyncadd.s32 $0xFFFFFFFF  }
0xb5: {  	_ =	strace $0x90000048  }
0xb6: {  	_ =	sfence  }
0xb7: {  	s30 =	sld [smem:$0x0];
	_ =	sdelay $0x2  }
0xb8: {  	s31 =	sshll.u32 s1, $0xD;
	s1 =	sshrl.u32 s1, $0x2  }
0xb9: {  	s3 =	sand.u32 $0x4000, s31;
	s1 =	sadd.s32 s1, s30  }
0xba: {  	s0 =	sor.u32 s3, s0;
	s1 =	sshll.u32 s1, $0x11  }
0xbb: {  	s0 =	sor.u32 s1, s0  }
0xbc: {  	s0 =	sadd.s32 $0x8F2B, s0  }
0xbd: {  	[sflag:s0] =	ssyncadd.remote.s32 $0x1  }
0xbe: {  	_ =	sfence.sel $0xFFFF  }
0xbf: {  	[dreg:$0x0] =	wrdreg $0xFFFFFFFF;
	(pc) =	sbr.abs _section_cstart, $3  }
0xc0: {  	[dreg:$0x1] =	wrdreg $0xFFFFFFFF  }
0xc1: {  	_ =	task.clear_ibuf [dreg:s7], $0x2FFFF;
	_ =	strace $0x9FFFFFFF  }
0xc2: {  	(tm) =	ssettm $0x7FFFFFFF  }
0xc3: {  	_ =	shalt  }
tec
execute0_lowered:
.L_overlay_start_1:
0x0: {  	(tag) =	ssettag $0x1  }
0x1: {  	s3 =	rddreg [dreg:$0x0];
	s0 =	stileid.u32  }
0x2: {  	s1 =	srdreg.scid;
	s6 =	rddreg [dreg:$0x1]  }
0x3: {  	s2 =	simm.s32 $0x0;
	s13 =	simm.s32 $0xFC00;
	s14 =	simm.s32 $0x0  }
0x4: {  	s4 =	smul.u32 $0x5000, s0;
	s7 =	sand.u32 $0x1, s1;
	s1 =	rddreg [dreg:$0x2]  }
0x5: {  	[smem:$0x7FF] =	sst s2;
	s8 =	smul.u32 $0x5C00, s0;
	s31 =	sshll.u32 s0, $0x1  }
0x6: {  	s5 =	smul.u32 $0x5C000, s7;
	_ =	strace $0x80000047;
	s30 =	ssub.s32 $0x2, s7  }
0x7: {  	s10 =	smul.u32 $0x1388, s7;
	s7 =	sshll.u32 s7, $0x5;
	s4 =	sshrl.u32 s4, $0x3  }
0x8: {  	s9 =	sshrl.u32 s30, $0x1;
	s4 =	sadd.s32 s4, s3;
	s5 =	sadd.s32 s8, s5  }
0x9: {  	s8 =	ssub.s32 s30, s9;
	s12 =	sadd.s32 $0x1388, s10;
	s9 =	sadd.s32 s6, s31  }
0xa: {  	v0 =	vmov s10;
	s10 =	simm.s32 $0x5000;
	s5 =	sshrl.u32 s5, $0x3;
	s7 =	sadd.s32 s7, s9  }
0xb: {  	s8 =	smax.u32 s8, $0x1;
	s9 =	simm.s32 $0x1;
	v1 =	vmov s12;
	s12 =	simm.s32 $0xCE00  }
0xc: {  	s11 =	sadd.s32 s5, s3;
	s3 =	sadd.s32 $0x2E00, s4;
	s4 =	sadd.s32 $0xCE00, s4  }
0xd: {  	v2 =	vimm.s32 $0x0;
	v3 =	vimm.s32 $0x1388;
	s5 =	sadd.s32 $0x16E00, s11;
	s6 =	sadd.s32 $0x173C0, s11;
	s11 =	simm.s32 $0xA000  }
.LBB2_1:
0xe: {  	[tilespmem:s2], [sflag:$0x1] =	stream.linear.gather [hbm4b:s3+s2], $0x5000, $0x38;
	[tilespmem:$0xFC10] =	vst v63  }
0xf: {  	_ =	swait.ge [sflag:s9], $0x5000  }
0x10: {  	[sflag:s9] =	ssyncset.done $0x0  }
0x11: {  	[sflag:s9] =	ssyncadd.s32 $0xFFFFB000  }
0x12: {  	[tilespmem:s10], [sflag:$0x1] =	stream.linear.gather [hbm4b:s4+s2], $0x5000, $0x38;
	[tilespmem:$0xFC10] =	vst v63  }
0x13: {  	_ =	swait.ge [sflag:s9], $0x5000  }
0x14: {  	[sflag:s9] =	ssyncset.done $0x0  }
0x15: {  	s15 =	simm.s32 $0x0;
	s17 =	simm.s32 $0x0;
	[sflag:s9] =	ssyncadd.s32 $0xFFFFB000  }
.LBB2_2:
0x16: {  	s16 =	sshra.s32 s15, $0x2  }
0x17: {  	v4 =	vld [tilespmem:s16+$0x5000];
	_ =	sdelay $0x4  }
0x18: {  	vm0 =	vge.s32 v4, v0;
	vm1 =	vlt.s32 v4, v1  }
0x19: {  	vm0 =	vmand vm0, vm1  }
0x1a: {  	v5 =	vsel vm0, $0x1, v2  }
0x1b: {  	(xrf0) =	vadd.scan.msk.s32 $0xffff, v5;
	_ =	sdelay $0x4  }
0x1c: {  	v5 =	vsel vm0, $0xFFFFFFFF, v2  }
0x1d: {  	v5 =	vadd.s32 s17, v5;
	v6, _, _ =	vpop (xrf0)  }
0x1e: {  	v7 =	vld [tilespmem:s16+$0x0];
	v5 =	vadd.s32 v6, v5;
	_ =	sdelay $0x4  }
0x1f: {  	v4 =	vsub.s32 v4, v0;
	[tilespmem:v5+s11+$0x0] =	vst.idx.msk vm0, v7  }
0x20: {  	(v2sf) =	vpush v6, $0xF;
	[tilespmem:v5+s12+$0x0] =	vst.idx.msk vm0, v4  }
0x21: {  	v4 =	vld [tilespmem:s16+$0x5010];
	_ =	sdelay $0x4  }
0x22: {  	vm14 =	vge.s32 v4, v0;
	vm15 =	vlt.s32 v4, v1  }
0x23: {  	vm0 =	vmand vm14, vm15  }
0x24: {  	v5 =	vsel vm0, $0x1, v2  }
0x25: {  	(xrf0) =	vadd.scan.msk.s32 $0xffff, v5;
	_ =	sdelay $0x5  }
0x26: {  	s18 =	spop (v2sf);
	v5 =	vsel vm0, $0xFFFFFFFF, v2;
	v56, _, _ =	vpop (xrf0)  }
0x27: {  	s23 =	sadd.s32 s17, s18;
	v5 =	vadd.s32 v5, v56  }
0x28: {  	v7 =	vld [tilespmem:s16+$0x10];
	v5 =	vadd.s32 s23, v5;
	_ =	sdelay $0x4  }
0x29: {  	v4 =	vsub.s32 v4, v0;
	[tilespmem:v5+s11+$0x0] =	vst.idx.msk vm0, v7  }
0x2a: {  	(v2sf) =	vpush v56, $0xF;
	[tilespmem:v5+s12+$0x0] =	vst.idx.msk vm0, v4  }
0x2b: {  	v4 =	vld [tilespmem:s16+$0x5020];
	_ =	sdelay $0x4  }
0x2c: {  	vm4 =	vge.s32 v4, v0;
	vm5 =	vlt.s32 v4, v1  }
0x2d: {  	vm0 =	vmand vm4, vm5  }
0x2e: {  	v5 =	vsel vm0, $0x1, v2  }
0x2f: {  	(xrf0) =	vadd.scan.msk.s32 $0xffff, v5;
	_ =	sdelay $0x5  }
0x30: {  	s24 =	spop (v2sf);
	v5 =	vsel vm0, $0xFFFFFFFF, v2;
	v57, _, _ =	vpop (xrf0)  }
0x31: {  	s17 =	sadd.s32 s23, s24;
	v5 =	vadd.s32 v5, v57  }
0x32: {  	v7 =	vld [tilespmem:s16+$0x20];
	v5 =	vadd.s32 s17, v5;
	_ =	sdelay $0x4  }
0x33: {  	v4 =	vsub.s32 v4, v0;
	[tilespmem:v5+s11+$0x0] =	vst.idx.msk vm0, v7  }
0x34: {  	(v2sf) =	vpush v57, $0xF;
	[tilespmem:v5+s12+$0x0] =	vst.idx.msk vm0, v4  }
0x35: {  	v4 =	vld [tilespmem:s16+$0x5030];
	_ =	sdelay $0x4  }
0x36: {  	vm6 =	vge.s32 v4, v0;
	vm7 =	vlt.s32 v4, v1  }
0x37: {  	vm0 =	vmand vm6, vm7  }
0x38: {  	v5 =	vsel vm0, $0x1, v2  }
0x39: {  	(xrf0) =	vadd.scan.msk.s32 $0xffff, v5;
	_ =	sdelay $0x5  }
0x3a: {  	s25 =	spop (v2sf);
	v5 =	vsel vm0, $0xFFFFFFFF, v2;
	v58, _, _ =	vpop (xrf0)  }
0x3b: {  	s17 =	sadd.s32 s17, s25;
	v5 =	vadd.s32 v5, v58  }
0x3c: {  	v7 =	vld [tilespmem:s16+$0x30];
	v5 =	vadd.s32 s17, v5;
	_ =	sdelay $0x4  }
0x3d: {  	v4 =	vsub.s32 v4, v0;
	[tilespmem:v5+s11+$0x0] =	vst.idx.msk vm0, v7  }
0x3e: {  	(v2sf) =	vpush v58, $0xF;
	[tilespmem:v5+s12+$0x0] =	vst.idx.msk vm0, v4  }
0x3f: {  	v4 =	vld [tilespmem:s16+$0x5040];
	_ =	sdelay $0x4  }
0x40: {  	vm8 =	vge.s32 v4, v0;
	vm9 =	vlt.s32 v4, v1  }
0x41: {  	vm0 =	vmand vm8, vm9  }
0x42: {  	v5 =	vsel vm0, $0x1, v2  }
0x43: {  	(xrf0) =	vadd.scan.msk.s32 $0xffff, v5;
	_ =	sdelay $0x5  }
0x44: {  	s26 =	spop (v2sf);
	v5 =	vsel vm0, $0xFFFFFFFF, v2;
	v59, _, _ =	vpop (xrf0)  }
0x45: {  	s17 =	sadd.s32 s17, s26;
	v5 =	vadd.s32 v5, v59  }
0x46: {  	v7 =	vld [tilespmem:s16+$0x40];
	v5 =	vadd.s32 s17, v5;
	_ =	sdelay $0x4  }
0x47: {  	v4 =	vsub.s32 v4, v0;
	[tilespmem:v5+s11+$0x0] =	vst.idx.msk vm0, v7  }
0x48: {  	(v2sf) =	vpush v59, $0xF;
	[tilespmem:v5+s12+$0x0] =	vst.idx.msk vm0, v4  }
0x49: {  	v4 =	vld [tilespmem:s16+$0x5050];
	_ =	sdelay $0x4  }
0x4a: {  	vm10 =	vge.s32 v4, v0;
	vm11 =	vlt.s32 v4, v1  }
0x4b: {  	vm0 =	vmand vm10, vm11  }
0x4c: {  	v5 =	vsel vm0, $0x1, v2  }
0x4d: {  	(xrf0) =	vadd.scan.msk.s32 $0xffff, v5;
	_ =	sdelay $0x5  }
0x4e: {  	s28 =	spop (v2sf);
	v5 =	vsel vm0, $0xFFFFFFFF, v2;
	v60, _, _ =	vpop (xrf0)  }
0x4f: {  	s17 =	sadd.s32 s17, s28;
	v5 =	vadd.s32 v5, v60  }
0x50: {  	v7 =	vld [tilespmem:s16+$0x50];
	v5 =	vadd.s32 s17, v5;
	_ =	sdelay $0x4  }
0x51: {  	v4 =	vsub.s32 v4, v0;
	[tilespmem:v5+s11+$0x0] =	vst.idx.msk vm0, v7  }
0x52: {  	(v2sf) =	vpush v60, $0xF;
	[tilespmem:v5+s12+$0x0] =	vst.idx.msk vm0, v4  }
0x53: {  	v4 =	vld [tilespmem:s16+$0x5060];
	_ =	sdelay $0x4  }
0x54: {  	vm12 =	vge.s32 v4, v0;
	vm13 =	vlt.s32 v4, v1  }
0x55: {  	vm0 =	vmand vm12, vm13  }
0x56: {  	v5 =	vsel vm0, $0x1, v2  }
0x57: {  	(xrf0) =	vadd.scan.msk.s32 $0xffff, v5;
	_ =	sdelay $0x5  }
0x58: {  	s29 =	spop (v2sf);
	v5 =	vsel vm0, $0xFFFFFFFF, v2;
	v61, _, _ =	vpop (xrf0)  }
0x59: {  	s17 =	sadd.s32 s17, s29;
	v5 =	vadd.s32 v5, v61  }
0x5a: {  	v7 =	vld [tilespmem:s16+$0x60];
	v5 =	vadd.s32 s17, v5;
	_ =	sdelay $0x4  }
0x5b: {  	v4 =	vsub.s32 v4, v0;
	[tilespmem:v5+s11+$0x0] =	vst.idx.msk vm0, v7  }
0x5c: {  	[tilespmem:v5+s12+$0x0] =	vst.idx.msk vm0, v4  }
0x5d: {  	v4 =	vld [tilespmem:s16+$0x5070];
	_ =	sdelay $0x4  }
0x5e: {  	vm14 =	vge.s32 v4, v0;
	vm15 =	vlt.s32 v4, v1  }
0x5f: {  	vm0 =	vmand vm14, vm15  }
0x60: {  	v5 =	vsel vm0, $0x1, v2  }
0x61: {  	(v2sf) =	vpush v61, $0xF;
	(xrf0) =	vadd.scan.msk.s32 $0xffff, v5;
	_ =	sdelay $0x5  }
0x62: {  	v5, _, _ =	vpop (xrf0)  }
0x63: {  	(v2sf) =	vpush v5, $0xF;
	_ =	sdelay $0x7  }
0x64: {  	s30 =	spop (v2sf);
	v62 =	vsel vm0, $0xFFFFFFFF, v2  }
0x65: {  	s17 =	sadd.s32 s17, s30;
	v5 =	vadd.s32 v62, v5  }
0x66: {  	v63 =	vld [tilespmem:s16+$0x70];
	v5 =	vadd.s32 s17, v5  }
0x67: {  	p0 =	sne.s32 s15, $0x13E00  }
.Ltmp0:
0x68: {  	_ = 	snop;
	(pc) =	sbr.rel @p0 .LBB2_2-.Ltmp0, $3  }
0x69: {  	_ =	sdelay $0x1  }
0x6a: {  	v4 =	vsub.s32 v4, v0;
	[tilespmem:v5+s11+$0x0] =	vst.idx.msk vm0, v63;
	s31 =	spop (v2sf)  }
0x6b: {  	s15 =	sadd.s32 $0x200, s15;
	[tilespmem:v5+s12+$0x0] =	vst.idx.msk vm0, v4;
	s17 =	sadd.s32 s17, s31  }
0x6c: {  	[tilespmem:s17+$0xA000] =	vst v2  }
0x6d: {  	[tilespmem:s17+$0xCE00] =	vst v3  }
0x6e: {  	[tilespmem:s17+$0xA010] =	vst v2  }
0x6f: {  	[tilespmem:s17+$0xCE10] =	vst v3  }
0x70: {  	[tilespmem:s17+$0xA020] =	vst v2  }
0x71: {  	[tilespmem:s17+$0xCE20] =	vst v3  }
0x72: {  	[tilespmem:s17+$0xA030] =	vst v2  }
0x73: {  	[tilespmem:s17+$0xCE30] =	vst v3  }
0x74: {  	[tilespmem:s17+$0xA040] =	vst v2  }
0x75: {  	[tilespmem:s17+$0xCE40] =	vst v3  }
0x76: {  	[tilespmem:s17+$0xA050] =	vst v2  }
0x77: {  	[tilespmem:s17+$0xCE50] =	vst v3  }
0x78: {  	[tilespmem:s17+$0xA060] =	vst v2  }
0x79: {  	[tilespmem:s17+$0xCE60] =	vst v3  }
0x7a: {  	[tilespmem:s17+$0xA070] =	vst v2  }
0x7b: {  	[tilespmem:s17+$0xCE70] =	vst v3  }
0x7c: {  	[tilespmem:s17+$0xA080] =	vst v2;
	s15 =	sadd.s32 $0x3F, s17  }
0x7d: {  	[tilespmem:s17+$0xCE80] =	vst v3;
	s16 =	sand.u32 $0x3F, s15  }
0x7e: {  	[tilespmem:s17+$0xA090] =	vst v2;
	s18 =	sshra.s32 s15, $0x1F;
	p0 =	slt.s32 s15, $0x1;
	p1 =	sne.s32 s16, $0x0  }
0x7f: {  	[tilespmem:s17+$0xCE90] =	vst v3;
	s29 =	sshrl.u32 s18, $0x1A;
	p0 =	por !p0, !p1  }
0x80: {  	[tilespmem:s17+$0xA0A0] =	vst v2;
	s16 =	simm.s32 $0x1;
	s15 =	sadd.s32 s29, s15;
	p0 =	por !p0, !p0  }
0x81: {  	[tilespmem:s17+$0xCEA0] =	vst v3;
	s15 =	sshra.s32 s15, $0x6;
	s16 =	simm.s32 @!p0 $0x0  }
0x82: {  	[tilespmem:s17+$0xA0B0] =	vst v2;
	s15 =	ssub.s32 s15, s16  }
0x83: {  	[tilespmem:s17+$0xCEB0] =	vst v3;
	s16 =	sadd.s32 $0x3, s15  }
0x84: {  	[tilespmem:s17+$0xA0C0] =	vst v2;
	s30 =	sand.u32 $0x3, s16  }
0x85: {  	[tilespmem:s17+$0xCEC0] =	vst v3;
	p5 =	slt.s32 s15, $0xFFFFFFFE;
	p6 =	sne.s32 s30, $0x0  }
0x86: {  	[tilespmem:s17+$0xA0D0] =	vst v2;
	s31 =	sshrl.u32 s16, $0x1E;
	p0 =	por !p5, !p6  }
0x87: {  	[tilespmem:s17+$0xCED0] =	vst v3;
	s15 =	sadd.s32 s31, s16;
	s16 =	simm.s32 $0x1;
	p0 =	por !p0, !p0  }
0x88: {  	[tilespmem:s17+$0xA0E0] =	vst v2;
	s15 =	sshrl.u32 s15, $0x2;
	s16 =	simm.s32 @!p0 $0x0  }
0x89: {  	[tilespmem:s17+$0xCEE0] =	vst v3;
	s15 =	ssub.s32 s15, s16  }
0x8a: {  	[tilespmem:s17+$0xA0F0] =	vst v2;
	s15 =	sshll.u32 s15, $0x2  }
0x8b: {  	[tilespmem:s17+$0xCEF0] =	vst v3;
	v4 =	vmov s15  }
0x8c: {  	[tilespmem:$0xFC00] =	vst v4  }
0x8d: {  	[hbm4b:s5+s2] =	stream.linear.scatter [tilespmem:s11], [sflag:$0x1], $0x2E00, $0x38;
	[tilespmem:$0xFC10] =	vst v63  }
0x8e: {  	_ =	swait.ge [sflag:s9], $0x2E00  }
0x8f: {  	[sflag:s9] =	ssyncset.done $0x0  }
0x90: {  	[sflag:s9] =	ssyncadd.s32 $0xFFFFD200  }
0x91: {  	[hbm4b:s6+s2] =	stream.linear.scatter [tilespmem:s12], [sflag:$0x1], $0x2E00, $0x38;
	[tilespmem:$0xFC10] =	vst v63  }
0x92: {  	s14 =	sadd.s32 $0x1, s14;
	_ =	swait.ge [sflag:s9], $0x2E00  }
0x93: {  	p0 =	sne.s32 s14, s8;
	[sflag:s9] =	ssyncset.done $0x0  }
.Ltmp1:
0x94: {  	[sflag:s9] =	ssyncadd.s32 $0xFFFFD200;
	(pc) =	sbr.rel @p0 .LBB2_1-.Ltmp1, $4  }
0x95: {  	[hbm4b:s7+s2] =	stream.linear.scatter [tilespmem:s13], [sflag:$0x1], $0x10, $0x38;
	[tilespmem:$0xFC10] =	vst v63  }
0x96: {  	_ =	swait.ge [sflag:s9], $0x10  }
0x97: {  	[sflag:s9] =	ssyncset.done $0x0  }
0x98: {  	[sflag:s9] =	ssyncadd.s32 $0xFFFFFFF0  }
0x99: {  	_ =	sfence.sel $0x180000  }
0x9a: {  	[bflag:$0x0] =	sbarrier.arrive $0xFFFF  }
0x9b: {  	p0 =	sne.s32 s0, $0x0;
	_ =	strace $0x90000047  }
0x9c: {  	s0 =	sadd.s32 @!p0 $0x100000, s1;
	[bflag:$0x2] =	sbarrier.arrive $0xFFFF  }
0x9d: {  	[sflag:s0] =	ssyncadd.tile.s32 @!p0 $0x1;
	_ =	shalt  }
.Lfunc_end2:
_tile_overlayer_lowered:
.L_overlay_start_2:
0x9e: {  	(tag) =	ssettag $0x2  }
0x9f: {  	s0 =	rddreg [dreg:$0x0];
	s2 =	stileid.u32  }
0xa0: {  	s1 =	rddreg [dreg:$0x1];
	p0 =	sne.s32 s2, $0x0  }
0xa1: {  	s3 =	rddreg [dreg:$0x2];
	[bflag:$0x3] =	sbarrier.arrive $0xFFFF;
	s2 =	simm.s32 @!p0 $0x1C01  }
0xa2: {  	[timem:s3], [sflag:s2] =	dma.local @!p0 [hbm:s0], s1  }
0xa3: {  	s0 =	simm.s32 @!p0 $0x1  }
0xa4: {  	_ =	swait.ge @!p0 [sflag:s0], s1  }
0xa5: {  	s1 =	ssub.s32 @!p0 $0x0, s1;
	[sflag:s0] =	ssyncset.done @!p0 $0x0  }
0xa6: {  	[sflag:s0] =	ssyncadd.s32 @!p0 s1  }
0xa7: {  	[bflag:$0x3] =	sbarrier.arrive $0xFFFF  }
0xa8: {  	_ =	shalt  }

</sc_bundles>
